<compile_context>
chip_gen: v7x
topology: tpu7x:2x2x1
jax: 0.10.2.dev20260603
libtpu: 0.0.44.dev20260713+nightly
codegen_flags: <defaults>
</compile_context>

<pallas_src>
import functools

import jax
import jax.numpy as jnp
from jax import lax
from jax.experimental import pallas as pl
from jax.experimental.pallas import tpu as pltpu
from jax.experimental.pallas import tpu_sc as plsc

N = 10000
E = 160000
D = 256
THETAS = [[0.9375, -1.40625, 0.703125, -0.1171875],
          [0.234375, 0.46875, -0.9375, 0.3515625],
          [0.09375, 0.375, 0.0, -0.3515625],
          [0.015625, 0.09375, 0.234375, 0.1171875]]

NP = 10240
DUMMY = N
RPT = 640
EPA = 163840
PCH = 128
EPC = 161792
NCK = 79
CH = 128
RCH = 16
BN = 1000

_MESH = plsc.VectorSubcoreMesh(core_axis_name="c", subcore_axis_name="s")



def _prep_body(s1_hbm, s2_hbm, src_hbm, dst_hbm,
               deg_hbm, srcp_hbm, srcn_hbm,
               s1_t, s2_t, src_t, dst_t, srcp_c, srcn_c,
               rowb, agg):
    c = lax.axis_index("c")
    s = lax.axis_index("s")
    w = s * 2 + c
    pltpu.sync_copy(s1_hbm, s1_t)
    pltpu.sync_copy(s2_hbm, s2_t)
    pltpu.sync_copy(src_hbm.at[w], src_t)
    pltpu.sync_copy(dst_hbm.at[w], dst_t)

    col0 = (lax.iota(jnp.int32, 16) == 0).astype(jnp.float32)
    z16 = jnp.zeros((16,), jnp.float32)

    def _rb_zero(r, carry):
        for v in range(8):
            rowb[r, pl.ds(v * 16, 16)] = z16
        return carry
    lax.fori_loop(0, PCH, _rb_zero, 0)

    def _dz(k, carry):
        pltpu.sync_copy(rowb.at[pl.ds(0, RCH)],
                        agg.at[pl.ds(s * RPT + k * RCH, RCH)])
        return carry
    lax.fori_loop(0, RPT // RCH, _dz, 0)

    def _rb_init(r, carry):
        rowb[r, pl.ds(0, 16)] = col0
        return carry
    lax.fori_loop(0, PCH, _rb_init, 0)
    plsc.subcore_barrier()

    iota16 = lax.iota(jnp.int32, 16)
    one16 = jnp.full((16,), 1, jnp.int32)
    np16 = jnp.full((16,), DUMMY, jnp.int32)

    def _chunk(j, carry):
        def _grp(g, carry2):
            off = g * 16
            s16 = src_t[j, pl.ds(off, 16)]
            d16 = dst_t[j, pl.ds(off, 16)]
            g1 = plsc.load_gather(s1_t, [s16])
            g2 = plsc.load_gather(s2_t, [d16])
            m = (g1 + g2) >= 0.0
            srcp_c[pl.ds(off, 16)] = jnp.where(m, s16, np16)
            srcn_c[pl.ds(off, 16)] = jnp.where(m, np16, s16)
            posf = jnp.where(m, 1.0, 0.0)
            plsc.store_scatter(rowb, [g * 16 + iota16, one16], posf)
            return carry2
        lax.fori_loop(0, 8, _grp, 0)
        pltpu.sync_copy(rowb, agg.at[dst_t.at[j]], add=True)
        pltpu.sync_copy(srcp_c, srcp_hbm.at[pl.ds(w * 5120 + j * PCH, PCH)])
        pltpu.sync_copy(srcn_c, srcn_hbm.at[pl.ds(w * 5120 + j * PCH, PCH)])
        return carry
    lax.fori_loop(0, 40, _chunk, 0)
    plsc.subcore_barrier()

    def _dout(k, carry):
        rb = s * RPT + k * PCH
        pltpu.sync_copy(agg.at[pl.ds(rb, PCH)], rowb)
        pltpu.sync_copy(rowb, deg_hbm.at[c].at[pl.ds(rb, PCH)])
        return carry
    lax.fori_loop(0, RPT // PCH, _dout, 0)


_SC_PARAMS = pltpu.CompilerParams(needs_layout_passes=False)


@functools.partial(
    pl.kernel, mesh=_MESH, compiler_params=_SC_PARAMS,
    out_type=[jax.ShapeDtypeStruct((2, NP, 128), jnp.float32),
              jax.ShapeDtypeStruct((EPA,), jnp.int32),
              jax.ShapeDtypeStruct((EPA,), jnp.int32)],
    scratch_types=[
        pltpu.VMEM((NP,), jnp.float32),
        pltpu.VMEM((NP,), jnp.float32),
        pltpu.VMEM((40, 128), jnp.int32),
        pltpu.VMEM((40, 128), jnp.int32),
        pltpu.VMEM((PCH,), jnp.int32),
        pltpu.VMEM((PCH,), jnp.int32),
        pltpu.VMEM((PCH, 128), jnp.float32),
        pltpu.VMEM_SHARED((NP, 128), jnp.float32),
    ],
)
def _prep(*refs):
    _prep_body(*refs)



def _chain_body(nsteps, feat_hbm, di_hbm, q_hbm, src_hbm, dst_hbm, u_hbm,
                src_t, dst_t, idx128, rows, ubuf, abuf, zbuf, qb, dib,
                agg, sem):
    c = lax.axis_index("c")
    s = lax.axis_index("s")
    rb0 = s * RPT
    pltpu.sync_copy(src_hbm.at[s], src_t)
    pltpu.sync_copy(dst_hbm.at[s], dst_t)
    pltpu.sync_copy(q_hbm.at[pl.ds(rb0, RPT)], qb)
    pltpu.sync_copy(di_hbm.at[pl.ds(rb0, RPT)], dib)

    z16 = jnp.zeros((16,), jnp.float32)

    def _zb_init(r, carry):
        for v in range(8):
            zbuf[r, pl.ds(v * 16, 16)] = z16
        return carry
    lax.fori_loop(0, RCH, _zb_init, 0)

    def _binit(k, carry):
        rb = rb0 + k * RCH
        pltpu.sync_copy(feat_hbm.at[c].at[pl.ds(rb, RCH)], ubuf)

        def _rowm(r, carry2):
            dv = plsc.load_gather(dib, [jnp.full((16,), k * RCH + r, jnp.int32)])
            for v in range(8):
                sl = pl.ds(v * 16, 16)
                ubuf[r, sl] = ubuf[r, sl] * dv
            return carry2
        lax.fori_loop(0, RCH, _rowm, 0)
        pltpu.sync_copy(ubuf, u_hbm.at[pl.ds(c * NP + rb, RCH)])
        pltpu.sync_copy(zbuf, agg.at[pl.ds(rb, RCH)])
        return carry
    lax.fori_loop(0, RPT // RCH, _binit, 0)
    plsc.subcore_barrier()

    def _step(st, carry):
        sbase = ((st - 1) * 2 + c) * NP
        obase = (st * 2 + c) * NP

        def _echunk(j, carry2):
            def _ridx(g, carry3):
                idx128[pl.ds(g * 16, 16)] = (
                    src_t[j, pl.ds(g * 16, 16)] + sbase)
                return carry3
            lax.fori_loop(0, CH // 16, _ridx, 0)
            pltpu.async_copy(u_hbm.at[idx128], rows, sem).wait()
            pltpu.sync_copy(rows, agg.at[dst_t.at[j]], add=True)
            return carry2
        lax.fori_loop(0, NCK, _echunk, 0)
        plsc.subcore_barrier()

        def _ech(k, carry2):
            rb = rb0 + k * RCH
            pltpu.sync_copy(u_hbm.at[pl.ds(sbase + rb, RCH)], ubuf)
            pltpu.sync_copy(agg.at[pl.ds(rb, RCH)], abuf)
            pltpu.sync_copy(zbuf, agg.at[pl.ds(rb, RCH)])

            def _rowc(r, carry3):
                qv = plsc.load_gather(
                    qb, [jnp.full((16,), k * RCH + r, jnp.int32)])
                for v in range(8):
                    sl = pl.ds(v * 16, 16)
                    ubuf[r, sl] = ubuf[r, sl] - qv * abuf[r, sl]
                return carry3
            lax.fori_loop(0, RCH, _rowc, 0)
            pltpu.sync_copy(ubuf, u_hbm.at[pl.ds(obase + rb, RCH)])
            return carry2
        lax.fori_loop(0, RPT // RCH, _ech, 0)
        plsc.subcore_barrier()
        return carry
    lax.fori_loop(1, nsteps + 1, _step, 0)


def _make_chain(nsteps):
    @functools.partial(
        pl.kernel, mesh=_MESH, compiler_params=_SC_PARAMS,
        out_type=jax.ShapeDtypeStruct(((nsteps + 1) * 2 * NP, 128),
                                      jnp.float32),
        scratch_types=[
            pltpu.VMEM((NCK, CH), jnp.int32),
            pltpu.VMEM((NCK, CH), jnp.int32),
            pltpu.VMEM((CH,), jnp.int32),
            pltpu.VMEM((CH, 128), jnp.float32),
            pltpu.VMEM((RCH, 128), jnp.float32),
            pltpu.VMEM((RCH, 128), jnp.float32),
            pltpu.VMEM((RCH, 128), jnp.float32),
            pltpu.VMEM((RPT,), jnp.float32),
            pltpu.VMEM((RPT,), jnp.float32),
            pltpu.VMEM_SHARED((NP, 128), jnp.float32),
            pltpu.SemaphoreType.DMA,
        ],
    )
    def _chain(*refs):
        _chain_body(nsteps, *refs)
    return _chain


_chain12 = _make_chain(12)
_chain6 = _make_chain(6)



def _mm_body(f_ref, w_ref, b_ref, o_ref):
    o_ref[...] = jnp.dot(f_ref[...], w_ref[...],
                         preferred_element_type=jnp.float32) + b_ref[...]


def _matmul_bias(x, W, b):
    K, M = W.shape
    return pl.pallas_call(
        _mm_body,
        grid=(N // BN,),
        in_specs=[pl.BlockSpec((BN, K), lambda i: (i, 0)),
                  pl.BlockSpec((K, M), lambda i: (0, 0)),
                  pl.BlockSpec((1, M), lambda i: (0, 0))],
        out_specs=pl.BlockSpec((BN, M), lambda i: (i, 0)),
        out_shape=jax.ShapeDtypeStruct((N, M), jnp.float32),
    )(x, W, b)


def _po_body(u_ref, mt_ref, di_ref, b_ref, o_ref):
    acc = jnp.zeros((BN, D), jnp.float32)
    for t in range(26):
        acc += jnp.dot(u_ref[t], mt_ref[t], preferred_element_type=jnp.float32)
    acc = acc * di_ref[...] + b_ref[...]
    o_ref[...] = jnp.where(acc >= 0, acc, 0.01 * acc)


def _polyout(u, mt, invdi, b):
    return pl.pallas_call(
        _po_body,
        grid=(N // BN,),
        in_specs=[pl.BlockSpec((26, BN, 128), lambda i: (0, i, 0)),
                  pl.BlockSpec((26, 128, D), lambda i: (0, 0, 0)),
                  pl.BlockSpec((BN, 1), lambda i: (i, 0)),
                  pl.BlockSpec((1, D), lambda i: (0, 0))],
        out_specs=pl.BlockSpec((BN, D), lambda i: (i, 0)),
        out_shape=jax.ShapeDtypeStruct((N, D), jnp.float32),
    )(u, mt, invdi, b)


def _po2_body(up_ref, un_ref, mtp_ref, mtn_ref, dip_ref, din_ref, b_ref, o_ref):
    accp = jnp.zeros((BN, D), jnp.float32)
    accn = jnp.zeros((BN, D), jnp.float32)
    for t in range(14):
        accp += jnp.dot(up_ref[t], mtp_ref[t],
                        preferred_element_type=jnp.float32)
        accn += jnp.dot(un_ref[t], mtn_ref[t],
                        preferred_element_type=jnp.float32)
    acc = accp * dip_ref[...] + accn * din_ref[...] + b_ref[...]
    o_ref[...] = jnp.where(acc >= 0, acc, 0.01 * acc)


def _polyout2(up, un, mtp, mtn, invdip, invdin, b):
    return pl.pallas_call(
        _po2_body,
        grid=(N // BN,),
        in_specs=[pl.BlockSpec((14, BN, 128), lambda i: (0, i, 0)),
                  pl.BlockSpec((14, BN, 128), lambda i: (0, i, 0)),
                  pl.BlockSpec((14, 128, D), lambda i: (0, 0, 0)),
                  pl.BlockSpec((14, 128, D), lambda i: (0, 0, 0)),
                  pl.BlockSpec((BN, 1), lambda i: (i, 0)),
                  pl.BlockSpec((BN, 1), lambda i: (i, 0)),
                  pl.BlockSpec((1, D), lambda i: (0, 0))],
        out_specs=pl.BlockSpec((BN, D), lambda i: (i, 0)),
        out_shape=jax.ShapeDtypeStruct((N, D), jnp.float32),
    )(up, un, mtp, mtn, invdip, invdin, b)



def _pad1(x, n, val):
    return jnp.concatenate([x, jnp.full((n - x.shape[0],), val, x.dtype)])


def kernel(feat, edge_index, w_r_src, w_r_dst, W_lin, b_lin, W_lin1, b_lin1,
           W_t, b_t):
    src = edge_index[0].astype(jnp.int32)
    dst = edge_index[1].astype(jnp.int32)

    W2 = jnp.concatenate(
        [W_t.T, w_r_src[:, None], w_r_dst[:, None],
         jnp.zeros((D, 126), jnp.float32)], axis=1)
    b2 = jnp.concatenate([b_t, jnp.zeros((128,), jnp.float32)])[None, :]
    tout = _matmul_bias(feat, W2, b2)
    transh = tout[:, :D]
    s1 = _pad1(tout[:, D], NP, 0.0)
    s2 = _pad1(tout[:, D + 1], NP, 0.0)

    srcA = _pad1(src, EPA, DUMMY).reshape(32, 40, 128)
    dstA = _pad1(dst, EPA, DUMMY).reshape(32, 40, 128)
    deg2, srcp_full, srcn_full = _prep(s1, s2, srcA, dstA)
    degs = deg2[0] + deg2[1]
    in_deg = degs[:N, 0]
    pos_deg = degs[:N, 1]
    neg_deg = in_deg - pos_deg

    def _mk(dg):
        di = jnp.clip(dg, 1.0) ** -0.5
        dip = _pad1(di, NP, 0.0)
        return dip, dip * dip, (1.0 / di)[:, None]

    dio, qo, ivo = _mk(in_deg)
    dip_, qp, ivp = _mk(pos_deg)
    din_, qn, ivn = _mk(neg_deg)

    feat_st = jnp.stack([feat[:, :128], feat[:, 128:]])
    feat_st = jnp.concatenate(
        [feat_st, jnp.zeros((2, NP - N, 128), jnp.float32)], axis=1)

    dstC = _pad1(dst, EPC, DUMMY).reshape(16, NCK, CH)
    srcoC = _pad1(src, EPC, DUMMY).reshape(16, NCK, CH)
    srcpC = _pad1(srcp_full[:E], EPC, DUMMY).reshape(16, NCK, CH)
    srcnC = _pad1(srcn_full[:E], EPC, DUMMY).reshape(16, NCK, CH)

    u_o = _chain12(feat_st, dio, qo, srcoC, dstC)
    u_p = _chain6(feat_st, dip_, qp, srcpC, dstC)
    u_n = _chain6(feat_st, din_, qn, srcnC, dstC)

    Wb = [W_lin[:, i * D:(i + 1) * D] for i in range(4)]
    Wb1 = [W_lin1[:, i * D:(i + 1) * D] for i in range(4)]
    Mo = [sum(THETAS[i][k] * Wb[i]
              for i in range(4) for k in range(4) if 3 * i + k == j)
          for j in range(13)]
    Mp = [sum(THETAS[i][k] * Wb1[i]
              for i in range(2) for k in range(4) if 3 * i + k == j)
          for j in range(7)]
    Mn = [sum(THETAS[2 + i][k] * Wb1[2 + i]
              for i in range(2) for k in range(4) if 3 * i + k == j)
          for j in range(7)]
    mto = jnp.stack([M.T[c * 128:(c + 1) * 128, :]
                     for M in Mo for c in range(2)])
    mtp = jnp.stack([M.T[c * 128:(c + 1) * 128, :]
                     for M in Mp for c in range(2)])
    mtn = jnp.stack([M.T[c * 128:(c + 1) * 128, :]
                     for M in Mn for c in range(2)])

    hs_o_out = _polyout(u_o.reshape(26, NP, 128), mto, ivo, b_lin[None, :])
    hs_pn_out = _polyout2(u_p.reshape(14, NP, 128), u_n.reshape(14, NP, 128),
                          mtp, mtn, ivp, ivn, b_lin1[None, :])
    return (hs_o_out, hs_pn_out, transh)

# --- scband reference (transcript-rebuilt; emitter-appended) ---
"""Pipeline reference for scband-poly-conv-90915867722264 (READ-ONLY COPY).

The authoritative reference and input builder live on the scoring server;
editing this copy changes nothing except your own understanding.
"""

import jax, jax.numpy as jnp
import numpy as np

N = 10000
E = 160000
D = 256
THETAS = [[0.9375, -1.40625, 0.703125, -0.1171875], [0.234375, 0.46875, -0.9375, 0.3515625], [0.09375, 0.375, 0.0, -0.3515625], [0.015625, 0.09375, 0.234375, 0.1171875]]
K_SPLIT = 1


def setup_inputs(seed: int = 0) -> dict:
    key = jax.random.key(seed)
    ks = jax.random.split(key, 10)
    feat = jax.random.normal(ks[0], (N, D), dtype=jnp.float32)
    edge_index = jax.random.randint(ks[1], (2, E), 0, N, dtype=jnp.int64 if jax.config.jax_enable_x64 else jnp.int32)
    # relation_aware scorer params (simple bilinear-free scorer: score = src.w1 + dst.w2)
    w_r_src = jax.random.normal(ks[2], (D,), dtype=jnp.float32) * 0.05
    w_r_dst = jax.random.normal(ks[3], (D,), dtype=jnp.float32) * 0.05
    # linear: (in_feats*len(thetas)) -> out_feats
    W_lin = jax.random.normal(ks[4], (D, 4 * D), dtype=jnp.float32) * 0.02
    b_lin = jnp.zeros((D,), dtype=jnp.float32)
    W_lin1 = jax.random.normal(ks[5], (D, 4 * D), dtype=jnp.float32) * 0.02
    b_lin1 = jnp.zeros((D,), dtype=jnp.float32)
    # transh: in_feats -> out_feats
    W_t = jax.random.normal(ks[6], (D, D), dtype=jnp.float32) * 0.05
    b_t = jnp.zeros((D,), dtype=jnp.float32)
    return {"feat": feat, "edge_index": edge_index, "w_r_src": w_r_src, "w_r_dst": w_r_dst,
            "W_lin": W_lin, "b_lin": b_lin, "W_lin1": W_lin1, "b_lin1": b_lin1, "W_t": W_t, "b_t": b_t}


def reference(feat, edge_index, w_r_src, w_r_dst, W_lin, b_lin, W_lin1, b_lin1, W_t, b_t):
    src = edge_index[0]
    dst = edge_index[1]
    feat0 = feat
    # sign_edges: relation_aware(src_feat, dst_feat) -> sign
    score = feat0[src] @ w_r_src + feat0[dst] @ w_r_dst
    sign = jnp.sign(score)
    # judge_edges
    pos = (sign >= 0).astype(jnp.float32)
    neg = (sign < 0).astype(jnp.float32)
    # degrees
    in_deg = jax.ops.segment_sum(jnp.ones((E,), dtype=jnp.float32), dst, num_segments=N)
    pos_deg = jax.ops.segment_sum(pos, dst, num_segments=N)
    neg_deg = jax.ops.segment_sum(neg, dst, num_segments=N)
    D_invsqrt = jnp.power(jnp.clip(in_deg, 1.0), -0.5)[:, None]
    D_invsqrt_p = jnp.power(jnp.clip(pos_deg, 1.0), -0.5)[:, None]
    D_invsqrt_n = jnp.power(jnp.clip(neg_deg, 1.0), -0.5)[:, None]

    def unnLaplacian(f, Di, mask):
        h = f * Di
        m = h[src]
        if mask is not None:
            m = m * mask[:, None]
        agg = jax.ops.segment_sum(m, dst, num_segments=N)
        return f - agg * Di

    transh = feat0 @ W_t.T + b_t
    # hs_o: full Laplacian, all thetas (feat NOT reset between thetas, per original)
    hs_o = []
    f = feat0
    for theta in THETAS:
        h = theta[0] * f
        for k in range(1, len(theta)):
            f = unnLaplacian(f, D_invsqrt, None)
            h = h + theta[k] * f
        hs_o.append(h)
    # hs_p: positive-masked Laplacian, thetas[0:K+1]
    hs_p = []
    f = feat0
    for theta in THETAS[0:K_SPLIT + 1]:
        h = theta[0] * f
        for k in range(1, len(theta)):
            f = unnLaplacian(f, D_invsqrt_p, pos)
            h = h + theta[k] * f
        hs_p.append(h)
    # hs_n: negative-masked Laplacian, thetas[K+1:]
    hs_n = []
    f = feat0
    for theta in THETAS[K_SPLIT + 1:]:
        h = theta[0] * f
        for k in range(1, len(theta)):
            f = unnLaplacian(f, D_invsqrt_n, neg)
            h = h + theta[k] * f
        hs_n.append(h)
    hs_o_cat = jnp.concatenate(hs_o, axis=1)
    # K=1, len(thetas)-1=3 -> K != len-1 and K != -1 branch
    hs_pn = jnp.concatenate([jnp.concatenate(hs_p, axis=1), jnp.concatenate(hs_n, axis=1)], axis=1)
    # lin=True
    hs_o_out = jax.nn.leaky_relu(hs_o_cat @ W_lin.T + b_lin, negative_slope=0.01)
    hs_pn_out = jax.nn.leaky_relu(hs_pn @ W_lin1.T + b_lin1, negative_slope=0.01)
    return (hs_o_out, hs_pn_out, transh)

if __name__ == "__main__":
    import jax
    _d = setup_inputs()
    print(jax.jit(kernel)(*tuple(_d.values())))

</pallas_src>

<mosaic_0001>
#map = affine_map<(d0, d1) -> (0, 0, 0)>
#map1 = affine_map<(d0, d1) -> (0)>
#map2 = affine_map<(d0, d1) -> (0, 0)>
module attributes {stable_mosaic.version = 14 : i64} {
  func.func @_chain(%arg0: i32, %arg1: i32, %arg2: memref<2x10240x128xf32, #tpu.memory_space<hbm>>, %arg3: memref<10240xf32, #tpu.memory_space<hbm>>, %arg4: memref<10240xf32, #tpu.memory_space<hbm>>, %arg5: memref<16x79x128xi32, #tpu.memory_space<hbm>>, %arg6: memref<16x79x128xi32, #tpu.memory_space<hbm>>, %arg7: memref<143360x128xf32, #tpu.memory_space<hbm>>, %arg8: memref<79x128xi32, #tpu.memory_space<vmem>>, %arg9: memref<79x128xi32, #tpu.memory_space<vmem>>, %arg10: memref<128xi32, #tpu.memory_space<vmem>>, %arg11: memref<128x128xf32, #tpu.memory_space<vmem>>, %arg12: memref<16x128xf32, #tpu.memory_space<vmem>>, %arg13: memref<16x128xf32, #tpu.memory_space<vmem>>, %arg14: memref<16x128xf32, #tpu.memory_space<vmem>>, %arg15: memref<640xf32, #tpu.memory_space<vmem>>, %arg16: memref<640xf32, #tpu.memory_space<vmem>>, %arg17: memref<10240x128xf32, #tpu.memory_space<vmem_shared>>, %arg18: memref<!tpu.dma_semaphore, #tpu.memory_space<semaphore_mem>>) attributes {dimension_semantics = [#tpu.dimension_semantics<core_parallel>, #tpu.dimension_semantics<subcore_parallel>], iteration_bounds = array<i64: 2, 16>, scalar_prefetch = 0 : i64, scratch_operands = 11 : i64, tpu.core_type = #tpu.core_type<sc_vector_subcore>, window_params = [{transform_indices = #map}, {transform_indices = #map1}, {transform_indices = #map1}, {transform_indices = #map}, {transform_indices = #map}, {transform_indices = #map2}]} {
    %mul3A = arith.constant 640 : i32
    %mul3A_0 = arith.muli %arg1, %mul3A : i32
    "tpu.region"() ({
      %run_scoped3A = tpu.sem_alloc : memref<!tpu.dma_semaphore, #tpu.memory_space<semaphore_mem>>
      %dma_start3A = arith.constant 0 : i32
      %dma_start3A_19 = arith.constant 0 : i32
      %dma_start3A_20 = tpu.memref_slice %arg5[%arg1, %dma_start3A, %dma_start3A_19] : memref<16x79x128xi32, #tpu.memory_space<hbm>> -> memref<1x79x128xi32, #tpu.memory_space<hbm>>
      %dma_start3A_21 = tpu.memref_squeeze %dma_start3A_20 : memref<1x79x128xi32, #tpu.memory_space<hbm>> -> memref<79x128xi32, #tpu.memory_space<hbm>>
      %dma_start3A_22 = arith.constant 0 : i32
      %dma_start3A_23 = arith.constant 0 : i32
      %dma_start3A_24 = tpu.memref_slice %arg5[%arg1, %dma_start3A_22, %dma_start3A_23] : memref<16x79x128xi32, #tpu.memory_space<hbm>> -> memref<1x79x128xi32, #tpu.memory_space<hbm>>
      %dma_start3A_25 = tpu.memref_squeeze %dma_start3A_24 : memref<1x79x128xi32, #tpu.memory_space<hbm>> -> memref<79x128xi32, #tpu.memory_space<hbm>>
      tpu.enqueue_dma source(%dma_start3A_25 : memref<79x128xi32, #tpu.memory_space<hbm>>) target(%arg8 : memref<79x128xi32, #tpu.memory_space<vmem>>) target_semaphore(%run_scoped3A : memref<!tpu.dma_semaphore, #tpu.memory_space<semaphore_mem>>)
      %dma_wait3A = arith.constant 0 : i32
      %dma_wait3A_26 = arith.constant 0 : i32
      %dma_wait3A_27 = tpu.memref_slice %arg5[%arg1, %dma_wait3A, %dma_wait3A_26] : memref<16x79x128xi32, #tpu.memory_space<hbm>> -> memref<1x79x128xi32, #tpu.memory_space<hbm>>
      %dma_wait3A_28 = tpu.memref_squeeze %dma_wait3A_27 : memref<1x79x128xi32, #tpu.memory_space<hbm>> -> memref<79x128xi32, #tpu.memory_space<hbm>>
      %dma_wait3A_29 = arith.constant 0 : i32
      %dma_wait3A_30 = arith.constant 0 : i32
      %dma_wait3A_31 = tpu.memref_slice %arg5[%arg1, %dma_wait3A_29, %dma_wait3A_30] : memref<16x79x128xi32, #tpu.memory_space<hbm>> -> memref<1x79x128xi32, #tpu.memory_space<hbm>>
      %dma_wait3A_32 = tpu.memref_squeeze %dma_wait3A_31 : memref<1x79x128xi32, #tpu.memory_space<hbm>> -> memref<79x128xi32, #tpu.memory_space<hbm>>
      tpu.wait_dma2 semaphore(%run_scoped3A : memref<!tpu.dma_semaphore, #tpu.memory_space<semaphore_mem>>) src(%dma_wait3A_32 : memref<79x128xi32, #tpu.memory_space<hbm>>) dst(%arg8 : memref<79x128xi32, #tpu.memory_space<vmem>>)
      tpu.yield
    }) : () -> ()
    "tpu.region"() ({
      %run_scoped3A = tpu.sem_alloc : memref<!tpu.dma_semaphore, #tpu.memory_space<semaphore_mem>>
      %dma_start3A = arith.constant 0 : i32
      %dma_start3A_19 = arith.constant 0 : i32
      %dma_start3A_20 = tpu.memref_slice %arg6[%arg1, %dma_start3A, %dma_start3A_19] : memref<16x79x128xi32, #tpu.memory_space<hbm>> -> memref<1x79x128xi32, #tpu.memory_space<hbm>>
      %dma_start3A_21 = tpu.memref_squeeze %dma_start3A_20 : memref<1x79x128xi32, #tpu.memory_space<hbm>> -> memref<79x128xi32, #tpu.memory_space<hbm>>
      %dma_start3A_22 = arith.constant 0 : i32
      %dma_start3A_23 = arith.constant 0 : i32
      %dma_start3A_24 = tpu.memref_slice %arg6[%arg1, %dma_start3A_22, %dma_start3A_23] : memref<16x79x128xi32, #tpu.memory_space<hbm>> -> memref<1x79x128xi32, #tpu.memory_space<hbm>>
      %dma_start3A_25 = tpu.memref_squeeze %dma_start3A_24 : memref<1x79x128xi32, #tpu.memory_space<hbm>> -> memref<79x128xi32, #tpu.memory_space<hbm>>
      tpu.enqueue_dma source(%dma_start3A_25 : memref<79x128xi32, #tpu.memory_space<hbm>>) target(%arg9 : memref<79x128xi32, #tpu.memory_space<vmem>>) target_semaphore(%run_scoped3A : memref<!tpu.dma_semaphore, #tpu.memory_space<semaphore_mem>>)
      %dma_wait3A = arith.constant 0 : i32
      %dma_wait3A_26 = arith.constant 0 : i32
      %dma_wait3A_27 = tpu.memref_slice %arg6[%arg1, %dma_wait3A, %dma_wait3A_26] : memref<16x79x128xi32, #tpu.memory_space<hbm>> -> memref<1x79x128xi32, #tpu.memory_space<hbm>>
      %dma_wait3A_28 = tpu.memref_squeeze %dma_wait3A_27 : memref<1x79x128xi32, #tpu.memory_space<hbm>> -> memref<79x128xi32, #tpu.memory_space<hbm>>
      %dma_wait3A_29 = arith.constant 0 : i32
      %dma_wait3A_30 = arith.constant 0 : i32
      %dma_wait3A_31 = tpu.memref_slice %arg6[%arg1, %dma_wait3A_29, %dma_wait3A_30] : memref<16x79x128xi32, #tpu.memory_space<hbm>> -> memref<1x79x128xi32, #tpu.memory_space<hbm>>
      %dma_wait3A_32 = tpu.memref_squeeze %dma_wait3A_31 : memref<1x79x128xi32, #tpu.memory_space<hbm>> -> memref<79x128xi32, #tpu.memory_space<hbm>>
      tpu.wait_dma2 semaphore(%run_scoped3A : memref<!tpu.dma_semaphore, #tpu.memory_space<semaphore_mem>>) src(%dma_wait3A_32 : memref<79x128xi32, #tpu.memory_space<hbm>>) dst(%arg9 : memref<79x128xi32, #tpu.memory_space<vmem>>)
      tpu.yield
    }) : () -> ()
    "tpu.region"() ({
      %run_scoped3A = tpu.sem_alloc : memref<!tpu.dma_semaphore, #tpu.memory_space<semaphore_mem>>
      %dma_start3A = tpu.memref_slice %arg4[%mul3A_0] : memref<10240xf32, #tpu.memory_space<hbm>> -> memref<640xf32, #tpu.memory_space<hbm>>
      %dma_start3A_19 = tpu.memref_slice %arg4[%mul3A_0] : memref<10240xf32, #tpu.memory_space<hbm>> -> memref<640xf32, #tpu.memory_space<hbm>>
      tpu.enqueue_dma source(%dma_start3A_19 : memref<640xf32, #tpu.memory_space<hbm>>) target(%arg15 : memref<640xf32, #tpu.memory_space<vmem>>) target_semaphore(%run_scoped3A : memref<!tpu.dma_semaphore, #tpu.memory_space<semaphore_mem>>)
      %dma_wait3A = tpu.memref_slice %arg4[%mul3A_0] : memref<10240xf32, #tpu.memory_space<hbm>> -> memref<640xf32, #tpu.memory_space<hbm>>
      %dma_wait3A_20 = tpu.memref_slice %arg4[%mul3A_0] : memref<10240xf32, #tpu.memory_space<hbm>> -> memref<640xf32, #tpu.memory_space<hbm>>
      tpu.wait_dma2 semaphore(%run_scoped3A : memref<!tpu.dma_semaphore, #tpu.memory_space<semaphore_mem>>) src(%dma_wait3A_20 : memref<640xf32, #tpu.memory_space<hbm>>) dst(%arg15 : memref<640xf32, #tpu.memory_space<vmem>>)
      tpu.yield
    }) : () -> ()
    "tpu.region"() ({
      %run_scoped3A = tpu.sem_alloc : memref<!tpu.dma_semaphore, #tpu.memory_space<semaphore_mem>>
      %dma_start3A = tpu.memref_slice %arg3[%mul3A_0] : memref<10240xf32, #tpu.memory_space<hbm>> -> memref<640xf32, #tpu.memory_space<hbm>>
      %dma_start3A_19 = tpu.memref_slice %arg3[%mul3A_0] : memref<10240xf32, #tpu.memory_space<hbm>> -> memref<640xf32, #tpu.memory_space<hbm>>
      tpu.enqueue_dma source(%dma_start3A_19 : memref<640xf32, #tpu.memory_space<hbm>>) target(%arg16 : memref<640xf32, #tpu.memory_space<vmem>>) target_semaphore(%run_scoped3A : memref<!tpu.dma_semaphore, #tpu.memory_space<semaphore_mem>>)
      %dma_wait3A = tpu.memref_slice %arg3[%mul3A_0] : memref<10240xf32, #tpu.memory_space<hbm>> -> memref<640xf32, #tpu.memory_space<hbm>>
      %dma_wait3A_20 = tpu.memref_slice %arg3[%mul3A_0] : memref<10240xf32, #tpu.memory_space<hbm>> -> memref<640xf32, #tpu.memory_space<hbm>>
      tpu.wait_dma2 semaphore(%run_scoped3A : memref<!tpu.dma_semaphore, #tpu.memory_space<semaphore_mem>>) src(%dma_wait3A_20 : memref<640xf32, #tpu.memory_space<hbm>>) dst(%arg16 : memref<640xf32, #tpu.memory_space<vmem>>)
      tpu.yield
    }) : () -> ()
    %broadcast_in_dim3A = arith.constant 0.000000e+00 : f32
    %broadcast_in_dim3A_1 = vector.broadcast %broadcast_in_dim3A : f32 to vector<16xf32>
    %scan3A = arith.constant 0 : i32
    %scan3A_2 = arith.constant 0 : i32
    %scan3A_3 = arith.constant 16 : i32
    %scan3A_4 = arith.addi %scan3A_2, %scan3A_3 : i32
    %scan3A_5 = arith.constant 1 : i32
    scf.for %scan3A_19 = %scan3A_2 to %scan3A_4 step %scan3A_5  : i32 {
      %swap3A = arith.index_cast %scan3A_19 : i32 to index
      %swap3A_20 = arith.constant 0 : index
      %swap3A_21 = tpu.vector_load %arg14[%swap3A, %swap3A_20] {strides = array<i32>} : memref<16x128xf32, #tpu.memory_space<vmem>>, vector<16xf32>,
      tpu.vector_store %arg14[%swap3A, %swap3A_20], %broadcast_in_dim3A_1 {strides = array<i32>} : memref<16x128xf32, #tpu.memory_space<vmem>>, vector<16xf32>,
      %swap3A_22 = arith.index_cast %scan3A_19 : i32 to index
      %swap3A_23 = arith.constant 16 : index
      %swap3A_24 = tpu.vector_load %arg14[%swap3A_22, %swap3A_23] {strides = array<i32>} : memref<16x128xf32, #tpu.memory_space<vmem>>, vector<16xf32>,
      tpu.vector_store %arg14[%swap3A_22, %swap3A_23], %broadcast_in_dim3A_1 {strides = array<i32>} : memref<16x128xf32, #tpu.memory_space<vmem>>, vector<16xf32>,
      %swap3A_25 = arith.index_cast %scan3A_19 : i32 to index
      %swap3A_26 = arith.constant 32 : index
      %swap3A_27 = tpu.vector_load %arg14[%swap3A_25, %swap3A_26] {strides = array<i32>} : memref<16x128xf32, #tpu.memory_space<vmem>>, vector<16xf32>,
      tpu.vector_store %arg14[%swap3A_25, %swap3A_26], %broadcast_in_dim3A_1 {strides = array<i32>} : memref<16x128xf32, #tpu.memory_space<vmem>>, vector<16xf32>,
      %swap3A_28 = arith.index_cast %scan3A_19 : i32 to index
      %swap3A_29 = arith.constant 48 : index
      %swap3A_30 = tpu.vector_load %arg14[%swap3A_28, %swap3A_29] {strides = array<i32>} : memref<16x128xf32, #tpu.memory_space<vmem>>, vector<16xf32>,
      tpu.vector_store %arg14[%swap3A_28, %swap3A_29], %broadcast_in_dim3A_1 {strides = array<i32>} : memref<16x128xf32, #tpu.memory_space<vmem>>, vector<16xf32>,
      %swap3A_31 = arith.index_cast %scan3A_19 : i32 to index
      %swap3A_32 = arith.constant 64 : index
      %swap3A_33 = tpu.vector_load %arg14[%swap3A_31, %swap3A_32] {strides = array<i32>} : memref<16x128xf32, #tpu.memory_space<vmem>>, vector<16xf32>,
      tpu.vector_store %arg14[%swap3A_31, %swap3A_32], %broadcast_in_dim3A_1 {strides = array<i32>} : memref<16x128xf32, #tpu.memory_space<vmem>>, vector<16xf32>,
      %swap3A_34 = arith.index_cast %scan3A_19 : i32 to index
      %swap3A_35 = arith.constant 80 : index
      %swap3A_36 = tpu.vector_load %arg14[%swap3A_34, %swap3A_35] {strides = array<i32>} : memref<16x128xf32, #tpu.memory_space<vmem>>, vector<16xf32>,
      tpu.vector_store %arg14[%swap3A_34, %swap3A_35], %broadcast_in_dim3A_1 {strides = array<i32>} : memref<16x128xf32, #tpu.memory_space<vmem>>, vector<16xf32>,
      %swap3A_37 = arith.index_cast %scan3A_19 : i32 to index
      %swap3A_38 = arith.constant 96 : index
      %swap3A_39 = tpu.vector_load %arg14[%swap3A_37, %swap3A_38] {strides = array<i32>} : memref<16x128xf32, #tpu.memory_space<vmem>>, vector<16xf32>,
      tpu.vector_store %arg14[%swap3A_37, %swap3A_38], %broadcast_in_dim3A_1 {strides = array<i32>} : memref<16x128xf32, #tpu.memory_space<vmem>>, vector<16xf32>,
      %swap3A_40 = arith.index_cast %scan3A_19 : i32 to index
      %swap3A_41 = arith.constant 112 : index
      %swap3A_42 = tpu.vector_load %arg14[%swap3A_40, %swap3A_41] {strides = array<i32>} : memref<16x128xf32, #tpu.memory_space<vmem>>, vector<16xf32>,
      tpu.vector_store %arg14[%swap3A_40, %swap3A_41], %broadcast_in_dim3A_1 {strides = array<i32>} : memref<16x128xf32, #tpu.memory_space<vmem>>, vector<16xf32>,
    }
    %scan3A_6 = arith.constant 16 : i32
    %scan3A_7 = arith.constant 0 : i32
    %scan3A_8 = arith.constant 0 : i32
    %scan3A_9 = arith.constant 40 : i32
    %scan3A_10 = arith.addi %scan3A_8, %scan3A_9 : i32
    %scan3A_11 = arith.constant 1 : i32
    scf.for %scan3A_19 = %scan3A_8 to %scan3A_10 step %scan3A_11  : i32 {
      %mul3A_20 = arith.constant 16 : i32
      %mul3A_21 = arith.muli %scan3A_19, %mul3A_20 : i32
      %add3A = arith.addi %mul3A_0, %mul3A_21 : i32
      "tpu.region"() ({
        %run_scoped3A = tpu.sem_alloc : memref<!tpu.dma_semaphore, #tpu.memory_space<semaphore_mem>>
        %dma_start3A = arith.constant 0 : i32
        %dma_start3A_31 = arith.constant 0 : i32
        %dma_start3A_32 = tpu.memref_slice %arg2[%arg0, %dma_start3A, %dma_start3A_31] : memref<2x10240x128xf32, #tpu.memory_space<hbm>> -> memref<1x10240x128xf32, #tpu.memory_space<hbm>>
        %dma_start3A_33 = tpu.memref_squeeze %dma_start3A_32 : memref<1x10240x128xf32, #tpu.memory_space<hbm>> -> memref<10240x128xf32, #tpu.memory_space<hbm>>
        %dma_start3A_34 = arith.constant 0 : i32
        %dma_start3A_35 = tpu.memref_slice %dma_start3A_33[%add3A, %dma_start3A_34] : memref<10240x128xf32, #tpu.memory_space<hbm>> -> memref<16x128xf32, #tpu.memory_space<hbm>>
        %dma_start3A_36 = arith.constant 0 : i32
        %dma_start3A_37 = arith.constant 0 : i32
        %dma_start3A_38 = tpu.memref_slice %arg2[%arg0, %dma_start3A_36, %dma_start3A_37] : memref<2x10240x128xf32, #tpu.memory_space<hbm>> -> memref<1x10240x128xf32, #tpu.memory_space<hbm>>
        %dma_start3A_39 = tpu.memref_squeeze %dma_start3A_38 : memref<1x10240x128xf32, #tpu.memory_space<hbm>> -> memref<10240x128xf32, #tpu.memory_space<hbm>>
        %dma_start3A_40 = arith.constant 0 : i32
        %dma_start3A_41 = tpu.memref_slice %dma_start3A_39[%add3A, %dma_start3A_40] : memref<10240x128xf32, #tpu.memory_space<hbm>> -> memref<16x128xf32, #tpu.memory_space<hbm>>
        tpu.enqueue_dma source(%dma_start3A_41 : memref<16x128xf32, #tpu.memory_space<hbm>>) target(%arg12 : memref<16x128xf32, #tpu.memory_space<vmem>>) target_semaphore(%run_scoped3A : memref<!tpu.dma_semaphore, #tpu.memory_space<semaphore_mem>>)
        %dma_wait3A = arith.constant 0 : i32
        %dma_wait3A_42 = arith.constant 0 : i32
        %dma_wait3A_43 = tpu.memref_slice %arg2[%arg0, %dma_wait3A, %dma_wait3A_42] : memref<2x10240x128xf32, #tpu.memory_space<hbm>> -> memref<1x10240x128xf32, #tpu.memory_space<hbm>>
        %dma_wait3A_44 = tpu.memref_squeeze %dma_wait3A_43 : memref<1x10240x128xf32, #tpu.memory_space<hbm>> -> memref<10240x128xf32, #tpu.memory_space<hbm>>
        %dma_wait3A_45 = arith.constant 0 : i32
        %dma_wait3A_46 = tpu.memref_slice %dma_wait3A_44[%add3A, %dma_wait3A_45] : memref<10240x128xf32, #tpu.memory_space<hbm>> -> memref<16x128xf32, #tpu.memory_space<hbm>>
        %dma_wait3A_47 = arith.constant 0 : i32
        %dma_wait3A_48 = arith.constant 0 : i32
        %dma_wait3A_49 = tpu.memref_slice %arg2[%arg0, %dma_wait3A_47, %dma_wait3A_48] : memref<2x10240x128xf32, #tpu.memory_space<hbm>> -> memref<1x10240x128xf32, #tpu.memory_space<hbm>>
        %dma_wait3A_50 = tpu.memref_squeeze %dma_wait3A_49 : memref<1x10240x128xf32, #tpu.memory_space<hbm>> -> memref<10240x128xf32, #tpu.memory_space<hbm>>
        %dma_wait3A_51 = arith.constant 0 : i32
        %dma_wait3A_52 = tpu.memref_slice %dma_wait3A_50[%add3A, %dma_wait3A_51] : memref<10240x128xf32, #tpu.memory_space<hbm>> -> memref<16x128xf32, #tpu.memory_space<hbm>>
        tpu.wait_dma2 semaphore(%run_scoped3A : memref<!tpu.dma_semaphore, #tpu.memory_space<semaphore_mem>>) src(%dma_wait3A_52 : memref<16x128xf32, #tpu.memory_space<hbm>>) dst(%arg12 : memref<16x128xf32, #tpu.memory_space<vmem>>)
        tpu.yield
      }) : () -> ()
      %scan3A_22 = arith.constant 0 : i32
      %scan3A_23 = arith.constant 0 : i32
      %scan3A_24 = arith.constant 16 : i32
      %scan3A_25 = arith.addi %scan3A_23, %scan3A_24 : i32
      %scan3A_26 = arith.constant 1 : i32
      scf.for %scan3A_31 = %scan3A_23 to %scan3A_25 step %scan3A_26  : i32 {
        %mul3A_32 = arith.constant 16 : i32
        %mul3A_33 = arith.muli %scan3A_19, %mul3A_32 : i32
        %add3A_34 = arith.addi %mul3A_33, %scan3A_31 : i32
        %broadcast_in_dim3A_35 = vector.broadcast %add3A_34 : i32 to vector<16xi32>
        %gather3A = tpu.vector_load_idx %arg16[%broadcast_in_dim3A_35] : memref<640xf32, #tpu.memory_space<vmem>>[vector<16xi32>], vector<16xf32>,
        %get3A = arith.index_cast %scan3A_31 : i32 to index
        %get3A_36 = arith.constant 0 : index
        %get3A_37 = tpu.vector_load %arg12[%get3A, %get3A_36] {strides = array<i32>} : memref<16x128xf32, #tpu.memory_space<vmem>>, vector<16xf32>,
        %mul3A_38 = arith.mulf %get3A_37, %gather3A : vector<16xf32>
        %swap3A = arith.index_cast %scan3A_31 : i32 to index
        %swap3A_39 = arith.constant 0 : index
        %swap3A_40 = tpu.vector_load %arg12[%swap3A, %swap3A_39] {strides = array<i32>} : memref<16x128xf32, #tpu.memory_space<vmem>>, vector<16xf32>,
        tpu.vector_store %arg12[%swap3A, %swap3A_39], %mul3A_38 {strides = array<i32>} : memref<16x128xf32, #tpu.memory_space<vmem>>, vector<16xf32>,
        %get3A_41 = arith.index_cast %scan3A_31 : i32 to index
        %get3A_42 = arith.constant 16 : index
        %get3A_43 = tpu.vector_load %arg12[%get3A_41, %get3A_42] {strides = array<i32>} : memref<16x128xf32, #tpu.memory_space<vmem>>, vector<16xf32>,
        %mul3A_44 = arith.mulf %get3A_43, %gather3A : vector<16xf32>
        %swap3A_45 = arith.index_cast %scan3A_31 : i32 to index
        %swap3A_46 = arith.constant 16 : index
        %swap3A_47 = tpu.vector_load %arg12[%swap3A_45, %swap3A_46] {strides = array<i32>} : memref<16x128xf32, #tpu.memory_space<vmem>>, vector<16xf32>,
        tpu.vector_store %arg12[%swap3A_45, %swap3A_46], %mul3A_44 {strides = array<i32>} : memref<16x128xf32, #tpu.memory_space<vmem>>, vector<16xf32>,
        %get3A_48 = arith.index_cast %scan3A_31 : i32 to index
        %get3A_49 = arith.constant 32 : index
        %get3A_50 = tpu.vector_load %arg12[%get3A_48, %get3A_49] {strides = array<i32>} : memref<16x128xf32, #tpu.memory_space<vmem>>, vector<16xf32>,
        %mul3A_51 = arith.mulf %get3A_50, %gather3A : vector<16xf32>
        %swap3A_52 = arith.index_cast %scan3A_31 : i32 to index
        %swap3A_53 = arith.constant 32 : index
        %swap3A_54 = tpu.vector_load %arg12[%swap3A_52, %swap3A_53] {strides = array<i32>} : memref<16x128xf32, #tpu.memory_space<vmem>>, vector<16xf32>,
        tpu.vector_store %arg12[%swap3A_52, %swap3A_53], %mul3A_51 {strides = array<i32>} : memref<16x128xf32, #tpu.memory_space<vmem>>, vector<16xf32>,
        %get3A_55 = arith.index_cast %scan3A_31 : i32 to index
        %get3A_56 = arith.constant 48 : index
        %get3A_57 = tpu.vector_load %arg12[%get3A_55, %get3A_56] {strides = array<i32>} : memref<16x128xf32, #tpu.memory_space<vmem>>, vector<16xf32>,
        %mul3A_58 = arith.mulf %get3A_57, %gather3A : vector<16xf32>
        %swap3A_59 = arith.index_cast %scan3A_31 : i32 to index
        %swap3A_60 = arith.constant 48 : index
        %swap3A_61 = tpu.vector_load %arg12[%swap3A_59, %swap3A_60] {strides = array<i32>} : memref<16x128xf32, #tpu.memory_space<vmem>>, vector<16xf32>,
        tpu.vector_store %arg12[%swap3A_59, %swap3A_60], %mul3A_58 {strides = array<i32>} : memref<16x128xf32, #tpu.memory_space<vmem>>, vector<16xf32>,
        %get3A_62 = arith.index_cast %scan3A_31 : i32 to index
        %get3A_63 = arith.constant 64 : index
        %get3A_64 = tpu.vector_load %arg12[%get3A_62, %get3A_63] {strides = array<i32>} : memref<16x128xf32, #tpu.memory_space<vmem>>, vector<16xf32>,
        %mul3A_65 = arith.mulf %get3A_64, %gather3A : vector<16xf32>
        %swap3A_66 = arith.index_cast %scan3A_31 : i32 to index
        %swap3A_67 = arith.constant 64 : index
        %swap3A_68 = tpu.vector_load %arg12[%swap3A_66, %swap3A_67] {strides = array<i32>} : memref<16x128xf32, #tpu.memory_space<vmem>>, vector<16xf32>,
        tpu.vector_store %arg12[%swap3A_66, %swap3A_67], %mul3A_65 {strides = array<i32>} : memref<16x128xf32, #tpu.memory_space<vmem>>, vector<16xf32>,
        %get3A_69 = arith.index_cast %scan3A_31 : i32 to index
        %get3A_70 = arith.constant 80 : index
        %get3A_71 = tpu.vector_load %arg12[%get3A_69, %get3A_70] {strides = array<i32>} : memref<16x128xf32, #tpu.memory_space<vmem>>, vector<16xf32>,
        %mul3A_72 = arith.mulf %get3A_71, %gather3A : vector<16xf32>
        %swap3A_73 = arith.index_cast %scan3A_31 : i32 to index
        %swap3A_74 = arith.constant 80 : index
        %swap3A_75 = tpu.vector_load %arg12[%swap3A_73, %swap3A_74] {strides = array<i32>} : memref<16x128xf32, #tpu.memory_space<vmem>>, vector<16xf32>,
        tpu.vector_store %arg12[%swap3A_73, %swap3A_74], %mul3A_72 {strides = array<i32>} : memref<16x128xf32, #tpu.memory_space<vmem>>, vector<16xf32>,
        %get3A_76 = arith.index_cast %scan3A_31 : i32 to index
        %get3A_77 = arith.constant 96 : index
        %get3A_78 = tpu.vector_load %arg12[%get3A_76, %get3A_77] {strides = array<i32>} : memref<16x128xf32, #tpu.memory_space<vmem>>, vector<16xf32>,
        %mul3A_79 = arith.mulf %get3A_78, %gather3A : vector<16xf32>
        %swap3A_80 = arith.index_cast %scan3A_31 : i32 to index
        %swap3A_81 = arith.constant 96 : index
        %swap3A_82 = tpu.vector_load %arg12[%swap3A_80, %swap3A_81] {strides = array<i32>} : memref<16x128xf32, #tpu.memory_space<vmem>>, vector<16xf32>,
        tpu.vector_store %arg12[%swap3A_80, %swap3A_81], %mul3A_79 {strides = array<i32>} : memref<16x128xf32, #tpu.memory_space<vmem>>, vector<16xf32>,
        %get3A_83 = arith.index_cast %scan3A_31 : i32 to index
        %get3A_84 = arith.constant 112 : index
        %get3A_85 = tpu.vector_load %arg12[%get3A_83, %get3A_84] {strides = array<i32>} : memref<16x128xf32, #tpu.memory_space<vmem>>, vector<16xf32>,
        %mul3A_86 = arith.mulf %get3A_85, %gather3A : vector<16xf32>
        %swap3A_87 = arith.index_cast %scan3A_31 : i32 to index
        %swap3A_88 = arith.constant 112 : index
        %swap3A_89 = tpu.vector_load %arg12[%swap3A_87, %swap3A_88] {strides = array<i32>} : memref<16x128xf32, #tpu.memory_space<vmem>>, vector<16xf32>,
        tpu.vector_store %arg12[%swap3A_87, %swap3A_88], %mul3A_86 {strides = array<i32>} : memref<16x128xf32, #tpu.memory_space<vmem>>, vector<16xf32>,
      }
      %scan3A_27 = arith.constant 16 : i32
      %mul3A_28 = arith.constant 10240 : i32
      %mul3A_29 = arith.muli %arg0, %mul3A_28 : i32
      %add3A_30 = arith.addi %mul3A_29, %add3A : i32
      "tpu.region"() ({
        %run_scoped3A = tpu.sem_alloc : memref<!tpu.dma_semaphore, #tpu.memory_space<semaphore_mem>>
        %dma_start3A = arith.constant 0 : i32
        %dma_start3A_31 = tpu.memref_slice %arg7[%add3A_30, %dma_start3A] : memref<143360x128xf32, #tpu.memory_space<hbm>> -> memref<16x128xf32, #tpu.memory_space<hbm>>
        %dma_start3A_32 = arith.constant 0 : i32
        %dma_start3A_33 = tpu.memref_slice %arg7[%add3A_30, %dma_start3A_32] : memref<143360x128xf32, #tpu.memory_space<hbm>> -> memref<16x128xf32, #tpu.memory_space<hbm>>
        tpu.enqueue_dma source(%arg12 : memref<16x128xf32, #tpu.memory_space<vmem>>) target(%dma_start3A_33 : memref<16x128xf32, #tpu.memory_space<hbm>>) target_semaphore(%run_scoped3A : memref<!tpu.dma_semaphore, #tpu.memory_space<semaphore_mem>>)
        %dma_wait3A = arith.constant 0 : i32
        %dma_wait3A_34 = tpu.memref_slice %arg7[%add3A_30, %dma_wait3A] : memref<143360x128xf32, #tpu.memory_space<hbm>> -> memref<16x128xf32, #tpu.memory_space<hbm>>
        %dma_wait3A_35 = arith.constant 0 : i32
        %dma_wait3A_36 = tpu.memref_slice %arg7[%add3A_30, %dma_wait3A_35] : memref<143360x128xf32, #tpu.memory_space<hbm>> -> memref<16x128xf32, #tpu.memory_space<hbm>>
        tpu.wait_dma2 semaphore(%run_scoped3A : memref<!tpu.dma_semaphore, #tpu.memory_space<semaphore_mem>>) src(%arg12 : memref<16x128xf32, #tpu.memory_space<vmem>>) dst(%dma_wait3A_36 : memref<16x128xf32, #tpu.memory_space<hbm>>)
        tpu.yield
      }) : () -> ()
      "tpu.region"() ({
        %run_scoped3A = tpu.sem_alloc : memref<!tpu.dma_semaphore, #tpu.memory_space<semaphore_mem>>
        %dma_start3A = arith.constant 0 : i32
        %dma_start3A_31 = tpu.memref_slice %arg17[%add3A, %dma_start3A] : memref<10240x128xf32, #tpu.memory_space<vmem_shared>> -> memref<16x128xf32, #tpu.memory_space<vmem_shared>>
        %dma_start3A_32 = arith.constant 0 : i32
        %dma_start3A_33 = tpu.memref_slice %arg17[%add3A, %dma_start3A_32] : memref<10240x128xf32, #tpu.memory_space<vmem_shared>> -> memref<16x128xf32, #tpu.memory_space<vmem_shared>>
        tpu.enqueue_dma source(%arg14 : memref<16x128xf32, #tpu.memory_space<vmem>>) target(%dma_start3A_33 : memref<16x128xf32, #tpu.memory_space<vmem_shared>>) target_semaphore(%run_scoped3A : memref<!tpu.dma_semaphore, #tpu.memory_space<semaphore_mem>>)
        %dma_wait3A = arith.constant 0 : i32
        %dma_wait3A_34 = tpu.memref_slice %arg17[%add3A, %dma_wait3A] : memref<10240x128xf32, #tpu.memory_space<vmem_shared>> -> memref<16x128xf32, #tpu.memory_space<vmem_shared>>
        %dma_wait3A_35 = arith.constant 0 : i32
        %dma_wait3A_36 = tpu.memref_slice %arg17[%add3A, %dma_wait3A_35] : memref<10240x128xf32, #tpu.memory_space<vmem_shared>> -> memref<16x128xf32, #tpu.memory_space<vmem_shared>>
        tpu.wait_dma2 semaphore(%run_scoped3A : memref<!tpu.dma_semaphore, #tpu.memory_space<semaphore_mem>>) src(%arg14 : memref<16x128xf32, #tpu.memory_space<vmem>>) dst(%dma_wait3A_36 : memref<16x128xf32, #tpu.memory_space<vmem_shared>>)
        tpu.yield
      }) : () -> ()
    }
    %scan3A_12 = arith.constant 40 : i32
    %barrier3A = arith.constant 0 : index
    tpu.barrier barrier_id(%barrier3A)
    %scan3A_13 = arith.constant 0 : i32
    %scan3A_14 = arith.constant 1 : i32
    %scan3A_15 = arith.constant 6 : i32
    %scan3A_16 = arith.addi %scan3A_14, %scan3A_15 : i32
    %scan3A_17 = arith.constant 1 : i32
    scf.for %scan3A_19 = %scan3A_14 to %scan3A_16 step %scan3A_17  : i32 {
      %sub3A = arith.constant 1 : i32
      %sub3A_20 = arith.subi %scan3A_19, %sub3A : i32
      %mul3A_21 = arith.constant 2 : i32
      %mul3A_22 = arith.muli %sub3A_20, %mul3A_21 : i32
      %add3A = arith.addi %mul3A_22, %arg0 : i32
      %mul3A_23 = arith.constant 10240 : i32
      %mul3A_24 = arith.muli %add3A, %mul3A_23 : i32
      %mul3A_25 = arith.constant 2 : i32
      %mul3A_26 = arith.muli %scan3A_19, %mul3A_25 : i32
      %add3A_27 = arith.addi %mul3A_26, %arg0 : i32
      %mul3A_28 = arith.constant 10240 : i32
      %mul3A_29 = arith.muli %add3A_27, %mul3A_28 : i32
      %scan3A_30 = arith.constant 0 : i32
      %scan3A_31 = arith.constant 0 : i32
      %scan3A_32 = arith.constant 79 : i32
      %scan3A_33 = arith.addi %scan3A_31, %scan3A_32 : i32
      %scan3A_34 = arith.constant 1 : i32
      scf.for %scan3A_44 = %scan3A_31 to %scan3A_33 step %scan3A_34  : i32 {
        %scan3A_45 = arith.constant 0 : i32
        %scan3A_46 = arith.constant 0 : i32
        %scan3A_47 = arith.constant 8 : i32
        %scan3A_48 = arith.addi %scan3A_46, %scan3A_47 : i32
        %scan3A_49 = arith.constant 1 : i32
        scf.for %scan3A_55 = %scan3A_46 to %scan3A_48 step %scan3A_49  : i32 {
          %mul3A_56 = arith.constant 16 : i32
          %mul3A_57 = arith.muli %scan3A_55, %mul3A_56 : i32
          %get3A = arith.index_cast %scan3A_44 : i32 to index
          %get3A_58 = arith.index_cast %mul3A_57 : i32 to index
          %get3A_59 = tpu.vector_load %arg8[%get3A, %get3A_58] {strides = array<i32>} : memref<79x128xi32, #tpu.memory_space<vmem>>, vector<16xi32>,
          %add3A_60 = vector.broadcast %mul3A_24 : i32 to vector<16xi32>
          %add3A_61 = arith.addi %get3A_59, %add3A_60 : vector<16xi32>
          %mul3A_62 = arith.constant 16 : i32
          %mul3A_63 = arith.muli %scan3A_55, %mul3A_62 : i32
          %swap3A = arith.index_cast %mul3A_63 : i32 to index
          %swap3A_64 = tpu.vector_load %arg10[%swap3A] {strides = array<i32>} : memref<128xi32, #tpu.memory_space<vmem>>, vector<16xi32>,
          tpu.vector_store %arg10[%swap3A], %add3A_61 {strides = array<i32>} : memref<128xi32, #tpu.memory_space<vmem>>, vector<16xi32>,
        }
        %scan3A_50 = arith.constant 8 : i32
        %dma_start3A = arith.constant 0 : i32
        %dma_start3A_51 = arith.constant 0 : i32
        %dma_start3A_52 = tpu.memref_slice %arg7[%dma_start3A, %dma_start3A_51] : memref<143360x128xf32, #tpu.memory_space<hbm>> -> memref<143360x128xf32, #tpu.memory_space<hbm>>
        tpu.enqueue_indirect_dma source(%dma_start3A_52 : memref<143360x128xf32, #tpu.memory_space<hbm>>) target(%arg11 : memref<128x128xf32, #tpu.memory_space<vmem>>) offsets(%arg10 : memref<128xi32, #tpu.memory_space<vmem>>) semaphore(%arg18 : memref<!tpu.dma_semaphore, #tpu.memory_space<semaphore_mem>>)
        %dma_wait3A = arith.constant 0 : i32
        %dma_wait3A_53 = arith.constant 0 : i32
        %dma_wait3A_54 = tpu.memref_slice %arg7[%dma_wait3A, %dma_wait3A_53] : memref<143360x128xf32, #tpu.memory_space<hbm>> -> memref<143360x128xf32, #tpu.memory_space<hbm>>
        tpu.wait_indirect_dma semaphore(%arg18 : memref<!tpu.dma_semaphore, #tpu.memory_space<semaphore_mem>>) src(%dma_wait3A_54 : memref<143360x128xf32, #tpu.memory_space<hbm>>) dst(%arg11 : memref<128x128xf32, #tpu.memory_space<vmem>>)
        "tpu.region"() ({
          %run_scoped3A = tpu.sem_alloc : memref<!tpu.dma_semaphore, #tpu.memory_space<semaphore_mem>>
          %dma_start3A_55 = arith.constant 0 : i32
          %dma_start3A_56 = tpu.memref_slice %arg9[%scan3A_44, %dma_start3A_55] : memref<79x128xi32, #tpu.memory_space<vmem>> -> memref<1x128xi32, #tpu.memory_space<vmem>>
          %dma_start3A_57 = tpu.memref_squeeze %dma_start3A_56 : memref<1x128xi32, #tpu.memory_space<vmem>> -> memref<128xi32, #tpu.memory_space<vmem>>
          %dma_start3A_58 = arith.constant 0 : i32
          %dma_start3A_59 = arith.constant 0 : i32
          %dma_start3A_60 = tpu.memref_slice %arg17[%dma_start3A_58, %dma_start3A_59] : memref<10240x128xf32, #tpu.memory_space<vmem_shared>> -> memref<10240x128xf32, #tpu.memory_space<vmem_shared>>
          tpu.enqueue_indirect_dma source(%arg11 : memref<128x128xf32, #tpu.memory_space<vmem>>) target(%dma_start3A_60 : memref<10240x128xf32, #tpu.memory_space<vmem_shared>>) offsets(%dma_start3A_57 : memref<128xi32, #tpu.memory_space<vmem>>) semaphore(%run_scoped3A : memref<!tpu.dma_semaphore, #tpu.memory_space<semaphore_mem>>) {add = true}
          %dma_wait3A_61 = arith.constant 0 : i32
          %dma_wait3A_62 = tpu.memref_slice %arg9[%scan3A_44, %dma_wait3A_61] : memref<79x128xi32, #tpu.memory_space<vmem>> -> memref<1x128xi32, #tpu.memory_space<vmem>>
          %dma_wait3A_63 = tpu.memref_squeeze %dma_wait3A_62 : memref<1x128xi32, #tpu.memory_space<vmem>> -> memref<128xi32, #tpu.memory_space<vmem>>
          %dma_wait3A_64 = arith.constant 0 : i32
          %dma_wait3A_65 = arith.constant 0 : i32
          %dma_wait3A_66 = tpu.memref_slice %arg17[%dma_wait3A_64, %dma_wait3A_65] : memref<10240x128xf32, #tpu.memory_space<vmem_shared>> -> memref<10240x128xf32, #tpu.memory_space<vmem_shared>>
          tpu.wait_indirect_dma semaphore(%run_scoped3A : memref<!tpu.dma_semaphore, #tpu.memory_space<semaphore_mem>>) src(%arg11 : memref<128x128xf32, #tpu.memory_space<vmem>>) dst(%dma_wait3A_66 : memref<10240x128xf32, #tpu.memory_space<vmem_shared>>)
          tpu.yield
        }) : () -> ()
      }
      %scan3A_35 = arith.constant 79 : i32
      %barrier3A_36 = arith.constant 0 : index
      tpu.barrier barrier_id(%barrier3A_36)
      %scan3A_37 = arith.constant 0 : i32
      %scan3A_38 = arith.constant 0 : i32
      %scan3A_39 = arith.constant 40 : i32
      %scan3A_40 = arith.addi %scan3A_38, %scan3A_39 : i32
      %scan3A_41 = arith.constant 1 : i32
      scf.for %scan3A_44 = %scan3A_38 to %scan3A_40 step %scan3A_41  : i32 {
        %mul3A_45 = arith.constant 16 : i32
        %mul3A_46 = arith.muli %scan3A_44, %mul3A_45 : i32
        %add3A_47 = arith.addi %mul3A_0, %mul3A_46 : i32
        %add3A_48 = arith.addi %mul3A_24, %add3A_47 : i32
        "tpu.region"() ({
          %run_scoped3A = tpu.sem_alloc : memref<!tpu.dma_semaphore, #tpu.memory_space<semaphore_mem>>
          %dma_start3A = arith.constant 0 : i32
          %dma_start3A_56 = tpu.memref_slice %arg7[%add3A_48, %dma_start3A] : memref<143360x128xf32, #tpu.memory_space<hbm>> -> memref<16x128xf32, #tpu.memory_space<hbm>>
          %dma_start3A_57 = arith.constant 0 : i32
          %dma_start3A_58 = tpu.memref_slice %arg7[%add3A_48, %dma_start3A_57] : memref<143360x128xf32, #tpu.memory_space<hbm>> -> memref<16x128xf32, #tpu.memory_space<hbm>>
          tpu.enqueue_dma source(%dma_start3A_58 : memref<16x128xf32, #tpu.memory_space<hbm>>) target(%arg12 : memref<16x128xf32, #tpu.memory_space<vmem>>) target_semaphore(%run_scoped3A : memref<!tpu.dma_semaphore, #tpu.memory_space<semaphore_mem>>)
          %dma_wait3A = arith.constant 0 : i32
          %dma_wait3A_59 = tpu.memref_slice %arg7[%add3A_48, %dma_wait3A] : memref<143360x128xf32, #tpu.memory_space<hbm>> -> memref<16x128xf32, #tpu.memory_space<hbm>>
          %dma_wait3A_60 = arith.constant 0 : i32
          %dma_wait3A_61 = tpu.memref_slice %arg7[%add3A_48, %dma_wait3A_60] : memref<143360x128xf32, #tpu.memory_space<hbm>> -> memref<16x128xf32, #tpu.memory_space<hbm>>
          tpu.wait_dma2 semaphore(%run_scoped3A : memref<!tpu.dma_semaphore, #tpu.memory_space<semaphore_mem>>) src(%dma_wait3A_61 : memref<16x128xf32, #tpu.memory_space<hbm>>) dst(%arg12 : memref<16x128xf32, #tpu.memory_space<vmem>>)
          tpu.yield
        }) : () -> ()
        "tpu.region"() ({
          %run_scoped3A = tpu.sem_alloc : memref<!tpu.dma_semaphore, #tpu.memory_space<semaphore_mem>>
          %dma_start3A = arith.constant 0 : i32
          %dma_start3A_56 = tpu.memref_slice %arg17[%add3A_47, %dma_start3A] : memref<10240x128xf32, #tpu.memory_space<vmem_shared>> -> memref<16x128xf32, #tpu.memory_space<vmem_shared>>
          %dma_start3A_57 = arith.constant 0 : i32
          %dma_start3A_58 = tpu.memref_slice %arg17[%add3A_47, %dma_start3A_57] : memref<10240x128xf32, #tpu.memory_space<vmem_shared>> -> memref<16x128xf32, #tpu.memory_space<vmem_shared>>
          tpu.enqueue_dma source(%dma_start3A_58 : memref<16x128xf32, #tpu.memory_space<vmem_shared>>) target(%arg13 : memref<16x128xf32, #tpu.memory_space<vmem>>) target_semaphore(%run_scoped3A : memref<!tpu.dma_semaphore, #tpu.memory_space<semaphore_mem>>)
          %dma_wait3A = arith.constant 0 : i32
          %dma_wait3A_59 = tpu.memref_slice %arg17[%add3A_47, %dma_wait3A] : memref<10240x128xf32, #tpu.memory_space<vmem_shared>> -> memref<16x128xf32, #tpu.memory_space<vmem_shared>>
          %dma_wait3A_60 = arith.constant 0 : i32
          %dma_wait3A_61 = tpu.memref_slice %arg17[%add3A_47, %dma_wait3A_60] : memref<10240x128xf32, #tpu.memory_space<vmem_shared>> -> memref<16x128xf32, #tpu.memory_space<vmem_shared>>
          tpu.wait_dma2 semaphore(%run_scoped3A : memref<!tpu.dma_semaphore, #tpu.memory_space<semaphore_mem>>) src(%dma_wait3A_61 : memref<16x128xf32, #tpu.memory_space<vmem_shared>>) dst(%arg13 : memref<16x128xf32, #tpu.memory_space<vmem>>)
          tpu.yield
        }) : () -> ()
        "tpu.region"() ({
          %run_scoped3A = tpu.sem_alloc : memref<!tpu.dma_semaphore, #tpu.memory_space<semaphore_mem>>
          %dma_start3A = arith.constant 0 : i32
          %dma_start3A_56 = tpu.memref_slice %arg17[%add3A_47, %dma_start3A] : memref<10240x128xf32, #tpu.memory_space<vmem_shared>> -> memref<16x128xf32, #tpu.memory_space<vmem_shared>>
          %dma_start3A_57 = arith.constant 0 : i32
          %dma_start3A_58 = tpu.memref_slice %arg17[%add3A_47, %dma_start3A_57] : memref<10240x128xf32, #tpu.memory_space<vmem_shared>> -> memref<16x128xf32, #tpu.memory_space<vmem_shared>>
          tpu.enqueue_dma source(%arg14 : memref<16x128xf32, #tpu.memory_space<vmem>>) target(%dma_start3A_58 : memref<16x128xf32, #tpu.memory_space<vmem_shared>>) target_semaphore(%run_scoped3A : memref<!tpu.dma_semaphore, #tpu.memory_space<semaphore_mem>>)
          %dma_wait3A = arith.constant 0 : i32
          %dma_wait3A_59 = tpu.memref_slice %arg17[%add3A_47, %dma_wait3A] : memref<10240x128xf32, #tpu.memory_space<vmem_shared>> -> memref<16x128xf32, #tpu.memory_space<vmem_shared>>
          %dma_wait3A_60 = arith.constant 0 : i32
          %dma_wait3A_61 = tpu.memref_slice %arg17[%add3A_47, %dma_wait3A_60] : memref<10240x128xf32, #tpu.memory_space<vmem_shared>> -> memref<16x128xf32, #tpu.memory_space<vmem_shared>>
          tpu.wait_dma2 semaphore(%run_scoped3A : memref<!tpu.dma_semaphore, #tpu.memory_space<semaphore_mem>>) src(%arg14 : memref<16x128xf32, #tpu.memory_space<vmem>>) dst(%dma_wait3A_61 : memref<16x128xf32, #tpu.memory_space<vmem_shared>>)
          tpu.yield
        }) : () -> ()
        %scan3A_49 = arith.constant 0 : i32
        %scan3A_50 = arith.constant 0 : i32
        %scan3A_51 = arith.constant 16 : i32
        %scan3A_52 = arith.addi %scan3A_50, %scan3A_51 : i32
        %scan3A_53 = arith.constant 1 : i32
        scf.for %scan3A_56 = %scan3A_50 to %scan3A_52 step %scan3A_53  : i32 {
          %mul3A_57 = arith.constant 16 : i32
          %mul3A_58 = arith.muli %scan3A_44, %mul3A_57 : i32
          %add3A_59 = arith.addi %mul3A_58, %scan3A_56 : i32
          %broadcast_in_dim3A_60 = vector.broadcast %add3A_59 : i32 to vector<16xi32>
          %gather3A = tpu.vector_load_idx %arg15[%broadcast_in_dim3A_60] : memref<640xf32, #tpu.memory_space<vmem>>[vector<16xi32>], vector<16xf32>,
          %get3A = arith.index_cast %scan3A_56 : i32 to index
          %get3A_61 = arith.constant 0 : index
          %get3A_62 = tpu.vector_load %arg12[%get3A, %get3A_61] {strides = array<i32>} : memref<16x128xf32, #tpu.memory_space<vmem>>, vector<16xf32>,
          %get3A_63 = arith.index_cast %scan3A_56 : i32 to index
          %get3A_64 = arith.constant 0 : index
          %get3A_65 = tpu.vector_load %arg13[%get3A_63, %get3A_64] {strides = array<i32>} : memref<16x128xf32, #tpu.memory_space<vmem>>, vector<16xf32>,
          %mul3A_66 = arith.mulf %gather3A, %get3A_65 : vector<16xf32>
          %sub3A_67 = arith.subf %get3A_62, %mul3A_66 : vector<16xf32>
          %swap3A = arith.index_cast %scan3A_56 : i32 to index
          %swap3A_68 = arith.constant 0 : index
          %swap3A_69 = tpu.vector_load %arg12[%swap3A, %swap3A_68] {strides = array<i32>} : memref<16x128xf32, #tpu.memory_space<vmem>>, vector<16xf32>,
          tpu.vector_store %arg12[%swap3A, %swap3A_68], %sub3A_67 {strides = array<i32>} : memref<16x128xf32, #tpu.memory_space<vmem>>, vector<16xf32>,
          %get3A_70 = arith.index_cast %scan3A_56 : i32 to index
          %get3A_71 = arith.constant 16 : index
          %get3A_72 = tpu.vector_load %arg12[%get3A_70, %get3A_71] {strides = array<i32>} : memref<16x128xf32, #tpu.memory_space<vmem>>, vector<16xf32>,
          %get3A_73 = arith.index_cast %scan3A_56 : i32 to index
          %get3A_74 = arith.constant 16 : index
          %get3A_75 = tpu.vector_load %arg13[%get3A_73, %get3A_74] {strides = array<i32>} : memref<16x128xf32, #tpu.memory_space<vmem>>, vector<16xf32>,
          %mul3A_76 = arith.mulf %gather3A, %get3A_75 : vector<16xf32>
          %sub3A_77 = arith.subf %get3A_72, %mul3A_76 : vector<16xf32>
          %swap3A_78 = arith.index_cast %scan3A_56 : i32 to index
          %swap3A_79 = arith.constant 16 : index
          %swap3A_80 = tpu.vector_load %arg12[%swap3A_78, %swap3A_79] {strides = array<i32>} : memref<16x128xf32, #tpu.memory_space<vmem>>, vector<16xf32>,
          tpu.vector_store %arg12[%swap3A_78, %swap3A_79], %sub3A_77 {strides = array<i32>} : memref<16x128xf32, #tpu.memory_space<vmem>>, vector<16xf32>,
          %get3A_81 = arith.index_cast %scan3A_56 : i32 to index
          %get3A_82 = arith.constant 32 : index
          %get3A_83 = tpu.vector_load %arg12[%get3A_81, %get3A_82] {strides = array<i32>} : memref<16x128xf32, #tpu.memory_space<vmem>>, vector<16xf32>,
          %get3A_84 = arith.index_cast %scan3A_56 : i32 to index
          %get3A_85 = arith.constant 32 : index
          %get3A_86 = tpu.vector_load %arg13[%get3A_84, %get3A_85] {strides = array<i32>} : memref<16x128xf32, #tpu.memory_space<vmem>>, vector<16xf32>,
          %mul3A_87 = arith.mulf %gather3A, %get3A_86 : vector<16xf32>
          %sub3A_88 = arith.subf %get3A_83, %mul3A_87 : vector<16xf32>
          %swap3A_89 = arith.index_cast %scan3A_56 : i32 to index
          %swap3A_90 = arith.constant 32 : index
          %swap3A_91 = tpu.vector_load %arg12[%swap3A_89, %swap3A_90] {strides = array<i32>} : memref<16x128xf32, #tpu.memory_space<vmem>>, vector<16xf32>,
          tpu.vector_store %arg12[%swap3A_89, %swap3A_90], %sub3A_88 {strides = array<i32>} : memref<16x128xf32, #tpu.memory_space<vmem>>, vector<16xf32>,
          %get3A_92 = arith.index_cast %scan3A_56 : i32 to index
          %get3A_93 = arith.constant 48 : index
          %get3A_94 = tpu.vector_load %arg12[%get3A_92, %get3A_93] {strides = array<i32>} : memref<16x128xf32, #tpu.memory_space<vmem>>, vector<16xf32>,
          %get3A_95 = arith.index_cast %scan3A_56 : i32 to index
          %get3A_96 = arith.constant 48 : index
          %get3A_97 = tpu.vector_load %arg13[%get3A_95, %get3A_96] {strides = array<i32>} : memref<16x128xf32, #tpu.memory_space<vmem>>, vector<16xf32>,
          %mul3A_98 = arith.mulf %gather3A, %get3A_97 : vector<16xf32>
          %sub3A_99 = arith.subf %get3A_94, %mul3A_98 : vector<16xf32>
          %swap3A_100 = arith.index_cast %scan3A_56 : i32 to index
          %swap3A_101 = arith.constant 48 : index
          %swap3A_102 = tpu.vector_load %arg12[%swap3A_100, %swap3A_101] {strides = array<i32>} : memref<16x128xf32, #tpu.memory_space<vmem>>, vector<16xf32>,
          tpu.vector_store %arg12[%swap3A_100, %swap3A_101], %sub3A_99 {strides = array<i32>} : memref<16x128xf32, #tpu.memory_space<vmem>>, vector<16xf32>,
          %get3A_103 = arith.index_cast %scan3A_56 : i32 to index
          %get3A_104 = arith.constant 64 : index
          %get3A_105 = tpu.vector_load %arg12[%get3A_103, %get3A_104] {strides = array<i32>} : memref<16x128xf32, #tpu.memory_space<vmem>>, vector<16xf32>,
          %get3A_106 = arith.index_cast %scan3A_56 : i32 to index
          %get3A_107 = arith.constant 64 : index
          %get3A_108 = tpu.vector_load %arg13[%get3A_106, %get3A_107] {strides = array<i32>} : memref<16x128xf32, #tpu.memory_space<vmem>>, vector<16xf32>,
          %mul3A_109 = arith.mulf %gather3A, %get3A_108 : vector<16xf32>
          %sub3A_110 = arith.subf %get3A_105, %mul3A_109 : vector<16xf32>
          %swap3A_111 = arith.index_cast %scan3A_56 : i32 to index
          %swap3A_112 = arith.constant 64 : index
          %swap3A_113 = tpu.vector_load %arg12[%swap3A_111, %swap3A_112] {strides = array<i32>} : memref<16x128xf32, #tpu.memory_space<vmem>>, vector<16xf32>,
          tpu.vector_store %arg12[%swap3A_111, %swap3A_112], %sub3A_110 {strides = array<i32>} : memref<16x128xf32, #tpu.memory_space<vmem>>, vector<16xf32>,
          %get3A_114 = arith.index_cast %scan3A_56 : i32 to index
          %get3A_115 = arith.constant 80 : index
          %get3A_116 = tpu.vector_load %arg12[%get3A_114, %get3A_115] {strides = array<i32>} : memref<16x128xf32, #tpu.memory_space<vmem>>, vector<16xf32>,
          %get3A_117 = arith.index_cast %scan3A_56 : i32 to index
          %get3A_118 = arith.constant 80 : index
          %get3A_119 = tpu.vector_load %arg13[%get3A_117, %get3A_118] {strides = array<i32>} : memref<16x128xf32, #tpu.memory_space<vmem>>, vector<16xf32>,
          %mul3A_120 = arith.mulf %gather3A, %get3A_119 : vector<16xf32>
          %sub3A_121 = arith.subf %get3A_116, %mul3A_120 : vector<16xf32>
          %swap3A_122 = arith.index_cast %scan3A_56 : i32 to index
          %swap3A_123 = arith.constant 80 : index
          %swap3A_124 = tpu.vector_load %arg12[%swap3A_122, %swap3A_123] {strides = array<i32>} : memref<16x128xf32, #tpu.memory_space<vmem>>, vector<16xf32>,
          tpu.vector_store %arg12[%swap3A_122, %swap3A_123], %sub3A_121 {strides = array<i32>} : memref<16x128xf32, #tpu.memory_space<vmem>>, vector<16xf32>,
          %get3A_125 = arith.index_cast %scan3A_56 : i32 to index
          %get3A_126 = arith.constant 96 : index
          %get3A_127 = tpu.vector_load %arg12[%get3A_125, %get3A_126] {strides = array<i32>} : memref<16x128xf32, #tpu.memory_space<vmem>>, vector<16xf32>,
          %get3A_128 = arith.index_cast %scan3A_56 : i32 to index
          %get3A_129 = arith.constant 96 : index
          %get3A_130 = tpu.vector_load %arg13[%get3A_128, %get3A_129] {strides = array<i32>} : memref<16x128xf32, #tpu.memory_space<vmem>>, vector<16xf32>,
          %mul3A_131 = arith.mulf %gather3A, %get3A_130 : vector<16xf32>
          %sub3A_132 = arith.subf %get3A_127, %mul3A_131 : vector<16xf32>
          %swap3A_133 = arith.index_cast %scan3A_56 : i32 to index
          %swap3A_134 = arith.constant 96 : index
          %swap3A_135 = tpu.vector_load %arg12[%swap3A_133, %swap3A_134] {strides = array<i32>} : memref<16x128xf32, #tpu.memory_space<vmem>>, vector<16xf32>,
          tpu.vector_store %arg12[%swap3A_133, %swap3A_134], %sub3A_132 {strides = array<i32>} : memref<16x128xf32, #tpu.memory_space<vmem>>, vector<16xf32>,
          %get3A_136 = arith.index_cast %scan3A_56 : i32 to index
          %get3A_137 = arith.constant 112 : index
          %get3A_138 = tpu.vector_load %arg12[%get3A_136, %get3A_137] {strides = array<i32>} : memref<16x128xf32, #tpu.memory_space<vmem>>, vector<16xf32>,
          %get3A_139 = arith.index_cast %scan3A_56 : i32 to index
          %get3A_140 = arith.constant 112 : index
          %get3A_141 = tpu.vector_load %arg13[%get3A_139, %get3A_140] {strides = array<i32>} : memref<16x128xf32, #tpu.memory_space<vmem>>, vector<16xf32>,
          %mul3A_142 = arith.mulf %gather3A, %get3A_141 : vector<16xf32>
          %sub3A_143 = arith.subf %get3A_138, %mul3A_142 : vector<16xf32>
          %swap3A_144 = arith.index_cast %scan3A_56 : i32 to index
          %swap3A_145 = arith.constant 112 : index
          %swap3A_146 = tpu.vector_load %arg12[%swap3A_144, %swap3A_145] {strides = array<i32>} : memref<16x128xf32, #tpu.memory_space<vmem>>, vector<16xf32>,
          tpu.vector_store %arg12[%swap3A_144, %swap3A_145], %sub3A_143 {strides = array<i32>} : memref<16x128xf32, #tpu.memory_space<vmem>>, vector<16xf32>,
        }
        %scan3A_54 = arith.constant 16 : i32
        %add3A_55 = arith.addi %mul3A_29, %add3A_47 : i32
        "tpu.region"() ({
          %run_scoped3A = tpu.sem_alloc : memref<!tpu.dma_semaphore, #tpu.memory_space<semaphore_mem>>
          %dma_start3A = arith.constant 0 : i32
          %dma_start3A_56 = tpu.memref_slice %arg7[%add3A_55, %dma_start3A] : memref<143360x128xf32, #tpu.memory_space<hbm>> -> memref<16x128xf32, #tpu.memory_space<hbm>>
          %dma_start3A_57 = arith.constant 0 : i32
          %dma_start3A_58 = tpu.memref_slice %arg7[%add3A_55, %dma_start3A_57] : memref<143360x128xf32, #tpu.memory_space<hbm>> -> memref<16x128xf32, #tpu.memory_space<hbm>>
          tpu.enqueue_dma source(%arg12 : memref<16x128xf32, #tpu.memory_space<vmem>>) target(%dma_start3A_58 : memref<16x128xf32, #tpu.memory_space<hbm>>) target_semaphore(%run_scoped3A : memref<!tpu.dma_semaphore, #tpu.memory_space<semaphore_mem>>)
          %dma_wait3A = arith.constant 0 : i32
          %dma_wait3A_59 = tpu.memref_slice %arg7[%add3A_55, %dma_wait3A] : memref<143360x128xf32, #tpu.memory_space<hbm>> -> memref<16x128xf32, #tpu.memory_space<hbm>>
          %dma_wait3A_60 = arith.constant 0 : i32
          %dma_wait3A_61 = tpu.memref_slice %arg7[%add3A_55, %dma_wait3A_60] : memref<143360x128xf32, #tpu.memory_space<hbm>> -> memref<16x128xf32, #tpu.memory_space<hbm>>
          tpu.wait_dma2 semaphore(%run_scoped3A : memref<!tpu.dma_semaphore, #tpu.memory_space<semaphore_mem>>) src(%arg12 : memref<16x128xf32, #tpu.memory_space<vmem>>) dst(%dma_wait3A_61 : memref<16x128xf32, #tpu.memory_space<hbm>>)
          tpu.yield
        }) : () -> ()
      }
      %scan3A_42 = arith.constant 40 : i32
      %barrier3A_43 = arith.constant 0 : index
      tpu.barrier barrier_id(%barrier3A_43)
    }
    %scan3A_18 = arith.constant 6 : i32
    return
  }
}

#map = affine_map<(d0, d1) -> (0)>
#map1 = affine_map<(d0, d1) -> (0, 0, 0)>
module attributes {stable_mosaic.version = 14 : i64} {
  func.func @_prep(%arg0: i32, %arg1: i32, %arg2: memref<10240xf32, #tpu.memory_space<hbm>>, %arg3: memref<10240xf32, #tpu.memory_space<hbm>>, %arg4: memref<32x40x128xi32, #tpu.memory_space<hbm>>, %arg5: memref<32x40x128xi32, #tpu.memory_space<hbm>>, %arg6: memref<2x10240x128xf32, #tpu.memory_space<hbm>>, %arg7: memref<163840xi32, #tpu.memory_space<hbm>>, %arg8: memref<163840xi32, #tpu.memory_space<hbm>>, %arg9: memref<10240xf32, #tpu.memory_space<vmem>>, %arg10: memref<10240xf32, #tpu.memory_space<vmem>>, %arg11: memref<40x128xi32, #tpu.memory_space<vmem>>, %arg12: memref<40x128xi32, #tpu.memory_space<vmem>>, %arg13: memref<128xi32, #tpu.memory_space<vmem>>, %arg14: memref<128xi32, #tpu.memory_space<vmem>>, %arg15: memref<128x128xf32, #tpu.memory_space<vmem>>, %arg16: memref<10240x128xf32, #tpu.memory_space<vmem_shared>>) attributes {dimension_semantics = [#tpu.dimension_semantics<core_parallel>, #tpu.dimension_semantics<subcore_parallel>], iteration_bounds = array<i64: 2, 16>, scalar_prefetch = 0 : i64, scratch_operands = 8 : i64, tpu.core_type = #tpu.core_type<sc_vector_subcore>, window_params = [{transform_indices = #map}, {transform_indices = #map}, {transform_indices = #map1}, {transform_indices = #map1}, {transform_indices = #map1}, {transform_indices = #map}, {transform_indices = #map}]} {
    %mul3A = arith.constant 2 : i32
    %mul3A_0 = arith.muli %arg1, %mul3A : i32
    %add3A = arith.addi %mul3A_0, %arg0 : i32
    "tpu.region"() ({
      %run_scoped3A = tpu.sem_alloc : memref<!tpu.dma_semaphore, #tpu.memory_space<semaphore_mem>>
      tpu.enqueue_dma source(%arg2 : memref<10240xf32, #tpu.memory_space<hbm>>) target(%arg9 : memref<10240xf32, #tpu.memory_space<vmem>>) target_semaphore(%run_scoped3A : memref<!tpu.dma_semaphore, #tpu.memory_space<semaphore_mem>>)
      tpu.wait_dma2 semaphore(%run_scoped3A : memref<!tpu.dma_semaphore, #tpu.memory_space<semaphore_mem>>) src(%arg2 : memref<10240xf32, #tpu.memory_space<hbm>>) dst(%arg9 : memref<10240xf32, #tpu.memory_space<vmem>>)
      tpu.yield
    }) : () -> ()
    "tpu.region"() ({
      %run_scoped3A = tpu.sem_alloc : memref<!tpu.dma_semaphore, #tpu.memory_space<semaphore_mem>>
      tpu.enqueue_dma source(%arg3 : memref<10240xf32, #tpu.memory_space<hbm>>) target(%arg10 : memref<10240xf32, #tpu.memory_space<vmem>>) target_semaphore(%run_scoped3A : memref<!tpu.dma_semaphore, #tpu.memory_space<semaphore_mem>>)
      tpu.wait_dma2 semaphore(%run_scoped3A : memref<!tpu.dma_semaphore, #tpu.memory_space<semaphore_mem>>) src(%arg3 : memref<10240xf32, #tpu.memory_space<hbm>>) dst(%arg10 : memref<10240xf32, #tpu.memory_space<vmem>>)
      tpu.yield
    }) : () -> ()
    "tpu.region"() ({
      %run_scoped3A = tpu.sem_alloc : memref<!tpu.dma_semaphore, #tpu.memory_space<semaphore_mem>>
      %dma_start3A = arith.constant 0 : i32
      %dma_start3A_40 = arith.constant 0 : i32
      %dma_start3A_41 = tpu.memref_slice %arg4[%add3A, %dma_start3A, %dma_start3A_40] : memref<32x40x128xi32, #tpu.memory_space<hbm>> -> memref<1x40x128xi32, #tpu.memory_space<hbm>>
      %dma_start3A_42 = tpu.memref_squeeze %dma_start3A_41 : memref<1x40x128xi32, #tpu.memory_space<hbm>> -> memref<40x128xi32, #tpu.memory_space<hbm>>
      %dma_start3A_43 = arith.constant 0 : i32
      %dma_start3A_44 = arith.constant 0 : i32
      %dma_start3A_45 = tpu.memref_slice %arg4[%add3A, %dma_start3A_43, %dma_start3A_44] : memref<32x40x128xi32, #tpu.memory_space<hbm>> -> memref<1x40x128xi32, #tpu.memory_space<hbm>>
      %dma_start3A_46 = tpu.memref_squeeze %dma_start3A_45 : memref<1x40x128xi32, #tpu.memory_space<hbm>> -> memref<40x128xi32, #tpu.memory_space<hbm>>
      tpu.enqueue_dma source(%dma_start3A_46 : memref<40x128xi32, #tpu.memory_space<hbm>>) target(%arg11 : memref<40x128xi32, #tpu.memory_space<vmem>>) target_semaphore(%run_scoped3A : memref<!tpu.dma_semaphore, #tpu.memory_space<semaphore_mem>>)
      %dma_wait3A = arith.constant 0 : i32
      %dma_wait3A_47 = arith.constant 0 : i32
      %dma_wait3A_48 = tpu.memref_slice %arg4[%add3A, %dma_wait3A, %dma_wait3A_47] : memref<32x40x128xi32, #tpu.memory_space<hbm>> -> memref<1x40x128xi32, #tpu.memory_space<hbm>>
      %dma_wait3A_49 = tpu.memref_squeeze %dma_wait3A_48 : memref<1x40x128xi32, #tpu.memory_space<hbm>> -> memref<40x128xi32, #tpu.memory_space<hbm>>
      %dma_wait3A_50 = arith.constant 0 : i32
      %dma_wait3A_51 = arith.constant 0 : i32
      %dma_wait3A_52 = tpu.memref_slice %arg4[%add3A, %dma_wait3A_50, %dma_wait3A_51] : memref<32x40x128xi32, #tpu.memory_space<hbm>> -> memref<1x40x128xi32, #tpu.memory_space<hbm>>
      %dma_wait3A_53 = tpu.memref_squeeze %dma_wait3A_52 : memref<1x40x128xi32, #tpu.memory_space<hbm>> -> memref<40x128xi32, #tpu.memory_space<hbm>>
      tpu.wait_dma2 semaphore(%run_scoped3A : memref<!tpu.dma_semaphore, #tpu.memory_space<semaphore_mem>>) src(%dma_wait3A_53 : memref<40x128xi32, #tpu.memory_space<hbm>>) dst(%arg11 : memref<40x128xi32, #tpu.memory_space<vmem>>)
      tpu.yield
    }) : () -> ()
    "tpu.region"() ({
      %run_scoped3A = tpu.sem_alloc : memref<!tpu.dma_semaphore, #tpu.memory_space<semaphore_mem>>
      %dma_start3A = arith.constant 0 : i32
      %dma_start3A_40 = arith.constant 0 : i32
      %dma_start3A_41 = tpu.memref_slice %arg5[%add3A, %dma_start3A, %dma_start3A_40] : memref<32x40x128xi32, #tpu.memory_space<hbm>> -> memref<1x40x128xi32, #tpu.memory_space<hbm>>
      %dma_start3A_42 = tpu.memref_squeeze %dma_start3A_41 : memref<1x40x128xi32, #tpu.memory_space<hbm>> -> memref<40x128xi32, #tpu.memory_space<hbm>>
      %dma_start3A_43 = arith.constant 0 : i32
      %dma_start3A_44 = arith.constant 0 : i32
      %dma_start3A_45 = tpu.memref_slice %arg5[%add3A, %dma_start3A_43, %dma_start3A_44] : memref<32x40x128xi32, #tpu.memory_space<hbm>> -> memref<1x40x128xi32, #tpu.memory_space<hbm>>
      %dma_start3A_46 = tpu.memref_squeeze %dma_start3A_45 : memref<1x40x128xi32, #tpu.memory_space<hbm>> -> memref<40x128xi32, #tpu.memory_space<hbm>>
      tpu.enqueue_dma source(%dma_start3A_46 : memref<40x128xi32, #tpu.memory_space<hbm>>) target(%arg12 : memref<40x128xi32, #tpu.memory_space<vmem>>) target_semaphore(%run_scoped3A : memref<!tpu.dma_semaphore, #tpu.memory_space<semaphore_mem>>)
      %dma_wait3A = arith.constant 0 : i32
      %dma_wait3A_47 = arith.constant 0 : i32
      %dma_wait3A_48 = tpu.memref_slice %arg5[%add3A, %dma_wait3A, %dma_wait3A_47] : memref<32x40x128xi32, #tpu.memory_space<hbm>> -> memref<1x40x128xi32, #tpu.memory_space<hbm>>
      %dma_wait3A_49 = tpu.memref_squeeze %dma_wait3A_48 : memref<1x40x128xi32, #tpu.memory_space<hbm>> -> memref<40x128xi32, #tpu.memory_space<hbm>>
      %dma_wait3A_50 = arith.constant 0 : i32
      %dma_wait3A_51 = arith.constant 0 : i32
      %dma_wait3A_52 = tpu.memref_slice %arg5[%add3A, %dma_wait3A_50, %dma_wait3A_51] : memref<32x40x128xi32, #tpu.memory_space<hbm>> -> memref<1x40x128xi32, #tpu.memory_space<hbm>>
      %dma_wait3A_53 = tpu.memref_squeeze %dma_wait3A_52 : memref<1x40x128xi32, #tpu.memory_space<hbm>> -> memref<40x128xi32, #tpu.memory_space<hbm>>
      tpu.wait_dma2 semaphore(%run_scoped3A : memref<!tpu.dma_semaphore, #tpu.memory_space<semaphore_mem>>) src(%dma_wait3A_53 : memref<40x128xi32, #tpu.memory_space<hbm>>) dst(%arg12 : memref<40x128xi32, #tpu.memory_space<vmem>>)
      tpu.yield
    }) : () -> ()
    %iota3A = tpu.iota {dimensions = array<i32: 0>} : vector<16xi32>
    %eq3A = arith.constant 0 : i32
    %eq3A_1 = vector.broadcast %eq3A : i32 to vector<16xi32>
    %eq3A_2 = arith.cmpi eq, %iota3A, %eq3A_1 : vector<16xi32>
    %convert_element_type3A = arith.extui %eq3A_2 : vector<16xi1> to vector<16xi32>
    %convert_element_type3A_3 = arith.sitofp %convert_element_type3A : vector<16xi32> to vector<16xf32>
    %broadcast_in_dim3A = arith.constant 0.000000e+00 : f32
    %broadcast_in_dim3A_4 = vector.broadcast %broadcast_in_dim3A : f32 to vector<16xf32>
    %scan3A = arith.constant 0 : i32
    %scan3A_5 = arith.constant 0 : i32
    %scan3A_6 = arith.constant 128 : i32
    %scan3A_7 = arith.addi %scan3A_5, %scan3A_6 : i32
    %scan3A_8 = arith.constant 1 : i32
    scf.for %scan3A_40 = %scan3A_5 to %scan3A_7 step %scan3A_8  : i32 {
      %swap3A = arith.index_cast %scan3A_40 : i32 to index
      %swap3A_41 = arith.constant 0 : index
      %swap3A_42 = tpu.vector_load %arg15[%swap3A, %swap3A_41] {strides = array<i32>} : memref<128x128xf32, #tpu.memory_space<vmem>>, vector<16xf32>,
      tpu.vector_store %arg15[%swap3A, %swap3A_41], %broadcast_in_dim3A_4 {strides = array<i32>} : memref<128x128xf32, #tpu.memory_space<vmem>>, vector<16xf32>,
      %swap3A_43 = arith.index_cast %scan3A_40 : i32 to index
      %swap3A_44 = arith.constant 16 : index
      %swap3A_45 = tpu.vector_load %arg15[%swap3A_43, %swap3A_44] {strides = array<i32>} : memref<128x128xf32, #tpu.memory_space<vmem>>, vector<16xf32>,
      tpu.vector_store %arg15[%swap3A_43, %swap3A_44], %broadcast_in_dim3A_4 {strides = array<i32>} : memref<128x128xf32, #tpu.memory_space<vmem>>, vector<16xf32>,
      %swap3A_46 = arith.index_cast %scan3A_40 : i32 to index
      %swap3A_47 = arith.constant 32 : index
      %swap3A_48 = tpu.vector_load %arg15[%swap3A_46, %swap3A_47] {strides = array<i32>} : memref<128x128xf32, #tpu.memory_space<vmem>>, vector<16xf32>,
      tpu.vector_store %arg15[%swap3A_46, %swap3A_47], %broadcast_in_dim3A_4 {strides = array<i32>} : memref<128x128xf32, #tpu.memory_space<vmem>>, vector<16xf32>,
      %swap3A_49 = arith.index_cast %scan3A_40 : i32 to index
      %swap3A_50 = arith.constant 48 : index
      %swap3A_51 = tpu.vector_load %arg15[%swap3A_49, %swap3A_50] {strides = array<i32>} : memref<128x128xf32, #tpu.memory_space<vmem>>, vector<16xf32>,
      tpu.vector_store %arg15[%swap3A_49, %swap3A_50], %broadcast_in_dim3A_4 {strides = array<i32>} : memref<128x128xf32, #tpu.memory_space<vmem>>, vector<16xf32>,
      %swap3A_52 = arith.index_cast %scan3A_40 : i32 to index
      %swap3A_53 = arith.constant 64 : index
      %swap3A_54 = tpu.vector_load %arg15[%swap3A_52, %swap3A_53] {strides = array<i32>} : memref<128x128xf32, #tpu.memory_space<vmem>>, vector<16xf32>,
      tpu.vector_store %arg15[%swap3A_52, %swap3A_53], %broadcast_in_dim3A_4 {strides = array<i32>} : memref<128x128xf32, #tpu.memory_space<vmem>>, vector<16xf32>,
      %swap3A_55 = arith.index_cast %scan3A_40 : i32 to index
      %swap3A_56 = arith.constant 80 : index
      %swap3A_57 = tpu.vector_load %arg15[%swap3A_55, %swap3A_56] {strides = array<i32>} : memref<128x128xf32, #tpu.memory_space<vmem>>, vector<16xf32>,
      tpu.vector_store %arg15[%swap3A_55, %swap3A_56], %broadcast_in_dim3A_4 {strides = array<i32>} : memref<128x128xf32, #tpu.memory_space<vmem>>, vector<16xf32>,
      %swap3A_58 = arith.index_cast %scan3A_40 : i32 to index
      %swap3A_59 = arith.constant 96 : index
      %swap3A_60 = tpu.vector_load %arg15[%swap3A_58, %swap3A_59] {strides = array<i32>} : memref<128x128xf32, #tpu.memory_space<vmem>>, vector<16xf32>,
      tpu.vector_store %arg15[%swap3A_58, %swap3A_59], %broadcast_in_dim3A_4 {strides = array<i32>} : memref<128x128xf32, #tpu.memory_space<vmem>>, vector<16xf32>,
      %swap3A_61 = arith.index_cast %scan3A_40 : i32 to index
      %swap3A_62 = arith.constant 112 : index
      %swap3A_63 = tpu.vector_load %arg15[%swap3A_61, %swap3A_62] {strides = array<i32>} : memref<128x128xf32, #tpu.memory_space<vmem>>, vector<16xf32>,
      tpu.vector_store %arg15[%swap3A_61, %swap3A_62], %broadcast_in_dim3A_4 {strides = array<i32>} : memref<128x128xf32, #tpu.memory_space<vmem>>, vector<16xf32>,
    }
    %scan3A_9 = arith.constant 128 : i32
    %scan3A_10 = arith.constant 0 : i32
    %scan3A_11 = arith.constant 0 : i32
    %scan3A_12 = arith.constant 40 : i32
    %scan3A_13 = arith.addi %scan3A_11, %scan3A_12 : i32
    %scan3A_14 = arith.constant 1 : i32
    scf.for %scan3A_40 = %scan3A_11 to %scan3A_13 step %scan3A_14  : i32 {
      %mul3A_41 = arith.constant 640 : i32
      %mul3A_42 = arith.muli %arg1, %mul3A_41 : i32
      %mul3A_43 = arith.constant 16 : i32
      %mul3A_44 = arith.muli %scan3A_40, %mul3A_43 : i32
      %add3A_45 = arith.addi %mul3A_42, %mul3A_44 : i32
      "tpu.region"() ({
        %run_scoped3A = tpu.sem_alloc : memref<!tpu.dma_semaphore, #tpu.memory_space<semaphore_mem>>
        %dma_start3A = arith.constant 0 : i32
        %dma_start3A_46 = arith.constant 0 : i32
        %dma_start3A_47 = tpu.memref_slice %arg15[%dma_start3A, %dma_start3A_46] : memref<128x128xf32, #tpu.memory_space<vmem>> -> memref<16x128xf32, #tpu.memory_space<vmem>>
        %dma_start3A_48 = arith.constant 0 : i32
        %dma_start3A_49 = tpu.memref_slice %arg16[%add3A_45, %dma_start3A_48] : memref<10240x128xf32, #tpu.memory_space<vmem_shared>> -> memref<16x128xf32, #tpu.memory_space<vmem_shared>>
        %dma_start3A_50 = arith.constant 0 : i32
        %dma_start3A_51 = tpu.memref_slice %arg16[%add3A_45, %dma_start3A_50] : memref<10240x128xf32, #tpu.memory_space<vmem_shared>> -> memref<16x128xf32, #tpu.memory_space<vmem_shared>>
        %dma_start3A_52 = arith.constant 0 : i32
        %dma_start3A_53 = arith.constant 0 : i32
        %dma_start3A_54 = tpu.memref_slice %arg15[%dma_start3A_52, %dma_start3A_53] : memref<128x128xf32, #tpu.memory_space<vmem>> -> memref<16x128xf32, #tpu.memory_space<vmem>>
        tpu.enqueue_dma source(%dma_start3A_54 : memref<16x128xf32, #tpu.memory_space<vmem>>) target(%dma_start3A_51 : memref<16x128xf32, #tpu.memory_space<vmem_shared>>) target_semaphore(%run_scoped3A : memref<!tpu.dma_semaphore, #tpu.memory_space<semaphore_mem>>)
        %dma_wait3A = arith.constant 0 : i32
        %dma_wait3A_55 = arith.constant 0 : i32
        %dma_wait3A_56 = tpu.memref_slice %arg15[%dma_wait3A, %dma_wait3A_55] : memref<128x128xf32, #tpu.memory_space<vmem>> -> memref<16x128xf32, #tpu.memory_space<vmem>>
        %dma_wait3A_57 = arith.constant 0 : i32
        %dma_wait3A_58 = tpu.memref_slice %arg16[%add3A_45, %dma_wait3A_57] : memref<10240x128xf32, #tpu.memory_space<vmem_shared>> -> memref<16x128xf32, #tpu.memory_space<vmem_shared>>
        %dma_wait3A_59 = arith.constant 0 : i32
        %dma_wait3A_60 = tpu.memref_slice %arg16[%add3A_45, %dma_wait3A_59] : memref<10240x128xf32, #tpu.memory_space<vmem_shared>> -> memref<16x128xf32, #tpu.memory_space<vmem_shared>>
        %dma_wait3A_61 = arith.constant 0 : i32
        %dma_wait3A_62 = arith.constant 0 : i32
        %dma_wait3A_63 = tpu.memref_slice %arg15[%dma_wait3A_61, %dma_wait3A_62] : memref<128x128xf32, #tpu.memory_space<vmem>> -> memref<16x128xf32, #tpu.memory_space<vmem>>
        tpu.wait_dma2 semaphore(%run_scoped3A : memref<!tpu.dma_semaphore, #tpu.memory_space<semaphore_mem>>) src(%dma_wait3A_63 : memref<16x128xf32, #tpu.memory_space<vmem>>) dst(%dma_wait3A_60 : memref<16x128xf32, #tpu.memory_space<vmem_shared>>)
        tpu.yield
      }) : () -> ()
    }
    %scan3A_15 = arith.constant 40 : i32
    %scan3A_16 = arith.constant 0 : i32
    %scan3A_17 = arith.constant 0 : i32
    %scan3A_18 = arith.constant 128 : i32
    %scan3A_19 = arith.addi %scan3A_17, %scan3A_18 : i32
    %scan3A_20 = arith.constant 1 : i32
    scf.for %scan3A_40 = %scan3A_17 to %scan3A_19 step %scan3A_20  : i32 {
      %swap3A = arith.index_cast %scan3A_40 : i32 to index
      %swap3A_41 = arith.constant 0 : index
      %swap3A_42 = tpu.vector_load %arg15[%swap3A, %swap3A_41] {strides = array<i32>} : memref<128x128xf32, #tpu.memory_space<vmem>>, vector<16xf32>,
      tpu.vector_store %arg15[%swap3A, %swap3A_41], %convert_element_type3A_3 {strides = array<i32>} : memref<128x128xf32, #tpu.memory_space<vmem>>, vector<16xf32>,
    }
    %scan3A_21 = arith.constant 128 : i32
    %barrier3A = arith.constant 0 : index
    tpu.barrier barrier_id(%barrier3A)
    %iota3A_22 = tpu.iota {dimensions = array<i32: 0>} : vector<16xi32>
    %broadcast_in_dim3A_23 = arith.constant 1 : i32
    %broadcast_in_dim3A_24 = vector.broadcast %broadcast_in_dim3A_23 : i32 to vector<16xi32>
    %broadcast_in_dim3A_25 = arith.constant 10000 : i32
    %broadcast_in_dim3A_26 = vector.broadcast %broadcast_in_dim3A_25 : i32 to vector<16xi32>
    %scan3A_27 = arith.constant 0 : i32
    %scan3A_28 = arith.constant 0 : i32
    %scan3A_29 = arith.constant 40 : i32
    %scan3A_30 = arith.addi %scan3A_28, %scan3A_29 : i32
    %scan3A_31 = arith.constant 1 : i32
    scf.for %scan3A_40 = %scan3A_28 to %scan3A_30 step %scan3A_31  : i32 {
      %scan3A_41 = arith.constant 0 : i32
      %scan3A_42 = arith.constant 0 : i32
      %scan3A_43 = arith.constant 8 : i32
      %scan3A_44 = arith.addi %scan3A_42, %scan3A_43 : i32
      %scan3A_45 = arith.constant 1 : i32
      scf.for %scan3A_57 = %scan3A_42 to %scan3A_44 step %scan3A_45  : i32 {
        %mul3A_58 = arith.constant 16 : i32
        %mul3A_59 = arith.muli %scan3A_57, %mul3A_58 : i32
        %get3A = arith.index_cast %scan3A_40 : i32 to index
        %get3A_60 = arith.index_cast %mul3A_59 : i32 to index
        %get3A_61 = tpu.vector_load %arg11[%get3A, %get3A_60] {strides = array<i32>} : memref<40x128xi32, #tpu.memory_space<vmem>>, vector<16xi32>,
        %get3A_62 = arith.index_cast %scan3A_40 : i32 to index
        %get3A_63 = arith.index_cast %mul3A_59 : i32 to index
        %get3A_64 = tpu.vector_load %arg12[%get3A_62, %get3A_63] {strides = array<i32>} : memref<40x128xi32, #tpu.memory_space<vmem>>, vector<16xi32>,
        %gather3A = tpu.vector_load_idx %arg9[%get3A_61] : memref<10240xf32, #tpu.memory_space<vmem>>[vector<16xi32>], vector<16xf32>,
        %gather3A_65 = tpu.vector_load_idx %arg10[%get3A_64] : memref<10240xf32, #tpu.memory_space<vmem>>[vector<16xi32>], vector<16xf32>,
        %add3A_66 = arith.addf %gather3A, %gather3A_65 : vector<16xf32>
        %ge3A = arith.constant 0.000000e+00 : f32
        %ge3A_67 = vector.broadcast %ge3A : f32 to vector<16xf32>
        %ge3A_68 = arith.cmpf oge, %add3A_66, %ge3A_67 : vector<16xf32>
        %select_n3A = arith.select %ge3A_68, %get3A_61, %broadcast_in_dim3A_26 : vector<16xi1>, vector<16xi32>
        %swap3A = arith.index_cast %mul3A_59 : i32 to index
        %swap3A_69 = tpu.vector_load %arg13[%swap3A] {strides = array<i32>} : memref<128xi32, #tpu.memory_space<vmem>>, vector<16xi32>,
        tpu.vector_store %arg13[%swap3A], %select_n3A {strides = array<i32>} : memref<128xi32, #tpu.memory_space<vmem>>, vector<16xi32>,
        %select_n3A_70 = arith.select %ge3A_68, %broadcast_in_dim3A_26, %get3A_61 : vector<16xi1>, vector<16xi32>
        %swap3A_71 = arith.index_cast %mul3A_59 : i32 to index
        %swap3A_72 = tpu.vector_load %arg14[%swap3A_71] {strides = array<i32>} : memref<128xi32, #tpu.memory_space<vmem>>, vector<16xi32>,
        tpu.vector_store %arg14[%swap3A_71], %select_n3A_70 {strides = array<i32>} : memref<128xi32, #tpu.memory_space<vmem>>, vector<16xi32>,
        %jit3A = arith.constant 1.000000e+00 : f32
        %jit3A_73 = arith.constant 0.000000e+00 : f32
        %broadcast_in_dim3A_74 = vector.broadcast %jit3A : f32 to vector<16xf32>
        %broadcast_in_dim3A_75 = vector.broadcast %jit3A_73 : f32 to vector<16xf32>
        %select_n3A_76 = arith.select %ge3A_68, %broadcast_in_dim3A_74, %broadcast_in_dim3A_75 : vector<16xi1>, vector<16xf32>
        %mul3A_77 = arith.constant 16 : i32
        %mul3A_78 = arith.muli %scan3A_57, %mul3A_77 : i32
        %add3A_79 = vector.broadcast %mul3A_78 : i32 to vector<16xi32>
        %add3A_80 = arith.addi %add3A_79, %iota3A_22 : vector<16xi32>
        tpu.vector_store_idx %arg15[%add3A_80, %broadcast_in_dim3A_24], %select_n3A_76 : memref<128x128xf32, #tpu.memory_space<vmem>>[vector<16xi32>, vector<16xi32>], vector<16xf32>,
      }
      %scan3A_46 = arith.constant 8 : i32
      "tpu.region"() ({
        %run_scoped3A = tpu.sem_alloc : memref<!tpu.dma_semaphore, #tpu.memory_space<semaphore_mem>>
        %dma_start3A = arith.constant 0 : i32
        %dma_start3A_57 = tpu.memref_slice %arg12[%scan3A_40, %dma_start3A] : memref<40x128xi32, #tpu.memory_space<vmem>> -> memref<1x128xi32, #tpu.memory_space<vmem>>
        %dma_start3A_58 = tpu.memref_squeeze %dma_start3A_57 : memref<1x128xi32, #tpu.memory_space<vmem>> -> memref<128xi32, #tpu.memory_space<vmem>>
        %dma_start3A_59 = arith.constant 0 : i32
        %dma_start3A_60 = arith.constant 0 : i32
        %dma_start3A_61 = tpu.memref_slice %arg16[%dma_start3A_59, %dma_start3A_60] : memref<10240x128xf32, #tpu.memory_space<vmem_shared>> -> memref<10240x128xf32, #tpu.memory_space<vmem_shared>>
        tpu.enqueue_indirect_dma source(%arg15 : memref<128x128xf32, #tpu.memory_space<vmem>>) target(%dma_start3A_61 : memref<10240x128xf32, #tpu.memory_space<vmem_shared>>) offsets(%dma_start3A_58 : memref<128xi32, #tpu.memory_space<vmem>>) semaphore(%run_scoped3A : memref<!tpu.dma_semaphore, #tpu.memory_space<semaphore_mem>>) {add = true}
        %dma_wait3A = arith.constant 0 : i32
        %dma_wait3A_62 = tpu.memref_slice %arg12[%scan3A_40, %dma_wait3A] : memref<40x128xi32, #tpu.memory_space<vmem>> -> memref<1x128xi32, #tpu.memory_space<vmem>>
        %dma_wait3A_63 = tpu.memref_squeeze %dma_wait3A_62 : memref<1x128xi32, #tpu.memory_space<vmem>> -> memref<128xi32, #tpu.memory_space<vmem>>
        %dma_wait3A_64 = arith.constant 0 : i32
        %dma_wait3A_65 = arith.constant 0 : i32
        %dma_wait3A_66 = tpu.memref_slice %arg16[%dma_wait3A_64, %dma_wait3A_65] : memref<10240x128xf32, #tpu.memory_space<vmem_shared>> -> memref<10240x128xf32, #tpu.memory_space<vmem_shared>>
        tpu.wait_indirect_dma semaphore(%run_scoped3A : memref<!tpu.dma_semaphore, #tpu.memory_space<semaphore_mem>>) src(%arg15 : memref<128x128xf32, #tpu.memory_space<vmem>>) dst(%dma_wait3A_66 : memref<10240x128xf32, #tpu.memory_space<vmem_shared>>)
        tpu.yield
      }) : () -> ()
      %mul3A_47 = arith.constant 5120 : i32
      %mul3A_48 = arith.muli %add3A, %mul3A_47 : i32
      %mul3A_49 = arith.constant 128 : i32
      %mul3A_50 = arith.muli %scan3A_40, %mul3A_49 : i32
      %add3A_51 = arith.addi %mul3A_48, %mul3A_50 : i32
      "tpu.region"() ({
        %run_scoped3A = tpu.sem_alloc : memref<!tpu.dma_semaphore, #tpu.memory_space<semaphore_mem>>
        %dma_start3A = tpu.memref_slice %arg7[%add3A_51] : memref<163840xi32, #tpu.memory_space<hbm>> -> memref<128xi32, #tpu.memory_space<hbm>>
        %dma_start3A_57 = tpu.memref_slice %arg7[%add3A_51] : memref<163840xi32, #tpu.memory_space<hbm>> -> memref<128xi32, #tpu.memory_space<hbm>>
        tpu.enqueue_dma source(%arg13 : memref<128xi32, #tpu.memory_space<vmem>>) target(%dma_start3A_57 : memref<128xi32, #tpu.memory_space<hbm>>) target_semaphore(%run_scoped3A : memref<!tpu.dma_semaphore, #tpu.memory_space<semaphore_mem>>)
        %dma_wait3A = tpu.memref_slice %arg7[%add3A_51] : memref<163840xi32, #tpu.memory_space<hbm>> -> memref<128xi32, #tpu.memory_space<hbm>>
        %dma_wait3A_58 = tpu.memref_slice %arg7[%add3A_51] : memref<163840xi32, #tpu.memory_space<hbm>> -> memref<128xi32, #tpu.memory_space<hbm>>
        tpu.wait_dma2 semaphore(%run_scoped3A : memref<!tpu.dma_semaphore, #tpu.memory_space<semaphore_mem>>) src(%arg13 : memref<128xi32, #tpu.memory_space<vmem>>) dst(%dma_wait3A_58 : memref<128xi32, #tpu.memory_space<hbm>>)
        tpu.yield
      }) : () -> ()
      %mul3A_52 = arith.constant 5120 : i32
      %mul3A_53 = arith.muli %add3A, %mul3A_52 : i32
      %mul3A_54 = arith.constant 128 : i32
      %mul3A_55 = arith.muli %scan3A_40, %mul3A_54 : i32
      %add3A_56 = arith.addi %mul3A_53, %mul3A_55 : i32
      "tpu.region"() ({
        %run_scoped3A = tpu.sem_alloc : memref<!tpu.dma_semaphore, #tpu.memory_space<semaphore_mem>>
        %dma_start3A = tpu.memref_slice %arg8[%add3A_56] : memref<163840xi32, #tpu.memory_space<hbm>> -> memref<128xi32, #tpu.memory_space<hbm>>
        %dma_start3A_57 = tpu.memref_slice %arg8[%add3A_56] : memref<163840xi32, #tpu.memory_space<hbm>> -> memref<128xi32, #tpu.memory_space<hbm>>
        tpu.enqueue_dma source(%arg14 : memref<128xi32, #tpu.memory_space<vmem>>) target(%dma_start3A_57 : memref<128xi32, #tpu.memory_space<hbm>>) target_semaphore(%run_scoped3A : memref<!tpu.dma_semaphore, #tpu.memory_space<semaphore_mem>>)
        %dma_wait3A = tpu.memref_slice %arg8[%add3A_56] : memref<163840xi32, #tpu.memory_space<hbm>> -> memref<128xi32, #tpu.memory_space<hbm>>
        %dma_wait3A_58 = tpu.memref_slice %arg8[%add3A_56] : memref<163840xi32, #tpu.memory_space<hbm>> -> memref<128xi32, #tpu.memory_space<hbm>>
        tpu.wait_dma2 semaphore(%run_scoped3A : memref<!tpu.dma_semaphore, #tpu.memory_space<semaphore_mem>>) src(%arg14 : memref<128xi32, #tpu.memory_space<vmem>>) dst(%dma_wait3A_58 : memref<128xi32, #tpu.memory_space<hbm>>)
        tpu.yield
      }) : () -> ()
    }
    %scan3A_32 = arith.constant 40 : i32
    %barrier3A_33 = arith.constant 0 : index
    tpu.barrier barrier_id(%barrier3A_33)
    %scan3A_34 = arith.constant 0 : i32
    %scan3A_35 = arith.constant 0 : i32
    %scan3A_36 = arith.constant 5 : i32
    %scan3A_37 = arith.addi %scan3A_35, %scan3A_36 : i32
    %scan3A_38 = arith.constant 1 : i32
    scf.for %scan3A_40 = %scan3A_35 to %scan3A_37 step %scan3A_38  : i32 {
      %mul3A_41 = arith.constant 640 : i32
      %mul3A_42 = arith.muli %arg1, %mul3A_41 : i32
      %mul3A_43 = arith.constant 128 : i32
      %mul3A_44 = arith.muli %scan3A_40, %mul3A_43 : i32
      %add3A_45 = arith.addi %mul3A_42, %mul3A_44 : i32
      "tpu.region"() ({
        %run_scoped3A = tpu.sem_alloc : memref<!tpu.dma_semaphore, #tpu.memory_space<semaphore_mem>>
        %dma_start3A = arith.constant 0 : i32
        %dma_start3A_46 = tpu.memref_slice %arg16[%add3A_45, %dma_start3A] : memref<10240x128xf32, #tpu.memory_space<vmem_shared>> -> memref<128x128xf32, #tpu.memory_space<vmem_shared>>
        %dma_start3A_47 = arith.constant 0 : i32
        %dma_start3A_48 = tpu.memref_slice %arg16[%add3A_45, %dma_start3A_47] : memref<10240x128xf32, #tpu.memory_space<vmem_shared>> -> memref<128x128xf32, #tpu.memory_space<vmem_shared>>
        tpu.enqueue_dma source(%dma_start3A_48 : memref<128x128xf32, #tpu.memory_space<vmem_shared>>) target(%arg15 : memref<128x128xf32, #tpu.memory_space<vmem>>) target_semaphore(%run_scoped3A : memref<!tpu.dma_semaphore, #tpu.memory_space<semaphore_mem>>)
        %dma_wait3A = arith.constant 0 : i32
        %dma_wait3A_49 = tpu.memref_slice %arg16[%add3A_45, %dma_wait3A] : memref<10240x128xf32, #tpu.memory_space<vmem_shared>> -> memref<128x128xf32, #tpu.memory_space<vmem_shared>>
        %dma_wait3A_50 = arith.constant 0 : i32
        %dma_wait3A_51 = tpu.memref_slice %arg16[%add3A_45, %dma_wait3A_50] : memref<10240x128xf32, #tpu.memory_space<vmem_shared>> -> memref<128x128xf32, #tpu.memory_space<vmem_shared>>
        tpu.wait_dma2 semaphore(%run_scoped3A : memref<!tpu.dma_semaphore, #tpu.memory_space<semaphore_mem>>) src(%dma_wait3A_51 : memref<128x128xf32, #tpu.memory_space<vmem_shared>>) dst(%arg15 : memref<128x128xf32, #tpu.memory_space<vmem>>)
        tpu.yield
      }) : () -> ()
      "tpu.region"() ({
        %run_scoped3A = tpu.sem_alloc : memref<!tpu.dma_semaphore, #tpu.memory_space<semaphore_mem>>
        %dma_start3A = arith.constant 0 : i32
        %dma_start3A_46 = arith.constant 0 : i32
        %dma_start3A_47 = tpu.memref_slice %arg6[%arg0, %dma_start3A, %dma_start3A_46] : memref<2x10240x128xf32, #tpu.memory_space<hbm>> -> memref<1x10240x128xf32, #tpu.memory_space<hbm>>
        %dma_start3A_48 = tpu.memref_squeeze %dma_start3A_47 : memref<1x10240x128xf32, #tpu.memory_space<hbm>> -> memref<10240x128xf32, #tpu.memory_space<hbm>>
        %dma_start3A_49 = arith.constant 0 : i32
        %dma_start3A_50 = tpu.memref_slice %dma_start3A_48[%add3A_45, %dma_start3A_49] : memref<10240x128xf32, #tpu.memory_space<hbm>> -> memref<128x128xf32, #tpu.memory_space<hbm>>
        %dma_start3A_51 = arith.constant 0 : i32
        %dma_start3A_52 = arith.constant 0 : i32
        %dma_start3A_53 = tpu.memref_slice %arg6[%arg0, %dma_start3A_51, %dma_start3A_52] : memref<2x10240x128xf32, #tpu.memory_space<hbm>> -> memref<1x10240x128xf32, #tpu.memory_space<hbm>>
        %dma_start3A_54 = tpu.memref_squeeze %dma_start3A_53 : memref<1x10240x128xf32, #tpu.memory_space<hbm>> -> memref<10240x128xf32, #tpu.memory_space<hbm>>
        %dma_start3A_55 = arith.constant 0 : i32
        %dma_start3A_56 = tpu.memref_slice %dma_start3A_54[%add3A_45, %dma_start3A_55] : memref<10240x128xf32, #tpu.memory_space<hbm>> -> memref<128x128xf32, #tpu.memory_space<hbm>>
        tpu.enqueue_dma source(%arg15 : memref<128x128xf32, #tpu.memory_space<vmem>>) target(%dma_start3A_56 : memref<128x128xf32, #tpu.memory_space<hbm>>) target_semaphore(%run_scoped3A : memref<!tpu.dma_semaphore, #tpu.memory_space<semaphore_mem>>)
        %dma_wait3A = arith.constant 0 : i32
        %dma_wait3A_57 = arith.constant 0 : i32
        %dma_wait3A_58 = tpu.memref_slice %arg6[%arg0, %dma_wait3A, %dma_wait3A_57] : memref<2x10240x128xf32, #tpu.memory_space<hbm>> -> memref<1x10240x128xf32, #tpu.memory_space<hbm>>
        %dma_wait3A_59 = tpu.memref_squeeze %dma_wait3A_58 : memref<1x10240x128xf32, #tpu.memory_space<hbm>> -> memref<10240x128xf32, #tpu.memory_space<hbm>>
        %dma_wait3A_60 = arith.constant 0 : i32
        %dma_wait3A_61 = tpu.memref_slice %dma_wait3A_59[%add3A_45, %dma_wait3A_60] : memref<10240x128xf32, #tpu.memory_space<hbm>> -> memref<128x128xf32, #tpu.memory_space<hbm>>
        %dma_wait3A_62 = arith.constant 0 : i32
        %dma_wait3A_63 = arith.constant 0 : i32
        %dma_wait3A_64 = tpu.memref_slice %arg6[%arg0, %dma_wait3A_62, %dma_wait3A_63] : memref<2x10240x128xf32, #tpu.memory_space<hbm>> -> memref<1x10240x128xf32, #tpu.memory_space<hbm>>
        %dma_wait3A_65 = tpu.memref_squeeze %dma_wait3A_64 : memref<1x10240x128xf32, #tpu.memory_space<hbm>> -> memref<10240x128xf32, #tpu.memory_space<hbm>>
        %dma_wait3A_66 = arith.constant 0 : i32
        %dma_wait3A_67 = tpu.memref_slice %dma_wait3A_65[%add3A_45, %dma_wait3A_66] : memref<10240x128xf32, #tpu.memory_space<hbm>> -> memref<128x128xf32, #tpu.memory_space<hbm>>
        tpu.wait_dma2 semaphore(%run_scoped3A : memref<!tpu.dma_semaphore, #tpu.memory_space<semaphore_mem>>) src(%arg15 : memref<128x128xf32, #tpu.memory_space<vmem>>) dst(%dma_wait3A_67 : memref<128x128xf32, #tpu.memory_space<hbm>>)
        tpu.yield
      }) : () -> ()
    }
    %scan3A_39 = arith.constant 5 : i32
    return
  }
}

#map = affine_map<(d0, d1) -> (0, 0, 0)>
#map1 = affine_map<(d0, d1) -> (0)>
#map2 = affine_map<(d0, d1) -> (0, 0)>
module attributes {stable_mosaic.version = 14 : i64} {
  func.func @_chain(%arg0: i32, %arg1: i32, %arg2: memref<2x10240x128xf32, #tpu.memory_space<hbm>>, %arg3: memref<10240xf32, #tpu.memory_space<hbm>>, %arg4: memref<10240xf32, #tpu.memory_space<hbm>>, %arg5: memref<16x79x128xi32, #tpu.memory_space<hbm>>, %arg6: memref<16x79x128xi32, #tpu.memory_space<hbm>>, %arg7: memref<143360x128xf32, #tpu.memory_space<hbm>>, %arg8: memref<79x128xi32, #tpu.memory_space<vmem>>, %arg9: memref<79x128xi32, #tpu.memory_space<vmem>>, %arg10: memref<128xi32, #tpu.memory_space<vmem>>, %arg11: memref<128x128xf32, #tpu.memory_space<vmem>>, %arg12: memref<16x128xf32, #tpu.memory_space<vmem>>, %arg13: memref<16x128xf32, #tpu.memory_space<vmem>>, %arg14: memref<16x128xf32, #tpu.memory_space<vmem>>, %arg15: memref<640xf32, #tpu.memory_space<vmem>>, %arg16: memref<640xf32, #tpu.memory_space<vmem>>, %arg17: memref<10240x128xf32, #tpu.memory_space<vmem_shared>>, %arg18: memref<!tpu.dma_semaphore, #tpu.memory_space<semaphore_mem>>) attributes {dimension_semantics = [#tpu.dimension_semantics<core_parallel>, #tpu.dimension_semantics<subcore_parallel>], iteration_bounds = array<i64: 2, 16>, scalar_prefetch = 0 : i64, scratch_operands = 11 : i64, tpu.core_type = #tpu.core_type<sc_vector_subcore>, window_params = [{transform_indices = #map}, {transform_indices = #map1}, {transform_indices = #map1}, {transform_indices = #map}, {transform_indices = #map}, {transform_indices = #map2}]} {
    %mul3A = arith.constant 640 : i32
    %mul3A_0 = arith.muli %arg1, %mul3A : i32
    "tpu.region"() ({
      %run_scoped3A = tpu.sem_alloc : memref<!tpu.dma_semaphore, #tpu.memory_space<semaphore_mem>>
      %dma_start3A = arith.constant 0 : i32
      %dma_start3A_19 = arith.constant 0 : i32
      %dma_start3A_20 = tpu.memref_slice %arg5[%arg1, %dma_start3A, %dma_start3A_19] : memref<16x79x128xi32, #tpu.memory_space<hbm>> -> memref<1x79x128xi32, #tpu.memory_space<hbm>>
      %dma_start3A_21 = tpu.memref_squeeze %dma_start3A_20 : memref<1x79x128xi32, #tpu.memory_space<hbm>> -> memref<79x128xi32, #tpu.memory_space<hbm>>
      %dma_start3A_22 = arith.constant 0 : i32
      %dma_start3A_23 = arith.constant 0 : i32
      %dma_start3A_24 = tpu.memref_slice %arg5[%arg1, %dma_start3A_22, %dma_start3A_23] : memref<16x79x128xi32, #tpu.memory_space<hbm>> -> memref<1x79x128xi32, #tpu.memory_space<hbm>>
      %dma_start3A_25 = tpu.memref_squeeze %dma_start3A_24 : memref<1x79x128xi32, #tpu.memory_space<hbm>> -> memref<79x128xi32, #tpu.memory_space<hbm>>
      tpu.enqueue_dma source(%dma_start3A_25 : memref<79x128xi32, #tpu.memory_space<hbm>>) target(%arg8 : memref<79x128xi32, #tpu.memory_space<vmem>>) target_semaphore(%run_scoped3A : memref<!tpu.dma_semaphore, #tpu.memory_space<semaphore_mem>>)
      %dma_wait3A = arith.constant 0 : i32
      %dma_wait3A_26 = arith.constant 0 : i32
      %dma_wait3A_27 = tpu.memref_slice %arg5[%arg1, %dma_wait3A, %dma_wait3A_26] : memref<16x79x128xi32, #tpu.memory_space<hbm>> -> memref<1x79x128xi32, #tpu.memory_space<hbm>>
      %dma_wait3A_28 = tpu.memref_squeeze %dma_wait3A_27 : memref<1x79x128xi32, #tpu.memory_space<hbm>> -> memref<79x128xi32, #tpu.memory_space<hbm>>
      %dma_wait3A_29 = arith.constant 0 : i32
      %dma_wait3A_30 = arith.constant 0 : i32
      %dma_wait3A_31 = tpu.memref_slice %arg5[%arg1, %dma_wait3A_29, %dma_wait3A_30] : memref<16x79x128xi32, #tpu.memory_space<hbm>> -> memref<1x79x128xi32, #tpu.memory_space<hbm>>
      %dma_wait3A_32 = tpu.memref_squeeze %dma_wait3A_31 : memref<1x79x128xi32, #tpu.memory_space<hbm>> -> memref<79x128xi32, #tpu.memory_space<hbm>>
      tpu.wait_dma2 semaphore(%run_scoped3A : memref<!tpu.dma_semaphore, #tpu.memory_space<semaphore_mem>>) src(%dma_wait3A_32 : memref<79x128xi32, #tpu.memory_space<hbm>>) dst(%arg8 : memref<79x128xi32, #tpu.memory_space<vmem>>)
      tpu.yield
    }) : () -> ()
    "tpu.region"() ({
      %run_scoped3A = tpu.sem_alloc : memref<!tpu.dma_semaphore, #tpu.memory_space<semaphore_mem>>
      %dma_start3A = arith.constant 0 : i32
      %dma_start3A_19 = arith.constant 0 : i32
      %dma_start3A_20 = tpu.memref_slice %arg6[%arg1, %dma_start3A, %dma_start3A_19] : memref<16x79x128xi32, #tpu.memory_space<hbm>> -> memref<1x79x128xi32, #tpu.memory_space<hbm>>
      %dma_start3A_21 = tpu.memref_squeeze %dma_start3A_20 : memref<1x79x128xi32, #tpu.memory_space<hbm>> -> memref<79x128xi32, #tpu.memory_space<hbm>>
      %dma_start3A_22 = arith.constant 0 : i32
      %dma_start3A_23 = arith.constant 0 : i32
      %dma_start3A_24 = tpu.memref_slice %arg6[%arg1, %dma_start3A_22, %dma_start3A_23] : memref<16x79x128xi32, #tpu.memory_space<hbm>> -> memref<1x79x128xi32, #tpu.memory_space<hbm>>
      %dma_start3A_25 = tpu.memref_squeeze %dma_start3A_24 : memref<1x79x128xi32, #tpu.memory_space<hbm>> -> memref<79x128xi32, #tpu.memory_space<hbm>>
      tpu.enqueue_dma source(%dma_start3A_25 : memref<79x128xi32, #tpu.memory_space<hbm>>) target(%arg9 : memref<79x128xi32, #tpu.memory_space<vmem>>) target_semaphore(%run_scoped3A : memref<!tpu.dma_semaphore, #tpu.memory_space<semaphore_mem>>)
      %dma_wait3A = arith.constant 0 : i32
      %dma_wait3A_26 = arith.constant 0 : i32
      %dma_wait3A_27 = tpu.memref_slice %arg6[%arg1, %dma_wait3A, %dma_wait3A_26] : memref<16x79x128xi32, #tpu.memory_space<hbm>> -> memref<1x79x128xi32, #tpu.memory_space<hbm>>
      %dma_wait3A_28 = tpu.memref_squeeze %dma_wait3A_27 : memref<1x79x128xi32, #tpu.memory_space<hbm>> -> memref<79x128xi32, #tpu.memory_space<hbm>>
      %dma_wait3A_29 = arith.constant 0 : i32
      %dma_wait3A_30 = arith.constant 0 : i32
      %dma_wait3A_31 = tpu.memref_slice %arg6[%arg1, %dma_wait3A_29, %dma_wait3A_30] : memref<16x79x128xi32, #tpu.memory_space<hbm>> -> memref<1x79x128xi32, #tpu.memory_space<hbm>>
      %dma_wait3A_32 = tpu.memref_squeeze %dma_wait3A_31 : memref<1x79x128xi32, #tpu.memory_space<hbm>> -> memref<79x128xi32, #tpu.memory_space<hbm>>
      tpu.wait_dma2 semaphore(%run_scoped3A : memref<!tpu.dma_semaphore, #tpu.memory_space<semaphore_mem>>) src(%dma_wait3A_32 : memref<79x128xi32, #tpu.memory_space<hbm>>) dst(%arg9 : memref<79x128xi32, #tpu.memory_space<vmem>>)
      tpu.yield
    }) : () -> ()
    "tpu.region"() ({
      %run_scoped3A = tpu.sem_alloc : memref<!tpu.dma_semaphore, #tpu.memory_space<semaphore_mem>>
      %dma_start3A = tpu.memref_slice %arg4[%mul3A_0] : memref<10240xf32, #tpu.memory_space<hbm>> -> memref<640xf32, #tpu.memory_space<hbm>>
      %dma_start3A_19 = tpu.memref_slice %arg4[%mul3A_0] : memref<10240xf32, #tpu.memory_space<hbm>> -> memref<640xf32, #tpu.memory_space<hbm>>
      tpu.enqueue_dma source(%dma_start3A_19 : memref<640xf32, #tpu.memory_space<hbm>>) target(%arg15 : memref<640xf32, #tpu.memory_space<vmem>>) target_semaphore(%run_scoped3A : memref<!tpu.dma_semaphore, #tpu.memory_space<semaphore_mem>>)
      %dma_wait3A = tpu.memref_slice %arg4[%mul3A_0] : memref<10240xf32, #tpu.memory_space<hbm>> -> memref<640xf32, #tpu.memory_space<hbm>>
      %dma_wait3A_20 = tpu.memref_slice %arg4[%mul3A_0] : memref<10240xf32, #tpu.memory_space<hbm>> -> memref<640xf32, #tpu.memory_space<hbm>>
      tpu.wait_dma2 semaphore(%run_scoped3A : memref<!tpu.dma_semaphore, #tpu.memory_space<semaphore_mem>>) src(%dma_wait3A_20 : memref<640xf32, #tpu.memory_space<hbm>>) dst(%arg15 : memref<640xf32, #tpu.memory_space<vmem>>)
      tpu.yield
    }) : () -> ()
    "tpu.region"() ({
      %run_scoped3A = tpu.sem_alloc : memref<!tpu.dma_semaphore, #tpu.memory_space<semaphore_mem>>
      %dma_start3A = tpu.memref_slice %arg3[%mul3A_0] : memref<10240xf32, #tpu.memory_space<hbm>> -> memref<640xf32, #tpu.memory_space<hbm>>
      %dma_start3A_19 = tpu.memref_slice %arg3[%mul3A_0] : memref<10240xf32, #tpu.memory_space<hbm>> -> memref<640xf32, #tpu.memory_space<hbm>>
      tpu.enqueue_dma source(%dma_start3A_19 : memref<640xf32, #tpu.memory_space<hbm>>) target(%arg16 : memref<640xf32, #tpu.memory_space<vmem>>) target_semaphore(%run_scoped3A : memref<!tpu.dma_semaphore, #tpu.memory_space<semaphore_mem>>)
      %dma_wait3A = tpu.memref_slice %arg3[%mul3A_0] : memref<10240xf32, #tpu.memory_space<hbm>> -> memref<640xf32, #tpu.memory_space<hbm>>
      %dma_wait3A_20 = tpu.memref_slice %arg3[%mul3A_0] : memref<10240xf32, #tpu.memory_space<hbm>> -> memref<640xf32, #tpu.memory_space<hbm>>
      tpu.wait_dma2 semaphore(%run_scoped3A : memref<!tpu.dma_semaphore, #tpu.memory_space<semaphore_mem>>) src(%dma_wait3A_20 : memref<640xf32, #tpu.memory_space<hbm>>) dst(%arg16 : memref<640xf32, #tpu.memory_space<vmem>>)
      tpu.yield
    }) : () -> ()
    %broadcast_in_dim3A = arith.constant 0.000000e+00 : f32
    %broadcast_in_dim3A_1 = vector.broadcast %broadcast_in_dim3A : f32 to vector<16xf32>
    %scan3A = arith.constant 0 : i32
    %scan3A_2 = arith.constant 0 : i32
    %scan3A_3 = arith.constant 16 : i32
    %scan3A_4 = arith.addi %scan3A_2, %scan3A_3 : i32
    %scan3A_5 = arith.constant 1 : i32
    scf.for %scan3A_19 = %scan3A_2 to %scan3A_4 step %scan3A_5  : i32 {
      %swap3A = arith.index_cast %scan3A_19 : i32 to index
      %swap3A_20 = arith.constant 0 : index
      %swap3A_21 = tpu.vector_load %arg14[%swap3A, %swap3A_20] {strides = array<i32>} : memref<16x128xf32, #tpu.memory_space<vmem>>, vector<16xf32>,
      tpu.vector_store %arg14[%swap3A, %swap3A_20], %broadcast_in_dim3A_1 {strides = array<i32>} : memref<16x128xf32, #tpu.memory_space<vmem>>, vector<16xf32>,
      %swap3A_22 = arith.index_cast %scan3A_19 : i32 to index
      %swap3A_23 = arith.constant 16 : index
      %swap3A_24 = tpu.vector_load %arg14[%swap3A_22, %swap3A_23] {strides = array<i32>} : memref<16x128xf32, #tpu.memory_space<vmem>>, vector<16xf32>,
      tpu.vector_store %arg14[%swap3A_22, %swap3A_23], %broadcast_in_dim3A_1 {strides = array<i32>} : memref<16x128xf32, #tpu.memory_space<vmem>>, vector<16xf32>,
      %swap3A_25 = arith.index_cast %scan3A_19 : i32 to index
      %swap3A_26 = arith.constant 32 : index
      %swap3A_27 = tpu.vector_load %arg14[%swap3A_25, %swap3A_26] {strides = array<i32>} : memref<16x128xf32, #tpu.memory_space<vmem>>, vector<16xf32>,
      tpu.vector_store %arg14[%swap3A_25, %swap3A_26], %broadcast_in_dim3A_1 {strides = array<i32>} : memref<16x128xf32, #tpu.memory_space<vmem>>, vector<16xf32>,
      %swap3A_28 = arith.index_cast %scan3A_19 : i32 to index
      %swap3A_29 = arith.constant 48 : index
      %swap3A_30 = tpu.vector_load %arg14[%swap3A_28, %swap3A_29] {strides = array<i32>} : memref<16x128xf32, #tpu.memory_space<vmem>>, vector<16xf32>,
      tpu.vector_store %arg14[%swap3A_28, %swap3A_29], %broadcast_in_dim3A_1 {strides = array<i32>} : memref<16x128xf32, #tpu.memory_space<vmem>>, vector<16xf32>,
      %swap3A_31 = arith.index_cast %scan3A_19 : i32 to index
      %swap3A_32 = arith.constant 64 : index
      %swap3A_33 = tpu.vector_load %arg14[%swap3A_31, %swap3A_32] {strides = array<i32>} : memref<16x128xf32, #tpu.memory_space<vmem>>, vector<16xf32>,
      tpu.vector_store %arg14[%swap3A_31, %swap3A_32], %broadcast_in_dim3A_1 {strides = array<i32>} : memref<16x128xf32, #tpu.memory_space<vmem>>, vector<16xf32>,
      %swap3A_34 = arith.index_cast %scan3A_19 : i32 to index
      %swap3A_35 = arith.constant 80 : index
      %swap3A_36 = tpu.vector_load %arg14[%swap3A_34, %swap3A_35] {strides = array<i32>} : memref<16x128xf32, #tpu.memory_space<vmem>>, vector<16xf32>,
      tpu.vector_store %arg14[%swap3A_34, %swap3A_35], %broadcast_in_dim3A_1 {strides = array<i32>} : memref<16x128xf32, #tpu.memory_space<vmem>>, vector<16xf32>,
      %swap3A_37 = arith.index_cast %scan3A_19 : i32 to index
      %swap3A_38 = arith.constant 96 : index
      %swap3A_39 = tpu.vector_load %arg14[%swap3A_37, %swap3A_38] {strides = array<i32>} : memref<16x128xf32, #tpu.memory_space<vmem>>, vector<16xf32>,
      tpu.vector_store %arg14[%swap3A_37, %swap3A_38], %broadcast_in_dim3A_1 {strides = array<i32>} : memref<16x128xf32, #tpu.memory_space<vmem>>, vector<16xf32>,
      %swap3A_40 = arith.index_cast %scan3A_19 : i32 to index
      %swap3A_41 = arith.constant 112 : index
      %swap3A_42 = tpu.vector_load %arg14[%swap3A_40, %swap3A_41] {strides = array<i32>} : memref<16x128xf32, #tpu.memory_space<vmem>>, vector<16xf32>,
      tpu.vector_store %arg14[%swap3A_40, %swap3A_41], %broadcast_in_dim3A_1 {strides = array<i32>} : memref<16x128xf32, #tpu.memory_space<vmem>>, vector<16xf32>,
    }
    %scan3A_6 = arith.constant 16 : i32
    %scan3A_7 = arith.constant 0 : i32
    %scan3A_8 = arith.constant 0 : i32
    %scan3A_9 = arith.constant 40 : i32
    %scan3A_10 = arith.addi %scan3A_8, %scan3A_9 : i32
    %scan3A_11 = arith.constant 1 : i32
    scf.for %scan3A_19 = %scan3A_8 to %scan3A_10 step %scan3A_11  : i32 {
      %mul3A_20 = arith.constant 16 : i32
      %mul3A_21 = arith.muli %scan3A_19, %mul3A_20 : i32
      %add3A = arith.addi %mul3A_0, %mul3A_21 : i32
      "tpu.region"() ({
        %run_scoped3A = tpu.sem_alloc : memref<!tpu.dma_semaphore, #tpu.memory_space<semaphore_mem>>
        %dma_start3A = arith.constant 0 : i32
        %dma_start3A_31 = arith.constant 0 : i32
        %dma_start3A_32 = tpu.memref_slice %arg2[%arg0, %dma_start3A, %dma_start3A_31] : memref<2x10240x128xf32, #tpu.memory_space<hbm>> -> memref<1x10240x128xf32, #tpu.memory_space<hbm>>
        %dma_start3A_33 = tpu.memref_squeeze %dma_start3A_32 : memref<1x10240x128xf32, #tpu.memory_space<hbm>> -> memref<10240x128xf32, #tpu.memory_space<hbm>>
        %dma_start3A_34 = arith.constant 0 : i32
        %dma_start3A_35 = tpu.memref_slice %dma_start3A_33[%add3A, %dma_start3A_34] : memref<10240x128xf32, #tpu.memory_space<hbm>> -> memref<16x128xf32, #tpu.memory_space<hbm>>
        %dma_start3A_36 = arith.constant 0 : i32
        %dma_start3A_37 = arith.constant 0 : i32
        %dma_start3A_38 = tpu.memref_slice %arg2[%arg0, %dma_start3A_36, %dma_start3A_37] : memref<2x10240x128xf32, #tpu.memory_space<hbm>> -> memref<1x10240x128xf32, #tpu.memory_space<hbm>>
        %dma_start3A_39 = tpu.memref_squeeze %dma_start3A_38 : memref<1x10240x128xf32, #tpu.memory_space<hbm>> -> memref<10240x128xf32, #tpu.memory_space<hbm>>
        %dma_start3A_40 = arith.constant 0 : i32
        %dma_start3A_41 = tpu.memref_slice %dma_start3A_39[%add3A, %dma_start3A_40] : memref<10240x128xf32, #tpu.memory_space<hbm>> -> memref<16x128xf32, #tpu.memory_space<hbm>>
        tpu.enqueue_dma source(%dma_start3A_41 : memref<16x128xf32, #tpu.memory_space<hbm>>) target(%arg12 : memref<16x128xf32, #tpu.memory_space<vmem>>) target_semaphore(%run_scoped3A : memref<!tpu.dma_semaphore, #tpu.memory_space<semaphore_mem>>)
        %dma_wait3A = arith.constant 0 : i32
        %dma_wait3A_42 = arith.constant 0 : i32
        %dma_wait3A_43 = tpu.memref_slice %arg2[%arg0, %dma_wait3A, %dma_wait3A_42] : memref<2x10240x128xf32, #tpu.memory_space<hbm>> -> memref<1x10240x128xf32, #tpu.memory_space<hbm>>
        %dma_wait3A_44 = tpu.memref_squeeze %dma_wait3A_43 : memref<1x10240x128xf32, #tpu.memory_space<hbm>> -> memref<10240x128xf32, #tpu.memory_space<hbm>>
        %dma_wait3A_45 = arith.constant 0 : i32
        %dma_wait3A_46 = tpu.memref_slice %dma_wait3A_44[%add3A, %dma_wait3A_45] : memref<10240x128xf32, #tpu.memory_space<hbm>> -> memref<16x128xf32, #tpu.memory_space<hbm>>
        %dma_wait3A_47 = arith.constant 0 : i32
        %dma_wait3A_48 = arith.constant 0 : i32
        %dma_wait3A_49 = tpu.memref_slice %arg2[%arg0, %dma_wait3A_47, %dma_wait3A_48] : memref<2x10240x128xf32, #tpu.memory_space<hbm>> -> memref<1x10240x128xf32, #tpu.memory_space<hbm>>
        %dma_wait3A_50 = tpu.memref_squeeze %dma_wait3A_49 : memref<1x10240x128xf32, #tpu.memory_space<hbm>> -> memref<10240x128xf32, #tpu.memory_space<hbm>>
        %dma_wait3A_51 = arith.constant 0 : i32
        %dma_wait3A_52 = tpu.memref_slice %dma_wait3A_50[%add3A, %dma_wait3A_51] : memref<10240x128xf32, #tpu.memory_space<hbm>> -> memref<16x128xf32, #tpu.memory_space<hbm>>
        tpu.wait_dma2 semaphore(%run_scoped3A : memref<!tpu.dma_semaphore, #tpu.memory_space<semaphore_mem>>) src(%dma_wait3A_52 : memref<16x128xf32, #tpu.memory_space<hbm>>) dst(%arg12 : memref<16x128xf32, #tpu.memory_space<vmem>>)
        tpu.yield
      }) : () -> ()
      %scan3A_22 = arith.constant 0 : i32
      %scan3A_23 = arith.constant 0 : i32
      %scan3A_24 = arith.constant 16 : i32
      %scan3A_25 = arith.addi %scan3A_23, %scan3A_24 : i32
      %scan3A_26 = arith.constant 1 : i32
      scf.for %scan3A_31 = %scan3A_23 to %scan3A_25 step %scan3A_26  : i32 {
        %mul3A_32 = arith.constant 16 : i32
        %mul3A_33 = arith.muli %scan3A_19, %mul3A_32 : i32
        %add3A_34 = arith.addi %mul3A_33, %scan3A_31 : i32
        %broadcast_in_dim3A_35 = vector.broadcast %add3A_34 : i32 to vector<16xi32>
        %gather3A = tpu.vector_load_idx %arg16[%broadcast_in_dim3A_35] : memref<640xf32, #tpu.memory_space<vmem>>[vector<16xi32>], vector<16xf32>,
        %get3A = arith.index_cast %scan3A_31 : i32 to index
        %get3A_36 = arith.constant 0 : index
        %get3A_37 = tpu.vector_load %arg12[%get3A, %get3A_36] {strides = array<i32>} : memref<16x128xf32, #tpu.memory_space<vmem>>, vector<16xf32>,
        %mul3A_38 = arith.mulf %get3A_37, %gather3A : vector<16xf32>
        %swap3A = arith.index_cast %scan3A_31 : i32 to index
        %swap3A_39 = arith.constant 0 : index
        %swap3A_40 = tpu.vector_load %arg12[%swap3A, %swap3A_39] {strides = array<i32>} : memref<16x128xf32, #tpu.memory_space<vmem>>, vector<16xf32>,
        tpu.vector_store %arg12[%swap3A, %swap3A_39], %mul3A_38 {strides = array<i32>} : memref<16x128xf32, #tpu.memory_space<vmem>>, vector<16xf32>,
        %get3A_41 = arith.index_cast %scan3A_31 : i32 to index
        %get3A_42 = arith.constant 16 : index
        %get3A_43 = tpu.vector_load %arg12[%get3A_41, %get3A_42] {strides = array<i32>} : memref<16x128xf32, #tpu.memory_space<vmem>>, vector<16xf32>,
        %mul3A_44 = arith.mulf %get3A_43, %gather3A : vector<16xf32>
        %swap3A_45 = arith.index_cast %scan3A_31 : i32 to index
        %swap3A_46 = arith.constant 16 : index
        %swap3A_47 = tpu.vector_load %arg12[%swap3A_45, %swap3A_46] {strides = array<i32>} : memref<16x128xf32, #tpu.memory_space<vmem>>, vector<16xf32>,
        tpu.vector_store %arg12[%swap3A_45, %swap3A_46], %mul3A_44 {strides = array<i32>} : memref<16x128xf32, #tpu.memory_space<vmem>>, vector<16xf32>,
        %get3A_48 = arith.index_cast %scan3A_31 : i32 to index
        %get3A_49 = arith.constant 32 : index
        %get3A_50 = tpu.vector_load %arg12[%get3A_48, %get3A_49] {strides = array<i32>} : memref<16x128xf32, #tpu.memory_space<vmem>>, vector<16xf32>,
        %mul3A_51 = arith.mulf %get3A_50, %gather3A : vector<16xf32>
        %swap3A_52 = arith.index_cast %scan3A_31 : i32 to index
        %swap3A_53 = arith.constant 32 : index
        %swap3A_54 = tpu.vector_load %arg12[%swap3A_52, %swap3A_53] {strides = array<i32>} : memref<16x128xf32, #tpu.memory_space<vmem>>, vector<16xf32>,
        tpu.vector_store %arg12[%swap3A_52, %swap3A_53], %mul3A_51 {strides = array<i32>} : memref<16x128xf32, #tpu.memory_space<vmem>>, vector<16xf32>,
        %get3A_55 = arith.index_cast %scan3A_31 : i32 to index
        %get3A_56 = arith.constant 48 : index
        %get3A_57 = tpu.vector_load %arg12[%get3A_55, %get3A_56] {strides = array<i32>} : memref<16x128xf32, #tpu.memory_space<vmem>>, vector<16xf32>,
        %mul3A_58 = arith.mulf %get3A_57, %gather3A : vector<16xf32>
        %swap3A_59 = arith.index_cast %scan3A_31 : i32 to index
        %swap3A_60 = arith.constant 48 : index
        %swap3A_61 = tpu.vector_load %arg12[%swap3A_59, %swap3A_60] {strides = array<i32>} : memref<16x128xf32, #tpu.memory_space<vmem>>, vector<16xf32>,
        tpu.vector_store %arg12[%swap3A_59, %swap3A_60], %mul3A_58 {strides = array<i32>} : memref<16x128xf32, #tpu.memory_space<vmem>>, vector<16xf32>,
        %get3A_62 = arith.index_cast %scan3A_31 : i32 to index
        %get3A_63 = arith.constant 64 : index
        %get3A_64 = tpu.vector_load %arg12[%get3A_62, %get3A_63] {strides = array<i32>} : memref<16x128xf32, #tpu.memory_space<vmem>>, vector<16xf32>,
        %mul3A_65 = arith.mulf %get3A_64, %gather3A : vector<16xf32>
        %swap3A_66 = arith.index_cast %scan3A_31 : i32 to index
        %swap3A_67 = arith.constant 64 : index
        %swap3A_68 = tpu.vector_load %arg12[%swap3A_66, %swap3A_67] {strides = array<i32>} : memref<16x128xf32, #tpu.memory_space<vmem>>, vector<16xf32>,
        tpu.vector_store %arg12[%swap3A_66, %swap3A_67], %mul3A_65 {strides = array<i32>} : memref<16x128xf32, #tpu.memory_space<vmem>>, vector<16xf32>,
        %get3A_69 = arith.index_cast %scan3A_31 : i32 to index
        %get3A_70 = arith.constant 80 : index
        %get3A_71 = tpu.vector_load %arg12[%get3A_69, %get3A_70] {strides = array<i32>} : memref<16x128xf32, #tpu.memory_space<vmem>>, vector<16xf32>,
        %mul3A_72 = arith.mulf %get3A_71, %gather3A : vector<16xf32>
        %swap3A_73 = arith.index_cast %scan3A_31 : i32 to index
        %swap3A_74 = arith.constant 80 : index
        %swap3A_75 = tpu.vector_load %arg12[%swap3A_73, %swap3A_74] {strides = array<i32>} : memref<16x128xf32, #tpu.memory_space<vmem>>, vector<16xf32>,
        tpu.vector_store %arg12[%swap3A_73, %swap3A_74], %mul3A_72 {strides = array<i32>} : memref<16x128xf32, #tpu.memory_space<vmem>>, vector<16xf32>,
        %get3A_76 = arith.index_cast %scan3A_31 : i32 to index
        %get3A_77 = arith.constant 96 : index
        %get3A_78 = tpu.vector_load %arg12[%get3A_76, %get3A_77] {strides = array<i32>} : memref<16x128xf32, #tpu.memory_space<vmem>>, vector<16xf32>,
        %mul3A_79 = arith.mulf %get3A_78, %gather3A : vector<16xf32>
        %swap3A_80 = arith.index_cast %scan3A_31 : i32 to index
        %swap3A_81 = arith.constant 96 : index
        %swap3A_82 = tpu.vector_load %arg12[%swap3A_80, %swap3A_81] {strides = array<i32>} : memref<16x128xf32, #tpu.memory_space<vmem>>, vector<16xf32>,
        tpu.vector_store %arg12[%swap3A_80, %swap3A_81], %mul3A_79 {strides = array<i32>} : memref<16x128xf32, #tpu.memory_space<vmem>>, vector<16xf32>,
        %get3A_83 = arith.index_cast %scan3A_31 : i32 to index
        %get3A_84 = arith.constant 112 : index
        %get3A_85 = tpu.vector_load %arg12[%get3A_83, %get3A_84] {strides = array<i32>} : memref<16x128xf32, #tpu.memory_space<vmem>>, vector<16xf32>,
        %mul3A_86 = arith.mulf %get3A_85, %gather3A : vector<16xf32>
        %swap3A_87 = arith.index_cast %scan3A_31 : i32 to index
        %swap3A_88 = arith.constant 112 : index
        %swap3A_89 = tpu.vector_load %arg12[%swap3A_87, %swap3A_88] {strides = array<i32>} : memref<16x128xf32, #tpu.memory_space<vmem>>, vector<16xf32>,
        tpu.vector_store %arg12[%swap3A_87, %swap3A_88], %mul3A_86 {strides = array<i32>} : memref<16x128xf32, #tpu.memory_space<vmem>>, vector<16xf32>,
      }
      %scan3A_27 = arith.constant 16 : i32
      %mul3A_28 = arith.constant 10240 : i32
      %mul3A_29 = arith.muli %arg0, %mul3A_28 : i32
      %add3A_30 = arith.addi %mul3A_29, %add3A : i32
      "tpu.region"() ({
        %run_scoped3A = tpu.sem_alloc : memref<!tpu.dma_semaphore, #tpu.memory_space<semaphore_mem>>
        %dma_start3A = arith.constant 0 : i32
        %dma_start3A_31 = tpu.memref_slice %arg7[%add3A_30, %dma_start3A] : memref<143360x128xf32, #tpu.memory_space<hbm>> -> memref<16x128xf32, #tpu.memory_space<hbm>>
        %dma_start3A_32 = arith.constant 0 : i32
        %dma_start3A_33 = tpu.memref_slice %arg7[%add3A_30, %dma_start3A_32] : memref<143360x128xf32, #tpu.memory_space<hbm>> -> memref<16x128xf32, #tpu.memory_space<hbm>>
        tpu.enqueue_dma source(%arg12 : memref<16x128xf32, #tpu.memory_space<vmem>>) target(%dma_start3A_33 : memref<16x128xf32, #tpu.memory_space<hbm>>) target_semaphore(%run_scoped3A : memref<!tpu.dma_semaphore, #tpu.memory_space<semaphore_mem>>)
        %dma_wait3A = arith.constant 0 : i32
        %dma_wait3A_34 = tpu.memref_slice %arg7[%add3A_30, %dma_wait3A] : memref<143360x128xf32, #tpu.memory_space<hbm>> -> memref<16x128xf32, #tpu.memory_space<hbm>>
        %dma_wait3A_35 = arith.constant 0 : i32
        %dma_wait3A_36 = tpu.memref_slice %arg7[%add3A_30, %dma_wait3A_35] : memref<143360x128xf32, #tpu.memory_space<hbm>> -> memref<16x128xf32, #tpu.memory_space<hbm>>
        tpu.wait_dma2 semaphore(%run_scoped3A : memref<!tpu.dma_semaphore, #tpu.memory_space<semaphore_mem>>) src(%arg12 : memref<16x128xf32, #tpu.memory_space<vmem>>) dst(%dma_wait3A_36 : memref<16x128xf32, #tpu.memory_space<hbm>>)
        tpu.yield
      }) : () -> ()
      "tpu.region"() ({
        %run_scoped3A = tpu.sem_alloc : memref<!tpu.dma_semaphore, #tpu.memory_space<semaphore_mem>>
        %dma_start3A = arith.constant 0 : i32
        %dma_start3A_31 = tpu.memref_slice %arg17[%add3A, %dma_start3A] : memref<10240x128xf32, #tpu.memory_space<vmem_shared>> -> memref<16x128xf32, #tpu.memory_space<vmem_shared>>
        %dma_start3A_32 = arith.constant 0 : i32
        %dma_start3A_33 = tpu.memref_slice %arg17[%add3A, %dma_start3A_32] : memref<10240x128xf32, #tpu.memory_space<vmem_shared>> -> memref<16x128xf32, #tpu.memory_space<vmem_shared>>
        tpu.enqueue_dma source(%arg14 : memref<16x128xf32, #tpu.memory_space<vmem>>) target(%dma_start3A_33 : memref<16x128xf32, #tpu.memory_space<vmem_shared>>) target_semaphore(%run_scoped3A : memref<!tpu.dma_semaphore, #tpu.memory_space<semaphore_mem>>)
        %dma_wait3A = arith.constant 0 : i32
        %dma_wait3A_34 = tpu.memref_slice %arg17[%add3A, %dma_wait3A] : memref<10240x128xf32, #tpu.memory_space<vmem_shared>> -> memref<16x128xf32, #tpu.memory_space<vmem_shared>>
        %dma_wait3A_35 = arith.constant 0 : i32
        %dma_wait3A_36 = tpu.memref_slice %arg17[%add3A, %dma_wait3A_35] : memref<10240x128xf32, #tpu.memory_space<vmem_shared>> -> memref<16x128xf32, #tpu.memory_space<vmem_shared>>
        tpu.wait_dma2 semaphore(%run_scoped3A : memref<!tpu.dma_semaphore, #tpu.memory_space<semaphore_mem>>) src(%arg14 : memref<16x128xf32, #tpu.memory_space<vmem>>) dst(%dma_wait3A_36 : memref<16x128xf32, #tpu.memory_space<vmem_shared>>)
        tpu.yield
      }) : () -> ()
    }
    %scan3A_12 = arith.constant 40 : i32
    %barrier3A = arith.constant 0 : index
    tpu.barrier barrier_id(%barrier3A)
    %scan3A_13 = arith.constant 0 : i32
    %scan3A_14 = arith.constant 1 : i32
    %scan3A_15 = arith.constant 6 : i32
    %scan3A_16 = arith.addi %scan3A_14, %scan3A_15 : i32
    %scan3A_17 = arith.constant 1 : i32
    scf.for %scan3A_19 = %scan3A_14 to %scan3A_16 step %scan3A_17  : i32 {
      %sub3A = arith.constant 1 : i32
      %sub3A_20 = arith.subi %scan3A_19, %sub3A : i32
      %mul3A_21 = arith.constant 2 : i32
      %mul3A_22 = arith.muli %sub3A_20, %mul3A_21 : i32
      %add3A = arith.addi %mul3A_22, %arg0 : i32
      %mul3A_23 = arith.constant 10240 : i32
      %mul3A_24 = arith.muli %add3A, %mul3A_23 : i32
      %mul3A_25 = arith.constant 2 : i32
      %mul3A_26 = arith.muli %scan3A_19, %mul3A_25 : i32
      %add3A_27 = arith.addi %mul3A_26, %arg0 : i32
      %mul3A_28 = arith.constant 10240 : i32
      %mul3A_29 = arith.muli %add3A_27, %mul3A_28 : i32
      %scan3A_30 = arith.constant 0 : i32
      %scan3A_31 = arith.constant 0 : i32
      %scan3A_32 = arith.constant 79 : i32
      %scan3A_33 = arith.addi %scan3A_31, %scan3A_32 : i32
      %scan3A_34 = arith.constant 1 : i32
      scf.for %scan3A_44 = %scan3A_31 to %scan3A_33 step %scan3A_34  : i32 {
        %scan3A_45 = arith.constant 0 : i32
        %scan3A_46 = arith.constant 0 : i32
        %scan3A_47 = arith.constant 8 : i32
        %scan3A_48 = arith.addi %scan3A_46, %scan3A_47 : i32
        %scan3A_49 = arith.constant 1 : i32
        scf.for %scan3A_55 = %scan3A_46 to %scan3A_48 step %scan3A_49  : i32 {
          %mul3A_56 = arith.constant 16 : i32
          %mul3A_57 = arith.muli %scan3A_55, %mul3A_56 : i32
          %get3A = arith.index_cast %scan3A_44 : i32 to index
          %get3A_58 = arith.index_cast %mul3A_57 : i32 to index
          %get3A_59 = tpu.vector_load %arg8[%get3A, %get3A_58] {strides = array<i32>} : memref<79x128xi32, #tpu.memory_space<vmem>>, vector<16xi32>,
          %add3A_60 = vector.broadcast %mul3A_24 : i32 to vector<16xi32>
          %add3A_61 = arith.addi %get3A_59, %add3A_60 : vector<16xi32>
          %mul3A_62 = arith.constant 16 : i32
          %mul3A_63 = arith.muli %scan3A_55, %mul3A_62 : i32
          %swap3A = arith.index_cast %mul3A_63 : i32 to index
          %swap3A_64 = tpu.vector_load %arg10[%swap3A] {strides = array<i32>} : memref<128xi32, #tpu.memory_space<vmem>>, vector<16xi32>,
          tpu.vector_store %arg10[%swap3A], %add3A_61 {strides = array<i32>} : memref<128xi32, #tpu.memory_space<vmem>>, vector<16xi32>,
        }
        %scan3A_50 = arith.constant 8 : i32
        %dma_start3A = arith.constant 0 : i32
        %dma_start3A_51 = arith.constant 0 : i32
        %dma_start3A_52 = tpu.memref_slice %arg7[%dma_start3A, %dma_start3A_51] : memref<143360x128xf32, #tpu.memory_space<hbm>> -> memref<143360x128xf32, #tpu.memory_space<hbm>>
        tpu.enqueue_indirect_dma source(%dma_start3A_52 : memref<143360x128xf32, #tpu.memory_space<hbm>>) target(%arg11 : memref<128x128xf32, #tpu.memory_space<vmem>>) offsets(%arg10 : memref<128xi32, #tpu.memory_space<vmem>>) semaphore(%arg18 : memref<!tpu.dma_semaphore, #tpu.memory_space<semaphore_mem>>)
        %dma_wait3A = arith.constant 0 : i32
        %dma_wait3A_53 = arith.constant 0 : i32
        %dma_wait3A_54 = tpu.memref_slice %arg7[%dma_wait3A, %dma_wait3A_53] : memref<143360x128xf32, #tpu.memory_space<hbm>> -> memref<143360x128xf32, #tpu.memory_space<hbm>>
        tpu.wait_indirect_dma semaphore(%arg18 : memref<!tpu.dma_semaphore, #tpu.memory_space<semaphore_mem>>) src(%dma_wait3A_54 : memref<143360x128xf32, #tpu.memory_space<hbm>>) dst(%arg11 : memref<128x128xf32, #tpu.memory_space<vmem>>)
        "tpu.region"() ({
          %run_scoped3A = tpu.sem_alloc : memref<!tpu.dma_semaphore, #tpu.memory_space<semaphore_mem>>
          %dma_start3A_55 = arith.constant 0 : i32
          %dma_start3A_56 = tpu.memref_slice %arg9[%scan3A_44, %dma_start3A_55] : memref<79x128xi32, #tpu.memory_space<vmem>> -> memref<1x128xi32, #tpu.memory_space<vmem>>
          %dma_start3A_57 = tpu.memref_squeeze %dma_start3A_56 : memref<1x128xi32, #tpu.memory_space<vmem>> -> memref<128xi32, #tpu.memory_space<vmem>>
          %dma_start3A_58 = arith.constant 0 : i32
          %dma_start3A_59 = arith.constant 0 : i32
          %dma_start3A_60 = tpu.memref_slice %arg17[%dma_start3A_58, %dma_start3A_59] : memref<10240x128xf32, #tpu.memory_space<vmem_shared>> -> memref<10240x128xf32, #tpu.memory_space<vmem_shared>>
          tpu.enqueue_indirect_dma source(%arg11 : memref<128x128xf32, #tpu.memory_space<vmem>>) target(%dma_start3A_60 : memref<10240x128xf32, #tpu.memory_space<vmem_shared>>) offsets(%dma_start3A_57 : memref<128xi32, #tpu.memory_space<vmem>>) semaphore(%run_scoped3A : memref<!tpu.dma_semaphore, #tpu.memory_space<semaphore_mem>>) {add = true}
          %dma_wait3A_61 = arith.constant 0 : i32
          %dma_wait3A_62 = tpu.memref_slice %arg9[%scan3A_44, %dma_wait3A_61] : memref<79x128xi32, #tpu.memory_space<vmem>> -> memref<1x128xi32, #tpu.memory_space<vmem>>
          %dma_wait3A_63 = tpu.memref_squeeze %dma_wait3A_62 : memref<1x128xi32, #tpu.memory_space<vmem>> -> memref<128xi32, #tpu.memory_space<vmem>>
          %dma_wait3A_64 = arith.constant 0 : i32
          %dma_wait3A_65 = arith.constant 0 : i32
          %dma_wait3A_66 = tpu.memref_slice %arg17[%dma_wait3A_64, %dma_wait3A_65] : memref<10240x128xf32, #tpu.memory_space<vmem_shared>> -> memref<10240x128xf32, #tpu.memory_space<vmem_shared>>
          tpu.wait_indirect_dma semaphore(%run_scoped3A : memref<!tpu.dma_semaphore, #tpu.memory_space<semaphore_mem>>) src(%arg11 : memref<128x128xf32, #tpu.memory_space<vmem>>) dst(%dma_wait3A_66 : memref<10240x128xf32, #tpu.memory_space<vmem_shared>>)
          tpu.yield
        }) : () -> ()
      }
      %scan3A_35 = arith.constant 79 : i32
      %barrier3A_36 = arith.constant 0 : index
      tpu.barrier barrier_id(%barrier3A_36)
      %scan3A_37 = arith.constant 0 : i32
      %scan3A_38 = arith.constant 0 : i32
      %scan3A_39 = arith.constant 40 : i32
      %scan3A_40 = arith.addi %scan3A_38, %scan3A_39 : i32
      %scan3A_41 = arith.constant 1 : i32
      scf.for %scan3A_44 = %scan3A_38 to %scan3A_40 step %scan3A_41  : i32 {
        %mul3A_45 = arith.constant 16 : i32
        %mul3A_46 = arith.muli %scan3A_44, %mul3A_45 : i32
        %add3A_47 = arith.addi %mul3A_0, %mul3A_46 : i32
        %add3A_48 = arith.addi %mul3A_24, %add3A_47 : i32
        "tpu.region"() ({
          %run_scoped3A = tpu.sem_alloc : memref<!tpu.dma_semaphore, #tpu.memory_space<semaphore_mem>>
          %dma_start3A = arith.constant 0 : i32
          %dma_start3A_56 = tpu.memref_slice %arg7[%add3A_48, %dma_start3A] : memref<143360x128xf32, #tpu.memory_space<hbm>> -> memref<16x128xf32, #tpu.memory_space<hbm>>
          %dma_start3A_57 = arith.constant 0 : i32
          %dma_start3A_58 = tpu.memref_slice %arg7[%add3A_48, %dma_start3A_57] : memref<143360x128xf32, #tpu.memory_space<hbm>> -> memref<16x128xf32, #tpu.memory_space<hbm>>
          tpu.enqueue_dma source(%dma_start3A_58 : memref<16x128xf32, #tpu.memory_space<hbm>>) target(%arg12 : memref<16x128xf32, #tpu.memory_space<vmem>>) target_semaphore(%run_scoped3A : memref<!tpu.dma_semaphore, #tpu.memory_space<semaphore_mem>>)
          %dma_wait3A = arith.constant 0 : i32
          %dma_wait3A_59 = tpu.memref_slice %arg7[%add3A_48, %dma_wait3A] : memref<143360x128xf32, #tpu.memory_space<hbm>> -> memref<16x128xf32, #tpu.memory_space<hbm>>
          %dma_wait3A_60 = arith.constant 0 : i32
          %dma_wait3A_61 = tpu.memref_slice %arg7[%add3A_48, %dma_wait3A_60] : memref<143360x128xf32, #tpu.memory_space<hbm>> -> memref<16x128xf32, #tpu.memory_space<hbm>>
          tpu.wait_dma2 semaphore(%run_scoped3A : memref<!tpu.dma_semaphore, #tpu.memory_space<semaphore_mem>>) src(%dma_wait3A_61 : memref<16x128xf32, #tpu.memory_space<hbm>>) dst(%arg12 : memref<16x128xf32, #tpu.memory_space<vmem>>)
          tpu.yield
        }) : () -> ()
        "tpu.region"() ({
          %run_scoped3A = tpu.sem_alloc : memref<!tpu.dma_semaphore, #tpu.memory_space<semaphore_mem>>
          %dma_start3A = arith.constant 0 : i32
          %dma_start3A_56 = tpu.memref_slice %arg17[%add3A_47, %dma_start3A] : memref<10240x128xf32, #tpu.memory_space<vmem_shared>> -> memref<16x128xf32, #tpu.memory_space<vmem_shared>>
          %dma_start3A_57 = arith.constant 0 : i32
          %dma_start3A_58 = tpu.memref_slice %arg17[%add3A_47, %dma_start3A_57] : memref<10240x128xf32, #tpu.memory_space<vmem_shared>> -> memref<16x128xf32, #tpu.memory_space<vmem_shared>>
          tpu.enqueue_dma source(%dma_start3A_58 : memref<16x128xf32, #tpu.memory_space<vmem_shared>>) target(%arg13 : memref<16x128xf32, #tpu.memory_space<vmem>>) target_semaphore(%run_scoped3A : memref<!tpu.dma_semaphore, #tpu.memory_space<semaphore_mem>>)
          %dma_wait3A = arith.constant 0 : i32
          %dma_wait3A_59 = tpu.memref_slice %arg17[%add3A_47, %dma_wait3A] : memref<10240x128xf32, #tpu.memory_space<vmem_shared>> -> memref<16x128xf32, #tpu.memory_space<vmem_shared>>
          %dma_wait3A_60 = arith.constant 0 : i32
          %dma_wait3A_61 = tpu.memref_slice %arg17[%add3A_47, %dma_wait3A_60] : memref<10240x128xf32, #tpu.memory_space<vmem_shared>> -> memref<16x128xf32, #tpu.memory_space<vmem_shared>>
          tpu.wait_dma2 semaphore(%run_scoped3A : memref<!tpu.dma_semaphore, #tpu.memory_space<semaphore_mem>>) src(%dma_wait3A_61 : memref<16x128xf32, #tpu.memory_space<vmem_shared>>) dst(%arg13 : memref<16x128xf32, #tpu.memory_space<vmem>>)
          tpu.yield
        }) : () -> ()
        "tpu.region"() ({
          %run_scoped3A = tpu.sem_alloc : memref<!tpu.dma_semaphore, #tpu.memory_space<semaphore_mem>>
          %dma_start3A = arith.constant 0 : i32
          %dma_start3A_56 = tpu.memref_slice %arg17[%add3A_47, %dma_start3A] : memref<10240x128xf32, #tpu.memory_space<vmem_shared>> -> memref<16x128xf32, #tpu.memory_space<vmem_shared>>
          %dma_start3A_57 = arith.constant 0 : i32
          %dma_start3A_58 = tpu.memref_slice %arg17[%add3A_47, %dma_start3A_57] : memref<10240x128xf32, #tpu.memory_space<vmem_shared>> -> memref<16x128xf32, #tpu.memory_space<vmem_shared>>
          tpu.enqueue_dma source(%arg14 : memref<16x128xf32, #tpu.memory_space<vmem>>) target(%dma_start3A_58 : memref<16x128xf32, #tpu.memory_space<vmem_shared>>) target_semaphore(%run_scoped3A : memref<!tpu.dma_semaphore, #tpu.memory_space<semaphore_mem>>)
          %dma_wait3A = arith.constant 0 : i32
          %dma_wait3A_59 = tpu.memref_slice %arg17[%add3A_47, %dma_wait3A] : memref<10240x128xf32, #tpu.memory_space<vmem_shared>> -> memref<16x128xf32, #tpu.memory_space<vmem_shared>>
          %dma_wait3A_60 = arith.constant 0 : i32
          %dma_wait3A_61 = tpu.memref_slice %arg17[%add3A_47, %dma_wait3A_60] : memref<10240x128xf32, #tpu.memory_space<vmem_shared>> -> memref<16x128xf32, #tpu.memory_space<vmem_shared>>
          tpu.wait_dma2 semaphore(%run_scoped3A : memref<!tpu.dma_semaphore, #tpu.memory_space<semaphore_mem>>) src(%arg14 : memref<16x128xf32, #tpu.memory_space<vmem>>) dst(%dma_wait3A_61 : memref<16x128xf32, #tpu.memory_space<vmem_shared>>)
          tpu.yield
        }) : () -> ()
        %scan3A_49 = arith.constant 0 : i32
        %scan3A_50 = arith.constant 0 : i32
        %scan3A_51 = arith.constant 16 : i32
        %scan3A_52 = arith.addi %scan3A_50, %scan3A_51 : i32
        %scan3A_53 = arith.constant 1 : i32
        scf.for %scan3A_56 = %scan3A_50 to %scan3A_52 step %scan3A_53  : i32 {
          %mul3A_57 = arith.constant 16 : i32
          %mul3A_58 = arith.muli %scan3A_44, %mul3A_57 : i32
          %add3A_59 = arith.addi %mul3A_58, %scan3A_56 : i32
          %broadcast_in_dim3A_60 = vector.broadcast %add3A_59 : i32 to vector<16xi32>
          %gather3A = tpu.vector_load_idx %arg15[%broadcast_in_dim3A_60] : memref<640xf32, #tpu.memory_space<vmem>>[vector<16xi32>], vector<16xf32>,
          %get3A = arith.index_cast %scan3A_56 : i32 to index
          %get3A_61 = arith.constant 0 : index
          %get3A_62 = tpu.vector_load %arg12[%get3A, %get3A_61] {strides = array<i32>} : memref<16x128xf32, #tpu.memory_space<vmem>>, vector<16xf32>,
          %get3A_63 = arith.index_cast %scan3A_56 : i32 to index
          %get3A_64 = arith.constant 0 : index
          %get3A_65 = tpu.vector_load %arg13[%get3A_63, %get3A_64] {strides = array<i32>} : memref<16x128xf32, #tpu.memory_space<vmem>>, vector<16xf32>,
          %mul3A_66 = arith.mulf %gather3A, %get3A_65 : vector<16xf32>
          %sub3A_67 = arith.subf %get3A_62, %mul3A_66 : vector<16xf32>
          %swap3A = arith.index_cast %scan3A_56 : i32 to index
          %swap3A_68 = arith.constant 0 : index
          %swap3A_69 = tpu.vector_load %arg12[%swap3A, %swap3A_68] {strides = array<i32>} : memref<16x128xf32, #tpu.memory_space<vmem>>, vector<16xf32>,
          tpu.vector_store %arg12[%swap3A, %swap3A_68], %sub3A_67 {strides = array<i32>} : memref<16x128xf32, #tpu.memory_space<vmem>>, vector<16xf32>,
          %get3A_70 = arith.index_cast %scan3A_56 : i32 to index
          %get3A_71 = arith.constant 16 : index
          %get3A_72 = tpu.vector_load %arg12[%get3A_70, %get3A_71] {strides = array<i32>} : memref<16x128xf32, #tpu.memory_space<vmem>>, vector<16xf32>,
          %get3A_73 = arith.index_cast %scan3A_56 : i32 to index
          %get3A_74 = arith.constant 16 : index
          %get3A_75 = tpu.vector_load %arg13[%get3A_73, %get3A_74] {strides = array<i32>} : memref<16x128xf32, #tpu.memory_space<vmem>>, vector<16xf32>,
          %mul3A_76 = arith.mulf %gather3A, %get3A_75 : vector<16xf32>
          %sub3A_77 = arith.subf %get3A_72, %mul3A_76 : vector<16xf32>
          %swap3A_78 = arith.index_cast %scan3A_56 : i32 to index
          %swap3A_79 = arith.constant 16 : index
          %swap3A_80 = tpu.vector_load %arg12[%swap3A_78, %swap3A_79] {strides = array<i32>} : memref<16x128xf32, #tpu.memory_space<vmem>>, vector<16xf32>,
          tpu.vector_store %arg12[%swap3A_78, %swap3A_79], %sub3A_77 {strides = array<i32>} : memref<16x128xf32, #tpu.memory_space<vmem>>, vector<16xf32>,
          %get3A_81 = arith.index_cast %scan3A_56 : i32 to index
          %get3A_82 = arith.constant 32 : index
          %get3A_83 = tpu.vector_load %arg12[%get3A_81, %get3A_82] {strides = array<i32>} : memref<16x128xf32, #tpu.memory_space<vmem>>, vector<16xf32>,
          %get3A_84 = arith.index_cast %scan3A_56 : i32 to index
          %get3A_85 = arith.constant 32 : index
          %get3A_86 = tpu.vector_load %arg13[%get3A_84, %get3A_85] {strides = array<i32>} : memref<16x128xf32, #tpu.memory_space<vmem>>, vector<16xf32>,
          %mul3A_87 = arith.mulf %gather3A, %get3A_86 : vector<16xf32>
          %sub3A_88 = arith.subf %get3A_83, %mul3A_87 : vector<16xf32>
          %swap3A_89 = arith.index_cast %scan3A_56 : i32 to index
          %swap3A_90 = arith.constant 32 : index
          %swap3A_91 = tpu.vector_load %arg12[%swap3A_89, %swap3A_90] {strides = array<i32>} : memref<16x128xf32, #tpu.memory_space<vmem>>, vector<16xf32>,
          tpu.vector_store %arg12[%swap3A_89, %swap3A_90], %sub3A_88 {strides = array<i32>} : memref<16x128xf32, #tpu.memory_space<vmem>>, vector<16xf32>,
          %get3A_92 = arith.index_cast %scan3A_56 : i32 to index
          %get3A_93 = arith.constant 48 : index
          %get3A_94 = tpu.vector_load %arg12[%get3A_92, %get3A_93] {strides = array<i32>} : memref<16x128xf32, #tpu.memory_space<vmem>>, vector<16xf32>,
          %get3A_95 = arith.index_cast %scan3A_56 : i32 to index
          %get3A_96 = arith.constant 48 : index
          %get3A_97 = tpu.vector_load %arg13[%get3A_95, %get3A_96] {strides = array<i32>} : memref<16x128xf32, #tpu.memory_space<vmem>>, vector<16xf32>,
          %mul3A_98 = arith.mulf %gather3A, %get3A_97 : vector<16xf32>
          %sub3A_99 = arith.subf %get3A_94, %mul3A_98 : vector<16xf32>
          %swap3A_100 = arith.index_cast %scan3A_56 : i32 to index
          %swap3A_101 = arith.constant 48 : index
          %swap3A_102 = tpu.vector_load %arg12[%swap3A_100, %swap3A_101] {strides = array<i32>} : memref<16x128xf32, #tpu.memory_space<vmem>>, vector<16xf32>,
          tpu.vector_store %arg12[%swap3A_100, %swap3A_101], %sub3A_99 {strides = array<i32>} : memref<16x128xf32, #tpu.memory_space<vmem>>, vector<16xf32>,
          %get3A_103 = arith.index_cast %scan3A_56 : i32 to index
          %get3A_104 = arith.constant 64 : index
          %get3A_105 = tpu.vector_load %arg12[%get3A_103, %get3A_104] {strides = array<i32>} : memref<16x128xf32, #tpu.memory_space<vmem>>, vector<16xf32>,
          %get3A_106 = arith.index_cast %scan3A_56 : i32 to index
          %get3A_107 = arith.constant 64 : index
          %get3A_108 = tpu.vector_load %arg13[%get3A_106, %get3A_107] {strides = array<i32>} : memref<16x128xf32, #tpu.memory_space<vmem>>, vector<16xf32>,
          %mul3A_109 = arith.mulf %gather3A, %get3A_108 : vector<16xf32>
          %sub3A_110 = arith.subf %get3A_105, %mul3A_109 : vector<16xf32>
          %swap3A_111 = arith.index_cast %scan3A_56 : i32 to index
          %swap3A_112 = arith.constant 64 : index
          %swap3A_113 = tpu.vector_load %arg12[%swap3A_111, %swap3A_112] {strides = array<i32>} : memref<16x128xf32, #tpu.memory_space<vmem>>, vector<16xf32>,
          tpu.vector_store %arg12[%swap3A_111, %swap3A_112], %sub3A_110 {strides = array<i32>} : memref<16x128xf32, #tpu.memory_space<vmem>>, vector<16xf32>,
          %get3A_114 = arith.index_cast %scan3A_56 : i32 to index
          %get3A_115 = arith.constant 80 : index
          %get3A_116 = tpu.vector_load %arg12[%get3A_114, %get3A_115] {strides = array<i32>} : memref<16x128xf32, #tpu.memory_space<vmem>>, vector<16xf32>,
          %get3A_117 = arith.index_cast %scan3A_56 : i32 to index
          %get3A_118 = arith.constant 80 : index
          %get3A_119 = tpu.vector_load %arg13[%get3A_117, %get3A_118] {strides = array<i32>} : memref<16x128xf32, #tpu.memory_space<vmem>>, vector<16xf32>,
          %mul3A_120 = arith.mulf %gather3A, %get3A_119 : vector<16xf32>
          %sub3A_121 = arith.subf %get3A_116, %mul3A_120 : vector<16xf32>
          %swap3A_122 = arith.index_cast %scan3A_56 : i32 to index
          %swap3A_123 = arith.constant 80 : index
          %swap3A_124 = tpu.vector_load %arg12[%swap3A_122, %swap3A_123] {strides = array<i32>} : memref<16x128xf32, #tpu.memory_space<vmem>>, vector<16xf32>,
          tpu.vector_store %arg12[%swap3A_122, %swap3A_123], %sub3A_121 {strides = array<i32>} : memref<16x128xf32, #tpu.memory_space<vmem>>, vector<16xf32>,
          %get3A_125 = arith.index_cast %scan3A_56 : i32 to index
          %get3A_126 = arith.constant 96 : index
          %get3A_127 = tpu.vector_load %arg12[%get3A_125, %get3A_126] {strides = array<i32>} : memref<16x128xf32, #tpu.memory_space<vmem>>, vector<16xf32>,
          %get3A_128 = arith.index_cast %scan3A_56 : i32 to index
          %get3A_129 = arith.constant 96 : index
          %get3A_130 = tpu.vector_load %arg13[%get3A_128, %get3A_129] {strides = array<i32>} : memref<16x128xf32, #tpu.memory_space<vmem>>, vector<16xf32>,
          %mul3A_131 = arith.mulf %gather3A, %get3A_130 : vector<16xf32>
          %sub3A_132 = arith.subf %get3A_127, %mul3A_131 : vector<16xf32>
          %swap3A_133 = arith.index_cast %scan3A_56 : i32 to index
          %swap3A_134 = arith.constant 96 : index
          %swap3A_135 = tpu.vector_load %arg12[%swap3A_133, %swap3A_134] {strides = array<i32>} : memref<16x128xf32, #tpu.memory_space<vmem>>, vector<16xf32>,
          tpu.vector_store %arg12[%swap3A_133, %swap3A_134], %sub3A_132 {strides = array<i32>} : memref<16x128xf32, #tpu.memory_space<vmem>>, vector<16xf32>,
          %get3A_136 = arith.index_cast %scan3A_56 : i32 to index
          %get3A_137 = arith.constant 112 : index
          %get3A_138 = tpu.vector_load %arg12[%get3A_136, %get3A_137] {strides = array<i32>} : memref<16x128xf32, #tpu.memory_space<vmem>>, vector<16xf32>,
          %get3A_139 = arith.index_cast %scan3A_56 : i32 to index
          %get3A_140 = arith.constant 112 : index
          %get3A_141 = tpu.vector_load %arg13[%get3A_139, %get3A_140] {strides = array<i32>} : memref<16x128xf32, #tpu.memory_space<vmem>>, vector<16xf32>,
          %mul3A_142 = arith.mulf %gather3A, %get3A_141 : vector<16xf32>
          %sub3A_143 = arith.subf %get3A_138, %mul3A_142 : vector<16xf32>
          %swap3A_144 = arith.index_cast %scan3A_56 : i32 to index
          %swap3A_145 = arith.constant 112 : index
          %swap3A_146 = tpu.vector_load %arg12[%swap3A_144, %swap3A_145] {strides = array<i32>} : memref<16x128xf32, #tpu.memory_space<vmem>>, vector<16xf32>,
          tpu.vector_store %arg12[%swap3A_144, %swap3A_145], %sub3A_143 {strides = array<i32>} : memref<16x128xf32, #tpu.memory_space<vmem>>, vector<16xf32>,
        }
        %scan3A_54 = arith.constant 16 : i32
        %add3A_55 = arith.addi %mul3A_29, %add3A_47 : i32
        "tpu.region"() ({
          %run_scoped3A = tpu.sem_alloc : memref<!tpu.dma_semaphore, #tpu.memory_space<semaphore_mem>>
          %dma_start3A = arith.constant 0 : i32
          %dma_start3A_56 = tpu.memref_slice %arg7[%add3A_55, %dma_start3A] : memref<143360x128xf32, #tpu.memory_space<hbm>> -> memref<16x128xf32, #tpu.memory_space<hbm>>
          %dma_start3A_57 = arith.constant 0 : i32
          %dma_start3A_58 = tpu.memref_slice %arg7[%add3A_55, %dma_start3A_57] : memref<143360x128xf32, #tpu.memory_space<hbm>> -> memref<16x128xf32, #tpu.memory_space<hbm>>
          tpu.enqueue_dma source(%arg12 : memref<16x128xf32, #tpu.memory_space<vmem>>) target(%dma_start3A_58 : memref<16x128xf32, #tpu.memory_space<hbm>>) target_semaphore(%run_scoped3A : memref<!tpu.dma_semaphore, #tpu.memory_space<semaphore_mem>>)
          %dma_wait3A = arith.constant 0 : i32
          %dma_wait3A_59 = tpu.memref_slice %arg7[%add3A_55, %dma_wait3A] : memref<143360x128xf32, #tpu.memory_space<hbm>> -> memref<16x128xf32, #tpu.memory_space<hbm>>
          %dma_wait3A_60 = arith.constant 0 : i32
          %dma_wait3A_61 = tpu.memref_slice %arg7[%add3A_55, %dma_wait3A_60] : memref<143360x128xf32, #tpu.memory_space<hbm>> -> memref<16x128xf32, #tpu.memory_space<hbm>>
          tpu.wait_dma2 semaphore(%run_scoped3A : memref<!tpu.dma_semaphore, #tpu.memory_space<semaphore_mem>>) src(%arg12 : memref<16x128xf32, #tpu.memory_space<vmem>>) dst(%dma_wait3A_61 : memref<16x128xf32, #tpu.memory_space<hbm>>)
          tpu.yield
        }) : () -> ()
      }
      %scan3A_42 = arith.constant 40 : i32
      %barrier3A_43 = arith.constant 0 : index
      tpu.barrier barrier_id(%barrier3A_43)
    }
    %scan3A_18 = arith.constant 6 : i32
    return
  }
}

#map = affine_map<(d0, d1) -> (0, 0, 0)>
#map1 = affine_map<(d0, d1) -> (0)>
#map2 = affine_map<(d0, d1) -> (0, 0)>
module attributes {stable_mosaic.version = 14 : i64} {
  func.func @_chain(%arg0: i32, %arg1: i32, %arg2: memref<2x10240x128xf32, #tpu.memory_space<hbm>>, %arg3: memref<10240xf32, #tpu.memory_space<hbm>>, %arg4: memref<10240xf32, #tpu.memory_space<hbm>>, %arg5: memref<16x79x128xi32, #tpu.memory_space<hbm>>, %arg6: memref<16x79x128xi32, #tpu.memory_space<hbm>>, %arg7: memref<266240x128xf32, #tpu.memory_space<hbm>>, %arg8: memref<79x128xi32, #tpu.memory_space<vmem>>, %arg9: memref<79x128xi32, #tpu.memory_space<vmem>>, %arg10: memref<128xi32, #tpu.memory_space<vmem>>, %arg11: memref<128x128xf32, #tpu.memory_space<vmem>>, %arg12: memref<16x128xf32, #tpu.memory_space<vmem>>, %arg13: memref<16x128xf32, #tpu.memory_space<vmem>>, %arg14: memref<16x128xf32, #tpu.memory_space<vmem>>, %arg15: memref<640xf32, #tpu.memory_space<vmem>>, %arg16: memref<640xf32, #tpu.memory_space<vmem>>, %arg17: memref<10240x128xf32, #tpu.memory_space<vmem_shared>>, %arg18: memref<!tpu.dma_semaphore, #tpu.memory_space<semaphore_mem>>) attributes {dimension_semantics = [#tpu.dimension_semantics<core_parallel>, #tpu.dimension_semantics<subcore_parallel>], iteration_bounds = array<i64: 2, 16>, scalar_prefetch = 0 : i64, scratch_operands = 11 : i64, tpu.core_type = #tpu.core_type<sc_vector_subcore>, window_params = [{transform_indices = #map}, {transform_indices = #map1}, {transform_indices = #map1}, {transform_indices = #map}, {transform_indices = #map}, {transform_indices = #map2}]} {
    %mul3A = arith.constant 640 : i32
    %mul3A_0 = arith.muli %arg1, %mul3A : i32
    "tpu.region"() ({
      %run_scoped3A = tpu.sem_alloc : memref<!tpu.dma_semaphore, #tpu.memory_space<semaphore_mem>>
      %dma_start3A = arith.constant 0 : i32
      %dma_start3A_19 = arith.constant 0 : i32
      %dma_start3A_20 = tpu.memref_slice %arg5[%arg1, %dma_start3A, %dma_start3A_19] : memref<16x79x128xi32, #tpu.memory_space<hbm>> -> memref<1x79x128xi32, #tpu.memory_space<hbm>>
      %dma_start3A_21 = tpu.memref_squeeze %dma_start3A_20 : memref<1x79x128xi32, #tpu.memory_space<hbm>> -> memref<79x128xi32, #tpu.memory_space<hbm>>
      %dma_start3A_22 = arith.constant 0 : i32
      %dma_start3A_23 = arith.constant 0 : i32
      %dma_start3A_24 = tpu.memref_slice %arg5[%arg1, %dma_start3A_22, %dma_start3A_23] : memref<16x79x128xi32, #tpu.memory_space<hbm>> -> memref<1x79x128xi32, #tpu.memory_space<hbm>>
      %dma_start3A_25 = tpu.memref_squeeze %dma_start3A_24 : memref<1x79x128xi32, #tpu.memory_space<hbm>> -> memref<79x128xi32, #tpu.memory_space<hbm>>
      tpu.enqueue_dma source(%dma_start3A_25 : memref<79x128xi32, #tpu.memory_space<hbm>>) target(%arg8 : memref<79x128xi32, #tpu.memory_space<vmem>>) target_semaphore(%run_scoped3A : memref<!tpu.dma_semaphore, #tpu.memory_space<semaphore_mem>>)
      %dma_wait3A = arith.constant 0 : i32
      %dma_wait3A_26 = arith.constant 0 : i32
      %dma_wait3A_27 = tpu.memref_slice %arg5[%arg1, %dma_wait3A, %dma_wait3A_26] : memref<16x79x128xi32, #tpu.memory_space<hbm>> -> memref<1x79x128xi32, #tpu.memory_space<hbm>>
      %dma_wait3A_28 = tpu.memref_squeeze %dma_wait3A_27 : memref<1x79x128xi32, #tpu.memory_space<hbm>> -> memref<79x128xi32, #tpu.memory_space<hbm>>
      %dma_wait3A_29 = arith.constant 0 : i32
      %dma_wait3A_30 = arith.constant 0 : i32
      %dma_wait3A_31 = tpu.memref_slice %arg5[%arg1, %dma_wait3A_29, %dma_wait3A_30] : memref<16x79x128xi32, #tpu.memory_space<hbm>> -> memref<1x79x128xi32, #tpu.memory_space<hbm>>
      %dma_wait3A_32 = tpu.memref_squeeze %dma_wait3A_31 : memref<1x79x128xi32, #tpu.memory_space<hbm>> -> memref<79x128xi32, #tpu.memory_space<hbm>>
      tpu.wait_dma2 semaphore(%run_scoped3A : memref<!tpu.dma_semaphore, #tpu.memory_space<semaphore_mem>>) src(%dma_wait3A_32 : memref<79x128xi32, #tpu.memory_space<hbm>>) dst(%arg8 : memref<79x128xi32, #tpu.memory_space<vmem>>)
      tpu.yield
    }) : () -> ()
    "tpu.region"() ({
      %run_scoped3A = tpu.sem_alloc : memref<!tpu.dma_semaphore, #tpu.memory_space<semaphore_mem>>
      %dma_start3A = arith.constant 0 : i32
      %dma_start3A_19 = arith.constant 0 : i32
      %dma_start3A_20 = tpu.memref_slice %arg6[%arg1, %dma_start3A, %dma_start3A_19] : memref<16x79x128xi32, #tpu.memory_space<hbm>> -> memref<1x79x128xi32, #tpu.memory_space<hbm>>
      %dma_start3A_21 = tpu.memref_squeeze %dma_start3A_20 : memref<1x79x128xi32, #tpu.memory_space<hbm>> -> memref<79x128xi32, #tpu.memory_space<hbm>>
      %dma_start3A_22 = arith.constant 0 : i32
      %dma_start3A_23 = arith.constant 0 : i32
      %dma_start3A_24 = tpu.memref_slice %arg6[%arg1, %dma_start3A_22, %dma_start3A_23] : memref<16x79x128xi32, #tpu.memory_space<hbm>> -> memref<1x79x128xi32, #tpu.memory_space<hbm>>
      %dma_start3A_25 = tpu.memref_squeeze %dma_start3A_24 : memref<1x79x128xi32, #tpu.memory_space<hbm>> -> memref<79x128xi32, #tpu.memory_space<hbm>>
      tpu.enqueue_dma source(%dma_start3A_25 : memref<79x128xi32, #tpu.memory_space<hbm>>) target(%arg9 : memref<79x128xi32, #tpu.memory_space<vmem>>) target_semaphore(%run_scoped3A : memref<!tpu.dma_semaphore, #tpu.memory_space<semaphore_mem>>)
      %dma_wait3A = arith.constant 0 : i32
      %dma_wait3A_26 = arith.constant 0 : i32
      %dma_wait3A_27 = tpu.memref_slice %arg6[%arg1, %dma_wait3A, %dma_wait3A_26] : memref<16x79x128xi32, #tpu.memory_space<hbm>> -> memref<1x79x128xi32, #tpu.memory_space<hbm>>
      %dma_wait3A_28 = tpu.memref_squeeze %dma_wait3A_27 : memref<1x79x128xi32, #tpu.memory_space<hbm>> -> memref<79x128xi32, #tpu.memory_space<hbm>>
      %dma_wait3A_29 = arith.constant 0 : i32
      %dma_wait3A_30 = arith.constant 0 : i32
      %dma_wait3A_31 = tpu.memref_slice %arg6[%arg1, %dma_wait3A_29, %dma_wait3A_30] : memref<16x79x128xi32, #tpu.memory_space<hbm>> -> memref<1x79x128xi32, #tpu.memory_space<hbm>>
      %dma_wait3A_32 = tpu.memref_squeeze %dma_wait3A_31 : memref<1x79x128xi32, #tpu.memory_space<hbm>> -> memref<79x128xi32, #tpu.memory_space<hbm>>
      tpu.wait_dma2 semaphore(%run_scoped3A : memref<!tpu.dma_semaphore, #tpu.memory_space<semaphore_mem>>) src(%dma_wait3A_32 : memref<79x128xi32, #tpu.memory_space<hbm>>) dst(%arg9 : memref<79x128xi32, #tpu.memory_space<vmem>>)
      tpu.yield
    }) : () -> ()
    "tpu.region"() ({
      %run_scoped3A = tpu.sem_alloc : memref<!tpu.dma_semaphore, #tpu.memory_space<semaphore_mem>>
      %dma_start3A = tpu.memref_slice %arg4[%mul3A_0] : memref<10240xf32, #tpu.memory_space<hbm>> -> memref<640xf32, #tpu.memory_space<hbm>>
      %dma_start3A_19 = tpu.memref_slice %arg4[%mul3A_0] : memref<10240xf32, #tpu.memory_space<hbm>> -> memref<640xf32, #tpu.memory_space<hbm>>
      tpu.enqueue_dma source(%dma_start3A_19 : memref<640xf32, #tpu.memory_space<hbm>>) target(%arg15 : memref<640xf32, #tpu.memory_space<vmem>>) target_semaphore(%run_scoped3A : memref<!tpu.dma_semaphore, #tpu.memory_space<semaphore_mem>>)
      %dma_wait3A = tpu.memref_slice %arg4[%mul3A_0] : memref<10240xf32, #tpu.memory_space<hbm>> -> memref<640xf32, #tpu.memory_space<hbm>>
      %dma_wait3A_20 = tpu.memref_slice %arg4[%mul3A_0] : memref<10240xf32, #tpu.memory_space<hbm>> -> memref<640xf32, #tpu.memory_space<hbm>>
      tpu.wait_dma2 semaphore(%run_scoped3A : memref<!tpu.dma_semaphore, #tpu.memory_space<semaphore_mem>>) src(%dma_wait3A_20 : memref<640xf32, #tpu.memory_space<hbm>>) dst(%arg15 : memref<640xf32, #tpu.memory_space<vmem>>)
      tpu.yield
    }) : () -> ()
    "tpu.region"() ({
      %run_scoped3A = tpu.sem_alloc : memref<!tpu.dma_semaphore, #tpu.memory_space<semaphore_mem>>
      %dma_start3A = tpu.memref_slice %arg3[%mul3A_0] : memref<10240xf32, #tpu.memory_space<hbm>> -> memref<640xf32, #tpu.memory_space<hbm>>
      %dma_start3A_19 = tpu.memref_slice %arg3[%mul3A_0] : memref<10240xf32, #tpu.memory_space<hbm>> -> memref<640xf32, #tpu.memory_space<hbm>>
      tpu.enqueue_dma source(%dma_start3A_19 : memref<640xf32, #tpu.memory_space<hbm>>) target(%arg16 : memref<640xf32, #tpu.memory_space<vmem>>) target_semaphore(%run_scoped3A : memref<!tpu.dma_semaphore, #tpu.memory_space<semaphore_mem>>)
      %dma_wait3A = tpu.memref_slice %arg3[%mul3A_0] : memref<10240xf32, #tpu.memory_space<hbm>> -> memref<640xf32, #tpu.memory_space<hbm>>
      %dma_wait3A_20 = tpu.memref_slice %arg3[%mul3A_0] : memref<10240xf32, #tpu.memory_space<hbm>> -> memref<640xf32, #tpu.memory_space<hbm>>
      tpu.wait_dma2 semaphore(%run_scoped3A : memref<!tpu.dma_semaphore, #tpu.memory_space<semaphore_mem>>) src(%dma_wait3A_20 : memref<640xf32, #tpu.memory_space<hbm>>) dst(%arg16 : memref<640xf32, #tpu.memory_space<vmem>>)
      tpu.yield
    }) : () -> ()
    %broadcast_in_dim3A = arith.constant 0.000000e+00 : f32
    %broadcast_in_dim3A_1 = vector.broadcast %broadcast_in_dim3A : f32 to vector<16xf32>
    %scan3A = arith.constant 0 : i32
    %scan3A_2 = arith.constant 0 : i32
    %scan3A_3 = arith.constant 16 : i32
    %scan3A_4 = arith.addi %scan3A_2, %scan3A_3 : i32
    %scan3A_5 = arith.constant 1 : i32
    scf.for %scan3A_19 = %scan3A_2 to %scan3A_4 step %scan3A_5  : i32 {
      %swap3A = arith.index_cast %scan3A_19 : i32 to index
      %swap3A_20 = arith.constant 0 : index
      %swap3A_21 = tpu.vector_load %arg14[%swap3A, %swap3A_20] {strides = array<i32>} : memref<16x128xf32, #tpu.memory_space<vmem>>, vector<16xf32>,
      tpu.vector_store %arg14[%swap3A, %swap3A_20], %broadcast_in_dim3A_1 {strides = array<i32>} : memref<16x128xf32, #tpu.memory_space<vmem>>, vector<16xf32>,
      %swap3A_22 = arith.index_cast %scan3A_19 : i32 to index
      %swap3A_23 = arith.constant 16 : index
      %swap3A_24 = tpu.vector_load %arg14[%swap3A_22, %swap3A_23] {strides = array<i32>} : memref<16x128xf32, #tpu.memory_space<vmem>>, vector<16xf32>,
      tpu.vector_store %arg14[%swap3A_22, %swap3A_23], %broadcast_in_dim3A_1 {strides = array<i32>} : memref<16x128xf32, #tpu.memory_space<vmem>>, vector<16xf32>,
      %swap3A_25 = arith.index_cast %scan3A_19 : i32 to index
      %swap3A_26 = arith.constant 32 : index
      %swap3A_27 = tpu.vector_load %arg14[%swap3A_25, %swap3A_26] {strides = array<i32>} : memref<16x128xf32, #tpu.memory_space<vmem>>, vector<16xf32>,
      tpu.vector_store %arg14[%swap3A_25, %swap3A_26], %broadcast_in_dim3A_1 {strides = array<i32>} : memref<16x128xf32, #tpu.memory_space<vmem>>, vector<16xf32>,
      %swap3A_28 = arith.index_cast %scan3A_19 : i32 to index
      %swap3A_29 = arith.constant 48 : index
      %swap3A_30 = tpu.vector_load %arg14[%swap3A_28, %swap3A_29] {strides = array<i32>} : memref<16x128xf32, #tpu.memory_space<vmem>>, vector<16xf32>,
      tpu.vector_store %arg14[%swap3A_28, %swap3A_29], %broadcast_in_dim3A_1 {strides = array<i32>} : memref<16x128xf32, #tpu.memory_space<vmem>>, vector<16xf32>,
      %swap3A_31 = arith.index_cast %scan3A_19 : i32 to index
      %swap3A_32 = arith.constant 64 : index
      %swap3A_33 = tpu.vector_load %arg14[%swap3A_31, %swap3A_32] {strides = array<i32>} : memref<16x128xf32, #tpu.memory_space<vmem>>, vector<16xf32>,
      tpu.vector_store %arg14[%swap3A_31, %swap3A_32], %broadcast_in_dim3A_1 {strides = array<i32>} : memref<16x128xf32, #tpu.memory_space<vmem>>, vector<16xf32>,
      %swap3A_34 = arith.index_cast %scan3A_19 : i32 to index
      %swap3A_35 = arith.constant 80 : index
      %swap3A_36 = tpu.vector_load %arg14[%swap3A_34, %swap3A_35] {strides = array<i32>} : memref<16x128xf32, #tpu.memory_space<vmem>>, vector<16xf32>,
      tpu.vector_store %arg14[%swap3A_34, %swap3A_35], %broadcast_in_dim3A_1 {strides = array<i32>} : memref<16x128xf32, #tpu.memory_space<vmem>>, vector<16xf32>,
      %swap3A_37 = arith.index_cast %scan3A_19 : i32 to index
      %swap3A_38 = arith.constant 96 : index
      %swap3A_39 = tpu.vector_load %arg14[%swap3A_37, %swap3A_38] {strides = array<i32>} : memref<16x128xf32, #tpu.memory_space<vmem>>, vector<16xf32>,
      tpu.vector_store %arg14[%swap3A_37, %swap3A_38], %broadcast_in_dim3A_1 {strides = array<i32>} : memref<16x128xf32, #tpu.memory_space<vmem>>, vector<16xf32>,
      %swap3A_40 = arith.index_cast %scan3A_19 : i32 to index
      %swap3A_41 = arith.constant 112 : index
      %swap3A_42 = tpu.vector_load %arg14[%swap3A_40, %swap3A_41] {strides = array<i32>} : memref<16x128xf32, #tpu.memory_space<vmem>>, vector<16xf32>,
      tpu.vector_store %arg14[%swap3A_40, %swap3A_41], %broadcast_in_dim3A_1 {strides = array<i32>} : memref<16x128xf32, #tpu.memory_space<vmem>>, vector<16xf32>,
    }
    %scan3A_6 = arith.constant 16 : i32
    %scan3A_7 = arith.constant 0 : i32
    %scan3A_8 = arith.constant 0 : i32
    %scan3A_9 = arith.constant 40 : i32
    %scan3A_10 = arith.addi %scan3A_8, %scan3A_9 : i32
    %scan3A_11 = arith.constant 1 : i32
    scf.for %scan3A_19 = %scan3A_8 to %scan3A_10 step %scan3A_11  : i32 {
      %mul3A_20 = arith.constant 16 : i32
      %mul3A_21 = arith.muli %scan3A_19, %mul3A_20 : i32
      %add3A = arith.addi %mul3A_0, %mul3A_21 : i32
      "tpu.region"() ({
        %run_scoped3A = tpu.sem_alloc : memref<!tpu.dma_semaphore, #tpu.memory_space<semaphore_mem>>
        %dma_start3A = arith.constant 0 : i32
        %dma_start3A_31 = arith.constant 0 : i32
        %dma_start3A_32 = tpu.memref_slice %arg2[%arg0, %dma_start3A, %dma_start3A_31] : memref<2x10240x128xf32, #tpu.memory_space<hbm>> -> memref<1x10240x128xf32, #tpu.memory_space<hbm>>
        %dma_start3A_33 = tpu.memref_squeeze %dma_start3A_32 : memref<1x10240x128xf32, #tpu.memory_space<hbm>> -> memref<10240x128xf32, #tpu.memory_space<hbm>>
        %dma_start3A_34 = arith.constant 0 : i32
        %dma_start3A_35 = tpu.memref_slice %dma_start3A_33[%add3A, %dma_start3A_34] : memref<10240x128xf32, #tpu.memory_space<hbm>> -> memref<16x128xf32, #tpu.memory_space<hbm>>
        %dma_start3A_36 = arith.constant 0 : i32
        %dma_start3A_37 = arith.constant 0 : i32
        %dma_start3A_38 = tpu.memref_slice %arg2[%arg0, %dma_start3A_36, %dma_start3A_37] : memref<2x10240x128xf32, #tpu.memory_space<hbm>> -> memref<1x10240x128xf32, #tpu.memory_space<hbm>>
        %dma_start3A_39 = tpu.memref_squeeze %dma_start3A_38 : memref<1x10240x128xf32, #tpu.memory_space<hbm>> -> memref<10240x128xf32, #tpu.memory_space<hbm>>
        %dma_start3A_40 = arith.constant 0 : i32
        %dma_start3A_41 = tpu.memref_slice %dma_start3A_39[%add3A, %dma_start3A_40] : memref<10240x128xf32, #tpu.memory_space<hbm>> -> memref<16x128xf32, #tpu.memory_space<hbm>>
        tpu.enqueue_dma source(%dma_start3A_41 : memref<16x128xf32, #tpu.memory_space<hbm>>) target(%arg12 : memref<16x128xf32, #tpu.memory_space<vmem>>) target_semaphore(%run_scoped3A : memref<!tpu.dma_semaphore, #tpu.memory_space<semaphore_mem>>)
        %dma_wait3A = arith.constant 0 : i32
        %dma_wait3A_42 = arith.constant 0 : i32
        %dma_wait3A_43 = tpu.memref_slice %arg2[%arg0, %dma_wait3A, %dma_wait3A_42] : memref<2x10240x128xf32, #tpu.memory_space<hbm>> -> memref<1x10240x128xf32, #tpu.memory_space<hbm>>
        %dma_wait3A_44 = tpu.memref_squeeze %dma_wait3A_43 : memref<1x10240x128xf32, #tpu.memory_space<hbm>> -> memref<10240x128xf32, #tpu.memory_space<hbm>>
        %dma_wait3A_45 = arith.constant 0 : i32
        %dma_wait3A_46 = tpu.memref_slice %dma_wait3A_44[%add3A, %dma_wait3A_45] : memref<10240x128xf32, #tpu.memory_space<hbm>> -> memref<16x128xf32, #tpu.memory_space<hbm>>
        %dma_wait3A_47 = arith.constant 0 : i32
        %dma_wait3A_48 = arith.constant 0 : i32
        %dma_wait3A_49 = tpu.memref_slice %arg2[%arg0, %dma_wait3A_47, %dma_wait3A_48] : memref<2x10240x128xf32, #tpu.memory_space<hbm>> -> memref<1x10240x128xf32, #tpu.memory_space<hbm>>
        %dma_wait3A_50 = tpu.memref_squeeze %dma_wait3A_49 : memref<1x10240x128xf32, #tpu.memory_space<hbm>> -> memref<10240x128xf32, #tpu.memory_space<hbm>>
        %dma_wait3A_51 = arith.constant 0 : i32
        %dma_wait3A_52 = tpu.memref_slice %dma_wait3A_50[%add3A, %dma_wait3A_51] : memref<10240x128xf32, #tpu.memory_space<hbm>> -> memref<16x128xf32, #tpu.memory_space<hbm>>
        tpu.wait_dma2 semaphore(%run_scoped3A : memref<!tpu.dma_semaphore, #tpu.memory_space<semaphore_mem>>) src(%dma_wait3A_52 : memref<16x128xf32, #tpu.memory_space<hbm>>) dst(%arg12 : memref<16x128xf32, #tpu.memory_space<vmem>>)
        tpu.yield
      }) : () -> ()
      %scan3A_22 = arith.constant 0 : i32
      %scan3A_23 = arith.constant 0 : i32
      %scan3A_24 = arith.constant 16 : i32
      %scan3A_25 = arith.addi %scan3A_23, %scan3A_24 : i32
      %scan3A_26 = arith.constant 1 : i32
      scf.for %scan3A_31 = %scan3A_23 to %scan3A_25 step %scan3A_26  : i32 {
        %mul3A_32 = arith.constant 16 : i32
        %mul3A_33 = arith.muli %scan3A_19, %mul3A_32 : i32
        %add3A_34 = arith.addi %mul3A_33, %scan3A_31 : i32
        %broadcast_in_dim3A_35 = vector.broadcast %add3A_34 : i32 to vector<16xi32>
        %gather3A = tpu.vector_load_idx %arg16[%broadcast_in_dim3A_35] : memref<640xf32, #tpu.memory_space<vmem>>[vector<16xi32>], vector<16xf32>,
        %get3A = arith.index_cast %scan3A_31 : i32 to index
        %get3A_36 = arith.constant 0 : index
        %get3A_37 = tpu.vector_load %arg12[%get3A, %get3A_36] {strides = array<i32>} : memref<16x128xf32, #tpu.memory_space<vmem>>, vector<16xf32>,
        %mul3A_38 = arith.mulf %get3A_37, %gather3A : vector<16xf32>
        %swap3A = arith.index_cast %scan3A_31 : i32 to index
        %swap3A_39 = arith.constant 0 : index
        %swap3A_40 = tpu.vector_load %arg12[%swap3A, %swap3A_39] {strides = array<i32>} : memref<16x128xf32, #tpu.memory_space<vmem>>, vector<16xf32>,
        tpu.vector_store %arg12[%swap3A, %swap3A_39], %mul3A_38 {strides = array<i32>} : memref<16x128xf32, #tpu.memory_space<vmem>>, vector<16xf32>,
        %get3A_41 = arith.index_cast %scan3A_31 : i32 to index
        %get3A_42 = arith.constant 16 : index
        %get3A_43 = tpu.vector_load %arg12[%get3A_41, %get3A_42] {strides = array<i32>} : memref<16x128xf32, #tpu.memory_space<vmem>>, vector<16xf32>,
        %mul3A_44 = arith.mulf %get3A_43, %gather3A : vector<16xf32>
        %swap3A_45 = arith.index_cast %scan3A_31 : i32 to index
        %swap3A_46 = arith.constant 16 : index
        %swap3A_47 = tpu.vector_load %arg12[%swap3A_45, %swap3A_46] {strides = array<i32>} : memref<16x128xf32, #tpu.memory_space<vmem>>, vector<16xf32>,
        tpu.vector_store %arg12[%swap3A_45, %swap3A_46], %mul3A_44 {strides = array<i32>} : memref<16x128xf32, #tpu.memory_space<vmem>>, vector<16xf32>,
        %get3A_48 = arith.index_cast %scan3A_31 : i32 to index
        %get3A_49 = arith.constant 32 : index
        %get3A_50 = tpu.vector_load %arg12[%get3A_48, %get3A_49] {strides = array<i32>} : memref<16x128xf32, #tpu.memory_space<vmem>>, vector<16xf32>,
        %mul3A_51 = arith.mulf %get3A_50, %gather3A : vector<16xf32>
        %swap3A_52 = arith.index_cast %scan3A_31 : i32 to index
        %swap3A_53 = arith.constant 32 : index
        %swap3A_54 = tpu.vector_load %arg12[%swap3A_52, %swap3A_53] {strides = array<i32>} : memref<16x128xf32, #tpu.memory_space<vmem>>, vector<16xf32>,
        tpu.vector_store %arg12[%swap3A_52, %swap3A_53], %mul3A_51 {strides = array<i32>} : memref<16x128xf32, #tpu.memory_space<vmem>>, vector<16xf32>,
        %get3A_55 = arith.index_cast %scan3A_31 : i32 to index
        %get3A_56 = arith.constant 48 : index
        %get3A_57 = tpu.vector_load %arg12[%get3A_55, %get3A_56] {strides = array<i32>} : memref<16x128xf32, #tpu.memory_space<vmem>>, vector<16xf32>,
        %mul3A_58 = arith.mulf %get3A_57, %gather3A : vector<16xf32>
        %swap3A_59 = arith.index_cast %scan3A_31 : i32 to index
        %swap3A_60 = arith.constant 48 : index
        %swap3A_61 = tpu.vector_load %arg12[%swap3A_59, %swap3A_60] {strides = array<i32>} : memref<16x128xf32, #tpu.memory_space<vmem>>, vector<16xf32>,
        tpu.vector_store %arg12[%swap3A_59, %swap3A_60], %mul3A_58 {strides = array<i32>} : memref<16x128xf32, #tpu.memory_space<vmem>>, vector<16xf32>,
        %get3A_62 = arith.index_cast %scan3A_31 : i32 to index
        %get3A_63 = arith.constant 64 : index
        %get3A_64 = tpu.vector_load %arg12[%get3A_62, %get3A_63] {strides = array<i32>} : memref<16x128xf32, #tpu.memory_space<vmem>>, vector<16xf32>,
        %mul3A_65 = arith.mulf %get3A_64, %gather3A : vector<16xf32>
        %swap3A_66 = arith.index_cast %scan3A_31 : i32 to index
        %swap3A_67 = arith.constant 64 : index
        %swap3A_68 = tpu.vector_load %arg12[%swap3A_66, %swap3A_67] {strides = array<i32>} : memref<16x128xf32, #tpu.memory_space<vmem>>, vector<16xf32>,
        tpu.vector_store %arg12[%swap3A_66, %swap3A_67], %mul3A_65 {strides = array<i32>} : memref<16x128xf32, #tpu.memory_space<vmem>>, vector<16xf32>,
        %get3A_69 = arith.index_cast %scan3A_31 : i32 to index
        %get3A_70 = arith.constant 80 : index
        %get3A_71 = tpu.vector_load %arg12[%get3A_69, %get3A_70] {strides = array<i32>} : memref<16x128xf32, #tpu.memory_space<vmem>>, vector<16xf32>,
        %mul3A_72 = arith.mulf %get3A_71, %gather3A : vector<16xf32>
        %swap3A_73 = arith.index_cast %scan3A_31 : i32 to index
        %swap3A_74 = arith.constant 80 : index
        %swap3A_75 = tpu.vector_load %arg12[%swap3A_73, %swap3A_74] {strides = array<i32>} : memref<16x128xf32, #tpu.memory_space<vmem>>, vector<16xf32>,
        tpu.vector_store %arg12[%swap3A_73, %swap3A_74], %mul3A_72 {strides = array<i32>} : memref<16x128xf32, #tpu.memory_space<vmem>>, vector<16xf32>,
        %get3A_76 = arith.index_cast %scan3A_31 : i32 to index
        %get3A_77 = arith.constant 96 : index
        %get3A_78 = tpu.vector_load %arg12[%get3A_76, %get3A_77] {strides = array<i32>} : memref<16x128xf32, #tpu.memory_space<vmem>>, vector<16xf32>,
        %mul3A_79 = arith.mulf %get3A_78, %gather3A : vector<16xf32>
        %swap3A_80 = arith.index_cast %scan3A_31 : i32 to index
        %swap3A_81 = arith.constant 96 : index
        %swap3A_82 = tpu.vector_load %arg12[%swap3A_80, %swap3A_81] {strides = array<i32>} : memref<16x128xf32, #tpu.memory_space<vmem>>, vector<16xf32>,
        tpu.vector_store %arg12[%swap3A_80, %swap3A_81], %mul3A_79 {strides = array<i32>} : memref<16x128xf32, #tpu.memory_space<vmem>>, vector<16xf32>,
        %get3A_83 = arith.index_cast %scan3A_31 : i32 to index
        %get3A_84 = arith.constant 112 : index
        %get3A_85 = tpu.vector_load %arg12[%get3A_83, %get3A_84] {strides = array<i32>} : memref<16x128xf32, #tpu.memory_space<vmem>>, vector<16xf32>,
        %mul3A_86 = arith.mulf %get3A_85, %gather3A : vector<16xf32>
        %swap3A_87 = arith.index_cast %scan3A_31 : i32 to index
        %swap3A_88 = arith.constant 112 : index
        %swap3A_89 = tpu.vector_load %arg12[%swap3A_87, %swap3A_88] {strides = array<i32>} : memref<16x128xf32, #tpu.memory_space<vmem>>, vector<16xf32>,
        tpu.vector_store %arg12[%swap3A_87, %swap3A_88], %mul3A_86 {strides = array<i32>} : memref<16x128xf32, #tpu.memory_space<vmem>>, vector<16xf32>,
      }
      %scan3A_27 = arith.constant 16 : i32
      %mul3A_28 = arith.constant 10240 : i32
      %mul3A_29 = arith.muli %arg0, %mul3A_28 : i32
      %add3A_30 = arith.addi %mul3A_29, %add3A : i32
      "tpu.region"() ({
        %run_scoped3A = tpu.sem_alloc : memref<!tpu.dma_semaphore, #tpu.memory_space<semaphore_mem>>
        %dma_start3A = arith.constant 0 : i32
        %dma_start3A_31 = tpu.memref_slice %arg7[%add3A_30, %dma_start3A] : memref<266240x128xf32, #tpu.memory_space<hbm>> -> memref<16x128xf32, #tpu.memory_space<hbm>>
        %dma_start3A_32 = arith.constant 0 : i32
        %dma_start3A_33 = tpu.memref_slice %arg7[%add3A_30, %dma_start3A_32] : memref<266240x128xf32, #tpu.memory_space<hbm>> -> memref<16x128xf32, #tpu.memory_space<hbm>>
        tpu.enqueue_dma source(%arg12 : memref<16x128xf32, #tpu.memory_space<vmem>>) target(%dma_start3A_33 : memref<16x128xf32, #tpu.memory_space<hbm>>) target_semaphore(%run_scoped3A : memref<!tpu.dma_semaphore, #tpu.memory_space<semaphore_mem>>)
        %dma_wait3A = arith.constant 0 : i32
        %dma_wait3A_34 = tpu.memref_slice %arg7[%add3A_30, %dma_wait3A] : memref<266240x128xf32, #tpu.memory_space<hbm>> -> memref<16x128xf32, #tpu.memory_space<hbm>>
        %dma_wait3A_35 = arith.constant 0 : i32
        %dma_wait3A_36 = tpu.memref_slice %arg7[%add3A_30, %dma_wait3A_35] : memref<266240x128xf32, #tpu.memory_space<hbm>> -> memref<16x128xf32, #tpu.memory_space<hbm>>
        tpu.wait_dma2 semaphore(%run_scoped3A : memref<!tpu.dma_semaphore, #tpu.memory_space<semaphore_mem>>) src(%arg12 : memref<16x128xf32, #tpu.memory_space<vmem>>) dst(%dma_wait3A_36 : memref<16x128xf32, #tpu.memory_space<hbm>>)
        tpu.yield
      }) : () -> ()
      "tpu.region"() ({
        %run_scoped3A = tpu.sem_alloc : memref<!tpu.dma_semaphore, #tpu.memory_space<semaphore_mem>>
        %dma_start3A = arith.constant 0 : i32
        %dma_start3A_31 = tpu.memref_slice %arg17[%add3A, %dma_start3A] : memref<10240x128xf32, #tpu.memory_space<vmem_shared>> -> memref<16x128xf32, #tpu.memory_space<vmem_shared>>
        %dma_start3A_32 = arith.constant 0 : i32
        %dma_start3A_33 = tpu.memref_slice %arg17[%add3A, %dma_start3A_32] : memref<10240x128xf32, #tpu.memory_space<vmem_shared>> -> memref<16x128xf32, #tpu.memory_space<vmem_shared>>
        tpu.enqueue_dma source(%arg14 : memref<16x128xf32, #tpu.memory_space<vmem>>) target(%dma_start3A_33 : memref<16x128xf32, #tpu.memory_space<vmem_shared>>) target_semaphore(%run_scoped3A : memref<!tpu.dma_semaphore, #tpu.memory_space<semaphore_mem>>)
        %dma_wait3A = arith.constant 0 : i32
        %dma_wait3A_34 = tpu.memref_slice %arg17[%add3A, %dma_wait3A] : memref<10240x128xf32, #tpu.memory_space<vmem_shared>> -> memref<16x128xf32, #tpu.memory_space<vmem_shared>>
        %dma_wait3A_35 = arith.constant 0 : i32
        %dma_wait3A_36 = tpu.memref_slice %arg17[%add3A, %dma_wait3A_35] : memref<10240x128xf32, #tpu.memory_space<vmem_shared>> -> memref<16x128xf32, #tpu.memory_space<vmem_shared>>
        tpu.wait_dma2 semaphore(%run_scoped3A : memref<!tpu.dma_semaphore, #tpu.memory_space<semaphore_mem>>) src(%arg14 : memref<16x128xf32, #tpu.memory_space<vmem>>) dst(%dma_wait3A_36 : memref<16x128xf32, #tpu.memory_space<vmem_shared>>)
        tpu.yield
      }) : () -> ()
    }
    %scan3A_12 = arith.constant 40 : i32
    %barrier3A = arith.constant 0 : index
    tpu.barrier barrier_id(%barrier3A)
    %scan3A_13 = arith.constant 0 : i32
    %scan3A_14 = arith.constant 1 : i32
    %scan3A_15 = arith.constant 12 : i32
    %scan3A_16 = arith.addi %scan3A_14, %scan3A_15 : i32
    %scan3A_17 = arith.constant 1 : i32
    scf.for %scan3A_19 = %scan3A_14 to %scan3A_16 step %scan3A_17  : i32 {
      %sub3A = arith.constant 1 : i32
      %sub3A_20 = arith.subi %scan3A_19, %sub3A : i32
      %mul3A_21 = arith.constant 2 : i32
      %mul3A_22 = arith.muli %sub3A_20, %mul3A_21 : i32
      %add3A = arith.addi %mul3A_22, %arg0 : i32
      %mul3A_23 = arith.constant 10240 : i32
      %mul3A_24 = arith.muli %add3A, %mul3A_23 : i32
      %mul3A_25 = arith.constant 2 : i32
      %mul3A_26 = arith.muli %scan3A_19, %mul3A_25 : i32
      %add3A_27 = arith.addi %mul3A_26, %arg0 : i32
      %mul3A_28 = arith.constant 10240 : i32
      %mul3A_29 = arith.muli %add3A_27, %mul3A_28 : i32
      %scan3A_30 = arith.constant 0 : i32
      %scan3A_31 = arith.constant 0 : i32
      %scan3A_32 = arith.constant 79 : i32
      %scan3A_33 = arith.addi %scan3A_31, %scan3A_32 : i32
      %scan3A_34 = arith.constant 1 : i32
      scf.for %scan3A_44 = %scan3A_31 to %scan3A_33 step %scan3A_34  : i32 {
        %scan3A_45 = arith.constant 0 : i32
        %scan3A_46 = arith.constant 0 : i32
        %scan3A_47 = arith.constant 8 : i32
        %scan3A_48 = arith.addi %scan3A_46, %scan3A_47 : i32
        %scan3A_49 = arith.constant 1 : i32
        scf.for %scan3A_55 = %scan3A_46 to %scan3A_48 step %scan3A_49  : i32 {
          %mul3A_56 = arith.constant 16 : i32
          %mul3A_57 = arith.muli %scan3A_55, %mul3A_56 : i32
          %get3A = arith.index_cast %scan3A_44 : i32 to index
          %get3A_58 = arith.index_cast %mul3A_57 : i32 to index
          %get3A_59 = tpu.vector_load %arg8[%get3A, %get3A_58] {strides = array<i32>} : memref<79x128xi32, #tpu.memory_space<vmem>>, vector<16xi32>,
          %add3A_60 = vector.broadcast %mul3A_24 : i32 to vector<16xi32>
          %add3A_61 = arith.addi %get3A_59, %add3A_60 : vector<16xi32>
          %mul3A_62 = arith.constant 16 : i32
          %mul3A_63 = arith.muli %scan3A_55, %mul3A_62 : i32
          %swap3A = arith.index_cast %mul3A_63 : i32 to index
          %swap3A_64 = tpu.vector_load %arg10[%swap3A] {strides = array<i32>} : memref<128xi32, #tpu.memory_space<vmem>>, vector<16xi32>,
          tpu.vector_store %arg10[%swap3A], %add3A_61 {strides = array<i32>} : memref<128xi32, #tpu.memory_space<vmem>>, vector<16xi32>,
        }
        %scan3A_50 = arith.constant 8 : i32
        %dma_start3A = arith.constant 0 : i32
        %dma_start3A_51 = arith.constant 0 : i32
        %dma_start3A_52 = tpu.memref_slice %arg7[%dma_start3A, %dma_start3A_51] : memref<266240x128xf32, #tpu.memory_space<hbm>> -> memref<266240x128xf32, #tpu.memory_space<hbm>>
        tpu.enqueue_indirect_dma source(%dma_start3A_52 : memref<266240x128xf32, #tpu.memory_space<hbm>>) target(%arg11 : memref<128x128xf32, #tpu.memory_space<vmem>>) offsets(%arg10 : memref<128xi32, #tpu.memory_space<vmem>>) semaphore(%arg18 : memref<!tpu.dma_semaphore, #tpu.memory_space<semaphore_mem>>)
        %dma_wait3A = arith.constant 0 : i32
        %dma_wait3A_53 = arith.constant 0 : i32
        %dma_wait3A_54 = tpu.memref_slice %arg7[%dma_wait3A, %dma_wait3A_53] : memref<266240x128xf32, #tpu.memory_space<hbm>> -> memref<266240x128xf32, #tpu.memory_space<hbm>>
        tpu.wait_indirect_dma semaphore(%arg18 : memref<!tpu.dma_semaphore, #tpu.memory_space<semaphore_mem>>) src(%dma_wait3A_54 : memref<266240x128xf32, #tpu.memory_space<hbm>>) dst(%arg11 : memref<128x128xf32, #tpu.memory_space<vmem>>)
        "tpu.region"() ({
          %run_scoped3A = tpu.sem_alloc : memref<!tpu.dma_semaphore, #tpu.memory_space<semaphore_mem>>
          %dma_start3A_55 = arith.constant 0 : i32
          %dma_start3A_56 = tpu.memref_slice %arg9[%scan3A_44, %dma_start3A_55] : memref<79x128xi32, #tpu.memory_space<vmem>> -> memref<1x128xi32, #tpu.memory_space<vmem>>
          %dma_start3A_57 = tpu.memref_squeeze %dma_start3A_56 : memref<1x128xi32, #tpu.memory_space<vmem>> -> memref<128xi32, #tpu.memory_space<vmem>>
          %dma_start3A_58 = arith.constant 0 : i32
          %dma_start3A_59 = arith.constant 0 : i32
          %dma_start3A_60 = tpu.memref_slice %arg17[%dma_start3A_58, %dma_start3A_59] : memref<10240x128xf32, #tpu.memory_space<vmem_shared>> -> memref<10240x128xf32, #tpu.memory_space<vmem_shared>>
          tpu.enqueue_indirect_dma source(%arg11 : memref<128x128xf32, #tpu.memory_space<vmem>>) target(%dma_start3A_60 : memref<10240x128xf32, #tpu.memory_space<vmem_shared>>) offsets(%dma_start3A_57 : memref<128xi32, #tpu.memory_space<vmem>>) semaphore(%run_scoped3A : memref<!tpu.dma_semaphore, #tpu.memory_space<semaphore_mem>>) {add = true}
          %dma_wait3A_61 = arith.constant 0 : i32
          %dma_wait3A_62 = tpu.memref_slice %arg9[%scan3A_44, %dma_wait3A_61] : memref<79x128xi32, #tpu.memory_space<vmem>> -> memref<1x128xi32, #tpu.memory_space<vmem>>
          %dma_wait3A_63 = tpu.memref_squeeze %dma_wait3A_62 : memref<1x128xi32, #tpu.memory_space<vmem>> -> memref<128xi32, #tpu.memory_space<vmem>>
          %dma_wait3A_64 = arith.constant 0 : i32
          %dma_wait3A_65 = arith.constant 0 : i32
          %dma_wait3A_66 = tpu.memref_slice %arg17[%dma_wait3A_64, %dma_wait3A_65] : memref<10240x128xf32, #tpu.memory_space<vmem_shared>> -> memref<10240x128xf32, #tpu.memory_space<vmem_shared>>
          tpu.wait_indirect_dma semaphore(%run_scoped3A : memref<!tpu.dma_semaphore, #tpu.memory_space<semaphore_mem>>) src(%arg11 : memref<128x128xf32, #tpu.memory_space<vmem>>) dst(%dma_wait3A_66 : memref<10240x128xf32, #tpu.memory_space<vmem_shared>>)
          tpu.yield
        }) : () -> ()
      }
      %scan3A_35 = arith.constant 79 : i32
      %barrier3A_36 = arith.constant 0 : index
      tpu.barrier barrier_id(%barrier3A_36)
      %scan3A_37 = arith.constant 0 : i32
      %scan3A_38 = arith.constant 0 : i32
      %scan3A_39 = arith.constant 40 : i32
      %scan3A_40 = arith.addi %scan3A_38, %scan3A_39 : i32
      %scan3A_41 = arith.constant 1 : i32
      scf.for %scan3A_44 = %scan3A_38 to %scan3A_40 step %scan3A_41  : i32 {
        %mul3A_45 = arith.constant 16 : i32
        %mul3A_46 = arith.muli %scan3A_44, %mul3A_45 : i32
        %add3A_47 = arith.addi %mul3A_0, %mul3A_46 : i32
        %add3A_48 = arith.addi %mul3A_24, %add3A_47 : i32
        "tpu.region"() ({
          %run_scoped3A = tpu.sem_alloc : memref<!tpu.dma_semaphore, #tpu.memory_space<semaphore_mem>>
          %dma_start3A = arith.constant 0 : i32
          %dma_start3A_56 = tpu.memref_slice %arg7[%add3A_48, %dma_start3A] : memref<266240x128xf32, #tpu.memory_space<hbm>> -> memref<16x128xf32, #tpu.memory_space<hbm>>
          %dma_start3A_57 = arith.constant 0 : i32
          %dma_start3A_58 = tpu.memref_slice %arg7[%add3A_48, %dma_start3A_57] : memref<266240x128xf32, #tpu.memory_space<hbm>> -> memref<16x128xf32, #tpu.memory_space<hbm>>
          tpu.enqueue_dma source(%dma_start3A_58 : memref<16x128xf32, #tpu.memory_space<hbm>>) target(%arg12 : memref<16x128xf32, #tpu.memory_space<vmem>>) target_semaphore(%run_scoped3A : memref<!tpu.dma_semaphore, #tpu.memory_space<semaphore_mem>>)
          %dma_wait3A = arith.constant 0 : i32
          %dma_wait3A_59 = tpu.memref_slice %arg7[%add3A_48, %dma_wait3A] : memref<266240x128xf32, #tpu.memory_space<hbm>> -> memref<16x128xf32, #tpu.memory_space<hbm>>
          %dma_wait3A_60 = arith.constant 0 : i32
          %dma_wait3A_61 = tpu.memref_slice %arg7[%add3A_48, %dma_wait3A_60] : memref<266240x128xf32, #tpu.memory_space<hbm>> -> memref<16x128xf32, #tpu.memory_space<hbm>>
          tpu.wait_dma2 semaphore(%run_scoped3A : memref<!tpu.dma_semaphore, #tpu.memory_space<semaphore_mem>>) src(%dma_wait3A_61 : memref<16x128xf32, #tpu.memory_space<hbm>>) dst(%arg12 : memref<16x128xf32, #tpu.memory_space<vmem>>)
          tpu.yield
        }) : () -> ()
        "tpu.region"() ({
          %run_scoped3A = tpu.sem_alloc : memref<!tpu.dma_semaphore, #tpu.memory_space<semaphore_mem>>
          %dma_start3A = arith.constant 0 : i32
          %dma_start3A_56 = tpu.memref_slice %arg17[%add3A_47, %dma_start3A] : memref<10240x128xf32, #tpu.memory_space<vmem_shared>> -> memref<16x128xf32, #tpu.memory_space<vmem_shared>>
          %dma_start3A_57 = arith.constant 0 : i32
          %dma_start3A_58 = tpu.memref_slice %arg17[%add3A_47, %dma_start3A_57] : memref<10240x128xf32, #tpu.memory_space<vmem_shared>> -> memref<16x128xf32, #tpu.memory_space<vmem_shared>>
          tpu.enqueue_dma source(%dma_start3A_58 : memref<16x128xf32, #tpu.memory_space<vmem_shared>>) target(%arg13 : memref<16x128xf32, #tpu.memory_space<vmem>>) target_semaphore(%run_scoped3A : memref<!tpu.dma_semaphore, #tpu.memory_space<semaphore_mem>>)
          %dma_wait3A = arith.constant 0 : i32
          %dma_wait3A_59 = tpu.memref_slice %arg17[%add3A_47, %dma_wait3A] : memref<10240x128xf32, #tpu.memory_space<vmem_shared>> -> memref<16x128xf32, #tpu.memory_space<vmem_shared>>
          %dma_wait3A_60 = arith.constant 0 : i32
          %dma_wait3A_61 = tpu.memref_slice %arg17[%add3A_47, %dma_wait3A_60] : memref<10240x128xf32, #tpu.memory_space<vmem_shared>> -> memref<16x128xf32, #tpu.memory_space<vmem_shared>>
          tpu.wait_dma2 semaphore(%run_scoped3A : memref<!tpu.dma_semaphore, #tpu.memory_space<semaphore_mem>>) src(%dma_wait3A_61 : memref<16x128xf32, #tpu.memory_space<vmem_shared>>) dst(%arg13 : memref<16x128xf32, #tpu.memory_space<vmem>>)
          tpu.yield
        }) : () -> ()
        "tpu.region"() ({
          %run_scoped3A = tpu.sem_alloc : memref<!tpu.dma_semaphore, #tpu.memory_space<semaphore_mem>>
          %dma_start3A = arith.constant 0 : i32
          %dma_start3A_56 = tpu.memref_slice %arg17[%add3A_47, %dma_start3A] : memref<10240x128xf32, #tpu.memory_space<vmem_shared>> -> memref<16x128xf32, #tpu.memory_space<vmem_shared>>
          %dma_start3A_57 = arith.constant 0 : i32
          %dma_start3A_58 = tpu.memref_slice %arg17[%add3A_47, %dma_start3A_57] : memref<10240x128xf32, #tpu.memory_space<vmem_shared>> -> memref<16x128xf32, #tpu.memory_space<vmem_shared>>
          tpu.enqueue_dma source(%arg14 : memref<16x128xf32, #tpu.memory_space<vmem>>) target(%dma_start3A_58 : memref<16x128xf32, #tpu.memory_space<vmem_shared>>) target_semaphore(%run_scoped3A : memref<!tpu.dma_semaphore, #tpu.memory_space<semaphore_mem>>)
          %dma_wait3A = arith.constant 0 : i32
          %dma_wait3A_59 = tpu.memref_slice %arg17[%add3A_47, %dma_wait3A] : memref<10240x128xf32, #tpu.memory_space<vmem_shared>> -> memref<16x128xf32, #tpu.memory_space<vmem_shared>>
          %dma_wait3A_60 = arith.constant 0 : i32
          %dma_wait3A_61 = tpu.memref_slice %arg17[%add3A_47, %dma_wait3A_60] : memref<10240x128xf32, #tpu.memory_space<vmem_shared>> -> memref<16x128xf32, #tpu.memory_space<vmem_shared>>
          tpu.wait_dma2 semaphore(%run_scoped3A : memref<!tpu.dma_semaphore, #tpu.memory_space<semaphore_mem>>) src(%arg14 : memref<16x128xf32, #tpu.memory_space<vmem>>) dst(%dma_wait3A_61 : memref<16x128xf32, #tpu.memory_space<vmem_shared>>)
          tpu.yield
        }) : () -> ()
        %scan3A_49 = arith.constant 0 : i32
        %scan3A_50 = arith.constant 0 : i32
        %scan3A_51 = arith.constant 16 : i32
        %scan3A_52 = arith.addi %scan3A_50, %scan3A_51 : i32
        %scan3A_53 = arith.constant 1 : i32
        scf.for %scan3A_56 = %scan3A_50 to %scan3A_52 step %scan3A_53  : i32 {
          %mul3A_57 = arith.constant 16 : i32
          %mul3A_58 = arith.muli %scan3A_44, %mul3A_57 : i32
          %add3A_59 = arith.addi %mul3A_58, %scan3A_56 : i32
          %broadcast_in_dim3A_60 = vector.broadcast %add3A_59 : i32 to vector<16xi32>
          %gather3A = tpu.vector_load_idx %arg15[%broadcast_in_dim3A_60] : memref<640xf32, #tpu.memory_space<vmem>>[vector<16xi32>], vector<16xf32>,
          %get3A = arith.index_cast %scan3A_56 : i32 to index
          %get3A_61 = arith.constant 0 : index
          %get3A_62 = tpu.vector_load %arg12[%get3A, %get3A_61] {strides = array<i32>} : memref<16x128xf32, #tpu.memory_space<vmem>>, vector<16xf32>,
          %get3A_63 = arith.index_cast %scan3A_56 : i32 to index
          %get3A_64 = arith.constant 0 : index
          %get3A_65 = tpu.vector_load %arg13[%get3A_63, %get3A_64] {strides = array<i32>} : memref<16x128xf32, #tpu.memory_space<vmem>>, vector<16xf32>,
          %mul3A_66 = arith.mulf %gather3A, %get3A_65 : vector<16xf32>
          %sub3A_67 = arith.subf %get3A_62, %mul3A_66 : vector<16xf32>
          %swap3A = arith.index_cast %scan3A_56 : i32 to index
          %swap3A_68 = arith.constant 0 : index
          %swap3A_69 = tpu.vector_load %arg12[%swap3A, %swap3A_68] {strides = array<i32>} : memref<16x128xf32, #tpu.memory_space<vmem>>, vector<16xf32>,
          tpu.vector_store %arg12[%swap3A, %swap3A_68], %sub3A_67 {strides = array<i32>} : memref<16x128xf32, #tpu.memory_space<vmem>>, vector<16xf32>,
          %get3A_70 = arith.index_cast %scan3A_56 : i32 to index
          %get3A_71 = arith.constant 16 : index
          %get3A_72 = tpu.vector_load %arg12[%get3A_70, %get3A_71] {strides = array<i32>} : memref<16x128xf32, #tpu.memory_space<vmem>>, vector<16xf32>,
          %get3A_73 = arith.index_cast %scan3A_56 : i32 to index
          %get3A_74 = arith.constant 16 : index
          %get3A_75 = tpu.vector_load %arg13[%get3A_73, %get3A_74] {strides = array<i32>} : memref<16x128xf32, #tpu.memory_space<vmem>>, vector<16xf32>,
          %mul3A_76 = arith.mulf %gather3A, %get3A_75 : vector<16xf32>
          %sub3A_77 = arith.subf %get3A_72, %mul3A_76 : vector<16xf32>
          %swap3A_78 = arith.index_cast %scan3A_56 : i32 to index
          %swap3A_79 = arith.constant 16 : index
          %swap3A_80 = tpu.vector_load %arg12[%swap3A_78, %swap3A_79] {strides = array<i32>} : memref<16x128xf32, #tpu.memory_space<vmem>>, vector<16xf32>,
          tpu.vector_store %arg12[%swap3A_78, %swap3A_79], %sub3A_77 {strides = array<i32>} : memref<16x128xf32, #tpu.memory_space<vmem>>, vector<16xf32>,
          %get3A_81 = arith.index_cast %scan3A_56 : i32 to index
          %get3A_82 = arith.constant 32 : index
          %get3A_83 = tpu.vector_load %arg12[%get3A_81, %get3A_82] {strides = array<i32>} : memref<16x128xf32, #tpu.memory_space<vmem>>, vector<16xf32>,
          %get3A_84 = arith.index_cast %scan3A_56 : i32 to index
          %get3A_85 = arith.constant 32 : index
          %get3A_86 = tpu.vector_load %arg13[%get3A_84, %get3A_85] {strides = array<i32>} : memref<16x128xf32, #tpu.memory_space<vmem>>, vector<16xf32>,
          %mul3A_87 = arith.mulf %gather3A, %get3A_86 : vector<16xf32>
          %sub3A_88 = arith.subf %get3A_83, %mul3A_87 : vector<16xf32>
          %swap3A_89 = arith.index_cast %scan3A_56 : i32 to index
          %swap3A_90 = arith.constant 32 : index
          %swap3A_91 = tpu.vector_load %arg12[%swap3A_89, %swap3A_90] {strides = array<i32>} : memref<16x128xf32, #tpu.memory_space<vmem>>, vector<16xf32>,
          tpu.vector_store %arg12[%swap3A_89, %swap3A_90], %sub3A_88 {strides = array<i32>} : memref<16x128xf32, #tpu.memory_space<vmem>>, vector<16xf32>,
          %get3A_92 = arith.index_cast %scan3A_56 : i32 to index
          %get3A_93 = arith.constant 48 : index
          %get3A_94 = tpu.vector_load %arg12[%get3A_92, %get3A_93] {strides = array<i32>} : memref<16x128xf32, #tpu.memory_space<vmem>>, vector<16xf32>,
          %get3A_95 = arith.index_cast %scan3A_56 : i32 to index
          %get3A_96 = arith.constant 48 : index
          %get3A_97 = tpu.vector_load %arg13[%get3A_95, %get3A_96] {strides = array<i32>} : memref<16x128xf32, #tpu.memory_space<vmem>>, vector<16xf32>,
          %mul3A_98 = arith.mulf %gather3A, %get3A_97 : vector<16xf32>
          %sub3A_99 = arith.subf %get3A_94, %mul3A_98 : vector<16xf32>
          %swap3A_100 = arith.index_cast %scan3A_56 : i32 to index
          %swap3A_101 = arith.constant 48 : index
          %swap3A_102 = tpu.vector_load %arg12[%swap3A_100, %swap3A_101] {strides = array<i32>} : memref<16x128xf32, #tpu.memory_space<vmem>>, vector<16xf32>,
          tpu.vector_store %arg12[%swap3A_100, %swap3A_101], %sub3A_99 {strides = array<i32>} : memref<16x128xf32, #tpu.memory_space<vmem>>, vector<16xf32>,
          %get3A_103 = arith.index_cast %scan3A_56 : i32 to index
          %get3A_104 = arith.constant 64 : index
          %get3A_105 = tpu.vector_load %arg12[%get3A_103, %get3A_104] {strides = array<i32>} : memref<16x128xf32, #tpu.memory_space<vmem>>, vector<16xf32>,
          %get3A_106 = arith.index_cast %scan3A_56 : i32 to index
          %get3A_107 = arith.constant 64 : index
          %get3A_108 = tpu.vector_load %arg13[%get3A_106, %get3A_107] {strides = array<i32>} : memref<16x128xf32, #tpu.memory_space<vmem>>, vector<16xf32>,
          %mul3A_109 = arith.mulf %gather3A, %get3A_108 : vector<16xf32>
          %sub3A_110 = arith.subf %get3A_105, %mul3A_109 : vector<16xf32>
          %swap3A_111 = arith.index_cast %scan3A_56 : i32 to index
          %swap3A_112 = arith.constant 64 : index
          %swap3A_113 = tpu.vector_load %arg12[%swap3A_111, %swap3A_112] {strides = array<i32>} : memref<16x128xf32, #tpu.memory_space<vmem>>, vector<16xf32>,
          tpu.vector_store %arg12[%swap3A_111, %swap3A_112], %sub3A_110 {strides = array<i32>} : memref<16x128xf32, #tpu.memory_space<vmem>>, vector<16xf32>,
          %get3A_114 = arith.index_cast %scan3A_56 : i32 to index
          %get3A_115 = arith.constant 80 : index
          %get3A_116 = tpu.vector_load %arg12[%get3A_114, %get3A_115] {strides = array<i32>} : memref<16x128xf32, #tpu.memory_space<vmem>>, vector<16xf32>,
          %get3A_117 = arith.index_cast %scan3A_56 : i32 to index
          %get3A_118 = arith.constant 80 : index
          %get3A_119 = tpu.vector_load %arg13[%get3A_117, %get3A_118] {strides = array<i32>} : memref<16x128xf32, #tpu.memory_space<vmem>>, vector<16xf32>,
          %mul3A_120 = arith.mulf %gather3A, %get3A_119 : vector<16xf32>
          %sub3A_121 = arith.subf %get3A_116, %mul3A_120 : vector<16xf32>
          %swap3A_122 = arith.index_cast %scan3A_56 : i32 to index
          %swap3A_123 = arith.constant 80 : index
          %swap3A_124 = tpu.vector_load %arg12[%swap3A_122, %swap3A_123] {strides = array<i32>} : memref<16x128xf32, #tpu.memory_space<vmem>>, vector<16xf32>,
          tpu.vector_store %arg12[%swap3A_122, %swap3A_123], %sub3A_121 {strides = array<i32>} : memref<16x128xf32, #tpu.memory_space<vmem>>, vector<16xf32>,
          %get3A_125 = arith.index_cast %scan3A_56 : i32 to index
          %get3A_126 = arith.constant 96 : index
          %get3A_127 = tpu.vector_load %arg12[%get3A_125, %get3A_126] {strides = array<i32>} : memref<16x128xf32, #tpu.memory_space<vmem>>, vector<16xf32>,
          %get3A_128 = arith.index_cast %scan3A_56 : i32 to index
          %get3A_129 = arith.constant 96 : index
          %get3A_130 = tpu.vector_load %arg13[%get3A_128, %get3A_129] {strides = array<i32>} : memref<16x128xf32, #tpu.memory_space<vmem>>, vector<16xf32>,
          %mul3A_131 = arith.mulf %gather3A, %get3A_130 : vector<16xf32>
          %sub3A_132 = arith.subf %get3A_127, %mul3A_131 : vector<16xf32>
          %swap3A_133 = arith.index_cast %scan3A_56 : i32 to index
          %swap3A_134 = arith.constant 96 : index
          %swap3A_135 = tpu.vector_load %arg12[%swap3A_133, %swap3A_134] {strides = array<i32>} : memref<16x128xf32, #tpu.memory_space<vmem>>, vector<16xf32>,
          tpu.vector_store %arg12[%swap3A_133, %swap3A_134], %sub3A_132 {strides = array<i32>} : memref<16x128xf32, #tpu.memory_space<vmem>>, vector<16xf32>,
          %get3A_136 = arith.index_cast %scan3A_56 : i32 to index
          %get3A_137 = arith.constant 112 : index
          %get3A_138 = tpu.vector_load %arg12[%get3A_136, %get3A_137] {strides = array<i32>} : memref<16x128xf32, #tpu.memory_space<vmem>>, vector<16xf32>,
          %get3A_139 = arith.index_cast %scan3A_56 : i32 to index
          %get3A_140 = arith.constant 112 : index
          %get3A_141 = tpu.vector_load %arg13[%get3A_139, %get3A_140] {strides = array<i32>} : memref<16x128xf32, #tpu.memory_space<vmem>>, vector<16xf32>,
          %mul3A_142 = arith.mulf %gather3A, %get3A_141 : vector<16xf32>
          %sub3A_143 = arith.subf %get3A_138, %mul3A_142 : vector<16xf32>
          %swap3A_144 = arith.index_cast %scan3A_56 : i32 to index
          %swap3A_145 = arith.constant 112 : index
          %swap3A_146 = tpu.vector_load %arg12[%swap3A_144, %swap3A_145] {strides = array<i32>} : memref<16x128xf32, #tpu.memory_space<vmem>>, vector<16xf32>,
          tpu.vector_store %arg12[%swap3A_144, %swap3A_145], %sub3A_143 {strides = array<i32>} : memref<16x128xf32, #tpu.memory_space<vmem>>, vector<16xf32>,
        }
        %scan3A_54 = arith.constant 16 : i32
        %add3A_55 = arith.addi %mul3A_29, %add3A_47 : i32
        "tpu.region"() ({
          %run_scoped3A = tpu.sem_alloc : memref<!tpu.dma_semaphore, #tpu.memory_space<semaphore_mem>>
          %dma_start3A = arith.constant 0 : i32
          %dma_start3A_56 = tpu.memref_slice %arg7[%add3A_55, %dma_start3A] : memref<266240x128xf32, #tpu.memory_space<hbm>> -> memref<16x128xf32, #tpu.memory_space<hbm>>
          %dma_start3A_57 = arith.constant 0 : i32
          %dma_start3A_58 = tpu.memref_slice %arg7[%add3A_55, %dma_start3A_57] : memref<266240x128xf32, #tpu.memory_space<hbm>> -> memref<16x128xf32, #tpu.memory_space<hbm>>
          tpu.enqueue_dma source(%arg12 : memref<16x128xf32, #tpu.memory_space<vmem>>) target(%dma_start3A_58 : memref<16x128xf32, #tpu.memory_space<hbm>>) target_semaphore(%run_scoped3A : memref<!tpu.dma_semaphore, #tpu.memory_space<semaphore_mem>>)
          %dma_wait3A = arith.constant 0 : i32
          %dma_wait3A_59 = tpu.memref_slice %arg7[%add3A_55, %dma_wait3A] : memref<266240x128xf32, #tpu.memory_space<hbm>> -> memref<16x128xf32, #tpu.memory_space<hbm>>
          %dma_wait3A_60 = arith.constant 0 : i32
          %dma_wait3A_61 = tpu.memref_slice %arg7[%add3A_55, %dma_wait3A_60] : memref<266240x128xf32, #tpu.memory_space<hbm>> -> memref<16x128xf32, #tpu.memory_space<hbm>>
          tpu.wait_dma2 semaphore(%run_scoped3A : memref<!tpu.dma_semaphore, #tpu.memory_space<semaphore_mem>>) src(%arg12 : memref<16x128xf32, #tpu.memory_space<vmem>>) dst(%dma_wait3A_61 : memref<16x128xf32, #tpu.memory_space<hbm>>)
          tpu.yield
        }) : () -> ()
      }
      %scan3A_42 = arith.constant 40 : i32
      %barrier3A_43 = arith.constant 0 : index
      tpu.barrier barrier_id(%barrier3A_43)
    }
    %scan3A_18 = arith.constant 12 : i32
    return
  }
}

module attributes {stable_mosaic.version = 14 : i64} {
  func.func @_mm_body(%arg0: i32, %arg1: memref<1000x256xf32, #tpu.memory_space<vmem>>, %arg2: memref<256x384xf32, #tpu.memory_space<vmem>>, %arg3: memref<1x384xf32, #tpu.memory_space<vmem>>, %arg4: memref<1000x384xf32, #tpu.memory_space<vmem>>) attributes {dimension_semantics = [#tpu.dimension_semantics<arbitrary>], iteration_bounds = array<i64: 10>, scalar_prefetch = 0 : i64, scratch_operands = 0 : i64, tpu.core_type = #tpu.core_type<tc>, window_params = [{transform_indices = @transform_0, window_bounds = array<i64: 1000, 256>}, {pipeline_mode = #tpu.pipeline_mode<synchronous>, transform_indices = @transform_1, window_bounds = array<i64: 256, 384>}, {pipeline_mode = #tpu.pipeline_mode<synchronous>, transform_indices = @transform_2, window_bounds = array<i64: 1, 384>}, {transform_indices = @transform_3, window_bounds = array<i64: 1000, 384>}]} {
    %get3A = arith.constant 0 : index
    %get3A_0 = arith.constant 0 : index
    %get3A_1 = vector.load %arg1[%get3A, %get3A_0] : memref<1000x256xf32, #tpu.memory_space<vmem>>, vector<1000x256xf32>
    %get3A_2 = arith.constant 0 : index
    %get3A_3 = arith.constant 0 : index
    %get3A_4 = vector.load %arg2[%get3A_2, %get3A_3] : memref<256x384xf32, #tpu.memory_space<vmem>>, vector<256x384xf32>
    %dot_general3A = arith.constant dense<0.000000e+00> : vector<1000x384xf32>
    %dot_general3A_5 = tpu.matmul %get3A_1, %get3A_4, %dot_general3A {dimension_numbers = #tpu.dot_dimension_numbers<[1], [0], [0], [1], [0, 0, 1, 1], [], []>, transpose_lhs_hint = false} : vector<1000x256xf32>, vector<256x384xf32>, vector<1000x384xf32> -> vector<1000x384xf32>
    %get3A_6 = arith.constant 0 : index
    %get3A_7 = arith.constant 0 : index
    %get3A_8 = vector.load %arg3[%get3A_6, %get3A_7] : memref<1x384xf32, #tpu.memory_space<vmem>>, vector<1x384xf32>
    %add3A = vector.broadcast %get3A_8 : vector<1x384xf32> to vector<1000x384xf32>
    %add3A_9 = arith.addf %dot_general3A_5, %add3A : vector<1000x384xf32>
    %swap3A = arith.constant 0 : index
    %swap3A_10 = arith.constant 0 : index
    %swap3A_11 = vector.load %arg4[%swap3A, %swap3A_10] : memref<1000x384xf32, #tpu.memory_space<vmem>>, vector<1000x384xf32>
    tpu.vector_store %arg4[%swap3A, %swap3A_10], %add3A_9 {strides = array<i32>} : memref<1000x384xf32, #tpu.memory_space<vmem>>, vector<1000x384xf32>,
    return
  }
  func.func @transform_0(%arg0: i32) -> (i32, i32) {
    %c0_i32 = arith.constant 0 : i32
    %c0_i32_0 = arith.constant 0 : i32
    return %arg0, %c0_i32 : i32, i32
  }
  func.func @transform_1(%arg0: i32) -> (i32, i32) {
    %c0_i32 = arith.constant 0 : i32
    %c0_i32_0 = arith.constant 0 : i32
    %c0_i32_1 = arith.constant 0 : i32
    return %c0_i32, %c0_i32_0 : i32, i32
  }
  func.func @transform_2(%arg0: i32) -> (i32, i32) {
    %c0_i32 = arith.constant 0 : i32
    %c0_i32_0 = arith.constant 0 : i32
    %c0_i32_1 = arith.constant 0 : i32
    return %c0_i32, %c0_i32_0 : i32, i32
  }
  func.func @transform_3(%arg0: i32) -> (i32, i32) {
    %c0_i32 = arith.constant 0 : i32
    %c0_i32_0 = arith.constant 0 : i32
    return %arg0, %c0_i32 : i32, i32
  }
}

module attributes {stable_mosaic.version = 14 : i64} {
  func.func @_po_body(%arg0: i32, %arg1: memref<26x1000x128xf32, #tpu.memory_space<vmem>>, %arg2: memref<26x128x256xf32, #tpu.memory_space<vmem>>, %arg3: memref<1000x1xf32, #tpu.memory_space<vmem>>, %arg4: memref<1x256xf32, #tpu.memory_space<vmem>>, %arg5: memref<1000x256xf32, #tpu.memory_space<vmem>>) attributes {dimension_semantics = [#tpu.dimension_semantics<arbitrary>], iteration_bounds = array<i64: 10>, scalar_prefetch = 0 : i64, scratch_operands = 0 : i64, tpu.core_type = #tpu.core_type<tc>, window_params = [{transform_indices = @transform_0, window_bounds = array<i64: 26, 1000, 128>}, {pipeline_mode = #tpu.pipeline_mode<synchronous>, transform_indices = @transform_1, window_bounds = array<i64: 26, 128, 256>}, {transform_indices = @transform_2, window_bounds = array<i64: 1000, 1>}, {pipeline_mode = #tpu.pipeline_mode<synchronous>, transform_indices = @transform_3, window_bounds = array<i64: 1, 256>}, {transform_indices = @transform_4, window_bounds = array<i64: 1000, 256>}]} {
    %broadcast_in_dim3A = arith.constant 0.000000e+00 : f32
    %broadcast_in_dim3A_0 = vector.broadcast %broadcast_in_dim3A : f32 to vector<1000x256xf32>
    %get3A = arith.constant 0 : index
    %get3A_1 = arith.constant 0 : index
    %get3A_2 = arith.constant 0 : index
    %get3A_3 = vector.load %arg1[%get3A, %get3A_1, %get3A_2] : memref<26x1000x128xf32, #tpu.memory_space<vmem>>, vector<1x1000x128xf32>
    %get3A_4 = vector.shape_cast %get3A_3 : vector<1x1000x128xf32> to vector<1000x128xf32>
    %get3A_5 = arith.constant 0 : index
    %get3A_6 = arith.constant 0 : index
    %get3A_7 = arith.constant 0 : index
    %get3A_8 = vector.load %arg2[%get3A_5, %get3A_6, %get3A_7] : memref<26x128x256xf32, #tpu.memory_space<vmem>>, vector<1x128x256xf32>
    %get3A_9 = vector.shape_cast %get3A_8 : vector<1x128x256xf32> to vector<128x256xf32>
    %dot_general3A = arith.constant dense<0.000000e+00> : vector<1000x256xf32>
    %dot_general3A_10 = tpu.matmul %get3A_4, %get3A_9, %dot_general3A {dimension_numbers = #tpu.dot_dimension_numbers<[1], [0], [0], [1], [0, 0, 1, 1], [], []>, transpose_lhs_hint = false} : vector<1000x128xf32>, vector<128x256xf32>, vector<1000x256xf32> -> vector<1000x256xf32>
    %add3A = arith.addf %broadcast_in_dim3A_0, %dot_general3A_10 : vector<1000x256xf32>
    %get3A_11 = arith.constant 1 : index
    %get3A_12 = arith.constant 0 : index
    %get3A_13 = arith.constant 0 : index
    %get3A_14 = vector.load %arg1[%get3A_11, %get3A_12, %get3A_13] : memref<26x1000x128xf32, #tpu.memory_space<vmem>>, vector<1x1000x128xf32>
    %get3A_15 = vector.shape_cast %get3A_14 : vector<1x1000x128xf32> to vector<1000x128xf32>
    %get3A_16 = arith.constant 1 : index
    %get3A_17 = arith.constant 0 : index
    %get3A_18 = arith.constant 0 : index
    %get3A_19 = vector.load %arg2[%get3A_16, %get3A_17, %get3A_18] : memref<26x128x256xf32, #tpu.memory_space<vmem>>, vector<1x128x256xf32>
    %get3A_20 = vector.shape_cast %get3A_19 : vector<1x128x256xf32> to vector<128x256xf32>
    %dot_general3A_21 = arith.constant dense<0.000000e+00> : vector<1000x256xf32>
    %dot_general3A_22 = tpu.matmul %get3A_15, %get3A_20, %dot_general3A_21 {dimension_numbers = #tpu.dot_dimension_numbers<[1], [0], [0], [1], [0, 0, 1, 1], [], []>, transpose_lhs_hint = false} : vector<1000x128xf32>, vector<128x256xf32>, vector<1000x256xf32> -> vector<1000x256xf32>
    %add3A_23 = arith.addf %add3A, %dot_general3A_22 : vector<1000x256xf32>
    %get3A_24 = arith.constant 2 : index
    %get3A_25 = arith.constant 0 : index
    %get3A_26 = arith.constant 0 : index
    %get3A_27 = vector.load %arg1[%get3A_24, %get3A_25, %get3A_26] : memref<26x1000x128xf32, #tpu.memory_space<vmem>>, vector<1x1000x128xf32>
    %get3A_28 = vector.shape_cast %get3A_27 : vector<1x1000x128xf32> to vector<1000x128xf32>
    %get3A_29 = arith.constant 2 : index
    %get3A_30 = arith.constant 0 : index
    %get3A_31 = arith.constant 0 : index
    %get3A_32 = vector.load %arg2[%get3A_29, %get3A_30, %get3A_31] : memref<26x128x256xf32, #tpu.memory_space<vmem>>, vector<1x128x256xf32>
    %get3A_33 = vector.shape_cast %get3A_32 : vector<1x128x256xf32> to vector<128x256xf32>
    %dot_general3A_34 = arith.constant dense<0.000000e+00> : vector<1000x256xf32>
    %dot_general3A_35 = tpu.matmul %get3A_28, %get3A_33, %dot_general3A_34 {dimension_numbers = #tpu.dot_dimension_numbers<[1], [0], [0], [1], [0, 0, 1, 1], [], []>, transpose_lhs_hint = false} : vector<1000x128xf32>, vector<128x256xf32>, vector<1000x256xf32> -> vector<1000x256xf32>
    %add3A_36 = arith.addf %add3A_23, %dot_general3A_35 : vector<1000x256xf32>
    %get3A_37 = arith.constant 3 : index
    %get3A_38 = arith.constant 0 : index
    %get3A_39 = arith.constant 0 : index
    %get3A_40 = vector.load %arg1[%get3A_37, %get3A_38, %get3A_39] : memref<26x1000x128xf32, #tpu.memory_space<vmem>>, vector<1x1000x128xf32>
    %get3A_41 = vector.shape_cast %get3A_40 : vector<1x1000x128xf32> to vector<1000x128xf32>
    %get3A_42 = arith.constant 3 : index
    %get3A_43 = arith.constant 0 : index
    %get3A_44 = arith.constant 0 : index
    %get3A_45 = vector.load %arg2[%get3A_42, %get3A_43, %get3A_44] : memref<26x128x256xf32, #tpu.memory_space<vmem>>, vector<1x128x256xf32>
    %get3A_46 = vector.shape_cast %get3A_45 : vector<1x128x256xf32> to vector<128x256xf32>
    %dot_general3A_47 = arith.constant dense<0.000000e+00> : vector<1000x256xf32>
    %dot_general3A_48 = tpu.matmul %get3A_41, %get3A_46, %dot_general3A_47 {dimension_numbers = #tpu.dot_dimension_numbers<[1], [0], [0], [1], [0, 0, 1, 1], [], []>, transpose_lhs_hint = false} : vector<1000x128xf32>, vector<128x256xf32>, vector<1000x256xf32> -> vector<1000x256xf32>
    %add3A_49 = arith.addf %add3A_36, %dot_general3A_48 : vector<1000x256xf32>
    %get3A_50 = arith.constant 4 : index
    %get3A_51 = arith.constant 0 : index
    %get3A_52 = arith.constant 0 : index
    %get3A_53 = vector.load %arg1[%get3A_50, %get3A_51, %get3A_52] : memref<26x1000x128xf32, #tpu.memory_space<vmem>>, vector<1x1000x128xf32>
    %get3A_54 = vector.shape_cast %get3A_53 : vector<1x1000x128xf32> to vector<1000x128xf32>
    %get3A_55 = arith.constant 4 : index
    %get3A_56 = arith.constant 0 : index
    %get3A_57 = arith.constant 0 : index
    %get3A_58 = vector.load %arg2[%get3A_55, %get3A_56, %get3A_57] : memref<26x128x256xf32, #tpu.memory_space<vmem>>, vector<1x128x256xf32>
    %get3A_59 = vector.shape_cast %get3A_58 : vector<1x128x256xf32> to vector<128x256xf32>
    %dot_general3A_60 = arith.constant dense<0.000000e+00> : vector<1000x256xf32>
    %dot_general3A_61 = tpu.matmul %get3A_54, %get3A_59, %dot_general3A_60 {dimension_numbers = #tpu.dot_dimension_numbers<[1], [0], [0], [1], [0, 0, 1, 1], [], []>, transpose_lhs_hint = false} : vector<1000x128xf32>, vector<128x256xf32>, vector<1000x256xf32> -> vector<1000x256xf32>
    %add3A_62 = arith.addf %add3A_49, %dot_general3A_61 : vector<1000x256xf32>
    %get3A_63 = arith.constant 5 : index
    %get3A_64 = arith.constant 0 : index
    %get3A_65 = arith.constant 0 : index
    %get3A_66 = vector.load %arg1[%get3A_63, %get3A_64, %get3A_65] : memref<26x1000x128xf32, #tpu.memory_space<vmem>>, vector<1x1000x128xf32>
    %get3A_67 = vector.shape_cast %get3A_66 : vector<1x1000x128xf32> to vector<1000x128xf32>
    %get3A_68 = arith.constant 5 : index
    %get3A_69 = arith.constant 0 : index
    %get3A_70 = arith.constant 0 : index
    %get3A_71 = vector.load %arg2[%get3A_68, %get3A_69, %get3A_70] : memref<26x128x256xf32, #tpu.memory_space<vmem>>, vector<1x128x256xf32>
    %get3A_72 = vector.shape_cast %get3A_71 : vector<1x128x256xf32> to vector<128x256xf32>
    %dot_general3A_73 = arith.constant dense<0.000000e+00> : vector<1000x256xf32>
    %dot_general3A_74 = tpu.matmul %get3A_67, %get3A_72, %dot_general3A_73 {dimension_numbers = #tpu.dot_dimension_numbers<[1], [0], [0], [1], [0, 0, 1, 1], [], []>, transpose_lhs_hint = false} : vector<1000x128xf32>, vector<128x256xf32>, vector<1000x256xf32> -> vector<1000x256xf32>
    %add3A_75 = arith.addf %add3A_62, %dot_general3A_74 : vector<1000x256xf32>
    %get3A_76 = arith.constant 6 : index
    %get3A_77 = arith.constant 0 : index
    %get3A_78 = arith.constant 0 : index
    %get3A_79 = vector.load %arg1[%get3A_76, %get3A_77, %get3A_78] : memref<26x1000x128xf32, #tpu.memory_space<vmem>>, vector<1x1000x128xf32>
    %get3A_80 = vector.shape_cast %get3A_79 : vector<1x1000x128xf32> to vector<1000x128xf32>
    %get3A_81 = arith.constant 6 : index
    %get3A_82 = arith.constant 0 : index
    %get3A_83 = arith.constant 0 : index
    %get3A_84 = vector.load %arg2[%get3A_81, %get3A_82, %get3A_83] : memref<26x128x256xf32, #tpu.memory_space<vmem>>, vector<1x128x256xf32>
    %get3A_85 = vector.shape_cast %get3A_84 : vector<1x128x256xf32> to vector<128x256xf32>
    %dot_general3A_86 = arith.constant dense<0.000000e+00> : vector<1000x256xf32>
    %dot_general3A_87 = tpu.matmul %get3A_80, %get3A_85, %dot_general3A_86 {dimension_numbers = #tpu.dot_dimension_numbers<[1], [0], [0], [1], [0, 0, 1, 1], [], []>, transpose_lhs_hint = false} : vector<1000x128xf32>, vector<128x256xf32>, vector<1000x256xf32> -> vector<1000x256xf32>
    %add3A_88 = arith.addf %add3A_75, %dot_general3A_87 : vector<1000x256xf32>
    %get3A_89 = arith.constant 7 : index
    %get3A_90 = arith.constant 0 : index
    %get3A_91 = arith.constant 0 : index
    %get3A_92 = vector.load %arg1[%get3A_89, %get3A_90, %get3A_91] : memref<26x1000x128xf32, #tpu.memory_space<vmem>>, vector<1x1000x128xf32>
    %get3A_93 = vector.shape_cast %get3A_92 : vector<1x1000x128xf32> to vector<1000x128xf32>
    %get3A_94 = arith.constant 7 : index
    %get3A_95 = arith.constant 0 : index
    %get3A_96 = arith.constant 0 : index
    %get3A_97 = vector.load %arg2[%get3A_94, %get3A_95, %get3A_96] : memref<26x128x256xf32, #tpu.memory_space<vmem>>, vector<1x128x256xf32>
    %get3A_98 = vector.shape_cast %get3A_97 : vector<1x128x256xf32> to vector<128x256xf32>
    %dot_general3A_99 = arith.constant dense<0.000000e+00> : vector<1000x256xf32>
    %dot_general3A_100 = tpu.matmul %get3A_93, %get3A_98, %dot_general3A_99 {dimension_numbers = #tpu.dot_dimension_numbers<[1], [0], [0], [1], [0, 0, 1, 1], [], []>, transpose_lhs_hint = false} : vector<1000x128xf32>, vector<128x256xf32>, vector<1000x256xf32> -> vector<1000x256xf32>
    %add3A_101 = arith.addf %add3A_88, %dot_general3A_100 : vector<1000x256xf32>
    %get3A_102 = arith.constant 8 : index
    %get3A_103 = arith.constant 0 : index
    %get3A_104 = arith.constant 0 : index
    %get3A_105 = vector.load %arg1[%get3A_102, %get3A_103, %get3A_104] : memref<26x1000x128xf32, #tpu.memory_space<vmem>>, vector<1x1000x128xf32>
    %get3A_106 = vector.shape_cast %get3A_105 : vector<1x1000x128xf32> to vector<1000x128xf32>
    %get3A_107 = arith.constant 8 : index
    %get3A_108 = arith.constant 0 : index
    %get3A_109 = arith.constant 0 : index
    %get3A_110 = vector.load %arg2[%get3A_107, %get3A_108, %get3A_109] : memref<26x128x256xf32, #tpu.memory_space<vmem>>, vector<1x128x256xf32>
    %get3A_111 = vector.shape_cast %get3A_110 : vector<1x128x256xf32> to vector<128x256xf32>
    %dot_general3A_112 = arith.constant dense<0.000000e+00> : vector<1000x256xf32>
    %dot_general3A_113 = tpu.matmul %get3A_106, %get3A_111, %dot_general3A_112 {dimension_numbers = #tpu.dot_dimension_numbers<[1], [0], [0], [1], [0, 0, 1, 1], [], []>, transpose_lhs_hint = false} : vector<1000x128xf32>, vector<128x256xf32>, vector<1000x256xf32> -> vector<1000x256xf32>
    %add3A_114 = arith.addf %add3A_101, %dot_general3A_113 : vector<1000x256xf32>
    %get3A_115 = arith.constant 9 : index
    %get3A_116 = arith.constant 0 : index
    %get3A_117 = arith.constant 0 : index
    %get3A_118 = vector.load %arg1[%get3A_115, %get3A_116, %get3A_117] : memref<26x1000x128xf32, #tpu.memory_space<vmem>>, vector<1x1000x128xf32>
    %get3A_119 = vector.shape_cast %get3A_118 : vector<1x1000x128xf32> to vector<1000x128xf32>
    %get3A_120 = arith.constant 9 : index
    %get3A_121 = arith.constant 0 : index
    %get3A_122 = arith.constant 0 : index
    %get3A_123 = vector.load %arg2[%get3A_120, %get3A_121, %get3A_122] : memref<26x128x256xf32, #tpu.memory_space<vmem>>, vector<1x128x256xf32>
    %get3A_124 = vector.shape_cast %get3A_123 : vector<1x128x256xf32> to vector<128x256xf32>
    %dot_general3A_125 = arith.constant dense<0.000000e+00> : vector<1000x256xf32>
    %dot_general3A_126 = tpu.matmul %get3A_119, %get3A_124, %dot_general3A_125 {dimension_numbers = #tpu.dot_dimension_numbers<[1], [0], [0], [1], [0, 0, 1, 1], [], []>, transpose_lhs_hint = false} : vector<1000x128xf32>, vector<128x256xf32>, vector<1000x256xf32> -> vector<1000x256xf32>
    %add3A_127 = arith.addf %add3A_114, %dot_general3A_126 : vector<1000x256xf32>
    %get3A_128 = arith.constant 10 : index
    %get3A_129 = arith.constant 0 : index
    %get3A_130 = arith.constant 0 : index
    %get3A_131 = vector.load %arg1[%get3A_128, %get3A_129, %get3A_130] : memref<26x1000x128xf32, #tpu.memory_space<vmem>>, vector<1x1000x128xf32>
    %get3A_132 = vector.shape_cast %get3A_131 : vector<1x1000x128xf32> to vector<1000x128xf32>
    %get3A_133 = arith.constant 10 : index
    %get3A_134 = arith.constant 0 : index
    %get3A_135 = arith.constant 0 : index
    %get3A_136 = vector.load %arg2[%get3A_133, %get3A_134, %get3A_135] : memref<26x128x256xf32, #tpu.memory_space<vmem>>, vector<1x128x256xf32>
    %get3A_137 = vector.shape_cast %get3A_136 : vector<1x128x256xf32> to vector<128x256xf32>
    %dot_general3A_138 = arith.constant dense<0.000000e+00> : vector<1000x256xf32>
    %dot_general3A_139 = tpu.matmul %get3A_132, %get3A_137, %dot_general3A_138 {dimension_numbers = #tpu.dot_dimension_numbers<[1], [0], [0], [1], [0, 0, 1, 1], [], []>, transpose_lhs_hint = false} : vector<1000x128xf32>, vector<128x256xf32>, vector<1000x256xf32> -> vector<1000x256xf32>
    %add3A_140 = arith.addf %add3A_127, %dot_general3A_139 : vector<1000x256xf32>
    %get3A_141 = arith.constant 11 : index
    %get3A_142 = arith.constant 0 : index
    %get3A_143 = arith.constant 0 : index
    %get3A_144 = vector.load %arg1[%get3A_141, %get3A_142, %get3A_143] : memref<26x1000x128xf32, #tpu.memory_space<vmem>>, vector<1x1000x128xf32>
    %get3A_145 = vector.shape_cast %get3A_144 : vector<1x1000x128xf32> to vector<1000x128xf32>
    %get3A_146 = arith.constant 11 : index
    %get3A_147 = arith.constant 0 : index
    %get3A_148 = arith.constant 0 : index
    %get3A_149 = vector.load %arg2[%get3A_146, %get3A_147, %get3A_148] : memref<26x128x256xf32, #tpu.memory_space<vmem>>, vector<1x128x256xf32>
    %get3A_150 = vector.shape_cast %get3A_149 : vector<1x128x256xf32> to vector<128x256xf32>
    %dot_general3A_151 = arith.constant dense<0.000000e+00> : vector<1000x256xf32>
    %dot_general3A_152 = tpu.matmul %get3A_145, %get3A_150, %dot_general3A_151 {dimension_numbers = #tpu.dot_dimension_numbers<[1], [0], [0], [1], [0, 0, 1, 1], [], []>, transpose_lhs_hint = false} : vector<1000x128xf32>, vector<128x256xf32>, vector<1000x256xf32> -> vector<1000x256xf32>
    %add3A_153 = arith.addf %add3A_140, %dot_general3A_152 : vector<1000x256xf32>
    %get3A_154 = arith.constant 12 : index
    %get3A_155 = arith.constant 0 : index
    %get3A_156 = arith.constant 0 : index
    %get3A_157 = vector.load %arg1[%get3A_154, %get3A_155, %get3A_156] : memref<26x1000x128xf32, #tpu.memory_space<vmem>>, vector<1x1000x128xf32>
    %get3A_158 = vector.shape_cast %get3A_157 : vector<1x1000x128xf32> to vector<1000x128xf32>
    %get3A_159 = arith.constant 12 : index
    %get3A_160 = arith.constant 0 : index
    %get3A_161 = arith.constant 0 : index
    %get3A_162 = vector.load %arg2[%get3A_159, %get3A_160, %get3A_161] : memref<26x128x256xf32, #tpu.memory_space<vmem>>, vector<1x128x256xf32>
    %get3A_163 = vector.shape_cast %get3A_162 : vector<1x128x256xf32> to vector<128x256xf32>
    %dot_general3A_164 = arith.constant dense<0.000000e+00> : vector<1000x256xf32>
    %dot_general3A_165 = tpu.matmul %get3A_158, %get3A_163, %dot_general3A_164 {dimension_numbers = #tpu.dot_dimension_numbers<[1], [0], [0], [1], [0, 0, 1, 1], [], []>, transpose_lhs_hint = false} : vector<1000x128xf32>, vector<128x256xf32>, vector<1000x256xf32> -> vector<1000x256xf32>
    %add3A_166 = arith.addf %add3A_153, %dot_general3A_165 : vector<1000x256xf32>
    %get3A_167 = arith.constant 13 : index
    %get3A_168 = arith.constant 0 : index
    %get3A_169 = arith.constant 0 : index
    %get3A_170 = vector.load %arg1[%get3A_167, %get3A_168, %get3A_169] : memref<26x1000x128xf32, #tpu.memory_space<vmem>>, vector<1x1000x128xf32>
    %get3A_171 = vector.shape_cast %get3A_170 : vector<1x1000x128xf32> to vector<1000x128xf32>
    %get3A_172 = arith.constant 13 : index
    %get3A_173 = arith.constant 0 : index
    %get3A_174 = arith.constant 0 : index
    %get3A_175 = vector.load %arg2[%get3A_172, %get3A_173, %get3A_174] : memref<26x128x256xf32, #tpu.memory_space<vmem>>, vector<1x128x256xf32>
    %get3A_176 = vector.shape_cast %get3A_175 : vector<1x128x256xf32> to vector<128x256xf32>
    %dot_general3A_177 = arith.constant dense<0.000000e+00> : vector<1000x256xf32>
    %dot_general3A_178 = tpu.matmul %get3A_171, %get3A_176, %dot_general3A_177 {dimension_numbers = #tpu.dot_dimension_numbers<[1], [0], [0], [1], [0, 0, 1, 1], [], []>, transpose_lhs_hint = false} : vector<1000x128xf32>, vector<128x256xf32>, vector<1000x256xf32> -> vector<1000x256xf32>
    %add3A_179 = arith.addf %add3A_166, %dot_general3A_178 : vector<1000x256xf32>
    %get3A_180 = arith.constant 14 : index
    %get3A_181 = arith.constant 0 : index
    %get3A_182 = arith.constant 0 : index
    %get3A_183 = vector.load %arg1[%get3A_180, %get3A_181, %get3A_182] : memref<26x1000x128xf32, #tpu.memory_space<vmem>>, vector<1x1000x128xf32>
    %get3A_184 = vector.shape_cast %get3A_183 : vector<1x1000x128xf32> to vector<1000x128xf32>
    %get3A_185 = arith.constant 14 : index
    %get3A_186 = arith.constant 0 : index
    %get3A_187 = arith.constant 0 : index
    %get3A_188 = vector.load %arg2[%get3A_185, %get3A_186, %get3A_187] : memref<26x128x256xf32, #tpu.memory_space<vmem>>, vector<1x128x256xf32>
    %get3A_189 = vector.shape_cast %get3A_188 : vector<1x128x256xf32> to vector<128x256xf32>
    %dot_general3A_190 = arith.constant dense<0.000000e+00> : vector<1000x256xf32>
    %dot_general3A_191 = tpu.matmul %get3A_184, %get3A_189, %dot_general3A_190 {dimension_numbers = #tpu.dot_dimension_numbers<[1], [0], [0], [1], [0, 0, 1, 1], [], []>, transpose_lhs_hint = false} : vector<1000x128xf32>, vector<128x256xf32>, vector<1000x256xf32> -> vector<1000x256xf32>
    %add3A_192 = arith.addf %add3A_179, %dot_general3A_191 : vector<1000x256xf32>
    %get3A_193 = arith.constant 15 : index
    %get3A_194 = arith.constant 0 : index
    %get3A_195 = arith.constant 0 : index
    %get3A_196 = vector.load %arg1[%get3A_193, %get3A_194, %get3A_195] : memref<26x1000x128xf32, #tpu.memory_space<vmem>>, vector<1x1000x128xf32>
    %get3A_197 = vector.shape_cast %get3A_196 : vector<1x1000x128xf32> to vector<1000x128xf32>
    %get3A_198 = arith.constant 15 : index
    %get3A_199 = arith.constant 0 : index
    %get3A_200 = arith.constant 0 : index
    %get3A_201 = vector.load %arg2[%get3A_198, %get3A_199, %get3A_200] : memref<26x128x256xf32, #tpu.memory_space<vmem>>, vector<1x128x256xf32>
    %get3A_202 = vector.shape_cast %get3A_201 : vector<1x128x256xf32> to vector<128x256xf32>
    %dot_general3A_203 = arith.constant dense<0.000000e+00> : vector<1000x256xf32>
    %dot_general3A_204 = tpu.matmul %get3A_197, %get3A_202, %dot_general3A_203 {dimension_numbers = #tpu.dot_dimension_numbers<[1], [0], [0], [1], [0, 0, 1, 1], [], []>, transpose_lhs_hint = false} : vector<1000x128xf32>, vector<128x256xf32>, vector<1000x256xf32> -> vector<1000x256xf32>
    %add3A_205 = arith.addf %add3A_192, %dot_general3A_204 : vector<1000x256xf32>
    %get3A_206 = arith.constant 16 : index
    %get3A_207 = arith.constant 0 : index
    %get3A_208 = arith.constant 0 : index
    %get3A_209 = vector.load %arg1[%get3A_206, %get3A_207, %get3A_208] : memref<26x1000x128xf32, #tpu.memory_space<vmem>>, vector<1x1000x128xf32>
    %get3A_210 = vector.shape_cast %get3A_209 : vector<1x1000x128xf32> to vector<1000x128xf32>
    %get3A_211 = arith.constant 16 : index
    %get3A_212 = arith.constant 0 : index
    %get3A_213 = arith.constant 0 : index
    %get3A_214 = vector.load %arg2[%get3A_211, %get3A_212, %get3A_213] : memref<26x128x256xf32, #tpu.memory_space<vmem>>, vector<1x128x256xf32>
    %get3A_215 = vector.shape_cast %get3A_214 : vector<1x128x256xf32> to vector<128x256xf32>
    %dot_general3A_216 = arith.constant dense<0.000000e+00> : vector<1000x256xf32>
    %dot_general3A_217 = tpu.matmul %get3A_210, %get3A_215, %dot_general3A_216 {dimension_numbers = #tpu.dot_dimension_numbers<[1], [0], [0], [1], [0, 0, 1, 1], [], []>, transpose_lhs_hint = false} : vector<1000x128xf32>, vector<128x256xf32>, vector<1000x256xf32> -> vector<1000x256xf32>
    %add3A_218 = arith.addf %add3A_205, %dot_general3A_217 : vector<1000x256xf32>
    %get3A_219 = arith.constant 17 : index
    %get3A_220 = arith.constant 0 : index
    %get3A_221 = arith.constant 0 : index
    %get3A_222 = vector.load %arg1[%get3A_219, %get3A_220, %get3A_221] : memref<26x1000x128xf32, #tpu.memory_space<vmem>>, vector<1x1000x128xf32>
    %get3A_223 = vector.shape_cast %get3A_222 : vector<1x1000x128xf32> to vector<1000x128xf32>
    %get3A_224 = arith.constant 17 : index
    %get3A_225 = arith.constant 0 : index
    %get3A_226 = arith.constant 0 : index
    %get3A_227 = vector.load %arg2[%get3A_224, %get3A_225, %get3A_226] : memref<26x128x256xf32, #tpu.memory_space<vmem>>, vector<1x128x256xf32>
    %get3A_228 = vector.shape_cast %get3A_227 : vector<1x128x256xf32> to vector<128x256xf32>
    %dot_general3A_229 = arith.constant dense<0.000000e+00> : vector<1000x256xf32>
    %dot_general3A_230 = tpu.matmul %get3A_223, %get3A_228, %dot_general3A_229 {dimension_numbers = #tpu.dot_dimension_numbers<[1], [0], [0], [1], [0, 0, 1, 1], [], []>, transpose_lhs_hint = false} : vector<1000x128xf32>, vector<128x256xf32>, vector<1000x256xf32> -> vector<1000x256xf32>
    %add3A_231 = arith.addf %add3A_218, %dot_general3A_230 : vector<1000x256xf32>
    %get3A_232 = arith.constant 18 : index
    %get3A_233 = arith.constant 0 : index
    %get3A_234 = arith.constant 0 : index
    %get3A_235 = vector.load %arg1[%get3A_232, %get3A_233, %get3A_234] : memref<26x1000x128xf32, #tpu.memory_space<vmem>>, vector<1x1000x128xf32>
    %get3A_236 = vector.shape_cast %get3A_235 : vector<1x1000x128xf32> to vector<1000x128xf32>
    %get3A_237 = arith.constant 18 : index
    %get3A_238 = arith.constant 0 : index
    %get3A_239 = arith.constant 0 : index
    %get3A_240 = vector.load %arg2[%get3A_237, %get3A_238, %get3A_239] : memref<26x128x256xf32, #tpu.memory_space<vmem>>, vector<1x128x256xf32>
    %get3A_241 = vector.shape_cast %get3A_240 : vector<1x128x256xf32> to vector<128x256xf32>
    %dot_general3A_242 = arith.constant dense<0.000000e+00> : vector<1000x256xf32>
    %dot_general3A_243 = tpu.matmul %get3A_236, %get3A_241, %dot_general3A_242 {dimension_numbers = #tpu.dot_dimension_numbers<[1], [0], [0], [1], [0, 0, 1, 1], [], []>, transpose_lhs_hint = false} : vector<1000x128xf32>, vector<128x256xf32>, vector<1000x256xf32> -> vector<1000x256xf32>
    %add3A_244 = arith.addf %add3A_231, %dot_general3A_243 : vector<1000x256xf32>
    %get3A_245 = arith.constant 19 : index
    %get3A_246 = arith.constant 0 : index
    %get3A_247 = arith.constant 0 : index
    %get3A_248 = vector.load %arg1[%get3A_245, %get3A_246, %get3A_247] : memref<26x1000x128xf32, #tpu.memory_space<vmem>>, vector<1x1000x128xf32>
    %get3A_249 = vector.shape_cast %get3A_248 : vector<1x1000x128xf32> to vector<1000x128xf32>
    %get3A_250 = arith.constant 19 : index
    %get3A_251 = arith.constant 0 : index
    %get3A_252 = arith.constant 0 : index
    %get3A_253 = vector.load %arg2[%get3A_250, %get3A_251, %get3A_252] : memref<26x128x256xf32, #tpu.memory_space<vmem>>, vector<1x128x256xf32>
    %get3A_254 = vector.shape_cast %get3A_253 : vector<1x128x256xf32> to vector<128x256xf32>
    %dot_general3A_255 = arith.constant dense<0.000000e+00> : vector<1000x256xf32>
    %dot_general3A_256 = tpu.matmul %get3A_249, %get3A_254, %dot_general3A_255 {dimension_numbers = #tpu.dot_dimension_numbers<[1], [0], [0], [1], [0, 0, 1, 1], [], []>, transpose_lhs_hint = false} : vector<1000x128xf32>, vector<128x256xf32>, vector<1000x256xf32> -> vector<1000x256xf32>
    %add3A_257 = arith.addf %add3A_244, %dot_general3A_256 : vector<1000x256xf32>
    %get3A_258 = arith.constant 20 : index
    %get3A_259 = arith.constant 0 : index
    %get3A_260 = arith.constant 0 : index
    %get3A_261 = vector.load %arg1[%get3A_258, %get3A_259, %get3A_260] : memref<26x1000x128xf32, #tpu.memory_space<vmem>>, vector<1x1000x128xf32>
    %get3A_262 = vector.shape_cast %get3A_261 : vector<1x1000x128xf32> to vector<1000x128xf32>
    %get3A_263 = arith.constant 20 : index
    %get3A_264 = arith.constant 0 : index
    %get3A_265 = arith.constant 0 : index
    %get3A_266 = vector.load %arg2[%get3A_263, %get3A_264, %get3A_265] : memref<26x128x256xf32, #tpu.memory_space<vmem>>, vector<1x128x256xf32>
    %get3A_267 = vector.shape_cast %get3A_266 : vector<1x128x256xf32> to vector<128x256xf32>
    %dot_general3A_268 = arith.constant dense<0.000000e+00> : vector<1000x256xf32>
    %dot_general3A_269 = tpu.matmul %get3A_262, %get3A_267, %dot_general3A_268 {dimension_numbers = #tpu.dot_dimension_numbers<[1], [0], [0], [1], [0, 0, 1, 1], [], []>, transpose_lhs_hint = false} : vector<1000x128xf32>, vector<128x256xf32>, vector<1000x256xf32> -> vector<1000x256xf32>
    %add3A_270 = arith.addf %add3A_257, %dot_general3A_269 : vector<1000x256xf32>
    %get3A_271 = arith.constant 21 : index
    %get3A_272 = arith.constant 0 : index
    %get3A_273 = arith.constant 0 : index
    %get3A_274 = vector.load %arg1[%get3A_271, %get3A_272, %get3A_273] : memref<26x1000x128xf32, #tpu.memory_space<vmem>>, vector<1x1000x128xf32>
    %get3A_275 = vector.shape_cast %get3A_274 : vector<1x1000x128xf32> to vector<1000x128xf32>
    %get3A_276 = arith.constant 21 : index
    %get3A_277 = arith.constant 0 : index
    %get3A_278 = arith.constant 0 : index
    %get3A_279 = vector.load %arg2[%get3A_276, %get3A_277, %get3A_278] : memref<26x128x256xf32, #tpu.memory_space<vmem>>, vector<1x128x256xf32>
    %get3A_280 = vector.shape_cast %get3A_279 : vector<1x128x256xf32> to vector<128x256xf32>
    %dot_general3A_281 = arith.constant dense<0.000000e+00> : vector<1000x256xf32>
    %dot_general3A_282 = tpu.matmul %get3A_275, %get3A_280, %dot_general3A_281 {dimension_numbers = #tpu.dot_dimension_numbers<[1], [0], [0], [1], [0, 0, 1, 1], [], []>, transpose_lhs_hint = false} : vector<1000x128xf32>, vector<128x256xf32>, vector<1000x256xf32> -> vector<1000x256xf32>
    %add3A_283 = arith.addf %add3A_270, %dot_general3A_282 : vector<1000x256xf32>
    %get3A_284 = arith.constant 22 : index
    %get3A_285 = arith.constant 0 : index
    %get3A_286 = arith.constant 0 : index
    %get3A_287 = vector.load %arg1[%get3A_284, %get3A_285, %get3A_286] : memref<26x1000x128xf32, #tpu.memory_space<vmem>>, vector<1x1000x128xf32>
    %get3A_288 = vector.shape_cast %get3A_287 : vector<1x1000x128xf32> to vector<1000x128xf32>
    %get3A_289 = arith.constant 22 : index
    %get3A_290 = arith.constant 0 : index
    %get3A_291 = arith.constant 0 : index
    %get3A_292 = vector.load %arg2[%get3A_289, %get3A_290, %get3A_291] : memref<26x128x256xf32, #tpu.memory_space<vmem>>, vector<1x128x256xf32>
    %get3A_293 = vector.shape_cast %get3A_292 : vector<1x128x256xf32> to vector<128x256xf32>
    %dot_general3A_294 = arith.constant dense<0.000000e+00> : vector<1000x256xf32>
    %dot_general3A_295 = tpu.matmul %get3A_288, %get3A_293, %dot_general3A_294 {dimension_numbers = #tpu.dot_dimension_numbers<[1], [0], [0], [1], [0, 0, 1, 1], [], []>, transpose_lhs_hint = false} : vector<1000x128xf32>, vector<128x256xf32>, vector<1000x256xf32> -> vector<1000x256xf32>
    %add3A_296 = arith.addf %add3A_283, %dot_general3A_295 : vector<1000x256xf32>
    %get3A_297 = arith.constant 23 : index
    %get3A_298 = arith.constant 0 : index
    %get3A_299 = arith.constant 0 : index
    %get3A_300 = vector.load %arg1[%get3A_297, %get3A_298, %get3A_299] : memref<26x1000x128xf32, #tpu.memory_space<vmem>>, vector<1x1000x128xf32>
    %get3A_301 = vector.shape_cast %get3A_300 : vector<1x1000x128xf32> to vector<1000x128xf32>
    %get3A_302 = arith.constant 23 : index
    %get3A_303 = arith.constant 0 : index
    %get3A_304 = arith.constant 0 : index
    %get3A_305 = vector.load %arg2[%get3A_302, %get3A_303, %get3A_304] : memref<26x128x256xf32, #tpu.memory_space<vmem>>, vector<1x128x256xf32>
    %get3A_306 = vector.shape_cast %get3A_305 : vector<1x128x256xf32> to vector<128x256xf32>
    %dot_general3A_307 = arith.constant dense<0.000000e+00> : vector<1000x256xf32>
    %dot_general3A_308 = tpu.matmul %get3A_301, %get3A_306, %dot_general3A_307 {dimension_numbers = #tpu.dot_dimension_numbers<[1], [0], [0], [1], [0, 0, 1, 1], [], []>, transpose_lhs_hint = false} : vector<1000x128xf32>, vector<128x256xf32>, vector<1000x256xf32> -> vector<1000x256xf32>
    %add3A_309 = arith.addf %add3A_296, %dot_general3A_308 : vector<1000x256xf32>
    %get3A_310 = arith.constant 24 : index
    %get3A_311 = arith.constant 0 : index
    %get3A_312 = arith.constant 0 : index
    %get3A_313 = vector.load %arg1[%get3A_310, %get3A_311, %get3A_312] : memref<26x1000x128xf32, #tpu.memory_space<vmem>>, vector<1x1000x128xf32>
    %get3A_314 = vector.shape_cast %get3A_313 : vector<1x1000x128xf32> to vector<1000x128xf32>
    %get3A_315 = arith.constant 24 : index
    %get3A_316 = arith.constant 0 : index
    %get3A_317 = arith.constant 0 : index
    %get3A_318 = vector.load %arg2[%get3A_315, %get3A_316, %get3A_317] : memref<26x128x256xf32, #tpu.memory_space<vmem>>, vector<1x128x256xf32>
    %get3A_319 = vector.shape_cast %get3A_318 : vector<1x128x256xf32> to vector<128x256xf32>
    %dot_general3A_320 = arith.constant dense<0.000000e+00> : vector<1000x256xf32>
    %dot_general3A_321 = tpu.matmul %get3A_314, %get3A_319, %dot_general3A_320 {dimension_numbers = #tpu.dot_dimension_numbers<[1], [0], [0], [1], [0, 0, 1, 1], [], []>, transpose_lhs_hint = false} : vector<1000x128xf32>, vector<128x256xf32>, vector<1000x256xf32> -> vector<1000x256xf32>
    %add3A_322 = arith.addf %add3A_309, %dot_general3A_321 : vector<1000x256xf32>
    %get3A_323 = arith.constant 25 : index
    %get3A_324 = arith.constant 0 : index
    %get3A_325 = arith.constant 0 : index
    %get3A_326 = vector.load %arg1[%get3A_323, %get3A_324, %get3A_325] : memref<26x1000x128xf32, #tpu.memory_space<vmem>>, vector<1x1000x128xf32>
    %get3A_327 = vector.shape_cast %get3A_326 : vector<1x1000x128xf32> to vector<1000x128xf32>
    %get3A_328 = arith.constant 25 : index
    %get3A_329 = arith.constant 0 : index
    %get3A_330 = arith.constant 0 : index
    %get3A_331 = vector.load %arg2[%get3A_328, %get3A_329, %get3A_330] : memref<26x128x256xf32, #tpu.memory_space<vmem>>, vector<1x128x256xf32>
    %get3A_332 = vector.shape_cast %get3A_331 : vector<1x128x256xf32> to vector<128x256xf32>
    %dot_general3A_333 = arith.constant dense<0.000000e+00> : vector<1000x256xf32>
    %dot_general3A_334 = tpu.matmul %get3A_327, %get3A_332, %dot_general3A_333 {dimension_numbers = #tpu.dot_dimension_numbers<[1], [0], [0], [1], [0, 0, 1, 1], [], []>, transpose_lhs_hint = false} : vector<1000x128xf32>, vector<128x256xf32>, vector<1000x256xf32> -> vector<1000x256xf32>
    %add3A_335 = arith.addf %add3A_322, %dot_general3A_334 : vector<1000x256xf32>
    %get3A_336 = arith.constant 0 : index
    %get3A_337 = arith.constant 0 : index
    %get3A_338 = vector.load %arg3[%get3A_336, %get3A_337] : memref<1000x1xf32, #tpu.memory_space<vmem>>, vector<1000x1xf32>
    %mul3A = vector.broadcast %get3A_338 : vector<1000x1xf32> to vector<1000x256xf32>
    %mul3A_339 = arith.mulf %add3A_335, %mul3A : vector<1000x256xf32>
    %get3A_340 = arith.constant 0 : index
    %get3A_341 = arith.constant 0 : index
    %get3A_342 = vector.load %arg4[%get3A_340, %get3A_341] : memref<1x256xf32, #tpu.memory_space<vmem>>, vector<1x256xf32>
    %add3A_343 = vector.broadcast %get3A_342 : vector<1x256xf32> to vector<1000x256xf32>
    %add3A_344 = arith.addf %mul3A_339, %add3A_343 : vector<1000x256xf32>
    %ge3A = arith.constant 0.000000e+00 : f32
    %ge3A_345 = vector.broadcast %ge3A : f32 to vector<1000x256xf32>
    %ge3A_346 = arith.cmpf oge, %add3A_344, %ge3A_345 : vector<1000x256xf32>
    %mul3A_347 = arith.constant 0.00999999977 : f32
    %mul3A_348 = vector.broadcast %mul3A_347 : f32 to vector<1000x256xf32>
    %mul3A_349 = arith.mulf %mul3A_348, %add3A_344 : vector<1000x256xf32>
    %select_n3A = arith.select %ge3A_346, %add3A_344, %mul3A_349 : vector<1000x256xi1>, vector<1000x256xf32>
    %swap3A = arith.constant 0 : index
    %swap3A_350 = arith.constant 0 : index
    %swap3A_351 = vector.load %arg5[%swap3A, %swap3A_350] : memref<1000x256xf32, #tpu.memory_space<vmem>>, vector<1000x256xf32>
    tpu.vector_store %arg5[%swap3A, %swap3A_350], %select_n3A {strides = array<i32>} : memref<1000x256xf32, #tpu.memory_space<vmem>>, vector<1000x256xf32>,
    return
  }
  func.func @transform_0(%arg0: i32) -> (i32, i32, i32) {
    %c0_i32 = arith.constant 0 : i32
    %c0_i32_0 = arith.constant 0 : i32
    %c0_i32_1 = arith.constant 0 : i32
    return %c0_i32, %arg0, %c0_i32_0 : i32, i32, i32
  }
  func.func @transform_1(%arg0: i32) -> (i32, i32, i32) {
    %c0_i32 = arith.constant 0 : i32
    %c0_i32_0 = arith.constant 0 : i32
    %c0_i32_1 = arith.constant 0 : i32
    %c0_i32_2 = arith.constant 0 : i32
    return %c0_i32, %c0_i32_0, %c0_i32_1 : i32, i32, i32
  }
  func.func @transform_2(%arg0: i32) -> (i32, i32) {
    %c0_i32 = arith.constant 0 : i32
    %c0_i32_0 = arith.constant 0 : i32
    return %arg0, %c0_i32 : i32, i32
  }
  func.func @transform_3(%arg0: i32) -> (i32, i32) {
    %c0_i32 = arith.constant 0 : i32
    %c0_i32_0 = arith.constant 0 : i32
    %c0_i32_1 = arith.constant 0 : i32
    return %c0_i32, %c0_i32_0 : i32, i32
  }
  func.func @transform_4(%arg0: i32) -> (i32, i32) {
    %c0_i32 = arith.constant 0 : i32
    %c0_i32_0 = arith.constant 0 : i32
    return %arg0, %c0_i32 : i32, i32
  }
}

module attributes {stable_mosaic.version = 14 : i64} {
  func.func @_po2_body(%arg0: i32, %arg1: memref<14x1000x128xf32, #tpu.memory_space<vmem>>, %arg2: memref<14x1000x128xf32, #tpu.memory_space<vmem>>, %arg3: memref<14x128x256xf32, #tpu.memory_space<vmem>>, %arg4: memref<14x128x256xf32, #tpu.memory_space<vmem>>, %arg5: memref<1000x1xf32, #tpu.memory_space<vmem>>, %arg6: memref<1000x1xf32, #tpu.memory_space<vmem>>, %arg7: memref<1x256xf32, #tpu.memory_space<vmem>>, %arg8: memref<1000x256xf32, #tpu.memory_space<vmem>>) attributes {dimension_semantics = [#tpu.dimension_semantics<arbitrary>], iteration_bounds = array<i64: 10>, scalar_prefetch = 0 : i64, scratch_operands = 0 : i64, tpu.core_type = #tpu.core_type<tc>, window_params = [{transform_indices = @transform_0, window_bounds = array<i64: 14, 1000, 128>}, {transform_indices = @transform_1, window_bounds = array<i64: 14, 1000, 128>}, {pipeline_mode = #tpu.pipeline_mode<synchronous>, transform_indices = @transform_2, window_bounds = array<i64: 14, 128, 256>}, {pipeline_mode = #tpu.pipeline_mode<synchronous>, transform_indices = @transform_3, window_bounds = array<i64: 14, 128, 256>}, {transform_indices = @transform_4, window_bounds = array<i64: 1000, 1>}, {transform_indices = @transform_5, window_bounds = array<i64: 1000, 1>}, {pipeline_mode = #tpu.pipeline_mode<synchronous>, transform_indices = @transform_6, window_bounds = array<i64: 1, 256>}, {transform_indices = @transform_7, window_bounds = array<i64: 1000, 256>}]} {
    %broadcast_in_dim3A = arith.constant 0.000000e+00 : f32
    %broadcast_in_dim3A_0 = vector.broadcast %broadcast_in_dim3A : f32 to vector<1000x256xf32>
    %broadcast_in_dim3A_1 = arith.constant 0.000000e+00 : f32
    %broadcast_in_dim3A_2 = vector.broadcast %broadcast_in_dim3A_1 : f32 to vector<1000x256xf32>
    %get3A = arith.constant 0 : index
    %get3A_3 = arith.constant 0 : index
    %get3A_4 = arith.constant 0 : index
    %get3A_5 = vector.load %arg1[%get3A, %get3A_3, %get3A_4] : memref<14x1000x128xf32, #tpu.memory_space<vmem>>, vector<1x1000x128xf32>
    %get3A_6 = vector.shape_cast %get3A_5 : vector<1x1000x128xf32> to vector<1000x128xf32>
    %get3A_7 = arith.constant 0 : index
    %get3A_8 = arith.constant 0 : index
    %get3A_9 = arith.constant 0 : index
    %get3A_10 = vector.load %arg3[%get3A_7, %get3A_8, %get3A_9] : memref<14x128x256xf32, #tpu.memory_space<vmem>>, vector<1x128x256xf32>
    %get3A_11 = vector.shape_cast %get3A_10 : vector<1x128x256xf32> to vector<128x256xf32>
    %dot_general3A = arith.constant dense<0.000000e+00> : vector<1000x256xf32>
    %dot_general3A_12 = tpu.matmul %get3A_6, %get3A_11, %dot_general3A {dimension_numbers = #tpu.dot_dimension_numbers<[1], [0], [0], [1], [0, 0, 1, 1], [], []>, transpose_lhs_hint = false} : vector<1000x128xf32>, vector<128x256xf32>, vector<1000x256xf32> -> vector<1000x256xf32>
    %add3A = arith.addf %broadcast_in_dim3A_0, %dot_general3A_12 : vector<1000x256xf32>
    %get3A_13 = arith.constant 0 : index
    %get3A_14 = arith.constant 0 : index
    %get3A_15 = arith.constant 0 : index
    %get3A_16 = vector.load %arg2[%get3A_13, %get3A_14, %get3A_15] : memref<14x1000x128xf32, #tpu.memory_space<vmem>>, vector<1x1000x128xf32>
    %get3A_17 = vector.shape_cast %get3A_16 : vector<1x1000x128xf32> to vector<1000x128xf32>
    %get3A_18 = arith.constant 0 : index
    %get3A_19 = arith.constant 0 : index
    %get3A_20 = arith.constant 0 : index
    %get3A_21 = vector.load %arg4[%get3A_18, %get3A_19, %get3A_20] : memref<14x128x256xf32, #tpu.memory_space<vmem>>, vector<1x128x256xf32>
    %get3A_22 = vector.shape_cast %get3A_21 : vector<1x128x256xf32> to vector<128x256xf32>
    %dot_general3A_23 = arith.constant dense<0.000000e+00> : vector<1000x256xf32>
    %dot_general3A_24 = tpu.matmul %get3A_17, %get3A_22, %dot_general3A_23 {dimension_numbers = #tpu.dot_dimension_numbers<[1], [0], [0], [1], [0, 0, 1, 1], [], []>, transpose_lhs_hint = false} : vector<1000x128xf32>, vector<128x256xf32>, vector<1000x256xf32> -> vector<1000x256xf32>
    %add3A_25 = arith.addf %broadcast_in_dim3A_2, %dot_general3A_24 : vector<1000x256xf32>
    %get3A_26 = arith.constant 1 : index
    %get3A_27 = arith.constant 0 : index
    %get3A_28 = arith.constant 0 : index
    %get3A_29 = vector.load %arg1[%get3A_26, %get3A_27, %get3A_28] : memref<14x1000x128xf32, #tpu.memory_space<vmem>>, vector<1x1000x128xf32>
    %get3A_30 = vector.shape_cast %get3A_29 : vector<1x1000x128xf32> to vector<1000x128xf32>
    %get3A_31 = arith.constant 1 : index
    %get3A_32 = arith.constant 0 : index
    %get3A_33 = arith.constant 0 : index
    %get3A_34 = vector.load %arg3[%get3A_31, %get3A_32, %get3A_33] : memref<14x128x256xf32, #tpu.memory_space<vmem>>, vector<1x128x256xf32>
    %get3A_35 = vector.shape_cast %get3A_34 : vector<1x128x256xf32> to vector<128x256xf32>
    %dot_general3A_36 = arith.constant dense<0.000000e+00> : vector<1000x256xf32>
    %dot_general3A_37 = tpu.matmul %get3A_30, %get3A_35, %dot_general3A_36 {dimension_numbers = #tpu.dot_dimension_numbers<[1], [0], [0], [1], [0, 0, 1, 1], [], []>, transpose_lhs_hint = false} : vector<1000x128xf32>, vector<128x256xf32>, vector<1000x256xf32> -> vector<1000x256xf32>
    %add3A_38 = arith.addf %add3A, %dot_general3A_37 : vector<1000x256xf32>
    %get3A_39 = arith.constant 1 : index
    %get3A_40 = arith.constant 0 : index
    %get3A_41 = arith.constant 0 : index
    %get3A_42 = vector.load %arg2[%get3A_39, %get3A_40, %get3A_41] : memref<14x1000x128xf32, #tpu.memory_space<vmem>>, vector<1x1000x128xf32>
    %get3A_43 = vector.shape_cast %get3A_42 : vector<1x1000x128xf32> to vector<1000x128xf32>
    %get3A_44 = arith.constant 1 : index
    %get3A_45 = arith.constant 0 : index
    %get3A_46 = arith.constant 0 : index
    %get3A_47 = vector.load %arg4[%get3A_44, %get3A_45, %get3A_46] : memref<14x128x256xf32, #tpu.memory_space<vmem>>, vector<1x128x256xf32>
    %get3A_48 = vector.shape_cast %get3A_47 : vector<1x128x256xf32> to vector<128x256xf32>
    %dot_general3A_49 = arith.constant dense<0.000000e+00> : vector<1000x256xf32>
    %dot_general3A_50 = tpu.matmul %get3A_43, %get3A_48, %dot_general3A_49 {dimension_numbers = #tpu.dot_dimension_numbers<[1], [0], [0], [1], [0, 0, 1, 1], [], []>, transpose_lhs_hint = false} : vector<1000x128xf32>, vector<128x256xf32>, vector<1000x256xf32> -> vector<1000x256xf32>
    %add3A_51 = arith.addf %add3A_25, %dot_general3A_50 : vector<1000x256xf32>
    %get3A_52 = arith.constant 2 : index
    %get3A_53 = arith.constant 0 : index
    %get3A_54 = arith.constant 0 : index
    %get3A_55 = vector.load %arg1[%get3A_52, %get3A_53, %get3A_54] : memref<14x1000x128xf32, #tpu.memory_space<vmem>>, vector<1x1000x128xf32>
    %get3A_56 = vector.shape_cast %get3A_55 : vector<1x1000x128xf32> to vector<1000x128xf32>
    %get3A_57 = arith.constant 2 : index
    %get3A_58 = arith.constant 0 : index
    %get3A_59 = arith.constant 0 : index
    %get3A_60 = vector.load %arg3[%get3A_57, %get3A_58, %get3A_59] : memref<14x128x256xf32, #tpu.memory_space<vmem>>, vector<1x128x256xf32>
    %get3A_61 = vector.shape_cast %get3A_60 : vector<1x128x256xf32> to vector<128x256xf32>
    %dot_general3A_62 = arith.constant dense<0.000000e+00> : vector<1000x256xf32>
    %dot_general3A_63 = tpu.matmul %get3A_56, %get3A_61, %dot_general3A_62 {dimension_numbers = #tpu.dot_dimension_numbers<[1], [0], [0], [1], [0, 0, 1, 1], [], []>, transpose_lhs_hint = false} : vector<1000x128xf32>, vector<128x256xf32>, vector<1000x256xf32> -> vector<1000x256xf32>
    %add3A_64 = arith.addf %add3A_38, %dot_general3A_63 : vector<1000x256xf32>
    %get3A_65 = arith.constant 2 : index
    %get3A_66 = arith.constant 0 : index
    %get3A_67 = arith.constant 0 : index
    %get3A_68 = vector.load %arg2[%get3A_65, %get3A_66, %get3A_67] : memref<14x1000x128xf32, #tpu.memory_space<vmem>>, vector<1x1000x128xf32>
    %get3A_69 = vector.shape_cast %get3A_68 : vector<1x1000x128xf32> to vector<1000x128xf32>
    %get3A_70 = arith.constant 2 : index
    %get3A_71 = arith.constant 0 : index
    %get3A_72 = arith.constant 0 : index
    %get3A_73 = vector.load %arg4[%get3A_70, %get3A_71, %get3A_72] : memref<14x128x256xf32, #tpu.memory_space<vmem>>, vector<1x128x256xf32>
    %get3A_74 = vector.shape_cast %get3A_73 : vector<1x128x256xf32> to vector<128x256xf32>
    %dot_general3A_75 = arith.constant dense<0.000000e+00> : vector<1000x256xf32>
    %dot_general3A_76 = tpu.matmul %get3A_69, %get3A_74, %dot_general3A_75 {dimension_numbers = #tpu.dot_dimension_numbers<[1], [0], [0], [1], [0, 0, 1, 1], [], []>, transpose_lhs_hint = false} : vector<1000x128xf32>, vector<128x256xf32>, vector<1000x256xf32> -> vector<1000x256xf32>
    %add3A_77 = arith.addf %add3A_51, %dot_general3A_76 : vector<1000x256xf32>
    %get3A_78 = arith.constant 3 : index
    %get3A_79 = arith.constant 0 : index
    %get3A_80 = arith.constant 0 : index
    %get3A_81 = vector.load %arg1[%get3A_78, %get3A_79, %get3A_80] : memref<14x1000x128xf32, #tpu.memory_space<vmem>>, vector<1x1000x128xf32>
    %get3A_82 = vector.shape_cast %get3A_81 : vector<1x1000x128xf32> to vector<1000x128xf32>
    %get3A_83 = arith.constant 3 : index
    %get3A_84 = arith.constant 0 : index
    %get3A_85 = arith.constant 0 : index
    %get3A_86 = vector.load %arg3[%get3A_83, %get3A_84, %get3A_85] : memref<14x128x256xf32, #tpu.memory_space<vmem>>, vector<1x128x256xf32>
    %get3A_87 = vector.shape_cast %get3A_86 : vector<1x128x256xf32> to vector<128x256xf32>
    %dot_general3A_88 = arith.constant dense<0.000000e+00> : vector<1000x256xf32>
    %dot_general3A_89 = tpu.matmul %get3A_82, %get3A_87, %dot_general3A_88 {dimension_numbers = #tpu.dot_dimension_numbers<[1], [0], [0], [1], [0, 0, 1, 1], [], []>, transpose_lhs_hint = false} : vector<1000x128xf32>, vector<128x256xf32>, vector<1000x256xf32> -> vector<1000x256xf32>
    %add3A_90 = arith.addf %add3A_64, %dot_general3A_89 : vector<1000x256xf32>
    %get3A_91 = arith.constant 3 : index
    %get3A_92 = arith.constant 0 : index
    %get3A_93 = arith.constant 0 : index
    %get3A_94 = vector.load %arg2[%get3A_91, %get3A_92, %get3A_93] : memref<14x1000x128xf32, #tpu.memory_space<vmem>>, vector<1x1000x128xf32>
    %get3A_95 = vector.shape_cast %get3A_94 : vector<1x1000x128xf32> to vector<1000x128xf32>
    %get3A_96 = arith.constant 3 : index
    %get3A_97 = arith.constant 0 : index
    %get3A_98 = arith.constant 0 : index
    %get3A_99 = vector.load %arg4[%get3A_96, %get3A_97, %get3A_98] : memref<14x128x256xf32, #tpu.memory_space<vmem>>, vector<1x128x256xf32>
    %get3A_100 = vector.shape_cast %get3A_99 : vector<1x128x256xf32> to vector<128x256xf32>
    %dot_general3A_101 = arith.constant dense<0.000000e+00> : vector<1000x256xf32>
    %dot_general3A_102 = tpu.matmul %get3A_95, %get3A_100, %dot_general3A_101 {dimension_numbers = #tpu.dot_dimension_numbers<[1], [0], [0], [1], [0, 0, 1, 1], [], []>, transpose_lhs_hint = false} : vector<1000x128xf32>, vector<128x256xf32>, vector<1000x256xf32> -> vector<1000x256xf32>
    %add3A_103 = arith.addf %add3A_77, %dot_general3A_102 : vector<1000x256xf32>
    %get3A_104 = arith.constant 4 : index
    %get3A_105 = arith.constant 0 : index
    %get3A_106 = arith.constant 0 : index
    %get3A_107 = vector.load %arg1[%get3A_104, %get3A_105, %get3A_106] : memref<14x1000x128xf32, #tpu.memory_space<vmem>>, vector<1x1000x128xf32>
    %get3A_108 = vector.shape_cast %get3A_107 : vector<1x1000x128xf32> to vector<1000x128xf32>
    %get3A_109 = arith.constant 4 : index
    %get3A_110 = arith.constant 0 : index
    %get3A_111 = arith.constant 0 : index
    %get3A_112 = vector.load %arg3[%get3A_109, %get3A_110, %get3A_111] : memref<14x128x256xf32, #tpu.memory_space<vmem>>, vector<1x128x256xf32>
    %get3A_113 = vector.shape_cast %get3A_112 : vector<1x128x256xf32> to vector<128x256xf32>
    %dot_general3A_114 = arith.constant dense<0.000000e+00> : vector<1000x256xf32>
    %dot_general3A_115 = tpu.matmul %get3A_108, %get3A_113, %dot_general3A_114 {dimension_numbers = #tpu.dot_dimension_numbers<[1], [0], [0], [1], [0, 0, 1, 1], [], []>, transpose_lhs_hint = false} : vector<1000x128xf32>, vector<128x256xf32>, vector<1000x256xf32> -> vector<1000x256xf32>
    %add3A_116 = arith.addf %add3A_90, %dot_general3A_115 : vector<1000x256xf32>
    %get3A_117 = arith.constant 4 : index
    %get3A_118 = arith.constant 0 : index
    %get3A_119 = arith.constant 0 : index
    %get3A_120 = vector.load %arg2[%get3A_117, %get3A_118, %get3A_119] : memref<14x1000x128xf32, #tpu.memory_space<vmem>>, vector<1x1000x128xf32>
    %get3A_121 = vector.shape_cast %get3A_120 : vector<1x1000x128xf32> to vector<1000x128xf32>
    %get3A_122 = arith.constant 4 : index
    %get3A_123 = arith.constant 0 : index
    %get3A_124 = arith.constant 0 : index
    %get3A_125 = vector.load %arg4[%get3A_122, %get3A_123, %get3A_124] : memref<14x128x256xf32, #tpu.memory_space<vmem>>, vector<1x128x256xf32>
    %get3A_126 = vector.shape_cast %get3A_125 : vector<1x128x256xf32> to vector<128x256xf32>
    %dot_general3A_127 = arith.constant dense<0.000000e+00> : vector<1000x256xf32>
    %dot_general3A_128 = tpu.matmul %get3A_121, %get3A_126, %dot_general3A_127 {dimension_numbers = #tpu.dot_dimension_numbers<[1], [0], [0], [1], [0, 0, 1, 1], [], []>, transpose_lhs_hint = false} : vector<1000x128xf32>, vector<128x256xf32>, vector<1000x256xf32> -> vector<1000x256xf32>
    %add3A_129 = arith.addf %add3A_103, %dot_general3A_128 : vector<1000x256xf32>
    %get3A_130 = arith.constant 5 : index
    %get3A_131 = arith.constant 0 : index
    %get3A_132 = arith.constant 0 : index
    %get3A_133 = vector.load %arg1[%get3A_130, %get3A_131, %get3A_132] : memref<14x1000x128xf32, #tpu.memory_space<vmem>>, vector<1x1000x128xf32>
    %get3A_134 = vector.shape_cast %get3A_133 : vector<1x1000x128xf32> to vector<1000x128xf32>
    %get3A_135 = arith.constant 5 : index
    %get3A_136 = arith.constant 0 : index
    %get3A_137 = arith.constant 0 : index
    %get3A_138 = vector.load %arg3[%get3A_135, %get3A_136, %get3A_137] : memref<14x128x256xf32, #tpu.memory_space<vmem>>, vector<1x128x256xf32>
    %get3A_139 = vector.shape_cast %get3A_138 : vector<1x128x256xf32> to vector<128x256xf32>
    %dot_general3A_140 = arith.constant dense<0.000000e+00> : vector<1000x256xf32>
    %dot_general3A_141 = tpu.matmul %get3A_134, %get3A_139, %dot_general3A_140 {dimension_numbers = #tpu.dot_dimension_numbers<[1], [0], [0], [1], [0, 0, 1, 1], [], []>, transpose_lhs_hint = false} : vector<1000x128xf32>, vector<128x256xf32>, vector<1000x256xf32> -> vector<1000x256xf32>
    %add3A_142 = arith.addf %add3A_116, %dot_general3A_141 : vector<1000x256xf32>
    %get3A_143 = arith.constant 5 : index
    %get3A_144 = arith.constant 0 : index
    %get3A_145 = arith.constant 0 : index
    %get3A_146 = vector.load %arg2[%get3A_143, %get3A_144, %get3A_145] : memref<14x1000x128xf32, #tpu.memory_space<vmem>>, vector<1x1000x128xf32>
    %get3A_147 = vector.shape_cast %get3A_146 : vector<1x1000x128xf32> to vector<1000x128xf32>
    %get3A_148 = arith.constant 5 : index
    %get3A_149 = arith.constant 0 : index
    %get3A_150 = arith.constant 0 : index
    %get3A_151 = vector.load %arg4[%get3A_148, %get3A_149, %get3A_150] : memref<14x128x256xf32, #tpu.memory_space<vmem>>, vector<1x128x256xf32>
    %get3A_152 = vector.shape_cast %get3A_151 : vector<1x128x256xf32> to vector<128x256xf32>
    %dot_general3A_153 = arith.constant dense<0.000000e+00> : vector<1000x256xf32>
    %dot_general3A_154 = tpu.matmul %get3A_147, %get3A_152, %dot_general3A_153 {dimension_numbers = #tpu.dot_dimension_numbers<[1], [0], [0], [1], [0, 0, 1, 1], [], []>, transpose_lhs_hint = false} : vector<1000x128xf32>, vector<128x256xf32>, vector<1000x256xf32> -> vector<1000x256xf32>
    %add3A_155 = arith.addf %add3A_129, %dot_general3A_154 : vector<1000x256xf32>
    %get3A_156 = arith.constant 6 : index
    %get3A_157 = arith.constant 0 : index
    %get3A_158 = arith.constant 0 : index
    %get3A_159 = vector.load %arg1[%get3A_156, %get3A_157, %get3A_158] : memref<14x1000x128xf32, #tpu.memory_space<vmem>>, vector<1x1000x128xf32>
    %get3A_160 = vector.shape_cast %get3A_159 : vector<1x1000x128xf32> to vector<1000x128xf32>
    %get3A_161 = arith.constant 6 : index
    %get3A_162 = arith.constant 0 : index
    %get3A_163 = arith.constant 0 : index
    %get3A_164 = vector.load %arg3[%get3A_161, %get3A_162, %get3A_163] : memref<14x128x256xf32, #tpu.memory_space<vmem>>, vector<1x128x256xf32>
    %get3A_165 = vector.shape_cast %get3A_164 : vector<1x128x256xf32> to vector<128x256xf32>
    %dot_general3A_166 = arith.constant dense<0.000000e+00> : vector<1000x256xf32>
    %dot_general3A_167 = tpu.matmul %get3A_160, %get3A_165, %dot_general3A_166 {dimension_numbers = #tpu.dot_dimension_numbers<[1], [0], [0], [1], [0, 0, 1, 1], [], []>, transpose_lhs_hint = false} : vector<1000x128xf32>, vector<128x256xf32>, vector<1000x256xf32> -> vector<1000x256xf32>
    %add3A_168 = arith.addf %add3A_142, %dot_general3A_167 : vector<1000x256xf32>
    %get3A_169 = arith.constant 6 : index
    %get3A_170 = arith.constant 0 : index
    %get3A_171 = arith.constant 0 : index
    %get3A_172 = vector.load %arg2[%get3A_169, %get3A_170, %get3A_171] : memref<14x1000x128xf32, #tpu.memory_space<vmem>>, vector<1x1000x128xf32>
    %get3A_173 = vector.shape_cast %get3A_172 : vector<1x1000x128xf32> to vector<1000x128xf32>
    %get3A_174 = arith.constant 6 : index
    %get3A_175 = arith.constant 0 : index
    %get3A_176 = arith.constant 0 : index
    %get3A_177 = vector.load %arg4[%get3A_174, %get3A_175, %get3A_176] : memref<14x128x256xf32, #tpu.memory_space<vmem>>, vector<1x128x256xf32>
    %get3A_178 = vector.shape_cast %get3A_177 : vector<1x128x256xf32> to vector<128x256xf32>
    %dot_general3A_179 = arith.constant dense<0.000000e+00> : vector<1000x256xf32>
    %dot_general3A_180 = tpu.matmul %get3A_173, %get3A_178, %dot_general3A_179 {dimension_numbers = #tpu.dot_dimension_numbers<[1], [0], [0], [1], [0, 0, 1, 1], [], []>, transpose_lhs_hint = false} : vector<1000x128xf32>, vector<128x256xf32>, vector<1000x256xf32> -> vector<1000x256xf32>
    %add3A_181 = arith.addf %add3A_155, %dot_general3A_180 : vector<1000x256xf32>
    %get3A_182 = arith.constant 7 : index
    %get3A_183 = arith.constant 0 : index
    %get3A_184 = arith.constant 0 : index
    %get3A_185 = vector.load %arg1[%get3A_182, %get3A_183, %get3A_184] : memref<14x1000x128xf32, #tpu.memory_space<vmem>>, vector<1x1000x128xf32>
    %get3A_186 = vector.shape_cast %get3A_185 : vector<1x1000x128xf32> to vector<1000x128xf32>
    %get3A_187 = arith.constant 7 : index
    %get3A_188 = arith.constant 0 : index
    %get3A_189 = arith.constant 0 : index
    %get3A_190 = vector.load %arg3[%get3A_187, %get3A_188, %get3A_189] : memref<14x128x256xf32, #tpu.memory_space<vmem>>, vector<1x128x256xf32>
    %get3A_191 = vector.shape_cast %get3A_190 : vector<1x128x256xf32> to vector<128x256xf32>
    %dot_general3A_192 = arith.constant dense<0.000000e+00> : vector<1000x256xf32>
    %dot_general3A_193 = tpu.matmul %get3A_186, %get3A_191, %dot_general3A_192 {dimension_numbers = #tpu.dot_dimension_numbers<[1], [0], [0], [1], [0, 0, 1, 1], [], []>, transpose_lhs_hint = false} : vector<1000x128xf32>, vector<128x256xf32>, vector<1000x256xf32> -> vector<1000x256xf32>
    %add3A_194 = arith.addf %add3A_168, %dot_general3A_193 : vector<1000x256xf32>
    %get3A_195 = arith.constant 7 : index
    %get3A_196 = arith.constant 0 : index
    %get3A_197 = arith.constant 0 : index
    %get3A_198 = vector.load %arg2[%get3A_195, %get3A_196, %get3A_197] : memref<14x1000x128xf32, #tpu.memory_space<vmem>>, vector<1x1000x128xf32>
    %get3A_199 = vector.shape_cast %get3A_198 : vector<1x1000x128xf32> to vector<1000x128xf32>
    %get3A_200 = arith.constant 7 : index
    %get3A_201 = arith.constant 0 : index
    %get3A_202 = arith.constant 0 : index
    %get3A_203 = vector.load %arg4[%get3A_200, %get3A_201, %get3A_202] : memref<14x128x256xf32, #tpu.memory_space<vmem>>, vector<1x128x256xf32>
    %get3A_204 = vector.shape_cast %get3A_203 : vector<1x128x256xf32> to vector<128x256xf32>
    %dot_general3A_205 = arith.constant dense<0.000000e+00> : vector<1000x256xf32>
    %dot_general3A_206 = tpu.matmul %get3A_199, %get3A_204, %dot_general3A_205 {dimension_numbers = #tpu.dot_dimension_numbers<[1], [0], [0], [1], [0, 0, 1, 1], [], []>, transpose_lhs_hint = false} : vector<1000x128xf32>, vector<128x256xf32>, vector<1000x256xf32> -> vector<1000x256xf32>
    %add3A_207 = arith.addf %add3A_181, %dot_general3A_206 : vector<1000x256xf32>
    %get3A_208 = arith.constant 8 : index
    %get3A_209 = arith.constant 0 : index
    %get3A_210 = arith.constant 0 : index
    %get3A_211 = vector.load %arg1[%get3A_208, %get3A_209, %get3A_210] : memref<14x1000x128xf32, #tpu.memory_space<vmem>>, vector<1x1000x128xf32>
    %get3A_212 = vector.shape_cast %get3A_211 : vector<1x1000x128xf32> to vector<1000x128xf32>
    %get3A_213 = arith.constant 8 : index
    %get3A_214 = arith.constant 0 : index
    %get3A_215 = arith.constant 0 : index
    %get3A_216 = vector.load %arg3[%get3A_213, %get3A_214, %get3A_215] : memref<14x128x256xf32, #tpu.memory_space<vmem>>, vector<1x128x256xf32>
    %get3A_217 = vector.shape_cast %get3A_216 : vector<1x128x256xf32> to vector<128x256xf32>
    %dot_general3A_218 = arith.constant dense<0.000000e+00> : vector<1000x256xf32>
    %dot_general3A_219 = tpu.matmul %get3A_212, %get3A_217, %dot_general3A_218 {dimension_numbers = #tpu.dot_dimension_numbers<[1], [0], [0], [1], [0, 0, 1, 1], [], []>, transpose_lhs_hint = false} : vector<1000x128xf32>, vector<128x256xf32>, vector<1000x256xf32> -> vector<1000x256xf32>
    %add3A_220 = arith.addf %add3A_194, %dot_general3A_219 : vector<1000x256xf32>
    %get3A_221 = arith.constant 8 : index
    %get3A_222 = arith.constant 0 : index
    %get3A_223 = arith.constant 0 : index
    %get3A_224 = vector.load %arg2[%get3A_221, %get3A_222, %get3A_223] : memref<14x1000x128xf32, #tpu.memory_space<vmem>>, vector<1x1000x128xf32>
    %get3A_225 = vector.shape_cast %get3A_224 : vector<1x1000x128xf32> to vector<1000x128xf32>
    %get3A_226 = arith.constant 8 : index
    %get3A_227 = arith.constant 0 : index
    %get3A_228 = arith.constant 0 : index
    %get3A_229 = vector.load %arg4[%get3A_226, %get3A_227, %get3A_228] : memref<14x128x256xf32, #tpu.memory_space<vmem>>, vector<1x128x256xf32>
    %get3A_230 = vector.shape_cast %get3A_229 : vector<1x128x256xf32> to vector<128x256xf32>
    %dot_general3A_231 = arith.constant dense<0.000000e+00> : vector<1000x256xf32>
    %dot_general3A_232 = tpu.matmul %get3A_225, %get3A_230, %dot_general3A_231 {dimension_numbers = #tpu.dot_dimension_numbers<[1], [0], [0], [1], [0, 0, 1, 1], [], []>, transpose_lhs_hint = false} : vector<1000x128xf32>, vector<128x256xf32>, vector<1000x256xf32> -> vector<1000x256xf32>
    %add3A_233 = arith.addf %add3A_207, %dot_general3A_232 : vector<1000x256xf32>
    %get3A_234 = arith.constant 9 : index
    %get3A_235 = arith.constant 0 : index
    %get3A_236 = arith.constant 0 : index
    %get3A_237 = vector.load %arg1[%get3A_234, %get3A_235, %get3A_236] : memref<14x1000x128xf32, #tpu.memory_space<vmem>>, vector<1x1000x128xf32>
    %get3A_238 = vector.shape_cast %get3A_237 : vector<1x1000x128xf32> to vector<1000x128xf32>
    %get3A_239 = arith.constant 9 : index
    %get3A_240 = arith.constant 0 : index
    %get3A_241 = arith.constant 0 : index
    %get3A_242 = vector.load %arg3[%get3A_239, %get3A_240, %get3A_241] : memref<14x128x256xf32, #tpu.memory_space<vmem>>, vector<1x128x256xf32>
    %get3A_243 = vector.shape_cast %get3A_242 : vector<1x128x256xf32> to vector<128x256xf32>
    %dot_general3A_244 = arith.constant dense<0.000000e+00> : vector<1000x256xf32>
    %dot_general3A_245 = tpu.matmul %get3A_238, %get3A_243, %dot_general3A_244 {dimension_numbers = #tpu.dot_dimension_numbers<[1], [0], [0], [1], [0, 0, 1, 1], [], []>, transpose_lhs_hint = false} : vector<1000x128xf32>, vector<128x256xf32>, vector<1000x256xf32> -> vector<1000x256xf32>
    %add3A_246 = arith.addf %add3A_220, %dot_general3A_245 : vector<1000x256xf32>
    %get3A_247 = arith.constant 9 : index
    %get3A_248 = arith.constant 0 : index
    %get3A_249 = arith.constant 0 : index
    %get3A_250 = vector.load %arg2[%get3A_247, %get3A_248, %get3A_249] : memref<14x1000x128xf32, #tpu.memory_space<vmem>>, vector<1x1000x128xf32>
    %get3A_251 = vector.shape_cast %get3A_250 : vector<1x1000x128xf32> to vector<1000x128xf32>
    %get3A_252 = arith.constant 9 : index
    %get3A_253 = arith.constant 0 : index
    %get3A_254 = arith.constant 0 : index
    %get3A_255 = vector.load %arg4[%get3A_252, %get3A_253, %get3A_254] : memref<14x128x256xf32, #tpu.memory_space<vmem>>, vector<1x128x256xf32>
    %get3A_256 = vector.shape_cast %get3A_255 : vector<1x128x256xf32> to vector<128x256xf32>
    %dot_general3A_257 = arith.constant dense<0.000000e+00> : vector<1000x256xf32>
    %dot_general3A_258 = tpu.matmul %get3A_251, %get3A_256, %dot_general3A_257 {dimension_numbers = #tpu.dot_dimension_numbers<[1], [0], [0], [1], [0, 0, 1, 1], [], []>, transpose_lhs_hint = false} : vector<1000x128xf32>, vector<128x256xf32>, vector<1000x256xf32> -> vector<1000x256xf32>
    %add3A_259 = arith.addf %add3A_233, %dot_general3A_258 : vector<1000x256xf32>
    %get3A_260 = arith.constant 10 : index
    %get3A_261 = arith.constant 0 : index
    %get3A_262 = arith.constant 0 : index
    %get3A_263 = vector.load %arg1[%get3A_260, %get3A_261, %get3A_262] : memref<14x1000x128xf32, #tpu.memory_space<vmem>>, vector<1x1000x128xf32>
    %get3A_264 = vector.shape_cast %get3A_263 : vector<1x1000x128xf32> to vector<1000x128xf32>
    %get3A_265 = arith.constant 10 : index
    %get3A_266 = arith.constant 0 : index
    %get3A_267 = arith.constant 0 : index
    %get3A_268 = vector.load %arg3[%get3A_265, %get3A_266, %get3A_267] : memref<14x128x256xf32, #tpu.memory_space<vmem>>, vector<1x128x256xf32>
    %get3A_269 = vector.shape_cast %get3A_268 : vector<1x128x256xf32> to vector<128x256xf32>
    %dot_general3A_270 = arith.constant dense<0.000000e+00> : vector<1000x256xf32>
    %dot_general3A_271 = tpu.matmul %get3A_264, %get3A_269, %dot_general3A_270 {dimension_numbers = #tpu.dot_dimension_numbers<[1], [0], [0], [1], [0, 0, 1, 1], [], []>, transpose_lhs_hint = false} : vector<1000x128xf32>, vector<128x256xf32>, vector<1000x256xf32> -> vector<1000x256xf32>
    %add3A_272 = arith.addf %add3A_246, %dot_general3A_271 : vector<1000x256xf32>
    %get3A_273 = arith.constant 10 : index
    %get3A_274 = arith.constant 0 : index
    %get3A_275 = arith.constant 0 : index
    %get3A_276 = vector.load %arg2[%get3A_273, %get3A_274, %get3A_275] : memref<14x1000x128xf32, #tpu.memory_space<vmem>>, vector<1x1000x128xf32>
    %get3A_277 = vector.shape_cast %get3A_276 : vector<1x1000x128xf32> to vector<1000x128xf32>
    %get3A_278 = arith.constant 10 : index
    %get3A_279 = arith.constant 0 : index
    %get3A_280 = arith.constant 0 : index
    %get3A_281 = vector.load %arg4[%get3A_278, %get3A_279, %get3A_280] : memref<14x128x256xf32, #tpu.memory_space<vmem>>, vector<1x128x256xf32>
    %get3A_282 = vector.shape_cast %get3A_281 : vector<1x128x256xf32> to vector<128x256xf32>
    %dot_general3A_283 = arith.constant dense<0.000000e+00> : vector<1000x256xf32>
    %dot_general3A_284 = tpu.matmul %get3A_277, %get3A_282, %dot_general3A_283 {dimension_numbers = #tpu.dot_dimension_numbers<[1], [0], [0], [1], [0, 0, 1, 1], [], []>, transpose_lhs_hint = false} : vector<1000x128xf32>, vector<128x256xf32>, vector<1000x256xf32> -> vector<1000x256xf32>
    %add3A_285 = arith.addf %add3A_259, %dot_general3A_284 : vector<1000x256xf32>
    %get3A_286 = arith.constant 11 : index
    %get3A_287 = arith.constant 0 : index
    %get3A_288 = arith.constant 0 : index
    %get3A_289 = vector.load %arg1[%get3A_286, %get3A_287, %get3A_288] : memref<14x1000x128xf32, #tpu.memory_space<vmem>>, vector<1x1000x128xf32>
    %get3A_290 = vector.shape_cast %get3A_289 : vector<1x1000x128xf32> to vector<1000x128xf32>
    %get3A_291 = arith.constant 11 : index
    %get3A_292 = arith.constant 0 : index
    %get3A_293 = arith.constant 0 : index
    %get3A_294 = vector.load %arg3[%get3A_291, %get3A_292, %get3A_293] : memref<14x128x256xf32, #tpu.memory_space<vmem>>, vector<1x128x256xf32>
    %get3A_295 = vector.shape_cast %get3A_294 : vector<1x128x256xf32> to vector<128x256xf32>
    %dot_general3A_296 = arith.constant dense<0.000000e+00> : vector<1000x256xf32>
    %dot_general3A_297 = tpu.matmul %get3A_290, %get3A_295, %dot_general3A_296 {dimension_numbers = #tpu.dot_dimension_numbers<[1], [0], [0], [1], [0, 0, 1, 1], [], []>, transpose_lhs_hint = false} : vector<1000x128xf32>, vector<128x256xf32>, vector<1000x256xf32> -> vector<1000x256xf32>
    %add3A_298 = arith.addf %add3A_272, %dot_general3A_297 : vector<1000x256xf32>
    %get3A_299 = arith.constant 11 : index
    %get3A_300 = arith.constant 0 : index
    %get3A_301 = arith.constant 0 : index
    %get3A_302 = vector.load %arg2[%get3A_299, %get3A_300, %get3A_301] : memref<14x1000x128xf32, #tpu.memory_space<vmem>>, vector<1x1000x128xf32>
    %get3A_303 = vector.shape_cast %get3A_302 : vector<1x1000x128xf32> to vector<1000x128xf32>
    %get3A_304 = arith.constant 11 : index
    %get3A_305 = arith.constant 0 : index
    %get3A_306 = arith.constant 0 : index
    %get3A_307 = vector.load %arg4[%get3A_304, %get3A_305, %get3A_306] : memref<14x128x256xf32, #tpu.memory_space<vmem>>, vector<1x128x256xf32>
    %get3A_308 = vector.shape_cast %get3A_307 : vector<1x128x256xf32> to vector<128x256xf32>
    %dot_general3A_309 = arith.constant dense<0.000000e+00> : vector<1000x256xf32>
    %dot_general3A_310 = tpu.matmul %get3A_303, %get3A_308, %dot_general3A_309 {dimension_numbers = #tpu.dot_dimension_numbers<[1], [0], [0], [1], [0, 0, 1, 1], [], []>, transpose_lhs_hint = false} : vector<1000x128xf32>, vector<128x256xf32>, vector<1000x256xf32> -> vector<1000x256xf32>
    %add3A_311 = arith.addf %add3A_285, %dot_general3A_310 : vector<1000x256xf32>
    %get3A_312 = arith.constant 12 : index
    %get3A_313 = arith.constant 0 : index
    %get3A_314 = arith.constant 0 : index
    %get3A_315 = vector.load %arg1[%get3A_312, %get3A_313, %get3A_314] : memref<14x1000x128xf32, #tpu.memory_space<vmem>>, vector<1x1000x128xf32>
    %get3A_316 = vector.shape_cast %get3A_315 : vector<1x1000x128xf32> to vector<1000x128xf32>
    %get3A_317 = arith.constant 12 : index
    %get3A_318 = arith.constant 0 : index
    %get3A_319 = arith.constant 0 : index
    %get3A_320 = vector.load %arg3[%get3A_317, %get3A_318, %get3A_319] : memref<14x128x256xf32, #tpu.memory_space<vmem>>, vector<1x128x256xf32>
    %get3A_321 = vector.shape_cast %get3A_320 : vector<1x128x256xf32> to vector<128x256xf32>
    %dot_general3A_322 = arith.constant dense<0.000000e+00> : vector<1000x256xf32>
    %dot_general3A_323 = tpu.matmul %get3A_316, %get3A_321, %dot_general3A_322 {dimension_numbers = #tpu.dot_dimension_numbers<[1], [0], [0], [1], [0, 0, 1, 1], [], []>, transpose_lhs_hint = false} : vector<1000x128xf32>, vector<128x256xf32>, vector<1000x256xf32> -> vector<1000x256xf32>
    %add3A_324 = arith.addf %add3A_298, %dot_general3A_323 : vector<1000x256xf32>
    %get3A_325 = arith.constant 12 : index
    %get3A_326 = arith.constant 0 : index
    %get3A_327 = arith.constant 0 : index
    %get3A_328 = vector.load %arg2[%get3A_325, %get3A_326, %get3A_327] : memref<14x1000x128xf32, #tpu.memory_space<vmem>>, vector<1x1000x128xf32>
    %get3A_329 = vector.shape_cast %get3A_328 : vector<1x1000x128xf32> to vector<1000x128xf32>
    %get3A_330 = arith.constant 12 : index
    %get3A_331 = arith.constant 0 : index
    %get3A_332 = arith.constant 0 : index
    %get3A_333 = vector.load %arg4[%get3A_330, %get3A_331, %get3A_332] : memref<14x128x256xf32, #tpu.memory_space<vmem>>, vector<1x128x256xf32>
    %get3A_334 = vector.shape_cast %get3A_333 : vector<1x128x256xf32> to vector<128x256xf32>
    %dot_general3A_335 = arith.constant dense<0.000000e+00> : vector<1000x256xf32>
    %dot_general3A_336 = tpu.matmul %get3A_329, %get3A_334, %dot_general3A_335 {dimension_numbers = #tpu.dot_dimension_numbers<[1], [0], [0], [1], [0, 0, 1, 1], [], []>, transpose_lhs_hint = false} : vector<1000x128xf32>, vector<128x256xf32>, vector<1000x256xf32> -> vector<1000x256xf32>
    %add3A_337 = arith.addf %add3A_311, %dot_general3A_336 : vector<1000x256xf32>
    %get3A_338 = arith.constant 13 : index
    %get3A_339 = arith.constant 0 : index
    %get3A_340 = arith.constant 0 : index
    %get3A_341 = vector.load %arg1[%get3A_338, %get3A_339, %get3A_340] : memref<14x1000x128xf32, #tpu.memory_space<vmem>>, vector<1x1000x128xf32>
    %get3A_342 = vector.shape_cast %get3A_341 : vector<1x1000x128xf32> to vector<1000x128xf32>
    %get3A_343 = arith.constant 13 : index
    %get3A_344 = arith.constant 0 : index
    %get3A_345 = arith.constant 0 : index
    %get3A_346 = vector.load %arg3[%get3A_343, %get3A_344, %get3A_345] : memref<14x128x256xf32, #tpu.memory_space<vmem>>, vector<1x128x256xf32>
    %get3A_347 = vector.shape_cast %get3A_346 : vector<1x128x256xf32> to vector<128x256xf32>
    %dot_general3A_348 = arith.constant dense<0.000000e+00> : vector<1000x256xf32>
    %dot_general3A_349 = tpu.matmul %get3A_342, %get3A_347, %dot_general3A_348 {dimension_numbers = #tpu.dot_dimension_numbers<[1], [0], [0], [1], [0, 0, 1, 1], [], []>, transpose_lhs_hint = false} : vector<1000x128xf32>, vector<128x256xf32>, vector<1000x256xf32> -> vector<1000x256xf32>
    %add3A_350 = arith.addf %add3A_324, %dot_general3A_349 : vector<1000x256xf32>
    %get3A_351 = arith.constant 13 : index
    %get3A_352 = arith.constant 0 : index
    %get3A_353 = arith.constant 0 : index
    %get3A_354 = vector.load %arg2[%get3A_351, %get3A_352, %get3A_353] : memref<14x1000x128xf32, #tpu.memory_space<vmem>>, vector<1x1000x128xf32>
    %get3A_355 = vector.shape_cast %get3A_354 : vector<1x1000x128xf32> to vector<1000x128xf32>
    %get3A_356 = arith.constant 13 : index
    %get3A_357 = arith.constant 0 : index
    %get3A_358 = arith.constant 0 : index
    %get3A_359 = vector.load %arg4[%get3A_356, %get3A_357, %get3A_358] : memref<14x128x256xf32, #tpu.memory_space<vmem>>, vector<1x128x256xf32>
    %get3A_360 = vector.shape_cast %get3A_359 : vector<1x128x256xf32> to vector<128x256xf32>
    %dot_general3A_361 = arith.constant dense<0.000000e+00> : vector<1000x256xf32>
    %dot_general3A_362 = tpu.matmul %get3A_355, %get3A_360, %dot_general3A_361 {dimension_numbers = #tpu.dot_dimension_numbers<[1], [0], [0], [1], [0, 0, 1, 1], [], []>, transpose_lhs_hint = false} : vector<1000x128xf32>, vector<128x256xf32>, vector<1000x256xf32> -> vector<1000x256xf32>
    %add3A_363 = arith.addf %add3A_337, %dot_general3A_362 : vector<1000x256xf32>
    %get3A_364 = arith.constant 0 : index
    %get3A_365 = arith.constant 0 : index
    %get3A_366 = vector.load %arg5[%get3A_364, %get3A_365] : memref<1000x1xf32, #tpu.memory_space<vmem>>, vector<1000x1xf32>
    %mul3A = vector.broadcast %get3A_366 : vector<1000x1xf32> to vector<1000x256xf32>
    %mul3A_367 = arith.mulf %add3A_350, %mul3A : vector<1000x256xf32>
    %get3A_368 = arith.constant 0 : index
    %get3A_369 = arith.constant 0 : index
    %get3A_370 = vector.load %arg6[%get3A_368, %get3A_369] : memref<1000x1xf32, #tpu.memory_space<vmem>>, vector<1000x1xf32>
    %mul3A_371 = vector.broadcast %get3A_370 : vector<1000x1xf32> to vector<1000x256xf32>
    %mul3A_372 = arith.mulf %add3A_363, %mul3A_371 : vector<1000x256xf32>
    %add3A_373 = arith.addf %mul3A_367, %mul3A_372 : vector<1000x256xf32>
    %get3A_374 = arith.constant 0 : index
    %get3A_375 = arith.constant 0 : index
    %get3A_376 = vector.load %arg7[%get3A_374, %get3A_375] : memref<1x256xf32, #tpu.memory_space<vmem>>, vector<1x256xf32>
    %add3A_377 = vector.broadcast %get3A_376 : vector<1x256xf32> to vector<1000x256xf32>
    %add3A_378 = arith.addf %add3A_373, %add3A_377 : vector<1000x256xf32>
    %ge3A = arith.constant 0.000000e+00 : f32
    %ge3A_379 = vector.broadcast %ge3A : f32 to vector<1000x256xf32>
    %ge3A_380 = arith.cmpf oge, %add3A_378, %ge3A_379 : vector<1000x256xf32>
    %mul3A_381 = arith.constant 0.00999999977 : f32
    %mul3A_382 = vector.broadcast %mul3A_381 : f32 to vector<1000x256xf32>
    %mul3A_383 = arith.mulf %mul3A_382, %add3A_378 : vector<1000x256xf32>
    %select_n3A = arith.select %ge3A_380, %add3A_378, %mul3A_383 : vector<1000x256xi1>, vector<1000x256xf32>
    %swap3A = arith.constant 0 : index
    %swap3A_384 = arith.constant 0 : index
    %swap3A_385 = vector.load %arg8[%swap3A, %swap3A_384] : memref<1000x256xf32, #tpu.memory_space<vmem>>, vector<1000x256xf32>
    tpu.vector_store %arg8[%swap3A, %swap3A_384], %select_n3A {strides = array<i32>} : memref<1000x256xf32, #tpu.memory_space<vmem>>, vector<1000x256xf32>,
    return
  }
  func.func @transform_0(%arg0: i32) -> (i32, i32, i32) {
    %c0_i32 = arith.constant 0 : i32
    %c0_i32_0 = arith.constant 0 : i32
    %c0_i32_1 = arith.constant 0 : i32
    return %c0_i32, %arg0, %c0_i32_0 : i32, i32, i32
  }
  func.func @transform_1(%arg0: i32) -> (i32, i32, i32) {
    %c0_i32 = arith.constant 0 : i32
    %c0_i32_0 = arith.constant 0 : i32
    %c0_i32_1 = arith.constant 0 : i32
    return %c0_i32, %arg0, %c0_i32_0 : i32, i32, i32
  }
  func.func @transform_2(%arg0: i32) -> (i32, i32, i32) {
    %c0_i32 = arith.constant 0 : i32
    %c0_i32_0 = arith.constant 0 : i32
    %c0_i32_1 = arith.constant 0 : i32
    %c0_i32_2 = arith.constant 0 : i32
    return %c0_i32, %c0_i32_0, %c0_i32_1 : i32, i32, i32
  }
  func.func @transform_3(%arg0: i32) -> (i32, i32, i32) {
    %c0_i32 = arith.constant 0 : i32
    %c0_i32_0 = arith.constant 0 : i32
    %c0_i32_1 = arith.constant 0 : i32
    %c0_i32_2 = arith.constant 0 : i32
    return %c0_i32, %c0_i32_0, %c0_i32_1 : i32, i32, i32
  }
  func.func @transform_4(%arg0: i32) -> (i32, i32) {
    %c0_i32 = arith.constant 0 : i32
    %c0_i32_0 = arith.constant 0 : i32
    return %arg0, %c0_i32 : i32, i32
  }
  func.func @transform_5(%arg0: i32) -> (i32, i32) {
    %c0_i32 = arith.constant 0 : i32
    %c0_i32_0 = arith.constant 0 : i32
    return %arg0, %c0_i32 : i32, i32
  }
  func.func @transform_6(%arg0: i32) -> (i32, i32) {
    %c0_i32 = arith.constant 0 : i32
    %c0_i32_0 = arith.constant 0 : i32
    %c0_i32_1 = arith.constant 0 : i32
    return %c0_i32, %c0_i32_0 : i32, i32
  }
  func.func @transform_7(%arg0: i32) -> (i32, i32) {
    %c0_i32 = arith.constant 0 : i32
    %c0_i32_0 = arith.constant 0 : i32
    return %arg0, %c0_i32 : i32, i32
  }
}

</mosaic_0001>

<sc_bundles>
// kernel: kernel.12.cloned.1.call-start
scs
__scs_entry_jumppad:
0x0: {  	(pc) =	sbr.rel $0x88, $3  }
0x1: {  	(tag) =	ssettag $0x0;
	lr =	simm.s32 $0x1  }
0x2: {  	[smem:$0x3F97] =	sst lr;
	_ =	strace $0xD0000000  }
0x3: {  	_ = 	snop  }
0x4: {  	_ = 	snop  }
0x5: {  	_ = 	snop  }
0x6: {  	_ = 	snop  }
0x7: {  	_ = 	snop  }
__scs_overlays_trampoline_lowered:
0x8: {  	[smem:$0x3FA6] =	sst s0  }
0x9: {  	[smem:$0x3FA7] =	sst s1  }
0xa: {  	[smem:$0x3FA8] =	sst s2  }
0xb: {  	[smem:$0x3FA9] =	sst s3  }
0xc: {  	[smem:$0x3FAA] =	sst s4  }
0xd: {  	[smem:$0x3FAB] =	sst s5  }
0xe: {  	[smem:$0x3FAC] =	sst s6  }
0xf: {  	[smem:$0x3FAD] =	sst s7  }
0x10: {  	[smem:$0x3FAE] =	sst s8  }
0x11: {  	[smem:$0x3FAF] =	sst s9;
	s0 =	simm.s32 @!p0 $0x0  }
0x12: {  	s1 =	sld [smem:$0x3F95];
	s0 =	simm.s32 @p0 $0x1  }
0x13: {  	[smem:$0x3FB0] =	sst s0;
	s0 =	simm.s32 @!p1 $0x0  }
0x14: {  	s2 =	sld [smem:$0x3F94];
	s0 =	simm.s32 @p1 $0x1  }
0x15: {  	[smem:$0x3FB1] =	sst s0;
	s0 =	simm.s32 @!p2 $0x0  }
0x16: {  	s3 =	sld [smem:$0x3FDB];
	s0 =	simm.s32 @p2 $0x1  }
0x17: {  	s4 =	simm.s32 $0x1BF5;
	[smem:$0x3FB3] =	sst s0  }
0x18: {  	s0 =	sld [smem:$0x3F96];
	_ =	swait.ge [sflag:s4], $0x0  }
0x19: {  	s7 =	sld [smem:$0x3F97]  }
0x1a: {  	s8 =	sadd.s32 $0xFFFFE003, lr  }
0x1b: {  	s9 =	sadd.s32 $0xFFFFFEF7, lr;
	s5 =	simm.s32 $0xFFFFFFFF;
	p2 =	slt.u32 s8, $0xFFFFF086  }
0x1c: {  	p1 =	slt.u32 s9, $0xF7A;
	s5 =	simm.s32 @!p2 $0x0  }
0x1d: {  	s5 =	simm.s32 @p1 $0x1;
	p0 =	seq.s32 s7, s2  }
0x1e: {  	s7 =	smul.u32 @!p0 $0xF7A, s2;
	p2 =	seq.s32 @!p0 s5, $0x0  }
0x1f: {  	s9 =	smul.u32 $0xF7A, s1;
	s8 =	simm.s32 @!p0 $0x1BF5;
	p2 =	por !p2, p0  }
0x20: {  	[sflag:s8] =	ssyncset.s32 @!p0 $0xFFFFF086;
	s6 =	sadd.s32 @!p0 s3, s7;
	s7 =	simm.s32 @!p0 $0x108  }
0x21: {  	s3 =	sadd.s32 s3, s9;
	s6 =	sadd.s32 @!p0 $0x88, s6;
	s7 =	simm.s32 @p2 $0x1082  }
0x22: {  	[simem:s7], [sflag:s8] =	dma.local @!p0 [hbm:s6], $0xF7A  }
0x23: {  	s9 =	sor.u32 $0xD0000000, s2;
	s6 =	simm.s32 $0x108;
	_ =	swait.ge @!p0 [sflag:s8], $0x0  }
0x24: {  	s3 =	sadd.s32 $0x88, s3;
	s6 =	simm.s32 @!p1 $0x1082;
	[sflag:s4] =	ssyncset.s32 $0xFFFFF086  }
0x25: {  	[simem:s6], [sflag:s4] =	dma.local [hbm:s3], $0xF7A  }
0x26: {  	[smem:$0x3F97] =	sst s1;
	(tag) =	ssettag s2;
	_ =	strace s9  }
0x27: {  	s1 =	sld [smem:$0x3FA7]  }
0x28: {  	s2 =	sld [smem:$0x3FA8]  }
0x29: {  	s4 =	sld [smem:$0x3FAA]  }
0x2a: {  	p0 =	seq.s32 s5, $0x0;
	s5 =	sld [smem:$0x3FAB]  }
0x2b: {  	s6 =	sld [smem:$0x3FAC]  }
0x2c: {  	s7 =	sld [smem:$0x3FAD]  }
0x2d: {  	s3 =	simm.s32 $0x108;
	s8 =	sld [smem:$0x3FAE]  }
0x2e: {  	s3 =	simm.s32 @!p0 $0x1082;
	s9 =	sld [smem:$0x3FAF]  }
0x2f: {  	lr =	sadd.s32 s0, s3;
	s0 =	sld [smem:$0x3FA6]  }
0x30: {  	s3 =	sld [smem:$0x3FA9]  }
0x31: {  	[smem:$0x3FB2] =	sst s10  }
0x32: {  	s10 =	sld [smem:$0x3FB0];
	_ =	sdelay $0x3  }
0x33: {  	p0 =	seq.s32 s10, $0x1;
	s10 =	sld [smem:$0x3FB2];
	_ =	sdelay $0x3  }
0x34: {  	[smem:$0x3FB2] =	sst s10  }
0x35: {  	s10 =	sld [smem:$0x3FB1];
	_ =	sdelay $0x3  }
0x36: {  	p1 =	seq.s32 s10, $0x1;
	s10 =	sld [smem:$0x3FB2];
	_ =	sdelay $0x3  }
0x37: {  	[smem:$0x3FB2] =	sst s10  }
0x38: {  	s10 =	sld [smem:$0x3FB3]  }
0x39: {  	_ = 	snop;
	(pc) =	sbr.ind lr, $3  }
0x3a: {  	_ = 	snop  }
0x3b: {  	_ = 	snop  }
0x3c: {  	p2 =	seq.s32 s10, $0x1;
	s10 =	sld [smem:$0x3FB2]  }
0x3d: {  	_ =	shalt  }
0x3e: {  	_ =	shalt  }
0x3f: {  	_ =	shalt  }
0x40: {  	_ =	shalt  }
0x41: {  	_ =	shalt  }
0x42: {  	_ =	shalt  }
0x43: {  	_ =	shalt  }
0x44: {  	_ =	shalt  }
0x45: {  	_ =	shalt  }
0x46: {  	_ =	shalt  }
0x47: {  	_ =	shalt  }
0x48: {  	_ =	shalt  }
0x49: {  	_ =	shalt  }
0x4a: {  	_ =	shalt  }
0x4b: {  	_ =	shalt  }
0x4c: {  	_ =	shalt  }
0x4d: {  	_ =	shalt  }
0x4e: {  	_ =	shalt  }
0x4f: {  	_ =	shalt  }
0x50: {  	_ =	shalt  }
0x51: {  	_ =	shalt  }
0x52: {  	_ =	shalt  }
0x53: {  	_ =	shalt  }
0x54: {  	_ =	shalt  }
0x55: {  	_ =	shalt  }
0x56: {  	_ =	shalt  }
0x57: {  	_ =	shalt  }
0x58: {  	_ =	shalt  }
0x59: {  	_ =	shalt  }
0x5a: {  	_ =	shalt  }
0x5b: {  	_ =	shalt  }
0x5c: {  	_ =	shalt  }
0x5d: {  	_ =	shalt  }
0x5e: {  	_ =	shalt  }
0x5f: {  	_ =	shalt  }
0x60: {  	_ =	shalt  }
0x61: {  	_ =	shalt  }
0x62: {  	_ =	shalt  }
0x63: {  	_ =	shalt  }
0x64: {  	_ =	shalt  }
0x65: {  	_ =	shalt  }
0x66: {  	_ =	shalt  }
0x67: {  	_ =	shalt  }
0x68: {  	_ =	shalt  }
0x69: {  	_ =	shalt  }
0x6a: {  	_ =	shalt  }
0x6b: {  	_ =	shalt  }
0x6c: {  	_ =	shalt  }
0x6d: {  	_ =	shalt  }
0x6e: {  	_ =	shalt  }
0x6f: {  	_ =	shalt  }
0x70: {  	_ =	shalt  }
0x71: {  	_ =	shalt  }
0x72: {  	_ =	shalt  }
0x73: {  	_ =	shalt  }
0x74: {  	_ =	shalt  }
0x75: {  	_ =	shalt  }
0x76: {  	_ =	shalt  }
0x77: {  	_ =	shalt  }
0x78: {  	_ =	shalt  }
0x79: {  	_ =	shalt  }
0x7a: {  	_ =	shalt  }
0x7b: {  	_ =	shalt  }
0x7c: {  	_ =	shalt  }
0x7d: {  	_ =	shalt  }
0x7e: {  	_ =	shalt  }
0x7f: {  	_ =	shalt  }
0x80: {  	_ =	shalt  }
0x81: {  	_ =	shalt  }
0x82: {  	_ =	shalt  }
0x83: {  	_ =	shalt  }
0x84: {  	_ =	shalt  }
0x85: {  	_ =	shalt  }
0x86: {  	_ =	shalt  }
0x87: {  	_ =	shalt  }
.Lfunc_end0:
.L_simem_size_0:
called_computation.1_lowered:
.L_overlay_start_0:
0x88: {  	s2 =	sld [smem:$0x3FD9]  }
0x89: {  	s3 =	sld [smem:$0x3FFE];
	_ =	sdelay $0x1  }
0x8a: {  	s1 =	srdreg.scid  }
0x8b: {  	s0 =	sand.u32 $0x1, s1  }
0x8c: {  	s16 =	sshll.u32 s0, $0xA;
	s2 =	sadd.s32 s3, s2  }
0x8d: {  	s2 =	sadd.s32 s2, s16  }
0x8e: {  	[smem:$0x3FBE] =	sst s2  }
0x8f: {  	_ = 	snop  }
0x90: {  	(tm) =	ssettm $0x1  }
0x91: {  	s17 =	sld [smem:$0x3FFB];
	_ =	sdelay $0x3  }
0x92: {  	_ =	strace s17  }
0x93: {  	s2 =	sld [smem:$0x3FFC];
	_ =	sdelay $0x3  }
0x94: {  	_ =	strace s2  }
0x95: {  	s2 =	sld [smem:$0x3FFD];
	_ =	sdelay $0x3  }
0x96: {  	_ =	strace s2  }
0x97: {  	_ =	strace $0x8FFFFFFF  }
0x98: {  	s18 =	sld [smem:$0x3FDB];
	_ =	sdelay $0x1  }
0x99: {  	s19 =	simm.s32 $_scs_section_size  }
0x9a: {  	s4 =	simm.s32 $_size__tile_overlayer_lowered;
	s5 =	simm.s32 $_tile_overlayer_lowered  }
0x9b: {  	s22 =	simm.s32 $0x1BFF;
	s21 =	sshll.u32 s5, $0x1;
	s2 =	sadd.s32 s19, s18  }
0x9c: {  	s6 =	simm.s32 $0x0;
	s20 =	sshll.u32 s4, $0x1;
	s4 =	sadd.s32 s21, s2  }
0x9d: {  	[timem:s6], [sflag:s22] =	dma.local [hbm:s4], s20  }
0x9e: {  	_ =	swait.ge [sflag:s22], s20  }
0x9f: {  	s3 =	ssub.s32 $0x0, s20;
	[sflag:s22] =	ssyncset.done $0x0  }
0xa0: {  	[sflag:s22] =	ssyncadd.s32 s3;
	_ =	sdelay $0x1  }
0xa1: {  	s23 =	simm.s32 $0x1B8B  }
0xa2: {  	_ =	swait.ge [sflag:s23], $0x1  }
0xa3: {  	[sflag:s23] =	ssyncset.done $0x0  }
0xa4: {  	s25 =	simm.s32 $0x1B8E;
	s24 =	sld [smem:$0x3FFE];
	[sflag:s23] =	ssyncadd.s32 $0xFFFFFFFF  }
0xa5: {  	s26 =	simm.s32 $execute0_lowered;
	[smem:$0x3FD2] =	sst s25  }
0xa6: {  	s4 =	sshll.u32 s26, $0x1;
	_ =	strace $0x80000049;
	[dreg:$0x1] =	wrdreg $0xFFFFFFFF  }
0xa7: {  	s28 =	simm.s32 $_size_execute0_lowered;
	s2 =	sadd.s32 s2, s4;
	[dreg:$0x0] =	wrdreg $0x0  }
0xa8: {  	s4 =	sshll.u32 s28, $0x1;
	[dreg:$0x2] =	wrdreg s2  }
0xa9: {  	[dreg:$0x3] =	wrdreg s4  }
0xaa: {  	[dreg:$0x4] =	wrdreg $0xC0  }
0xab: {  	_ =	task [dreg:s6], $0x5FFFF  }
0xac: {  	[dreg:$0x1] =	wrdreg $0xFFFFFFFF  }
0xad: {  	[dreg:$0x0] =	wrdreg $0x60  }
0xae: {  	[dreg:$0x2] =	wrdreg s24  }
0xaf: {  	[dreg:$0x3] =	wrdreg $0xAD800  }
0xb0: {  	[dreg:$0x4] =	wrdreg $0x9  }
0xb1: {  	_ =	task.clear_ibuf [dreg:s6], $0x5FFFF;
	_ =	strace $0x90000049  }
0xb2: {  	s29 =	simm.s32 $0x9;
	_ =	strace $0x8000004B  }
0xb3: {  	_ =	swait.ge [sflag:s29], $0x1  }
0xb4: {  	[sflag:s29] =	ssyncadd.s32 $0xFFFFFFFF  }
0xb5: {  	_ =	strace $0x9000004B  }
0xb6: {  	_ =	sfence  }
0xb7: {  	s30 =	sld [smem:$0x0];
	_ =	sdelay $0x2  }
0xb8: {  	s31 =	sshll.u32 s1, $0xD;
	s1 =	sshrl.u32 s1, $0x2  }
0xb9: {  	s3 =	sand.u32 $0x4000, s31;
	s1 =	sadd.s32 s1, s30  }
0xba: {  	s0 =	sor.u32 s3, s0;
	s1 =	sshll.u32 s1, $0x11  }
0xbb: {  	s0 =	sor.u32 s1, s0  }
0xbc: {  	s0 =	sadd.s32 $0x8F2B, s0  }
0xbd: {  	[sflag:s0] =	ssyncadd.remote.s32 $0x1  }
0xbe: {  	_ =	sfence.sel $0xFFFF  }
0xbf: {  	[dreg:$0x0] =	wrdreg $0xFFFFFFFF;
	(pc) =	sbr.abs _section_cstart, $3  }
0xc0: {  	[dreg:$0x1] =	wrdreg $0xFFFFFFFF  }
0xc1: {  	_ =	task.clear_ibuf [dreg:s6], $0x2FFFF;
	_ =	strace $0x9FFFFFFF  }
0xc2: {  	(tm) =	ssettm $0x7FFFFFFF  }
0xc3: {  	_ =	shalt  }
tec
execute0_lowered:
.L_overlay_start_1:
0x0: {  	(tag) =	ssettag $0x1  }
0x1: {  	s0 =	rddreg [dreg:$0x0]  }
0x2: {  	s2 =	rddreg [dreg:$0x1]  }
0x3: {  	s1 =	srdreg.scid;
	s8 =	stileid.u32  }
0x4: {  	s3 =	simm.s32 $0x0;
	s15 =	simm.s32 $0x2;
	s17 =	simm.s32 $0xA880  }
0x5: {  	s18 =	simm.s32 $0xAB00;
	s19 =	simm.s32 $0x9080;
	s20 =	simm.s32 $0xA080  }
0x6: {  	s21 =	simm.s32 $0x80;
	s22 =	simm.s32 $0x5000;
	s23 =	simm.s32 $0x5080  }
0x7: {  	s24 =	simm.s32 $0x1;
	s25 =	simm.s32 $0x9880;
	s26 =	simm.s32 $0x0  }
0x8: {  	s31 =	simm.s32 $0x0;
	s4 =	sand.u32 $0x1, s1;
	s5 =	smul.u32 $0x280, s8  }
0x9: {  	[smem:$0x7FF] =	sst s3;
	s8 =	smul.u32 $0x500, s8;
	s13 =	sor.u32 $0xFFFFFFFE, s1  }
0xa: {  	s6 =	smul.u32 $0x28000, s4;
	_ =	strace $0x8000004A;
	s10 =	ssub.s32 $0x2, s4  }
0xb: {  	s12 =	smul.u32 $0x2800, s4;
	s7 =	sshrl.u32 s5, $0x3;
	s8 =	sadd.s32 s8, s0  }
0xc: {  	s28 =	sshrl.u32 s10, $0x1;
	s9 =	sadd.s32 s6, s0;
	s29 =	sadd.s32 $0xD3000, s8  }
0xd: {  	s7 =	sadd.s32 s7, s0;
	s8 =	sadd.s32 $0xD8000, s8;
	[dreg:$0x3] =	wrdreg s29  }
0xe: {  	s6 =	sadd.s32 $0x12D000, s0;
	[dreg:$0x4] =	wrdreg s8;
	s30 =	sadd.s32 $0xA0200, s7  }
0xf: {  	s0 =	ssub.s32 s10, s28;
	s7 =	sadd.s32 $0xA0800, s7;
	[dreg:$0x5] =	wrdreg s30  }
0x10: {  	v0 =	vimm.f32 $0.0e+00;
	s11 =	sadd.s32 $0xDD000, s9;
	s14 =	smax.u32 s0, $0x1;
	[dreg:$0x6] =	wrdreg s7  }
.LBB2_1:
0x11: {  	s0 =	rddreg [dreg:$0x3]  }
0x12: {  	[tilespmem:s3], [sflag:$0x2] =	stream.linear.gather [hbm4b:s0+s3], $0x2780, $0x38;
	[tilespmem:$0x1ED80] =	vst v63  }
0x13: {  	_ =	swait.ge [sflag:s15], $0x2780  }
0x14: {  	[sflag:s15] =	ssyncset.done $0x0  }
0x15: {  	s1 =	simm.s32 $0x2800;
	s28 =	rddreg [dreg:$0x4];
	[sflag:s15] =	ssyncadd.s32 $0xFFFFD880  }
0x16: {  	[tilespmem:s1], [sflag:$0x2] =	stream.linear.gather [hbm4b:s28+s3], $0x2780, $0x38;
	[tilespmem:$0x1ED80] =	vst v63  }
0x17: {  	_ =	swait.ge [sflag:s15], $0x2780  }
0x18: {  	[sflag:s15] =	ssyncset.done $0x0  }
0x19: {  	s29 =	rddreg [dreg:$0x5];
	[sflag:s15] =	ssyncadd.s32 $0xFFFFD880  }
0x1a: {  	[tilespmem:s17], [sflag:$0x2] =	stream.linear.gather [hbm4b:s29+s3], $0x280, $0x38;
	[tilespmem:$0x1ED80] =	vst v63  }
0x1b: {  	_ =	swait.ge [sflag:s15], $0x280  }
0x1c: {  	[sflag:s15] =	ssyncset.done $0x0  }
0x1d: {  	s30 =	rddreg [dreg:$0x6];
	[sflag:s15] =	ssyncadd.s32 $0xFFFFFD80  }
0x1e: {  	[tilespmem:s18], [sflag:$0x2] =	stream.linear.gather [hbm4b:s30+s3], $0x280, $0x38;
	[tilespmem:$0x1ED80] =	vst v63  }
0x1f: {  	_ =	swait.ge [sflag:s15], $0x280  }
0x20: {  	[sflag:s15] =	ssyncset.done $0x0  }
0x21: {  	s0 =	simm.s32 $0x0;
	s1 =	simm.s32 $0x200;
	[sflag:s15] =	ssyncadd.s32 $0xFFFFFD80  }
.LBB2_2:
0x22: {  	p0 =	seq.s32 s1, $0x1E00;
	[tilespmem:s0+$0xA0F0] =	vst v0  }
0x23: {  	[tilespmem:s0+$0xA080] =	vst v0  }
0x24: {  	[tilespmem:s0+$0xA090] =	vst v0  }
.Ltmp0:
0x25: {  	[tilespmem:s0+$0xA0A0] =	vst v0;
	(pc) =	sbr.rel @!p0 .LBB2_2-.Ltmp0, $4  }
0x26: {  	[tilespmem:s0+$0xA0B0] =	vst v0  }
0x27: {  	[tilespmem:s0+$0xA0C0] =	vst v0  }
0x28: {  	[tilespmem:s0+$0xA0D0] =	vst v0  }
0x29: {  	[tilespmem:s0+$0xA0E0] =	vst v0;
	s0 =	sshra.s32 s1, $0x2;
	s1 =	sadd.s32 $0x200, s1  }
0x2a: {  	[tilespmem:s0+$0xA0F0] =	vst v0  }
0x2b: {  	[tilespmem:s0+$0xA080] =	vst v0  }
0x2c: {  	[tilespmem:s0+$0xA090] =	vst v0  }
0x2d: {  	[tilespmem:s0+$0xA0A0] =	vst v0  }
0x2e: {  	[tilespmem:s0+$0xA0B0] =	vst v0  }
0x2f: {  	[tilespmem:s0+$0xA0C0] =	vst v0  }
0x30: {  	[tilespmem:s0+$0xA0D0] =	vst v0  }
0x31: {  	[tilespmem:s0+$0xA0E0] =	vst v0;
	s0 =	simm.s32 $0x0;
	s1 =	simm.s32 $0x0;
	s7 =	simm.s32 $0x0  }
.LBB2_4:
0x32: {  	s8 =	sshll.u32 s7, $0x4  }
0x33: {  	s16 =	sadd.s32 s5, s8  }
0x34: {  	s8 =	sshll.u32 s16, $0x4  }
0x35: {  	s8 =	sadd.s32 s8, s11  }
0x36: {  	[tilespmem:s19], [sflag:$0x2] =	stream.linear.gather [hbm4b:s8+s0], $0x800, $0x38;
	[tilespmem:$0x1ED80] =	vst v63  }
0x37: {  	s30 =	sadd.s32 $0x0, s1;
	_ =	swait.ge [sflag:s15], $0x800  }
0x38: {  	v1 =	vmov s30;
	[sflag:s15] =	ssyncset.done $0x0  }
0x39: {  	s28 =	simm.s32 $0x90C0;
	[sflag:s15] =	ssyncadd.s32 $0xFFFFF800  }
0x3a: {  	v5 =	vld [tilespmem:s28+$0x30]  }
0x3b: {  	v8 =	vld [tilespmem:s28+$0x10]  }
0x3c: {  	v6 =	vld [tilespmem:s28+$0xFFFFFFC0]  }
0x3d: {  	v2 =	vld.idx.msk [tilespmem:v1+s18+$0x0], $0xffff  }
0x3e: {  	v10 =	vld [tilespmem:s28+$0xFFFFFFE0]  }
0x3f: {  	v1 =	vld [tilespmem:s28+$0xFFFFFFF0]  }
0x40: {  	v3 =	vld [tilespmem:s28+$0x20]  }
0x41: {  	v4 =	vld [tilespmem:s28+$0xFFFFFFD0]  }
0x42: {  	v9 =	vmul.f32 v5, v2;
	v5 =	vld [tilespmem:s28+$0x0]  }
0x43: {  	v7 =	vmul.f32 v6, v2  }
0x44: {  	s9 =	simm.s32 $0x90C0;
	s8 =	simm.s32 $0x1;
	v6 =	vmul.f32 v10, v2;
	v8 =	vmul.f32 v8, v2  }
.LBB2_5:
0x45: {  	p0 =	sne.s32 s8, $0xF  }
0x46: {  	v4 =	vmul.f32 v4, v2;
	v3 =	vmul.f32 v3, v2;
	[tilespmem:s28+$0x30] =	vst v9;
	s9 =	sadd.s32 $0x80, s9;
	s29 =	smov.u32 s8;
	s8 =	sadd.s32 $0x1, s8  }
0x47: {  	[tilespmem:s28+$0xFFFFFFC0] =	vst v7;
	v7 =	vmul.f32 v1, v2;
	v2 =	vmul.f32 v5, v2  }
0x48: {  	s29 =	sadd.s32 s29, s1;
	[tilespmem:s28+$0x10] =	vst v8  }
0x49: {  	v5 =	vmov s29;
	[tilespmem:s28+$0xFFFFFFE0] =	vst v6  }
0x4a: {  	v1 =	vld [tilespmem:s9+$0xFFFFFFF0];
	[tilespmem:s28+$0xFFFFFFF0] =	vst v7  }
0x4b: {  	v6 =	vld [tilespmem:s9+$0x30];
	[tilespmem:s28+$0x0] =	vst v2  }
0x4c: {  	v8 =	vld [tilespmem:s9+$0x10];
	[tilespmem:s28+$0x20] =	vst v3  }
0x4d: {  	v7 =	vld [tilespmem:s9+$0xFFFFFFC0];
	[tilespmem:s28+$0xFFFFFFD0] =	vst v4;
	s28 =	smov.u32 s9  }
0x4e: {  	v2 =	vld.idx.msk [tilespmem:v5+s18+$0x0], $0xffff  }
0x4f: {  	v10 =	vld [tilespmem:s9+$0xFFFFFFE0]  }
0x50: {  	v3 =	vld [tilespmem:s9+$0x20]  }
.Ltmp1:
0x51: {  	v4 =	vld [tilespmem:s9+$0xFFFFFFD0];
	(pc) =	sbr.rel @p0 .LBB2_5-.Ltmp1, $3  }
0x52: {  	v5 =	vld [tilespmem:s9+$0x0];
	_ =	sdelay $0x1  }
0x53: {  	v7 =	vmul.f32 v7, v2;
	v9 =	vmul.f32 v6, v2  }
0x54: {  	v8 =	vmul.f32 v8, v2;
	v6 =	vmul.f32 v10, v2  }
0x55: {  	[tilespmem:s28+$0x30] =	vst v9  }
0x56: {  	[tilespmem:s28+$0xFFFFFFC0] =	vst v7  }
0x57: {  	v1 =	vmul.f32 v1, v2;
	[tilespmem:s28+$0x10] =	vst v8  }
0x58: {  	v3 =	vmul.f32 v3, v2;
	[tilespmem:s28+$0xFFFFFFE0] =	vst v6  }
0x59: {  	v5 =	vmul.f32 v5, v2;
	[tilespmem:s28+$0xFFFFFFF0] =	vst v1  }
0x5a: {  	s8 =	sadd.s32 s12, s16;
	v1 =	vmul.f32 v4, v2;
	[tilespmem:s28+$0x20] =	vst v3  }
0x5b: {  	s8 =	sshll.u32 s8, $0x4;
	[tilespmem:s28+$0x0] =	vst v5  }
0x5c: {  	s8 =	sadd.s32 s6, s8;
	[tilespmem:s28+$0xFFFFFFD0] =	vst v1  }
0x5d: {  	[hbm4b:s8+s3] =	stream.linear.scatter [tilespmem:s19], [sflag:$0x2], $0x800, $0x38;
	[tilespmem:$0x1ED80] =	vst v63  }
0x5e: {  	s30 =	sshll.u32 s16, $0x7;
	s7 =	sadd.s32 $0x1, s7;
	_ =	swait.ge [sflag:s15], $0x800  }
0x5f: {  	p0 =	sne.s32 s7, $0x28;
	s8 =	sand.u32 $0x3FFFFF80, s30;
	[sflag:s15] =	ssyncset.done $0x0  }
.Ltmp2:
0x60: {  	s8 =	sadd.s32 s8, s2;
	[sflag:s15] =	ssyncadd.s32 $0xFFFFF800;
	(pc) =	sbr.rel @p0 .LBB2_4-.Ltmp2, $4  }
0x61: {  	[spmem:s8] =	stream.linear.scatter [tilespmem:s20], [sflag:$0x2], $0x800, $0x38;
	[tilespmem:$0x1ED80] =	vst v63  }
0x62: {  	_ =	swait.ge [sflag:s15], $0x800  }
0x63: {  	[sflag:s15] =	ssyncset.done $0x0  }
0x64: {  	s1 =	sadd.s32 $0x10, s1;
	[sflag:s15] =	ssyncadd.s32 $0xFFFFF800  }
0x65: {  	[bflag:$0x0] =	sbarrier.arrive $0xFFFF;
	s28 =	simm.s32 $0x1  }
.LBB2_8:
0x66: {  	s0 =	simm.s32 $0x0  }
0x67: {  	s30 =	sshll.u32 s28, $0x1;
	v2 =	vld [tilespmem:s0+$0x0]  }
0x68: {  	s1 =	sadd.s32 s13, s30  }
0x69: {  	s29 =	smul.u32 $0x2800, s1;
	_ =	sdelay $0x1  }
0x6a: {  	v1 =	vmov s29  }
0x6b: {  	v2 =	vadd.s32 v1, v2  }
0x6c: {  	[tilespmem:$0x5000] =	vst v2  }
0x6d: {  	v2 =	vld [tilespmem:s0+$0x10];
	_ =	sdelay $0x4  }
0x6e: {  	v2 =	vadd.s32 v1, v2  }
0x6f: {  	[tilespmem:$0x5010] =	vst v2  }
0x70: {  	v2 =	vld [tilespmem:s0+$0x20];
	_ =	sdelay $0x4  }
0x71: {  	v2 =	vadd.s32 v1, v2  }
0x72: {  	[tilespmem:$0x5020] =	vst v2  }
0x73: {  	v2 =	vld [tilespmem:s0+$0x30];
	_ =	sdelay $0x4  }
0x74: {  	v2 =	vadd.s32 v1, v2  }
0x75: {  	[tilespmem:$0x5030] =	vst v2  }
0x76: {  	v2 =	vld [tilespmem:s0+$0x40];
	_ =	sdelay $0x4  }
0x77: {  	v2 =	vadd.s32 v1, v2  }
0x78: {  	[tilespmem:$0x5040] =	vst v2  }
0x79: {  	v2 =	vld [tilespmem:s0+$0x50];
	_ =	sdelay $0x4  }
0x7a: {  	v2 =	vadd.s32 v1, v2  }
0x7b: {  	[tilespmem:$0x5050] =	vst v2  }
0x7c: {  	v2 =	vld [tilespmem:s0+$0x60];
	_ =	sdelay $0x4  }
0x7d: {  	v2 =	vadd.s32 v1, v2  }
0x7e: {  	[tilespmem:$0x5060] =	vst v2  }
0x7f: {  	v2 =	vld [tilespmem:s0+$0x70];
	_ =	sdelay $0x4  }
0x80: {  	v2 =	vadd.s32 v1, v2  }
0x81: {  	[tilespmem:$0x5070] =	vst v2  }
0x82: {  	[tilespmem:s23], [sflag:$0x1] =	stream.indirect.gather [hbm4b:s6+s21], $0x80, s22, s21, $0xb8;
	[tilespmem:$0x1ED80] =	vst v63  }
0x83: {  	_ =	swait.ge [sflag:s24], $0x4000  }
0x84: {  	[sflag:s24] =	ssyncset.done $0x0  }
0x85: {  	s16 =	simm.s32 $0x2800;
	[sflag:s24] =	ssyncadd.s32 $0xFFFFC000  }
0x86: {  	[spmem:s2] =	stream.indirect.scatter.add.f32 [tilespmem:s23], [sflag:$0x2], $0x80, s16, s21, $0xb8;
	[tilespmem:$0x1ED80] =	vst v63  }
0x87: {  	_ =	swait.ge [sflag:s15], $0x4000  }
0x88: {  	s8 =	simm.s32 $0x400;
	s0 =	simm.s32 $0x200;
	[sflag:s15] =	ssyncset.done $0x0  }
.LBB2_9:
0x89: {  	s7 =	sshra.s32 s0, $0x2  }
0x8a: {  	[sflag:s15] =	ssyncadd.s32 $0xFFFFC000;
	s0 =	smov.u32 s8;
	s1 =	sadd.s32 $0x200, s8  }
0x8b: {  	p0 =	sne.s32 s8, $0x9C00;
	v2 =	vld [tilespmem:s7+$0x0];
	_ =	sdelay $0x4  }
0x8c: {  	v2 =	vadd.s32 v1, v2  }
0x8d: {  	[tilespmem:$0x5000] =	vst v2  }
0x8e: {  	v2 =	vld [tilespmem:s7+$0x10];
	_ =	sdelay $0x4  }
0x8f: {  	v2 =	vadd.s32 v1, v2  }
0x90: {  	[tilespmem:$0x5010] =	vst v2  }
0x91: {  	v2 =	vld [tilespmem:s7+$0x20];
	_ =	sdelay $0x4  }
0x92: {  	v2 =	vadd.s32 v1, v2  }
0x93: {  	[tilespmem:$0x5020] =	vst v2  }
0x94: {  	v2 =	vld [tilespmem:s7+$0x30];
	_ =	sdelay $0x4  }
0x95: {  	v2 =	vadd.s32 v1, v2  }
0x96: {  	[tilespmem:$0x5030] =	vst v2  }
0x97: {  	v2 =	vld [tilespmem:s7+$0x40];
	_ =	sdelay $0x4  }
0x98: {  	v2 =	vadd.s32 v1, v2  }
0x99: {  	[tilespmem:$0x5040] =	vst v2  }
0x9a: {  	v2 =	vld [tilespmem:s7+$0x50];
	_ =	sdelay $0x4  }
0x9b: {  	v2 =	vadd.s32 v1, v2  }
0x9c: {  	[tilespmem:$0x5050] =	vst v2  }
0x9d: {  	v2 =	vld [tilespmem:s7+$0x60];
	_ =	sdelay $0x4  }
0x9e: {  	v2 =	vadd.s32 v1, v2  }
0x9f: {  	[tilespmem:$0x5060] =	vst v2  }
0xa0: {  	v2 =	vld [tilespmem:s7+$0x70];
	_ =	sdelay $0x4  }
0xa1: {  	v2 =	vadd.s32 v1, v2  }
0xa2: {  	[tilespmem:$0x5070] =	vst v2  }
0xa3: {  	[tilespmem:s23], [sflag:$0x1] =	stream.indirect.gather [hbm4b:s6+s21], $0x80, s22, s21, $0xb8;
	[tilespmem:$0x1ED80] =	vst v63  }
0xa4: {  	_ =	swait.ge [sflag:s24], $0x4000  }
.Ltmp3:
0xa5: {  	[sflag:s24] =	ssyncset.done $0x0;
	(pc) =	sbr.rel @p0 .LBB2_9-.Ltmp3, $4  }
0xa6: {  	s7 =	sadd.s32 $0x2800, s7;
	[sflag:s24] =	ssyncadd.s32 $0xFFFFC000  }
0xa7: {  	[spmem:s2] =	stream.indirect.scatter.add.f32 [tilespmem:s23], [sflag:$0x2], $0x80, s7, s21, $0xb8;
	[tilespmem:$0x1ED80] =	vst v63  }
0xa8: {  	_ =	swait.ge [sflag:s15], $0x4000  }
0xa9: {  	s8 =	smov.u32 s1;
	[sflag:s15] =	ssyncset.done $0x0  }
0xaa: {  	s0 =	sshra.s32 s0, $0x2;
	[sflag:s15] =	ssyncadd.s32 $0xFFFFC000  }
0xab: {  	v2 =	vld [tilespmem:s0+$0x0];
	_ =	sdelay $0x4  }
0xac: {  	v2 =	vadd.s32 v1, v2  }
0xad: {  	[tilespmem:$0x5000] =	vst v2  }
0xae: {  	v2 =	vld [tilespmem:s0+$0x10];
	_ =	sdelay $0x4  }
0xaf: {  	v2 =	vadd.s32 v1, v2  }
0xb0: {  	[tilespmem:$0x5010] =	vst v2  }
0xb1: {  	v2 =	vld [tilespmem:s0+$0x20];
	_ =	sdelay $0x4  }
0xb2: {  	v2 =	vadd.s32 v1, v2  }
0xb3: {  	[tilespmem:$0x5020] =	vst v2  }
0xb4: {  	v2 =	vld [tilespmem:s0+$0x30];
	_ =	sdelay $0x4  }
0xb5: {  	v2 =	vadd.s32 v1, v2  }
0xb6: {  	[tilespmem:$0x5030] =	vst v2  }
0xb7: {  	v2 =	vld [tilespmem:s0+$0x40];
	_ =	sdelay $0x4  }
0xb8: {  	v2 =	vadd.s32 v1, v2  }
0xb9: {  	[tilespmem:$0x5040] =	vst v2  }
0xba: {  	v2 =	vld [tilespmem:s0+$0x50];
	_ =	sdelay $0x4  }
0xbb: {  	v2 =	vadd.s32 v1, v2  }
0xbc: {  	[tilespmem:$0x5050] =	vst v2  }
0xbd: {  	v2 =	vld [tilespmem:s0+$0x60];
	_ =	sdelay $0x4  }
0xbe: {  	v2 =	vadd.s32 v1, v2  }
0xbf: {  	[tilespmem:$0x5060] =	vst v2  }
0xc0: {  	v2 =	vld [tilespmem:s0+$0x70];
	_ =	sdelay $0x4  }
0xc1: {  	v1 =	vadd.s32 v1, v2  }
0xc2: {  	[tilespmem:$0x5070] =	vst v1  }
0xc3: {  	[tilespmem:s23], [sflag:$0x1] =	stream.indirect.gather [hbm4b:s6+s21], $0x80, s22, s21, $0xb8;
	[tilespmem:$0x1ED80] =	vst v63  }
0xc4: {  	_ =	swait.ge [sflag:s24], $0x4000  }
0xc5: {  	[sflag:s24] =	ssyncset.done $0x0  }
0xc6: {  	s0 =	sadd.s32 $0x2800, s0;
	[sflag:s24] =	ssyncadd.s32 $0xFFFFC000  }
0xc7: {  	[spmem:s2] =	stream.indirect.scatter.add.f32 [tilespmem:s23], [sflag:$0x2], $0x80, s0, s21, $0xb8;
	[tilespmem:$0x1ED80] =	vst v63  }
0xc8: {  	_ =	swait.ge [sflag:s15], $0x4000  }
0xc9: {  	[sflag:s15] =	ssyncset.done $0x0  }
0xca: {  	s16 =	sor.u32 s4, s30;
	s1 =	simm.s32 $0x0;
	[sflag:s15] =	ssyncadd.s32 $0xFFFFC000  }
0xcb: {  	s30 =	smul.u32 $0x2800, s16;
	s0 =	simm.s32 $0x0;
	[bflag:$0x0] =	sbarrier.arrive $0xFFFF  }
.LBB2_11:
0xcc: {  	s7 =	sshll.u32 s1, $0x4  }
0xcd: {  	s16 =	sadd.s32 s5, s7  }
0xce: {  	s7 =	sadd.s32 s29, s16  }
0xcf: {  	s7 =	sshll.u32 s7, $0x4  }
0xd0: {  	s7 =	sadd.s32 s6, s7  }
0xd1: {  	[tilespmem:s19], [sflag:$0x2] =	stream.linear.gather [hbm4b:s7+s31], $0x800, $0x38;
	[tilespmem:$0x1ED80] =	vst v63  }
0xd2: {  	s10 =	sshll.u32 s16, $0x7;
	_ =	swait.ge [sflag:s15], $0x800  }
0xd3: {  	s7 =	sand.u32 $0x3FFFFF80, s10;
	[sflag:s15] =	ssyncset.done $0x0  }
0xd4: {  	s7 =	sadd.s32 s7, s2;
	[sflag:s15] =	ssyncadd.s32 $0xFFFFF800  }
0xd5: {  	[tilespmem:s25], [sflag:$0x2] =	stream.linear.gather [spmem:s7], $0x800, $0x38;
	[tilespmem:$0x1ED80] =	vst v63  }
0xd6: {  	_ =	swait.ge [sflag:s15], $0x800  }
0xd7: {  	[sflag:s15] =	ssyncset.done $0x0  }
0xd8: {  	[sflag:s15] =	ssyncadd.s32 $0xFFFFF800  }
0xd9: {  	[spmem:s7] =	stream.linear.scatter [tilespmem:s20], [sflag:$0x2], $0x800, $0x38;
	[tilespmem:$0x1ED80] =	vst v63  }
0xda: {  	_ =	swait.ge [sflag:s15], $0x800  }
0xdb: {  	[sflag:s15] =	ssyncset.done $0x0  }
0xdc: {  	s7 =	simm.s32 $0x0;
	[sflag:s15] =	ssyncadd.s32 $0xFFFFF800  }
0xdd: {  	v2 =	vld [tilespmem:s7+$0x98C0]  }
0xde: {  	v1 =	vld [tilespmem:s7+$0x98F0]  }
0xdf: {  	v4 =	vld [tilespmem:s7+$0x9080]  }
0xe0: {  	v5 =	vld [tilespmem:s7+$0x90E0]  }
0xe1: {  	v6 =	vmov s0;
	v10 =	vld [tilespmem:s7+$0x98E0]  }
0xe2: {  	v3 =	vld [tilespmem:s7+$0x9890]  }
0xe3: {  	v9 =	vld [tilespmem:s7+$0x90A0]  }
0xe4: {  	v7 =	vld [tilespmem:s7+$0x98D0]  }
0xe5: {  	v13 =	vld [tilespmem:s7+$0x9880]  }
0xe6: {  	v8 =	vld.idx.msk [tilespmem:v6+s17+$0x0], $0xffff  }
0xe7: {  	v6 =	vld [tilespmem:s7+$0x90F0]  }
0xe8: {  	v14 =	vld [tilespmem:s7+$0x98A0]  }
0xe9: {  	v12 =	vld [tilespmem:s7+$0x98B0]  }
0xea: {  	s8 =	simm.s32 $0x200;
	s9 =	sadd.s32 $0x1, s0;
	v11 =	vld [tilespmem:s7+$0x90C0]  }
.LBB2_12:
0xeb: {  	v15 =	vmov s9;
	p0 =	sne.s32 s8, $0x1E00;
	v16 =	vld [tilespmem:s7+$0x90B0];
	s10 =	smov.u32 s8;
	s8 =	sadd.s32 $0x200, s8  }
0xec: {  	v13 =	vmul.f32 v13, v8;
	v10 =	vmul.f32 v10, v8;
	v17 =	vld [tilespmem:s7+$0x9090]  }
0xed: {  	v18 =	vmul.f32 v2, v8;
	v14 =	vmul.f32 v14, v8;
	v19 =	vld [tilespmem:s7+$0x90D0]  }
0xee: {  	s10 =	sshra.s32 s10, $0x2;
	v4 =	vsub.f32 v4, v13;
	v5 =	vsub.f32 v5, v10;
	v12 =	vmul.f32 v12, v8  }
0xef: {  	v3 =	vmul.f32 v3, v8;
	v2 =	vld [tilespmem:s10+$0x98C0];
	v9 =	vsub.f32 v9, v14;
	v11 =	vsub.f32 v11, v18  }
0xf0: {  	v7 =	vmul.f32 v7, v8;
	v8 =	vmul.f32 v1, v8;
	[tilespmem:s7+$0x9080] =	vst v4;
	v12 =	vsub.f32 v16, v12;
	v1 =	vld [tilespmem:s10+$0x98F0]  }
0xf1: {  	v4 =	vld [tilespmem:s10+$0x9080];
	v14 =	vsub.f32 v17, v3;
	[tilespmem:s7+$0x90E0] =	vst v5  }
0xf2: {  	v6 =	vsub.f32 v6, v8;
	v5 =	vld [tilespmem:s10+$0x90E0];
	[tilespmem:s7+$0x90A0] =	vst v9;
	v13 =	vsub.f32 v19, v7  }
0xf3: {  	v10 =	vld [tilespmem:s10+$0x98E0];
	[tilespmem:s7+$0x90B0] =	vst v12  }
0xf4: {  	v3 =	vld [tilespmem:s10+$0x9890];
	[tilespmem:s7+$0x90F0] =	vst v6  }
0xf5: {  	v9 =	vld [tilespmem:s10+$0x90A0];
	[tilespmem:s7+$0x90C0] =	vst v11  }
0xf6: {  	v7 =	vld [tilespmem:s10+$0x98D0];
	[tilespmem:s7+$0x90D0] =	vst v13  }
0xf7: {  	v13 =	vld [tilespmem:s10+$0x9880];
	[tilespmem:s7+$0x9090] =	vst v14;
	s7 =	smov.u32 s10  }
.Ltmp4:
0xf8: {  	v8 =	vld.idx.msk [tilespmem:v15+s17+$0x0], $0xffff;
	(pc) =	sbr.rel @p0 .LBB2_12-.Ltmp4, $4  }
0xf9: {  	v6 =	vld [tilespmem:s7+$0x90F0]  }
0xfa: {  	v14 =	vld [tilespmem:s7+$0x98A0]  }
0xfb: {  	v12 =	vld [tilespmem:s7+$0x98B0]  }
0xfc: {  	s9 =	sadd.s32 $0x1, s9;
	v11 =	vld [tilespmem:s7+$0x90C0]  }
0xfd: {  	v13 =	vmul.f32 v13, v8  }
0xfe: {  	v10 =	vmul.f32 v10, v8  }
0xff: {  	v15 =	vld [tilespmem:s7+$0x90B0];
	v1 =	vmul.f32 v1, v8;
	v4 =	vsub.f32 v4, v13  }
0x100: {  	v60 =	vld [tilespmem:s7+$0x90D0];
	v14 =	vmul.f32 v14, v8;
	v5 =	vsub.f32 v5, v10  }
0x101: {  	v16 =	vld [tilespmem:s7+$0x9090];
	v2 =	vmul.f32 v2, v8;
	v1 =	vsub.f32 v6, v1;
	[tilespmem:s7+$0x9080] =	vst v4  }
0x102: {  	v12 =	vmul.f32 v12, v8;
	v9 =	vsub.f32 v9, v14;
	[tilespmem:s7+$0x90E0] =	vst v5  }
0x103: {  	v62 =	vmul.f32 v7, v8;
	v2 =	vsub.f32 v11, v2;
	[tilespmem:s7+$0x90F0] =	vst v1  }
0x104: {  	v3 =	vmul.f32 v3, v8;
	v61 =	vsub.f32 v15, v12;
	[tilespmem:s7+$0x90A0] =	vst v9  }
0x105: {  	v63 =	vsub.f32 v60, v62;
	[tilespmem:s7+$0x90C0] =	vst v2  }
0x106: {  	s8 =	sadd.s32 s30, s16;
	s1 =	sadd.s32 $0x1, s1;
	v1 =	vsub.f32 v16, v3;
	[tilespmem:s7+$0x90B0] =	vst v61  }
0x107: {  	s8 =	sshll.u32 s8, $0x4;
	p0 =	sne.s32 s1, $0x28;
	[tilespmem:s7+$0x90D0] =	vst v63  }
.Ltmp5:
0x108: {  	s16 =	sadd.s32 s6, s8;
	[tilespmem:s7+$0x9090] =	vst v1;
	(pc) =	sbr.rel @p0 .LBB2_11-.Ltmp5, $4  }
0x109: {  	[hbm4b:s16+s3] =	stream.linear.scatter [tilespmem:s19], [sflag:$0x2], $0x800, $0x38;
	[tilespmem:$0x1ED80] =	vst v63  }
0x10a: {  	_ =	swait.ge [sflag:s15], $0x800  }
0x10b: {  	[sflag:s15] =	ssyncset.done $0x0  }
0x10c: {  	s0 =	sadd.s32 $0x10, s0;
	[sflag:s15] =	ssyncadd.s32 $0xFFFFF800  }
0x10d: {  	s28 =	sadd.s32 $0x1, s28  }
0x10e: {  	p0 =	sne.s32 s28, $0xD  }
.Ltmp6:
0x10f: {  	_ = 	snop;
	(pc) =	sbr.rel @p0 .LBB2_8-.Ltmp6, $2  }
0x110: {  	_ =	sdelay $0x1  }
0x111: {  	[bflag:$0x0] =	sbarrier.arrive $0xFFFF;
	_ =	sdelay $0x1  }
0x112: {  	s26 =	sadd.s32 $0x1, s26  }
0x113: {  	p0 =	sne.s32 s26, s14  }
.Ltmp7:
0x114: {  	_ = 	snop;
	(pc) =	sbr.rel @p0 .LBB2_1-.Ltmp7, $1  }
0x115: {  	_ =	sdelay $0x3  }
0x116: {  	_ =	sfence.sel $0x180000  }
0x117: {  	[bflag:$0x0] =	sbarrier.arrive $0xFFFF  }
0x118: {  	_ =	strace $0x9000004A  }
0x119: {  	s0 =	stileid.u32;
	[bflag:$0x2] =	sbarrier.arrive $0xFFFF  }
0x11a: {  	p0 =	sne.s32 s0, $0x0;
	s0 =	rddreg [dreg:$0x2]  }
0x11b: {  	s0 =	sadd.s32 @!p0 $0x100000, s0  }
0x11c: {  	[sflag:s0] =	ssyncadd.tile.s32 @!p0 $0x1;
	_ =	shalt  }
.Lfunc_end2:
_tile_overlayer_lowered:
.L_overlay_start_2:
0x11d: {  	(tag) =	ssettag $0x2  }
0x11e: {  	s0 =	rddreg [dreg:$0x0];
	s2 =	stileid.u32  }
0x11f: {  	s1 =	rddreg [dreg:$0x1];
	p0 =	sne.s32 s2, $0x0  }
0x120: {  	s3 =	rddreg [dreg:$0x2];
	[bflag:$0x3] =	sbarrier.arrive $0xFFFF;
	s2 =	simm.s32 @!p0 $0x1C02  }
0x121: {  	[timem:s3], [sflag:s2] =	dma.local @!p0 [hbm:s0], s1  }
0x122: {  	s0 =	simm.s32 @!p0 $0x2  }
0x123: {  	_ =	swait.ge @!p0 [sflag:s0], s1  }
0x124: {  	s1 =	ssub.s32 @!p0 $0x0, s1;
	[sflag:s0] =	ssyncset.done @!p0 $0x0  }
0x125: {  	[sflag:s0] =	ssyncadd.s32 @!p0 s1  }
0x126: {  	[bflag:$0x3] =	sbarrier.arrive $0xFFFF  }
0x127: {  	_ =	shalt  }

// kernel: kernel.15.cloned.1.call-start
scs
__scs_entry_jumppad:
0x0: {  	(pc) =	sbr.rel $0x88, $3  }
0x1: {  	(tag) =	ssettag $0x0;
	lr =	simm.s32 $0x1  }
0x2: {  	[smem:$0x3F97] =	sst lr;
	_ =	strace $0xD0000000  }
0x3: {  	_ = 	snop  }
0x4: {  	_ = 	snop  }
0x5: {  	_ = 	snop  }
0x6: {  	_ = 	snop  }
0x7: {  	_ = 	snop  }
__scs_overlays_trampoline_lowered:
0x8: {  	[smem:$0x3FA6] =	sst s0  }
0x9: {  	[smem:$0x3FA7] =	sst s1  }
0xa: {  	[smem:$0x3FA8] =	sst s2  }
0xb: {  	[smem:$0x3FA9] =	sst s3  }
0xc: {  	[smem:$0x3FAA] =	sst s4  }
0xd: {  	[smem:$0x3FAB] =	sst s5  }
0xe: {  	[smem:$0x3FAC] =	sst s6  }
0xf: {  	[smem:$0x3FAD] =	sst s7  }
0x10: {  	[smem:$0x3FAE] =	sst s8  }
0x11: {  	[smem:$0x3FAF] =	sst s9;
	s0 =	simm.s32 @!p0 $0x0  }
0x12: {  	s1 =	sld [smem:$0x3F95];
	s0 =	simm.s32 @p0 $0x1  }
0x13: {  	[smem:$0x3FB0] =	sst s0;
	s0 =	simm.s32 @!p1 $0x0  }
0x14: {  	s2 =	sld [smem:$0x3F94];
	s0 =	simm.s32 @p1 $0x1  }
0x15: {  	[smem:$0x3FB1] =	sst s0;
	s0 =	simm.s32 @!p2 $0x0  }
0x16: {  	s3 =	sld [smem:$0x3FDB];
	s0 =	simm.s32 @p2 $0x1  }
0x17: {  	s4 =	simm.s32 $0x1BF5;
	[smem:$0x3FB3] =	sst s0  }
0x18: {  	s0 =	sld [smem:$0x3F96];
	_ =	swait.ge [sflag:s4], $0x0  }
0x19: {  	s7 =	sld [smem:$0x3F97]  }
0x1a: {  	s8 =	sadd.s32 $0xFFFFE003, lr  }
0x1b: {  	s9 =	sadd.s32 $0xFFFFFEF7, lr;
	s5 =	simm.s32 $0xFFFFFFFF;
	p2 =	slt.u32 s8, $0xFFFFF086  }
0x1c: {  	p1 =	slt.u32 s9, $0xF7A;
	s5 =	simm.s32 @!p2 $0x0  }
0x1d: {  	s5 =	simm.s32 @p1 $0x1;
	p0 =	seq.s32 s7, s2  }
0x1e: {  	s7 =	smul.u32 @!p0 $0xF7A, s2;
	p2 =	seq.s32 @!p0 s5, $0x0  }
0x1f: {  	s9 =	smul.u32 $0xF7A, s1;
	s8 =	simm.s32 @!p0 $0x1BF5;
	p2 =	por !p2, p0  }
0x20: {  	[sflag:s8] =	ssyncset.s32 @!p0 $0xFFFFF086;
	s6 =	sadd.s32 @!p0 s3, s7;
	s7 =	simm.s32 @!p0 $0x108  }
0x21: {  	s3 =	sadd.s32 s3, s9;
	s6 =	sadd.s32 @!p0 $0x88, s6;
	s7 =	simm.s32 @p2 $0x1082  }
0x22: {  	[simem:s7], [sflag:s8] =	dma.local @!p0 [hbm:s6], $0xF7A  }
0x23: {  	s9 =	sor.u32 $0xD0000000, s2;
	s6 =	simm.s32 $0x108;
	_ =	swait.ge @!p0 [sflag:s8], $0x0  }
0x24: {  	s3 =	sadd.s32 $0x88, s3;
	s6 =	simm.s32 @!p1 $0x1082;
	[sflag:s4] =	ssyncset.s32 $0xFFFFF086  }
0x25: {  	[simem:s6], [sflag:s4] =	dma.local [hbm:s3], $0xF7A  }
0x26: {  	[smem:$0x3F97] =	sst s1;
	(tag) =	ssettag s2;
	_ =	strace s9  }
0x27: {  	s1 =	sld [smem:$0x3FA7]  }
0x28: {  	s2 =	sld [smem:$0x3FA8]  }
0x29: {  	s4 =	sld [smem:$0x3FAA]  }
0x2a: {  	p0 =	seq.s32 s5, $0x0;
	s5 =	sld [smem:$0x3FAB]  }
0x2b: {  	s6 =	sld [smem:$0x3FAC]  }
0x2c: {  	s7 =	sld [smem:$0x3FAD]  }
0x2d: {  	s3 =	simm.s32 $0x108;
	s8 =	sld [smem:$0x3FAE]  }
0x2e: {  	s3 =	simm.s32 @!p0 $0x1082;
	s9 =	sld [smem:$0x3FAF]  }
0x2f: {  	lr =	sadd.s32 s0, s3;
	s0 =	sld [smem:$0x3FA6]  }
0x30: {  	s3 =	sld [smem:$0x3FA9]  }
0x31: {  	[smem:$0x3FB2] =	sst s10  }
0x32: {  	s10 =	sld [smem:$0x3FB0];
	_ =	sdelay $0x3  }
0x33: {  	p0 =	seq.s32 s10, $0x1;
	s10 =	sld [smem:$0x3FB2];
	_ =	sdelay $0x3  }
0x34: {  	[smem:$0x3FB2] =	sst s10  }
0x35: {  	s10 =	sld [smem:$0x3FB1];
	_ =	sdelay $0x3  }
0x36: {  	p1 =	seq.s32 s10, $0x1;
	s10 =	sld [smem:$0x3FB2];
	_ =	sdelay $0x3  }
0x37: {  	[smem:$0x3FB2] =	sst s10  }
0x38: {  	s10 =	sld [smem:$0x3FB3]  }
0x39: {  	_ = 	snop;
	(pc) =	sbr.ind lr, $3  }
0x3a: {  	_ = 	snop  }
0x3b: {  	_ = 	snop  }
0x3c: {  	p2 =	seq.s32 s10, $0x1;
	s10 =	sld [smem:$0x3FB2]  }
0x3d: {  	_ =	shalt  }
0x3e: {  	_ =	shalt  }
0x3f: {  	_ =	shalt  }
0x40: {  	_ =	shalt  }
0x41: {  	_ =	shalt  }
0x42: {  	_ =	shalt  }
0x43: {  	_ =	shalt  }
0x44: {  	_ =	shalt  }
0x45: {  	_ =	shalt  }
0x46: {  	_ =	shalt  }
0x47: {  	_ =	shalt  }
0x48: {  	_ =	shalt  }
0x49: {  	_ =	shalt  }
0x4a: {  	_ =	shalt  }
0x4b: {  	_ =	shalt  }
0x4c: {  	_ =	shalt  }
0x4d: {  	_ =	shalt  }
0x4e: {  	_ =	shalt  }
0x4f: {  	_ =	shalt  }
0x50: {  	_ =	shalt  }
0x51: {  	_ =	shalt  }
0x52: {  	_ =	shalt  }
0x53: {  	_ =	shalt  }
0x54: {  	_ =	shalt  }
0x55: {  	_ =	shalt  }
0x56: {  	_ =	shalt  }
0x57: {  	_ =	shalt  }
0x58: {  	_ =	shalt  }
0x59: {  	_ =	shalt  }
0x5a: {  	_ =	shalt  }
0x5b: {  	_ =	shalt  }
0x5c: {  	_ =	shalt  }
0x5d: {  	_ =	shalt  }
0x5e: {  	_ =	shalt  }
0x5f: {  	_ =	shalt  }
0x60: {  	_ =	shalt  }
0x61: {  	_ =	shalt  }
0x62: {  	_ =	shalt  }
0x63: {  	_ =	shalt  }
0x64: {  	_ =	shalt  }
0x65: {  	_ =	shalt  }
0x66: {  	_ =	shalt  }
0x67: {  	_ =	shalt  }
0x68: {  	_ =	shalt  }
0x69: {  	_ =	shalt  }
0x6a: {  	_ =	shalt  }
0x6b: {  	_ =	shalt  }
0x6c: {  	_ =	shalt  }
0x6d: {  	_ =	shalt  }
0x6e: {  	_ =	shalt  }
0x6f: {  	_ =	shalt  }
0x70: {  	_ =	shalt  }
0x71: {  	_ =	shalt  }
0x72: {  	_ =	shalt  }
0x73: {  	_ =	shalt  }
0x74: {  	_ =	shalt  }
0x75: {  	_ =	shalt  }
0x76: {  	_ =	shalt  }
0x77: {  	_ =	shalt  }
0x78: {  	_ =	shalt  }
0x79: {  	_ =	shalt  }
0x7a: {  	_ =	shalt  }
0x7b: {  	_ =	shalt  }
0x7c: {  	_ =	shalt  }
0x7d: {  	_ =	shalt  }
0x7e: {  	_ =	shalt  }
0x7f: {  	_ =	shalt  }
0x80: {  	_ =	shalt  }
0x81: {  	_ =	shalt  }
0x82: {  	_ =	shalt  }
0x83: {  	_ =	shalt  }
0x84: {  	_ =	shalt  }
0x85: {  	_ =	shalt  }
0x86: {  	_ =	shalt  }
0x87: {  	_ =	shalt  }
.Lfunc_end0:
.L_simem_size_0:
called_computation.2_lowered:
.L_overlay_start_0:
0x88: {  	s2 =	sld [smem:$0x3FD9]  }
0x89: {  	s3 =	sld [smem:$0x3FFE];
	_ =	sdelay $0x1  }
0x8a: {  	s1 =	srdreg.scid  }
0x8b: {  	s0 =	sand.u32 $0x1, s1  }
0x8c: {  	s17 =	sshll.u32 s0, $0xA;
	s2 =	sadd.s32 s3, s2  }
0x8d: {  	s2 =	sadd.s32 s2, s17  }
0x8e: {  	[smem:$0x3FBE] =	sst s2  }
0x8f: {  	_ = 	snop  }
0x90: {  	(tm) =	ssettm $0x1  }
0x91: {  	s18 =	sld [smem:$0x3FFB];
	_ =	sdelay $0x3  }
0x92: {  	_ =	strace s18  }
0x93: {  	s2 =	sld [smem:$0x3FFC];
	_ =	sdelay $0x3  }
0x94: {  	_ =	strace s2  }
0x95: {  	s2 =	sld [smem:$0x3FFD];
	_ =	sdelay $0x3  }
0x96: {  	_ =	strace s2  }
0x97: {  	_ =	strace $0x8FFFFFFF  }
0x98: {  	s19 =	sld [smem:$0x3FDB];
	_ =	sdelay $0x1  }
0x99: {  	s20 =	simm.s32 $_scs_section_size  }
0x9a: {  	s4 =	simm.s32 $_size__tile_overlayer_lowered;
	s5 =	simm.s32 $_tile_overlayer_lowered  }
0x9b: {  	s6 =	simm.s32 $0x1BFF;
	s21 =	sshll.u32 s5, $0x1;
	s3 =	sadd.s32 s20, s19  }
0x9c: {  	s22 =	simm.s32 $0x0;
	s4 =	sshll.u32 s4, $0x1;
	s5 =	sadd.s32 s21, s3  }
0x9d: {  	[timem:s22], [sflag:s6] =	dma.local [hbm:s5], s4  }
0x9e: {  	_ =	swait.ge [sflag:s6], s4  }
0x9f: {  	s4 =	ssub.s32 $0x0, s4;
	[sflag:s6] =	ssyncset.done $0x0  }
0xa0: {  	[sflag:s6] =	ssyncadd.s32 s4;
	_ =	sdelay $0x1  }
0xa1: {  	s23 =	simm.s32 $0x1B8B  }
0xa2: {  	_ =	swait.ge [sflag:s23], $0x1  }
0xa3: {  	[sflag:s23] =	ssyncset.done $0x0  }
0xa4: {  	[sflag:s23] =	ssyncadd.s32 $0xFFFFFFFF  }
0xa5: {  	s4 =	sld [smem:$0x0]  }
0xa6: {  	s5 =	sand.u32 $0xFFFFFFFE, s1  }
0xa7: {  	p0 =	sne.s32 s1, s5  }
0xa8: {  	s5 =	sshll.u32 @p0 s5, $0xE  }
0xa9: {  	s5 =	sadd.s32 @p0 $0x11B8D, s5;
	s6 =	sshll.u32 @p0 s4, $0x11  }
0xaa: {  	s5 =	sor.u32 @p0 s6, s5  }
0xab: {  	[sflag:s5] =	ssyncadd.remote.s32 @p0 $0x1;
	_ =	sdelay $0x1  }
0xac: {  	s5 =	simm.s32 @p0 $0x1B8D  }
0xad: {  	_ =	swait.eq @p0 [sflag:s5], $0x1  }
0xae: {  	[sflag:s5] =	ssyncadd.s32 @p0 $0xFFFFFFFF  }
0xaf: {  	s6 =	sshll.u32 @!p0 s1, $0xE  }
0xb0: {  	s6 =	sor.u32 @!p0 $0x4000, s6;
	s5 =	simm.s32 @!p0 $0x1B8D  }
0xb1: {  	s4 =	sshll.u32 @!p0 s4, $0x11;
	s6 =	sadd.s32 @!p0 $0x11B8D, s6;
	_ =	swait.eq @!p0 [sflag:s5], $0x1  }
0xb2: {  	s4 =	sor.u32 @!p0 s4, s6;
	[sflag:s5] =	ssyncadd.s32 @!p0 $0xFFFFFFFF  }
0xb3: {  	s25 =	simm.s32 $0x1B8E;
	s24 =	sld [smem:$0x3FFE];
	[sflag:s4] =	ssyncadd.remote.s32 @!p0 $0x1  }
0xb4: {  	s26 =	simm.s32 $execute0_lowered;
	[smem:$0x3FD2] =	sst s25  }
0xb5: {  	s5 =	sshll.u32 s26, $0x1;
	_ =	strace $0x8000004C;
	[dreg:$0x1] =	wrdreg $0xFFFFFFFF  }
0xb6: {  	s28 =	simm.s32 $_size_execute0_lowered;
	s3 =	sadd.s32 s3, s5;
	[dreg:$0x0] =	wrdreg $0x0  }
0xb7: {  	s5 =	sshll.u32 s28, $0x1;
	[dreg:$0x2] =	wrdreg s3  }
0xb8: {  	[dreg:$0x3] =	wrdreg s5  }
0xb9: {  	[dreg:$0x4] =	wrdreg $0xC0  }
0xba: {  	_ =	task [dreg:s22], $0x5FFFF  }
0xbb: {  	[dreg:$0x1] =	wrdreg $0xFFFFFFFF  }
0xbc: {  	[dreg:$0x0] =	wrdreg $0x60  }
0xbd: {  	[dreg:$0x2] =	wrdreg s24  }
0xbe: {  	[dreg:$0x3] =	wrdreg $0xAD800  }
0xbf: {  	[dreg:$0x4] =	wrdreg $0xA  }
0xc0: {  	_ =	task.clear_ibuf [dreg:s22], $0x5FFFF;
	_ =	strace $0x9000004C  }
0xc1: {  	s29 =	simm.s32 $0xA;
	_ =	strace $0x8000004E  }
0xc2: {  	_ =	swait.ge [sflag:s29], $0x1  }
0xc3: {  	[sflag:s29] =	ssyncadd.s32 $0xFFFFFFFF  }
0xc4: {  	_ =	strace $0x9000004E  }
0xc5: {  	_ =	sfence  }
0xc6: {  	s30 =	sld [smem:$0x0];
	_ =	sdelay $0x2  }
0xc7: {  	s31 =	sshll.u32 s1, $0xD;
	s1 =	sshrl.u32 s1, $0x2  }
0xc8: {  	s4 =	sand.u32 $0x4000, s31;
	s1 =	sadd.s32 s1, s30  }
0xc9: {  	s0 =	sor.u32 s4, s0;
	s1 =	sshll.u32 s1, $0x11  }
0xca: {  	s0 =	sor.u32 s1, s0  }
0xcb: {  	s0 =	sadd.s32 $0x8F2B, s0  }
0xcc: {  	[sflag:s0] =	ssyncadd.remote.s32 $0x1  }
0xcd: {  	_ =	sfence.sel $0xFFFF  }
0xce: {  	[dreg:$0x0] =	wrdreg $0xFFFFFFFF;
	(pc) =	sbr.abs _section_cstart, $3  }
0xcf: {  	[dreg:$0x1] =	wrdreg $0xFFFFFFFF  }
0xd0: {  	_ =	task.clear_ibuf [dreg:s22], $0x2FFFF;
	_ =	strace $0x9FFFFFFF  }
0xd1: {  	(tm) =	ssettm $0x7FFFFFFF  }
tec
execute0_lowered:
.L_overlay_start_1:
0x0: {  	(tag) =	ssettag $0x1  }
0x1: {  	s0 =	rddreg [dreg:$0x0]  }
0x2: {  	s2 =	rddreg [dreg:$0x1]  }
0x3: {  	s1 =	srdreg.scid;
	s8 =	stileid.u32  }
0x4: {  	s3 =	simm.s32 $0x0;
	s15 =	simm.s32 $0x2;
	s17 =	simm.s32 $0xA880  }
0x5: {  	s18 =	simm.s32 $0xAB00;
	s19 =	simm.s32 $0x9080;
	s20 =	simm.s32 $0xA080  }
0x6: {  	s21 =	simm.s32 $0x80;
	s22 =	simm.s32 $0x5000;
	s23 =	simm.s32 $0x5080  }
0x7: {  	s24 =	simm.s32 $0x1;
	s25 =	simm.s32 $0x9880;
	s26 =	simm.s32 $0x0  }
0x8: {  	s31 =	simm.s32 $0x0;
	s4 =	sand.u32 $0x1, s1;
	s5 =	smul.u32 $0x280, s8  }
0x9: {  	[smem:$0x7FF] =	sst s3;
	s8 =	smul.u32 $0x500, s8;
	s13 =	sor.u32 $0xFFFFFFFE, s1  }
0xa: {  	s6 =	smul.u32 $0x28000, s4;
	_ =	strace $0x8000004D;
	s10 =	ssub.s32 $0x2, s4  }
0xb: {  	s12 =	smul.u32 $0x2800, s4;
	s7 =	sshrl.u32 s5, $0x3;
	s8 =	sadd.s32 s8, s0  }
0xc: {  	s28 =	sshrl.u32 s10, $0x1;
	s9 =	sadd.s32 s6, s0;
	s29 =	sadd.s32 $0xA0E00, s8  }
0xd: {  	s7 =	sadd.s32 s7, s0;
	s8 =	sadd.s32 $0xD8000, s8;
	[dreg:$0x3] =	wrdreg s29  }
0xe: {  	s6 =	sadd.s32 $0x53D000, s0;
	[dreg:$0x4] =	wrdreg s8;
	s30 =	sadd.s32 $0xA5E00, s7  }
0xf: {  	s0 =	ssub.s32 s10, s28;
	s7 =	sadd.s32 $0x78A00, s7;
	[dreg:$0x5] =	wrdreg s30  }
0x10: {  	v0 =	vimm.f32 $0.0e+00;
	s11 =	sadd.s32 $0xDD000, s9;
	s14 =	smax.u32 s0, $0x1;
	[dreg:$0x6] =	wrdreg s7  }
.LBB2_1:
0x11: {  	s0 =	rddreg [dreg:$0x3]  }
0x12: {  	[tilespmem:s3], [sflag:$0x2] =	stream.linear.gather [hbm4b:s0+s3], $0x2780, $0x38;
	[tilespmem:$0x1ED80] =	vst v63  }
0x13: {  	_ =	swait.ge [sflag:s15], $0x2780  }
0x14: {  	[sflag:s15] =	ssyncset.done $0x0  }
0x15: {  	s1 =	simm.s32 $0x2800;
	s28 =	rddreg [dreg:$0x4];
	[sflag:s15] =	ssyncadd.s32 $0xFFFFD880  }
0x16: {  	[tilespmem:s1], [sflag:$0x2] =	stream.linear.gather [hbm4b:s28+s3], $0x2780, $0x38;
	[tilespmem:$0x1ED80] =	vst v63  }
0x17: {  	_ =	swait.ge [sflag:s15], $0x2780  }
0x18: {  	[sflag:s15] =	ssyncset.done $0x0  }
0x19: {  	s29 =	rddreg [dreg:$0x5];
	[sflag:s15] =	ssyncadd.s32 $0xFFFFD880  }
0x1a: {  	[tilespmem:s17], [sflag:$0x2] =	stream.linear.gather [hbm4b:s29+s3], $0x280, $0x38;
	[tilespmem:$0x1ED80] =	vst v63  }
0x1b: {  	_ =	swait.ge [sflag:s15], $0x280  }
0x1c: {  	[sflag:s15] =	ssyncset.done $0x0  }
0x1d: {  	s30 =	rddreg [dreg:$0x6];
	[sflag:s15] =	ssyncadd.s32 $0xFFFFFD80  }
0x1e: {  	[tilespmem:s18], [sflag:$0x2] =	stream.linear.gather [hbm4b:s30+s3], $0x280, $0x38;
	[tilespmem:$0x1ED80] =	vst v63  }
0x1f: {  	_ =	swait.ge [sflag:s15], $0x280  }
0x20: {  	[sflag:s15] =	ssyncset.done $0x0  }
0x21: {  	s0 =	simm.s32 $0x0;
	s1 =	simm.s32 $0x200;
	[sflag:s15] =	ssyncadd.s32 $0xFFFFFD80  }
.LBB2_2:
0x22: {  	p0 =	seq.s32 s1, $0x1E00;
	[tilespmem:s0+$0xA0F0] =	vst v0  }
0x23: {  	[tilespmem:s0+$0xA080] =	vst v0  }
0x24: {  	[tilespmem:s0+$0xA090] =	vst v0  }
.Ltmp0:
0x25: {  	[tilespmem:s0+$0xA0A0] =	vst v0;
	(pc) =	sbr.rel @!p0 .LBB2_2-.Ltmp0, $4  }
0x26: {  	[tilespmem:s0+$0xA0B0] =	vst v0  }
0x27: {  	[tilespmem:s0+$0xA0C0] =	vst v0  }
0x28: {  	[tilespmem:s0+$0xA0D0] =	vst v0  }
0x29: {  	[tilespmem:s0+$0xA0E0] =	vst v0;
	s0 =	sshra.s32 s1, $0x2;
	s1 =	sadd.s32 $0x200, s1  }
0x2a: {  	[tilespmem:s0+$0xA0F0] =	vst v0  }
0x2b: {  	[tilespmem:s0+$0xA080] =	vst v0  }
0x2c: {  	[tilespmem:s0+$0xA090] =	vst v0  }
0x2d: {  	[tilespmem:s0+$0xA0A0] =	vst v0  }
0x2e: {  	[tilespmem:s0+$0xA0B0] =	vst v0  }
0x2f: {  	[tilespmem:s0+$0xA0C0] =	vst v0  }
0x30: {  	[tilespmem:s0+$0xA0D0] =	vst v0  }
0x31: {  	[tilespmem:s0+$0xA0E0] =	vst v0;
	s0 =	simm.s32 $0x0;
	s1 =	simm.s32 $0x0;
	s7 =	simm.s32 $0x0  }
.LBB2_4:
0x32: {  	s8 =	sshll.u32 s7, $0x4  }
0x33: {  	s16 =	sadd.s32 s5, s8  }
0x34: {  	s8 =	sshll.u32 s16, $0x4  }
0x35: {  	s8 =	sadd.s32 s8, s11  }
0x36: {  	[tilespmem:s19], [sflag:$0x2] =	stream.linear.gather [hbm4b:s8+s0], $0x800, $0x38;
	[tilespmem:$0x1ED80] =	vst v63  }
0x37: {  	s30 =	sadd.s32 $0x0, s1;
	_ =	swait.ge [sflag:s15], $0x800  }
0x38: {  	v1 =	vmov s30;
	[sflag:s15] =	ssyncset.done $0x0  }
0x39: {  	s28 =	simm.s32 $0x90C0;
	[sflag:s15] =	ssyncadd.s32 $0xFFFFF800  }
0x3a: {  	v5 =	vld [tilespmem:s28+$0x30]  }
0x3b: {  	v8 =	vld [tilespmem:s28+$0x10]  }
0x3c: {  	v6 =	vld [tilespmem:s28+$0xFFFFFFC0]  }
0x3d: {  	v2 =	vld.idx.msk [tilespmem:v1+s18+$0x0], $0xffff  }
0x3e: {  	v10 =	vld [tilespmem:s28+$0xFFFFFFE0]  }
0x3f: {  	v1 =	vld [tilespmem:s28+$0xFFFFFFF0]  }
0x40: {  	v3 =	vld [tilespmem:s28+$0x20]  }
0x41: {  	v4 =	vld [tilespmem:s28+$0xFFFFFFD0]  }
0x42: {  	v9 =	vmul.f32 v5, v2;
	v5 =	vld [tilespmem:s28+$0x0]  }
0x43: {  	v7 =	vmul.f32 v6, v2  }
0x44: {  	s9 =	simm.s32 $0x90C0;
	s8 =	simm.s32 $0x1;
	v6 =	vmul.f32 v10, v2;
	v8 =	vmul.f32 v8, v2  }
.LBB2_5:
0x45: {  	p0 =	sne.s32 s8, $0xF  }
0x46: {  	v4 =	vmul.f32 v4, v2;
	v3 =	vmul.f32 v3, v2;
	[tilespmem:s28+$0x30] =	vst v9;
	s9 =	sadd.s32 $0x80, s9;
	s29 =	smov.u32 s8;
	s8 =	sadd.s32 $0x1, s8  }
0x47: {  	[tilespmem:s28+$0xFFFFFFC0] =	vst v7;
	v7 =	vmul.f32 v1, v2;
	v2 =	vmul.f32 v5, v2  }
0x48: {  	s29 =	sadd.s32 s29, s1;
	[tilespmem:s28+$0x10] =	vst v8  }
0x49: {  	v5 =	vmov s29;
	[tilespmem:s28+$0xFFFFFFE0] =	vst v6  }
0x4a: {  	v1 =	vld [tilespmem:s9+$0xFFFFFFF0];
	[tilespmem:s28+$0xFFFFFFF0] =	vst v7  }
0x4b: {  	v6 =	vld [tilespmem:s9+$0x30];
	[tilespmem:s28+$0x0] =	vst v2  }
0x4c: {  	v8 =	vld [tilespmem:s9+$0x10];
	[tilespmem:s28+$0x20] =	vst v3  }
0x4d: {  	v7 =	vld [tilespmem:s9+$0xFFFFFFC0];
	[tilespmem:s28+$0xFFFFFFD0] =	vst v4;
	s28 =	smov.u32 s9  }
0x4e: {  	v2 =	vld.idx.msk [tilespmem:v5+s18+$0x0], $0xffff  }
0x4f: {  	v10 =	vld [tilespmem:s9+$0xFFFFFFE0]  }
0x50: {  	v3 =	vld [tilespmem:s9+$0x20]  }
.Ltmp1:
0x51: {  	v4 =	vld [tilespmem:s9+$0xFFFFFFD0];
	(pc) =	sbr.rel @p0 .LBB2_5-.Ltmp1, $3  }
0x52: {  	v5 =	vld [tilespmem:s9+$0x0];
	_ =	sdelay $0x1  }
0x53: {  	v7 =	vmul.f32 v7, v2;
	v9 =	vmul.f32 v6, v2  }
0x54: {  	v8 =	vmul.f32 v8, v2;
	v6 =	vmul.f32 v10, v2  }
0x55: {  	[tilespmem:s28+$0x30] =	vst v9  }
0x56: {  	[tilespmem:s28+$0xFFFFFFC0] =	vst v7  }
0x57: {  	v1 =	vmul.f32 v1, v2;
	[tilespmem:s28+$0x10] =	vst v8  }
0x58: {  	v3 =	vmul.f32 v3, v2;
	[tilespmem:s28+$0xFFFFFFE0] =	vst v6  }
0x59: {  	v5 =	vmul.f32 v5, v2;
	[tilespmem:s28+$0xFFFFFFF0] =	vst v1  }
0x5a: {  	s8 =	sadd.s32 s12, s16;
	v1 =	vmul.f32 v4, v2;
	[tilespmem:s28+$0x20] =	vst v3  }
0x5b: {  	s8 =	sshll.u32 s8, $0x4;
	[tilespmem:s28+$0x0] =	vst v5  }
0x5c: {  	s8 =	sadd.s32 s6, s8;
	[tilespmem:s28+$0xFFFFFFD0] =	vst v1  }
0x5d: {  	[hbm4b:s8+s3] =	stream.linear.scatter [tilespmem:s19], [sflag:$0x2], $0x800, $0x38;
	[tilespmem:$0x1ED80] =	vst v63  }
0x5e: {  	s30 =	sshll.u32 s16, $0x7;
	s7 =	sadd.s32 $0x1, s7;
	_ =	swait.ge [sflag:s15], $0x800  }
0x5f: {  	p0 =	sne.s32 s7, $0x28;
	s8 =	sand.u32 $0x3FFFFF80, s30;
	[sflag:s15] =	ssyncset.done $0x0  }
.Ltmp2:
0x60: {  	s8 =	sadd.s32 s8, s2;
	[sflag:s15] =	ssyncadd.s32 $0xFFFFF800;
	(pc) =	sbr.rel @p0 .LBB2_4-.Ltmp2, $4  }
0x61: {  	[spmem:s8] =	stream.linear.scatter [tilespmem:s20], [sflag:$0x2], $0x800, $0x38;
	[tilespmem:$0x1ED80] =	vst v63  }
0x62: {  	_ =	swait.ge [sflag:s15], $0x800  }
0x63: {  	[sflag:s15] =	ssyncset.done $0x0  }
0x64: {  	s1 =	sadd.s32 $0x10, s1;
	[sflag:s15] =	ssyncadd.s32 $0xFFFFF800  }
0x65: {  	[bflag:$0x0] =	sbarrier.arrive $0xFFFF;
	s28 =	simm.s32 $0x1  }
.LBB2_8:
0x66: {  	s0 =	simm.s32 $0x0  }
0x67: {  	s30 =	sshll.u32 s28, $0x1;
	v2 =	vld [tilespmem:s0+$0x0]  }
0x68: {  	s1 =	sadd.s32 s13, s30  }
0x69: {  	s29 =	smul.u32 $0x2800, s1;
	_ =	sdelay $0x1  }
0x6a: {  	v1 =	vmov s29  }
0x6b: {  	v2 =	vadd.s32 v1, v2  }
0x6c: {  	[tilespmem:$0x5000] =	vst v2  }
0x6d: {  	v2 =	vld [tilespmem:s0+$0x10];
	_ =	sdelay $0x4  }
0x6e: {  	v2 =	vadd.s32 v1, v2  }
0x6f: {  	[tilespmem:$0x5010] =	vst v2  }
0x70: {  	v2 =	vld [tilespmem:s0+$0x20];
	_ =	sdelay $0x4  }
0x71: {  	v2 =	vadd.s32 v1, v2  }
0x72: {  	[tilespmem:$0x5020] =	vst v2  }
0x73: {  	v2 =	vld [tilespmem:s0+$0x30];
	_ =	sdelay $0x4  }
0x74: {  	v2 =	vadd.s32 v1, v2  }
0x75: {  	[tilespmem:$0x5030] =	vst v2  }
0x76: {  	v2 =	vld [tilespmem:s0+$0x40];
	_ =	sdelay $0x4  }
0x77: {  	v2 =	vadd.s32 v1, v2  }
0x78: {  	[tilespmem:$0x5040] =	vst v2  }
0x79: {  	v2 =	vld [tilespmem:s0+$0x50];
	_ =	sdelay $0x4  }
0x7a: {  	v2 =	vadd.s32 v1, v2  }
0x7b: {  	[tilespmem:$0x5050] =	vst v2  }
0x7c: {  	v2 =	vld [tilespmem:s0+$0x60];
	_ =	sdelay $0x4  }
0x7d: {  	v2 =	vadd.s32 v1, v2  }
0x7e: {  	[tilespmem:$0x5060] =	vst v2  }
0x7f: {  	v2 =	vld [tilespmem:s0+$0x70];
	_ =	sdelay $0x4  }
0x80: {  	v2 =	vadd.s32 v1, v2  }
0x81: {  	[tilespmem:$0x5070] =	vst v2  }
0x82: {  	[tilespmem:s23], [sflag:$0x1] =	stream.indirect.gather [hbm4b:s6+s21], $0x80, s22, s21, $0xb8;
	[tilespmem:$0x1ED80] =	vst v63  }
0x83: {  	_ =	swait.ge [sflag:s24], $0x4000  }
0x84: {  	[sflag:s24] =	ssyncset.done $0x0  }
0x85: {  	s16 =	simm.s32 $0x2800;
	[sflag:s24] =	ssyncadd.s32 $0xFFFFC000  }
0x86: {  	[spmem:s2] =	stream.indirect.scatter.add.f32 [tilespmem:s23], [sflag:$0x2], $0x80, s16, s21, $0xb8;
	[tilespmem:$0x1ED80] =	vst v63  }
0x87: {  	_ =	swait.ge [sflag:s15], $0x4000  }
0x88: {  	s8 =	simm.s32 $0x400;
	s0 =	simm.s32 $0x200;
	[sflag:s15] =	ssyncset.done $0x0  }
.LBB2_9:
0x89: {  	s7 =	sshra.s32 s0, $0x2  }
0x8a: {  	[sflag:s15] =	ssyncadd.s32 $0xFFFFC000;
	s0 =	smov.u32 s8;
	s1 =	sadd.s32 $0x200, s8  }
0x8b: {  	p0 =	sne.s32 s8, $0x9C00;
	v2 =	vld [tilespmem:s7+$0x0];
	_ =	sdelay $0x4  }
0x8c: {  	v2 =	vadd.s32 v1, v2  }
0x8d: {  	[tilespmem:$0x5000] =	vst v2  }
0x8e: {  	v2 =	vld [tilespmem:s7+$0x10];
	_ =	sdelay $0x4  }
0x8f: {  	v2 =	vadd.s32 v1, v2  }
0x90: {  	[tilespmem:$0x5010] =	vst v2  }
0x91: {  	v2 =	vld [tilespmem:s7+$0x20];
	_ =	sdelay $0x4  }
0x92: {  	v2 =	vadd.s32 v1, v2  }
0x93: {  	[tilespmem:$0x5020] =	vst v2  }
0x94: {  	v2 =	vld [tilespmem:s7+$0x30];
	_ =	sdelay $0x4  }
0x95: {  	v2 =	vadd.s32 v1, v2  }
0x96: {  	[tilespmem:$0x5030] =	vst v2  }
0x97: {  	v2 =	vld [tilespmem:s7+$0x40];
	_ =	sdelay $0x4  }
0x98: {  	v2 =	vadd.s32 v1, v2  }
0x99: {  	[tilespmem:$0x5040] =	vst v2  }
0x9a: {  	v2 =	vld [tilespmem:s7+$0x50];
	_ =	sdelay $0x4  }
0x9b: {  	v2 =	vadd.s32 v1, v2  }
0x9c: {  	[tilespmem:$0x5050] =	vst v2  }
0x9d: {  	v2 =	vld [tilespmem:s7+$0x60];
	_ =	sdelay $0x4  }
0x9e: {  	v2 =	vadd.s32 v1, v2  }
0x9f: {  	[tilespmem:$0x5060] =	vst v2  }
0xa0: {  	v2 =	vld [tilespmem:s7+$0x70];
	_ =	sdelay $0x4  }
0xa1: {  	v2 =	vadd.s32 v1, v2  }
0xa2: {  	[tilespmem:$0x5070] =	vst v2  }
0xa3: {  	[tilespmem:s23], [sflag:$0x1] =	stream.indirect.gather [hbm4b:s6+s21], $0x80, s22, s21, $0xb8;
	[tilespmem:$0x1ED80] =	vst v63  }
0xa4: {  	_ =	swait.ge [sflag:s24], $0x4000  }
.Ltmp3:
0xa5: {  	[sflag:s24] =	ssyncset.done $0x0;
	(pc) =	sbr.rel @p0 .LBB2_9-.Ltmp3, $4  }
0xa6: {  	s7 =	sadd.s32 $0x2800, s7;
	[sflag:s24] =	ssyncadd.s32 $0xFFFFC000  }
0xa7: {  	[spmem:s2] =	stream.indirect.scatter.add.f32 [tilespmem:s23], [sflag:$0x2], $0x80, s7, s21, $0xb8;
	[tilespmem:$0x1ED80] =	vst v63  }
0xa8: {  	_ =	swait.ge [sflag:s15], $0x4000  }
0xa9: {  	s8 =	smov.u32 s1;
	[sflag:s15] =	ssyncset.done $0x0  }
0xaa: {  	s0 =	sshra.s32 s0, $0x2;
	[sflag:s15] =	ssyncadd.s32 $0xFFFFC000  }
0xab: {  	v2 =	vld [tilespmem:s0+$0x0];
	_ =	sdelay $0x4  }
0xac: {  	v2 =	vadd.s32 v1, v2  }
0xad: {  	[tilespmem:$0x5000] =	vst v2  }
0xae: {  	v2 =	vld [tilespmem:s0+$0x10];
	_ =	sdelay $0x4  }
0xaf: {  	v2 =	vadd.s32 v1, v2  }
0xb0: {  	[tilespmem:$0x5010] =	vst v2  }
0xb1: {  	v2 =	vld [tilespmem:s0+$0x20];
	_ =	sdelay $0x4  }
0xb2: {  	v2 =	vadd.s32 v1, v2  }
0xb3: {  	[tilespmem:$0x5020] =	vst v2  }
0xb4: {  	v2 =	vld [tilespmem:s0+$0x30];
	_ =	sdelay $0x4  }
0xb5: {  	v2 =	vadd.s32 v1, v2  }
0xb6: {  	[tilespmem:$0x5030] =	vst v2  }
0xb7: {  	v2 =	vld [tilespmem:s0+$0x40];
	_ =	sdelay $0x4  }
0xb8: {  	v2 =	vadd.s32 v1, v2  }
0xb9: {  	[tilespmem:$0x5040] =	vst v2  }
0xba: {  	v2 =	vld [tilespmem:s0+$0x50];
	_ =	sdelay $0x4  }
0xbb: {  	v2 =	vadd.s32 v1, v2  }
0xbc: {  	[tilespmem:$0x5050] =	vst v2  }
0xbd: {  	v2 =	vld [tilespmem:s0+$0x60];
	_ =	sdelay $0x4  }
0xbe: {  	v2 =	vadd.s32 v1, v2  }
0xbf: {  	[tilespmem:$0x5060] =	vst v2  }
0xc0: {  	v2 =	vld [tilespmem:s0+$0x70];
	_ =	sdelay $0x4  }
0xc1: {  	v1 =	vadd.s32 v1, v2  }
0xc2: {  	[tilespmem:$0x5070] =	vst v1  }
0xc3: {  	[tilespmem:s23], [sflag:$0x1] =	stream.indirect.gather [hbm4b:s6+s21], $0x80, s22, s21, $0xb8;
	[tilespmem:$0x1ED80] =	vst v63  }
0xc4: {  	_ =	swait.ge [sflag:s24], $0x4000  }
0xc5: {  	[sflag:s24] =	ssyncset.done $0x0  }
0xc6: {  	s0 =	sadd.s32 $0x2800, s0;
	[sflag:s24] =	ssyncadd.s32 $0xFFFFC000  }
0xc7: {  	[spmem:s2] =	stream.indirect.scatter.add.f32 [tilespmem:s23], [sflag:$0x2], $0x80, s0, s21, $0xb8;
	[tilespmem:$0x1ED80] =	vst v63  }
0xc8: {  	_ =	swait.ge [sflag:s15], $0x4000  }
0xc9: {  	[sflag:s15] =	ssyncset.done $0x0  }
0xca: {  	s16 =	sor.u32 s4, s30;
	s1 =	simm.s32 $0x0;
	[sflag:s15] =	ssyncadd.s32 $0xFFFFC000  }
0xcb: {  	s30 =	smul.u32 $0x2800, s16;
	s0 =	simm.s32 $0x0;
	[bflag:$0x0] =	sbarrier.arrive $0xFFFF  }
.LBB2_11:
0xcc: {  	s7 =	sshll.u32 s1, $0x4  }
0xcd: {  	s16 =	sadd.s32 s5, s7  }
0xce: {  	s7 =	sadd.s32 s29, s16  }
0xcf: {  	s7 =	sshll.u32 s7, $0x4  }
0xd0: {  	s7 =	sadd.s32 s6, s7  }
0xd1: {  	[tilespmem:s19], [sflag:$0x2] =	stream.linear.gather [hbm4b:s7+s31], $0x800, $0x38;
	[tilespmem:$0x1ED80] =	vst v63  }
0xd2: {  	s10 =	sshll.u32 s16, $0x7;
	_ =	swait.ge [sflag:s15], $0x800  }
0xd3: {  	s7 =	sand.u32 $0x3FFFFF80, s10;
	[sflag:s15] =	ssyncset.done $0x0  }
0xd4: {  	s7 =	sadd.s32 s7, s2;
	[sflag:s15] =	ssyncadd.s32 $0xFFFFF800  }
0xd5: {  	[tilespmem:s25], [sflag:$0x2] =	stream.linear.gather [spmem:s7], $0x800, $0x38;
	[tilespmem:$0x1ED80] =	vst v63  }
0xd6: {  	_ =	swait.ge [sflag:s15], $0x800  }
0xd7: {  	[sflag:s15] =	ssyncset.done $0x0  }
0xd8: {  	[sflag:s15] =	ssyncadd.s32 $0xFFFFF800  }
0xd9: {  	[spmem:s7] =	stream.linear.scatter [tilespmem:s20], [sflag:$0x2], $0x800, $0x38;
	[tilespmem:$0x1ED80] =	vst v63  }
0xda: {  	_ =	swait.ge [sflag:s15], $0x800  }
0xdb: {  	[sflag:s15] =	ssyncset.done $0x0  }
0xdc: {  	s7 =	simm.s32 $0x0;
	[sflag:s15] =	ssyncadd.s32 $0xFFFFF800  }
0xdd: {  	v2 =	vld [tilespmem:s7+$0x98C0]  }
0xde: {  	v1 =	vld [tilespmem:s7+$0x98F0]  }
0xdf: {  	v4 =	vld [tilespmem:s7+$0x9080]  }
0xe0: {  	v5 =	vld [tilespmem:s7+$0x90E0]  }
0xe1: {  	v6 =	vmov s0;
	v10 =	vld [tilespmem:s7+$0x98E0]  }
0xe2: {  	v3 =	vld [tilespmem:s7+$0x9890]  }
0xe3: {  	v9 =	vld [tilespmem:s7+$0x90A0]  }
0xe4: {  	v7 =	vld [tilespmem:s7+$0x98D0]  }
0xe5: {  	v13 =	vld [tilespmem:s7+$0x9880]  }
0xe6: {  	v8 =	vld.idx.msk [tilespmem:v6+s17+$0x0], $0xffff  }
0xe7: {  	v6 =	vld [tilespmem:s7+$0x90F0]  }
0xe8: {  	v14 =	vld [tilespmem:s7+$0x98A0]  }
0xe9: {  	v12 =	vld [tilespmem:s7+$0x98B0]  }
0xea: {  	s8 =	simm.s32 $0x200;
	s9 =	sadd.s32 $0x1, s0;
	v11 =	vld [tilespmem:s7+$0x90C0]  }
.LBB2_12:
0xeb: {  	v15 =	vmov s9;
	p0 =	sne.s32 s8, $0x1E00;
	v16 =	vld [tilespmem:s7+$0x90B0];
	s10 =	smov.u32 s8;
	s8 =	sadd.s32 $0x200, s8  }
0xec: {  	v13 =	vmul.f32 v13, v8;
	v10 =	vmul.f32 v10, v8;
	v17 =	vld [tilespmem:s7+$0x9090]  }
0xed: {  	v18 =	vmul.f32 v2, v8;
	v14 =	vmul.f32 v14, v8;
	v19 =	vld [tilespmem:s7+$0x90D0]  }
0xee: {  	s10 =	sshra.s32 s10, $0x2;
	v4 =	vsub.f32 v4, v13;
	v5 =	vsub.f32 v5, v10;
	v12 =	vmul.f32 v12, v8  }
0xef: {  	v3 =	vmul.f32 v3, v8;
	v2 =	vld [tilespmem:s10+$0x98C0];
	v9 =	vsub.f32 v9, v14;
	v11 =	vsub.f32 v11, v18  }
0xf0: {  	v7 =	vmul.f32 v7, v8;
	v8 =	vmul.f32 v1, v8;
	[tilespmem:s7+$0x9080] =	vst v4;
	v12 =	vsub.f32 v16, v12;
	v1 =	vld [tilespmem:s10+$0x98F0]  }
0xf1: {  	v4 =	vld [tilespmem:s10+$0x9080];
	v14 =	vsub.f32 v17, v3;
	[tilespmem:s7+$0x90E0] =	vst v5  }
0xf2: {  	v6 =	vsub.f32 v6, v8;
	v5 =	vld [tilespmem:s10+$0x90E0];
	[tilespmem:s7+$0x90A0] =	vst v9;
	v13 =	vsub.f32 v19, v7  }
0xf3: {  	v10 =	vld [tilespmem:s10+$0x98E0];
	[tilespmem:s7+$0x90B0] =	vst v12  }
0xf4: {  	v3 =	vld [tilespmem:s10+$0x9890];
	[tilespmem:s7+$0x90F0] =	vst v6  }
0xf5: {  	v9 =	vld [tilespmem:s10+$0x90A0];
	[tilespmem:s7+$0x90C0] =	vst v11  }
0xf6: {  	v7 =	vld [tilespmem:s10+$0x98D0];
	[tilespmem:s7+$0x90D0] =	vst v13  }
0xf7: {  	v13 =	vld [tilespmem:s10+$0x9880];
	[tilespmem:s7+$0x9090] =	vst v14;
	s7 =	smov.u32 s10  }
.Ltmp4:
0xf8: {  	v8 =	vld.idx.msk [tilespmem:v15+s17+$0x0], $0xffff;
	(pc) =	sbr.rel @p0 .LBB2_12-.Ltmp4, $4  }
0xf9: {  	v6 =	vld [tilespmem:s7+$0x90F0]  }
0xfa: {  	v14 =	vld [tilespmem:s7+$0x98A0]  }
0xfb: {  	v12 =	vld [tilespmem:s7+$0x98B0]  }
0xfc: {  	s9 =	sadd.s32 $0x1, s9;
	v11 =	vld [tilespmem:s7+$0x90C0]  }
0xfd: {  	v13 =	vmul.f32 v13, v8  }
0xfe: {  	v10 =	vmul.f32 v10, v8  }
0xff: {  	v15 =	vld [tilespmem:s7+$0x90B0];
	v1 =	vmul.f32 v1, v8;
	v4 =	vsub.f32 v4, v13  }
0x100: {  	v60 =	vld [tilespmem:s7+$0x90D0];
	v14 =	vmul.f32 v14, v8;
	v5 =	vsub.f32 v5, v10  }
0x101: {  	v16 =	vld [tilespmem:s7+$0x9090];
	v2 =	vmul.f32 v2, v8;
	v1 =	vsub.f32 v6, v1;
	[tilespmem:s7+$0x9080] =	vst v4  }
0x102: {  	v12 =	vmul.f32 v12, v8;
	v9 =	vsub.f32 v9, v14;
	[tilespmem:s7+$0x90E0] =	vst v5  }
0x103: {  	v62 =	vmul.f32 v7, v8;
	v2 =	vsub.f32 v11, v2;
	[tilespmem:s7+$0x90F0] =	vst v1  }
0x104: {  	v3 =	vmul.f32 v3, v8;
	v61 =	vsub.f32 v15, v12;
	[tilespmem:s7+$0x90A0] =	vst v9  }
0x105: {  	v63 =	vsub.f32 v60, v62;
	[tilespmem:s7+$0x90C0] =	vst v2  }
0x106: {  	s8 =	sadd.s32 s30, s16;
	s1 =	sadd.s32 $0x1, s1;
	v1 =	vsub.f32 v16, v3;
	[tilespmem:s7+$0x90B0] =	vst v61  }
0x107: {  	s8 =	sshll.u32 s8, $0x4;
	p0 =	sne.s32 s1, $0x28;
	[tilespmem:s7+$0x90D0] =	vst v63  }
.Ltmp5:
0x108: {  	s16 =	sadd.s32 s6, s8;
	[tilespmem:s7+$0x9090] =	vst v1;
	(pc) =	sbr.rel @p0 .LBB2_11-.Ltmp5, $4  }
0x109: {  	[hbm4b:s16+s3] =	stream.linear.scatter [tilespmem:s19], [sflag:$0x2], $0x800, $0x38;
	[tilespmem:$0x1ED80] =	vst v63  }
0x10a: {  	_ =	swait.ge [sflag:s15], $0x800  }
0x10b: {  	[sflag:s15] =	ssyncset.done $0x0  }
0x10c: {  	s0 =	sadd.s32 $0x10, s0;
	[sflag:s15] =	ssyncadd.s32 $0xFFFFF800  }
0x10d: {  	s28 =	sadd.s32 $0x1, s28  }
0x10e: {  	p0 =	sne.s32 s28, $0x7  }
.Ltmp6:
0x10f: {  	_ = 	snop;
	(pc) =	sbr.rel @p0 .LBB2_8-.Ltmp6, $2  }
0x110: {  	_ =	sdelay $0x1  }
0x111: {  	[bflag:$0x0] =	sbarrier.arrive $0xFFFF;
	_ =	sdelay $0x1  }
0x112: {  	s26 =	sadd.s32 $0x1, s26  }
0x113: {  	p0 =	sne.s32 s26, s14  }
.Ltmp7:
0x114: {  	_ = 	snop;
	(pc) =	sbr.rel @p0 .LBB2_1-.Ltmp7, $1  }
0x115: {  	_ =	sdelay $0x3  }
0x116: {  	_ =	sfence.sel $0x180000  }
0x117: {  	[bflag:$0x0] =	sbarrier.arrive $0xFFFF  }
0x118: {  	_ =	strace $0x9000004D  }
0x119: {  	s0 =	stileid.u32;
	[bflag:$0x2] =	sbarrier.arrive $0xFFFF  }
0x11a: {  	p0 =	sne.s32 s0, $0x0;
	s0 =	rddreg [dreg:$0x2]  }
0x11b: {  	s0 =	sadd.s32 @!p0 $0x100000, s0  }
0x11c: {  	[sflag:s0] =	ssyncadd.tile.s32 @!p0 $0x1;
	_ =	shalt  }
.Lfunc_end2:
_tile_overlayer_lowered:
.L_overlay_start_2:
0x11d: {  	(tag) =	ssettag $0x2  }
0x11e: {  	s0 =	rddreg [dreg:$0x0];
	s2 =	stileid.u32  }
0x11f: {  	s1 =	rddreg [dreg:$0x1];
	p0 =	sne.s32 s2, $0x0  }
0x120: {  	s3 =	rddreg [dreg:$0x2];
	[bflag:$0x3] =	sbarrier.arrive $0xFFFF;
	s2 =	simm.s32 @!p0 $0x1C02  }
0x121: {  	[timem:s3], [sflag:s2] =	dma.local @!p0 [hbm:s0], s1  }
0x122: {  	s0 =	simm.s32 @!p0 $0x2  }
0x123: {  	_ =	swait.ge @!p0 [sflag:s0], s1  }
0x124: {  	s1 =	ssub.s32 @!p0 $0x0, s1;
	[sflag:s0] =	ssyncset.done @!p0 $0x0  }
0x125: {  	[sflag:s0] =	ssyncadd.s32 @!p0 s1  }
0x126: {  	[bflag:$0x3] =	sbarrier.arrive $0xFFFF  }
0x127: {  	_ =	shalt  }

// kernel: kernel.18.cloned.1.call-start
scs
__scs_entry_jumppad:
0x0: {  	(pc) =	sbr.rel $0x88, $3  }
0x1: {  	(tag) =	ssettag $0x0;
	lr =	simm.s32 $0x1  }
0x2: {  	[smem:$0x3F97] =	sst lr;
	_ =	strace $0xD0000000  }
0x3: {  	_ = 	snop  }
0x4: {  	_ = 	snop  }
0x5: {  	_ = 	snop  }
0x6: {  	_ = 	snop  }
0x7: {  	_ = 	snop  }
__scs_overlays_trampoline_lowered:
0x8: {  	[smem:$0x3FA6] =	sst s0  }
0x9: {  	[smem:$0x3FA7] =	sst s1  }
0xa: {  	[smem:$0x3FA8] =	sst s2  }
0xb: {  	[smem:$0x3FA9] =	sst s3  }
0xc: {  	[smem:$0x3FAA] =	sst s4  }
0xd: {  	[smem:$0x3FAB] =	sst s5  }
0xe: {  	[smem:$0x3FAC] =	sst s6  }
0xf: {  	[smem:$0x3FAD] =	sst s7  }
0x10: {  	[smem:$0x3FAE] =	sst s8  }
0x11: {  	[smem:$0x3FAF] =	sst s9;
	s0 =	simm.s32 @!p0 $0x0  }
0x12: {  	s1 =	sld [smem:$0x3F95];
	s0 =	simm.s32 @p0 $0x1  }
0x13: {  	[smem:$0x3FB0] =	sst s0;
	s0 =	simm.s32 @!p1 $0x0  }
0x14: {  	s2 =	sld [smem:$0x3F94];
	s0 =	simm.s32 @p1 $0x1  }
0x15: {  	[smem:$0x3FB1] =	sst s0;
	s0 =	simm.s32 @!p2 $0x0  }
0x16: {  	s3 =	sld [smem:$0x3FDB];
	s0 =	simm.s32 @p2 $0x1  }
0x17: {  	s4 =	simm.s32 $0x1BF5;
	[smem:$0x3FB3] =	sst s0  }
0x18: {  	s0 =	sld [smem:$0x3F96];
	_ =	swait.ge [sflag:s4], $0x0  }
0x19: {  	s7 =	sld [smem:$0x3F97]  }
0x1a: {  	s8 =	sadd.s32 $0xFFFFE003, lr  }
0x1b: {  	s9 =	sadd.s32 $0xFFFFFEF7, lr;
	s5 =	simm.s32 $0xFFFFFFFF;
	p2 =	slt.u32 s8, $0xFFFFF086  }
0x1c: {  	p1 =	slt.u32 s9, $0xF7A;
	s5 =	simm.s32 @!p2 $0x0  }
0x1d: {  	s5 =	simm.s32 @p1 $0x1;
	p0 =	seq.s32 s7, s2  }
0x1e: {  	s7 =	smul.u32 @!p0 $0xF7A, s2;
	p2 =	seq.s32 @!p0 s5, $0x0  }
0x1f: {  	s9 =	smul.u32 $0xF7A, s1;
	s8 =	simm.s32 @!p0 $0x1BF5;
	p2 =	por !p2, p0  }
0x20: {  	[sflag:s8] =	ssyncset.s32 @!p0 $0xFFFFF086;
	s6 =	sadd.s32 @!p0 s3, s7;
	s7 =	simm.s32 @!p0 $0x108  }
0x21: {  	s3 =	sadd.s32 s3, s9;
	s6 =	sadd.s32 @!p0 $0x88, s6;
	s7 =	simm.s32 @p2 $0x1082  }
0x22: {  	[simem:s7], [sflag:s8] =	dma.local @!p0 [hbm:s6], $0xF7A  }
0x23: {  	s9 =	sor.u32 $0xD0000000, s2;
	s6 =	simm.s32 $0x108;
	_ =	swait.ge @!p0 [sflag:s8], $0x0  }
0x24: {  	s3 =	sadd.s32 $0x88, s3;
	s6 =	simm.s32 @!p1 $0x1082;
	[sflag:s4] =	ssyncset.s32 $0xFFFFF086  }
0x25: {  	[simem:s6], [sflag:s4] =	dma.local [hbm:s3], $0xF7A  }
0x26: {  	[smem:$0x3F97] =	sst s1;
	(tag) =	ssettag s2;
	_ =	strace s9  }
0x27: {  	s1 =	sld [smem:$0x3FA7]  }
0x28: {  	s2 =	sld [smem:$0x3FA8]  }
0x29: {  	s4 =	sld [smem:$0x3FAA]  }
0x2a: {  	p0 =	seq.s32 s5, $0x0;
	s5 =	sld [smem:$0x3FAB]  }
0x2b: {  	s6 =	sld [smem:$0x3FAC]  }
0x2c: {  	s7 =	sld [smem:$0x3FAD]  }
0x2d: {  	s3 =	simm.s32 $0x108;
	s8 =	sld [smem:$0x3FAE]  }
0x2e: {  	s3 =	simm.s32 @!p0 $0x1082;
	s9 =	sld [smem:$0x3FAF]  }
0x2f: {  	lr =	sadd.s32 s0, s3;
	s0 =	sld [smem:$0x3FA6]  }
0x30: {  	s3 =	sld [smem:$0x3FA9]  }
0x31: {  	[smem:$0x3FB2] =	sst s10  }
0x32: {  	s10 =	sld [smem:$0x3FB0];
	_ =	sdelay $0x3  }
0x33: {  	p0 =	seq.s32 s10, $0x1;
	s10 =	sld [smem:$0x3FB2];
	_ =	sdelay $0x3  }
0x34: {  	[smem:$0x3FB2] =	sst s10  }
0x35: {  	s10 =	sld [smem:$0x3FB1];
	_ =	sdelay $0x3  }
0x36: {  	p1 =	seq.s32 s10, $0x1;
	s10 =	sld [smem:$0x3FB2];
	_ =	sdelay $0x3  }
0x37: {  	[smem:$0x3FB2] =	sst s10  }
0x38: {  	s10 =	sld [smem:$0x3FB3]  }
0x39: {  	_ = 	snop;
	(pc) =	sbr.ind lr, $3  }
0x3a: {  	_ = 	snop  }
0x3b: {  	_ = 	snop  }
0x3c: {  	p2 =	seq.s32 s10, $0x1;
	s10 =	sld [smem:$0x3FB2]  }
0x3d: {  	_ =	shalt  }
0x3e: {  	_ =	shalt  }
0x3f: {  	_ =	shalt  }
0x40: {  	_ =	shalt  }
0x41: {  	_ =	shalt  }
0x42: {  	_ =	shalt  }
0x43: {  	_ =	shalt  }
0x44: {  	_ =	shalt  }
0x45: {  	_ =	shalt  }
0x46: {  	_ =	shalt  }
0x47: {  	_ =	shalt  }
0x48: {  	_ =	shalt  }
0x49: {  	_ =	shalt  }
0x4a: {  	_ =	shalt  }
0x4b: {  	_ =	shalt  }
0x4c: {  	_ =	shalt  }
0x4d: {  	_ =	shalt  }
0x4e: {  	_ =	shalt  }
0x4f: {  	_ =	shalt  }
0x50: {  	_ =	shalt  }
0x51: {  	_ =	shalt  }
0x52: {  	_ =	shalt  }
0x53: {  	_ =	shalt  }
0x54: {  	_ =	shalt  }
0x55: {  	_ =	shalt  }
0x56: {  	_ =	shalt  }
0x57: {  	_ =	shalt  }
0x58: {  	_ =	shalt  }
0x59: {  	_ =	shalt  }
0x5a: {  	_ =	shalt  }
0x5b: {  	_ =	shalt  }
0x5c: {  	_ =	shalt  }
0x5d: {  	_ =	shalt  }
0x5e: {  	_ =	shalt  }
0x5f: {  	_ =	shalt  }
0x60: {  	_ =	shalt  }
0x61: {  	_ =	shalt  }
0x62: {  	_ =	shalt  }
0x63: {  	_ =	shalt  }
0x64: {  	_ =	shalt  }
0x65: {  	_ =	shalt  }
0x66: {  	_ =	shalt  }
0x67: {  	_ =	shalt  }
0x68: {  	_ =	shalt  }
0x69: {  	_ =	shalt  }
0x6a: {  	_ =	shalt  }
0x6b: {  	_ =	shalt  }
0x6c: {  	_ =	shalt  }
0x6d: {  	_ =	shalt  }
0x6e: {  	_ =	shalt  }
0x6f: {  	_ =	shalt  }
0x70: {  	_ =	shalt  }
0x71: {  	_ =	shalt  }
0x72: {  	_ =	shalt  }
0x73: {  	_ =	shalt  }
0x74: {  	_ =	shalt  }
0x75: {  	_ =	shalt  }
0x76: {  	_ =	shalt  }
0x77: {  	_ =	shalt  }
0x78: {  	_ =	shalt  }
0x79: {  	_ =	shalt  }
0x7a: {  	_ =	shalt  }
0x7b: {  	_ =	shalt  }
0x7c: {  	_ =	shalt  }
0x7d: {  	_ =	shalt  }
0x7e: {  	_ =	shalt  }
0x7f: {  	_ =	shalt  }
0x80: {  	_ =	shalt  }
0x81: {  	_ =	shalt  }
0x82: {  	_ =	shalt  }
0x83: {  	_ =	shalt  }
0x84: {  	_ =	shalt  }
0x85: {  	_ =	shalt  }
0x86: {  	_ =	shalt  }
0x87: {  	_ =	shalt  }
.Lfunc_end0:
.L_simem_size_0:
called_computation.3_lowered:
.L_overlay_start_0:
0x88: {  	s2 =	sld [smem:$0x3FD9]  }
0x89: {  	s3 =	sld [smem:$0x3FFE];
	_ =	sdelay $0x1  }
0x8a: {  	s1 =	srdreg.scid  }
0x8b: {  	s0 =	sand.u32 $0x1, s1  }
0x8c: {  	s17 =	sshll.u32 s0, $0xA;
	s2 =	sadd.s32 s3, s2  }
0x8d: {  	s2 =	sadd.s32 s2, s17  }
0x8e: {  	[smem:$0x3FBE] =	sst s2  }
0x8f: {  	_ = 	snop  }
0x90: {  	(tm) =	ssettm $0x1  }
0x91: {  	s18 =	sld [smem:$0x3FFB];
	_ =	sdelay $0x3  }
0x92: {  	_ =	strace s18  }
0x93: {  	s2 =	sld [smem:$0x3FFC];
	_ =	sdelay $0x3  }
0x94: {  	_ =	strace s2  }
0x95: {  	s2 =	sld [smem:$0x3FFD];
	_ =	sdelay $0x3  }
0x96: {  	_ =	strace s2  }
0x97: {  	_ =	strace $0x8FFFFFFF  }
0x98: {  	s19 =	sld [smem:$0x3FDB];
	_ =	sdelay $0x1  }
0x99: {  	s20 =	simm.s32 $_scs_section_size  }
0x9a: {  	s4 =	simm.s32 $_size__tile_overlayer_lowered;
	s5 =	simm.s32 $_tile_overlayer_lowered  }
0x9b: {  	s6 =	simm.s32 $0x1BFF;
	s21 =	sshll.u32 s5, $0x1;
	s3 =	sadd.s32 s20, s19  }
0x9c: {  	s22 =	simm.s32 $0x0;
	s4 =	sshll.u32 s4, $0x1;
	s5 =	sadd.s32 s21, s3  }
0x9d: {  	[timem:s22], [sflag:s6] =	dma.local [hbm:s5], s4  }
0x9e: {  	_ =	swait.ge [sflag:s6], s4  }
0x9f: {  	s4 =	ssub.s32 $0x0, s4;
	[sflag:s6] =	ssyncset.done $0x0  }
0xa0: {  	[sflag:s6] =	ssyncadd.s32 s4;
	_ =	sdelay $0x1  }
0xa1: {  	s23 =	simm.s32 $0x1B8B  }
0xa2: {  	_ =	swait.ge [sflag:s23], $0x1  }
0xa3: {  	[sflag:s23] =	ssyncset.done $0x0  }
0xa4: {  	[sflag:s23] =	ssyncadd.s32 $0xFFFFFFFF  }
0xa5: {  	s4 =	sld [smem:$0x0]  }
0xa6: {  	s5 =	sand.u32 $0xFFFFFFFE, s1  }
0xa7: {  	p0 =	sne.s32 s1, s5  }
0xa8: {  	s5 =	sshll.u32 @p0 s5, $0xE  }
0xa9: {  	s5 =	sadd.s32 @p0 $0x11B8D, s5;
	s6 =	sshll.u32 @p0 s4, $0x11  }
0xaa: {  	s5 =	sor.u32 @p0 s6, s5  }
0xab: {  	[sflag:s5] =	ssyncadd.remote.s32 @p0 $0x1;
	_ =	sdelay $0x1  }
0xac: {  	s5 =	simm.s32 @p0 $0x1B8D  }
0xad: {  	_ =	swait.eq @p0 [sflag:s5], $0x1  }
0xae: {  	[sflag:s5] =	ssyncadd.s32 @p0 $0xFFFFFFFF  }
0xaf: {  	s6 =	sshll.u32 @!p0 s1, $0xE  }
0xb0: {  	s6 =	sor.u32 @!p0 $0x4000, s6;
	s5 =	simm.s32 @!p0 $0x1B8D  }
0xb1: {  	s4 =	sshll.u32 @!p0 s4, $0x11;
	s6 =	sadd.s32 @!p0 $0x11B8D, s6;
	_ =	swait.eq @!p0 [sflag:s5], $0x1  }
0xb2: {  	s4 =	sor.u32 @!p0 s4, s6;
	[sflag:s5] =	ssyncadd.s32 @!p0 $0xFFFFFFFF  }
0xb3: {  	s25 =	simm.s32 $0x1B8E;
	s24 =	sld [smem:$0x3FFE];
	[sflag:s4] =	ssyncadd.remote.s32 @!p0 $0x1  }
0xb4: {  	s26 =	simm.s32 $execute0_lowered;
	[smem:$0x3FD2] =	sst s25  }
0xb5: {  	s5 =	sshll.u32 s26, $0x1;
	_ =	strace $0x8000004F;
	[dreg:$0x1] =	wrdreg $0xFFFFFFFF  }
0xb6: {  	s28 =	simm.s32 $_size_execute0_lowered;
	s3 =	sadd.s32 s3, s5;
	[dreg:$0x0] =	wrdreg $0x0  }
0xb7: {  	s5 =	sshll.u32 s28, $0x1;
	[dreg:$0x2] =	wrdreg s3  }
0xb8: {  	[dreg:$0x3] =	wrdreg s5  }
0xb9: {  	[dreg:$0x4] =	wrdreg $0xC0  }
0xba: {  	_ =	task [dreg:s22], $0x5FFFF  }
0xbb: {  	[dreg:$0x1] =	wrdreg $0xFFFFFFFF  }
0xbc: {  	[dreg:$0x0] =	wrdreg $0x60  }
0xbd: {  	[dreg:$0x2] =	wrdreg s24  }
0xbe: {  	[dreg:$0x3] =	wrdreg $0xAD800  }
0xbf: {  	[dreg:$0x4] =	wrdreg $0xB  }
0xc0: {  	_ =	task.clear_ibuf [dreg:s22], $0x5FFFF;
	_ =	strace $0x9000004F  }
0xc1: {  	s29 =	simm.s32 $0xB;
	_ =	strace $0x80000051  }
0xc2: {  	_ =	swait.ge [sflag:s29], $0x1  }
0xc3: {  	[sflag:s29] =	ssyncadd.s32 $0xFFFFFFFF  }
0xc4: {  	_ =	strace $0x90000051  }
0xc5: {  	_ =	sfence  }
0xc6: {  	s30 =	sld [smem:$0x0];
	_ =	sdelay $0x2  }
0xc7: {  	s31 =	sshll.u32 s1, $0xD;
	s1 =	sshrl.u32 s1, $0x2  }
0xc8: {  	s4 =	sand.u32 $0x4000, s31;
	s1 =	sadd.s32 s1, s30  }
0xc9: {  	s0 =	sor.u32 s4, s0;
	s1 =	sshll.u32 s1, $0x11  }
0xca: {  	s0 =	sor.u32 s1, s0  }
0xcb: {  	s0 =	sadd.s32 $0x8F2B, s0  }
0xcc: {  	[sflag:s0] =	ssyncadd.remote.s32 $0x1  }
0xcd: {  	_ =	sfence.sel $0xFFFF  }
0xce: {  	[dreg:$0x0] =	wrdreg $0xFFFFFFFF;
	(pc) =	sbr.abs _section_cstart, $3  }
0xcf: {  	[dreg:$0x1] =	wrdreg $0xFFFFFFFF  }
0xd0: {  	_ =	task.clear_ibuf [dreg:s22], $0x2FFFF;
	_ =	strace $0x9FFFFFFF  }
0xd1: {  	(tm) =	ssettm $0x7FFFFFFF  }
tec
execute0_lowered:
.L_overlay_start_1:
0x0: {  	(tag) =	ssettag $0x1  }
0x1: {  	s0 =	rddreg [dreg:$0x0]  }
0x2: {  	s2 =	rddreg [dreg:$0x1]  }
0x3: {  	s1 =	srdreg.scid;
	s8 =	stileid.u32  }
0x4: {  	s3 =	simm.s32 $0x0;
	s15 =	simm.s32 $0x2;
	s17 =	simm.s32 $0xA880  }
0x5: {  	s18 =	simm.s32 $0xAB00;
	s19 =	simm.s32 $0x9080;
	s20 =	simm.s32 $0xA080  }
0x6: {  	s21 =	simm.s32 $0x80;
	s22 =	simm.s32 $0x5000;
	s23 =	simm.s32 $0x5080  }
0x7: {  	s24 =	simm.s32 $0x1;
	s25 =	simm.s32 $0x9880;
	s26 =	simm.s32 $0x0  }
0x8: {  	s31 =	simm.s32 $0x0;
	s4 =	sand.u32 $0x1, s1;
	s5 =	smul.u32 $0x280, s8  }
0x9: {  	[smem:$0x7FF] =	sst s3;
	s8 =	smul.u32 $0x500, s8;
	s13 =	sor.u32 $0xFFFFFFFE, s1  }
0xa: {  	s6 =	smul.u32 $0x28000, s4;
	_ =	strace $0x80000050;
	s10 =	ssub.s32 $0x2, s4  }
0xb: {  	s12 =	smul.u32 $0x2800, s4;
	s7 =	sshrl.u32 s5, $0x3;
	s8 =	sadd.s32 s8, s0  }
0xc: {  	s28 =	sshrl.u32 s10, $0x1;
	s9 =	sadd.s32 s6, s0;
	s29 =	sadd.s32 $0xA7000, s8  }
0xd: {  	s7 =	sadd.s32 s7, s0;
	s8 =	sadd.s32 $0xD8000, s8;
	[dreg:$0x3] =	wrdreg s29  }
0xe: {  	s6 =	sadd.s32 $0x76D000, s0;
	[dreg:$0x4] =	wrdreg s8;
	s30 =	sadd.s32 $0xA6400, s7  }
0xf: {  	s0 =	ssub.s32 s10, s28;
	s7 =	sadd.s32 $0xA6A00, s7;
	[dreg:$0x5] =	wrdreg s30  }
0x10: {  	v0 =	vimm.f32 $0.0e+00;
	s11 =	sadd.s32 $0xDD000, s9;
	s14 =	smax.u32 s0, $0x1;
	[dreg:$0x6] =	wrdreg s7  }
.LBB2_1:
0x11: {  	s0 =	rddreg [dreg:$0x3]  }
0x12: {  	[tilespmem:s3], [sflag:$0x2] =	stream.linear.gather [hbm4b:s0+s3], $0x2780, $0x38;
	[tilespmem:$0x1ED80] =	vst v63  }
0x13: {  	_ =	swait.ge [sflag:s15], $0x2780  }
0x14: {  	[sflag:s15] =	ssyncset.done $0x0  }
0x15: {  	s1 =	simm.s32 $0x2800;
	s28 =	rddreg [dreg:$0x4];
	[sflag:s15] =	ssyncadd.s32 $0xFFFFD880  }
0x16: {  	[tilespmem:s1], [sflag:$0x2] =	stream.linear.gather [hbm4b:s28+s3], $0x2780, $0x38;
	[tilespmem:$0x1ED80] =	vst v63  }
0x17: {  	_ =	swait.ge [sflag:s15], $0x2780  }
0x18: {  	[sflag:s15] =	ssyncset.done $0x0  }
0x19: {  	s29 =	rddreg [dreg:$0x5];
	[sflag:s15] =	ssyncadd.s32 $0xFFFFD880  }
0x1a: {  	[tilespmem:s17], [sflag:$0x2] =	stream.linear.gather [hbm4b:s29+s3], $0x280, $0x38;
	[tilespmem:$0x1ED80] =	vst v63  }
0x1b: {  	_ =	swait.ge [sflag:s15], $0x280  }
0x1c: {  	[sflag:s15] =	ssyncset.done $0x0  }
0x1d: {  	s30 =	rddreg [dreg:$0x6];
	[sflag:s15] =	ssyncadd.s32 $0xFFFFFD80  }
0x1e: {  	[tilespmem:s18], [sflag:$0x2] =	stream.linear.gather [hbm4b:s30+s3], $0x280, $0x38;
	[tilespmem:$0x1ED80] =	vst v63  }
0x1f: {  	_ =	swait.ge [sflag:s15], $0x280  }
0x20: {  	[sflag:s15] =	ssyncset.done $0x0  }
0x21: {  	s0 =	simm.s32 $0x0;
	s1 =	simm.s32 $0x200;
	[sflag:s15] =	ssyncadd.s32 $0xFFFFFD80  }
.LBB2_2:
0x22: {  	p0 =	seq.s32 s1, $0x1E00;
	[tilespmem:s0+$0xA0F0] =	vst v0  }
0x23: {  	[tilespmem:s0+$0xA080] =	vst v0  }
0x24: {  	[tilespmem:s0+$0xA090] =	vst v0  }
.Ltmp0:
0x25: {  	[tilespmem:s0+$0xA0A0] =	vst v0;
	(pc) =	sbr.rel @!p0 .LBB2_2-.Ltmp0, $4  }
0x26: {  	[tilespmem:s0+$0xA0B0] =	vst v0  }
0x27: {  	[tilespmem:s0+$0xA0C0] =	vst v0  }
0x28: {  	[tilespmem:s0+$0xA0D0] =	vst v0  }
0x29: {  	[tilespmem:s0+$0xA0E0] =	vst v0;
	s0 =	sshra.s32 s1, $0x2;
	s1 =	sadd.s32 $0x200, s1  }
0x2a: {  	[tilespmem:s0+$0xA0F0] =	vst v0  }
0x2b: {  	[tilespmem:s0+$0xA080] =	vst v0  }
0x2c: {  	[tilespmem:s0+$0xA090] =	vst v0  }
0x2d: {  	[tilespmem:s0+$0xA0A0] =	vst v0  }
0x2e: {  	[tilespmem:s0+$0xA0B0] =	vst v0  }
0x2f: {  	[tilespmem:s0+$0xA0C0] =	vst v0  }
0x30: {  	[tilespmem:s0+$0xA0D0] =	vst v0  }
0x31: {  	[tilespmem:s0+$0xA0E0] =	vst v0;
	s0 =	simm.s32 $0x0;
	s1 =	simm.s32 $0x0;
	s7 =	simm.s32 $0x0  }
.LBB2_4:
0x32: {  	s8 =	sshll.u32 s7, $0x4  }
0x33: {  	s16 =	sadd.s32 s5, s8  }
0x34: {  	s8 =	sshll.u32 s16, $0x4  }
0x35: {  	s8 =	sadd.s32 s8, s11  }
0x36: {  	[tilespmem:s19], [sflag:$0x2] =	stream.linear.gather [hbm4b:s8+s0], $0x800, $0x38;
	[tilespmem:$0x1ED80] =	vst v63  }
0x37: {  	s30 =	sadd.s32 $0x0, s1;
	_ =	swait.ge [sflag:s15], $0x800  }
0x38: {  	v1 =	vmov s30;
	[sflag:s15] =	ssyncset.done $0x0  }
0x39: {  	s28 =	simm.s32 $0x90C0;
	[sflag:s15] =	ssyncadd.s32 $0xFFFFF800  }
0x3a: {  	v5 =	vld [tilespmem:s28+$0x30]  }
0x3b: {  	v8 =	vld [tilespmem:s28+$0x10]  }
0x3c: {  	v6 =	vld [tilespmem:s28+$0xFFFFFFC0]  }
0x3d: {  	v2 =	vld.idx.msk [tilespmem:v1+s18+$0x0], $0xffff  }
0x3e: {  	v10 =	vld [tilespmem:s28+$0xFFFFFFE0]  }
0x3f: {  	v1 =	vld [tilespmem:s28+$0xFFFFFFF0]  }
0x40: {  	v3 =	vld [tilespmem:s28+$0x20]  }
0x41: {  	v4 =	vld [tilespmem:s28+$0xFFFFFFD0]  }
0x42: {  	v9 =	vmul.f32 v5, v2;
	v5 =	vld [tilespmem:s28+$0x0]  }
0x43: {  	v7 =	vmul.f32 v6, v2  }
0x44: {  	s9 =	simm.s32 $0x90C0;
	s8 =	simm.s32 $0x1;
	v6 =	vmul.f32 v10, v2;
	v8 =	vmul.f32 v8, v2  }
.LBB2_5:
0x45: {  	p0 =	sne.s32 s8, $0xF  }
0x46: {  	v4 =	vmul.f32 v4, v2;
	v3 =	vmul.f32 v3, v2;
	[tilespmem:s28+$0x30] =	vst v9;
	s9 =	sadd.s32 $0x80, s9;
	s29 =	smov.u32 s8;
	s8 =	sadd.s32 $0x1, s8  }
0x47: {  	[tilespmem:s28+$0xFFFFFFC0] =	vst v7;
	v7 =	vmul.f32 v1, v2;
	v2 =	vmul.f32 v5, v2  }
0x48: {  	s29 =	sadd.s32 s29, s1;
	[tilespmem:s28+$0x10] =	vst v8  }
0x49: {  	v5 =	vmov s29;
	[tilespmem:s28+$0xFFFFFFE0] =	vst v6  }
0x4a: {  	v1 =	vld [tilespmem:s9+$0xFFFFFFF0];
	[tilespmem:s28+$0xFFFFFFF0] =	vst v7  }
0x4b: {  	v6 =	vld [tilespmem:s9+$0x30];
	[tilespmem:s28+$0x0] =	vst v2  }
0x4c: {  	v8 =	vld [tilespmem:s9+$0x10];
	[tilespmem:s28+$0x20] =	vst v3  }
0x4d: {  	v7 =	vld [tilespmem:s9+$0xFFFFFFC0];
	[tilespmem:s28+$0xFFFFFFD0] =	vst v4;
	s28 =	smov.u32 s9  }
0x4e: {  	v2 =	vld.idx.msk [tilespmem:v5+s18+$0x0], $0xffff  }
0x4f: {  	v10 =	vld [tilespmem:s9+$0xFFFFFFE0]  }
0x50: {  	v3 =	vld [tilespmem:s9+$0x20]  }
.Ltmp1:
0x51: {  	v4 =	vld [tilespmem:s9+$0xFFFFFFD0];
	(pc) =	sbr.rel @p0 .LBB2_5-.Ltmp1, $3  }
0x52: {  	v5 =	vld [tilespmem:s9+$0x0];
	_ =	sdelay $0x1  }
0x53: {  	v7 =	vmul.f32 v7, v2;
	v9 =	vmul.f32 v6, v2  }
0x54: {  	v8 =	vmul.f32 v8, v2;
	v6 =	vmul.f32 v10, v2  }
0x55: {  	[tilespmem:s28+$0x30] =	vst v9  }
0x56: {  	[tilespmem:s28+$0xFFFFFFC0] =	vst v7  }
0x57: {  	v1 =	vmul.f32 v1, v2;
	[tilespmem:s28+$0x10] =	vst v8  }
0x58: {  	v3 =	vmul.f32 v3, v2;
	[tilespmem:s28+$0xFFFFFFE0] =	vst v6  }
0x59: {  	v5 =	vmul.f32 v5, v2;
	[tilespmem:s28+$0xFFFFFFF0] =	vst v1  }
0x5a: {  	s8 =	sadd.s32 s12, s16;
	v1 =	vmul.f32 v4, v2;
	[tilespmem:s28+$0x20] =	vst v3  }
0x5b: {  	s8 =	sshll.u32 s8, $0x4;
	[tilespmem:s28+$0x0] =	vst v5  }
0x5c: {  	s8 =	sadd.s32 s6, s8;
	[tilespmem:s28+$0xFFFFFFD0] =	vst v1  }
0x5d: {  	[hbm4b:s8+s3] =	stream.linear.scatter [tilespmem:s19], [sflag:$0x2], $0x800, $0x38;
	[tilespmem:$0x1ED80] =	vst v63  }
0x5e: {  	s30 =	sshll.u32 s16, $0x7;
	s7 =	sadd.s32 $0x1, s7;
	_ =	swait.ge [sflag:s15], $0x800  }
0x5f: {  	p0 =	sne.s32 s7, $0x28;
	s8 =	sand.u32 $0x3FFFFF80, s30;
	[sflag:s15] =	ssyncset.done $0x0  }
.Ltmp2:
0x60: {  	s8 =	sadd.s32 s8, s2;
	[sflag:s15] =	ssyncadd.s32 $0xFFFFF800;
	(pc) =	sbr.rel @p0 .LBB2_4-.Ltmp2, $4  }
0x61: {  	[spmem:s8] =	stream.linear.scatter [tilespmem:s20], [sflag:$0x2], $0x800, $0x38;
	[tilespmem:$0x1ED80] =	vst v63  }
0x62: {  	_ =	swait.ge [sflag:s15], $0x800  }
0x63: {  	[sflag:s15] =	ssyncset.done $0x0  }
0x64: {  	s1 =	sadd.s32 $0x10, s1;
	[sflag:s15] =	ssyncadd.s32 $0xFFFFF800  }
0x65: {  	[bflag:$0x0] =	sbarrier.arrive $0xFFFF;
	s28 =	simm.s32 $0x1  }
.LBB2_8:
0x66: {  	s0 =	simm.s32 $0x0  }
0x67: {  	s30 =	sshll.u32 s28, $0x1;
	v2 =	vld [tilespmem:s0+$0x0]  }
0x68: {  	s1 =	sadd.s32 s13, s30  }
0x69: {  	s29 =	smul.u32 $0x2800, s1;
	_ =	sdelay $0x1  }
0x6a: {  	v1 =	vmov s29  }
0x6b: {  	v2 =	vadd.s32 v1, v2  }
0x6c: {  	[tilespmem:$0x5000] =	vst v2  }
0x6d: {  	v2 =	vld [tilespmem:s0+$0x10];
	_ =	sdelay $0x4  }
0x6e: {  	v2 =	vadd.s32 v1, v2  }
0x6f: {  	[tilespmem:$0x5010] =	vst v2  }
0x70: {  	v2 =	vld [tilespmem:s0+$0x20];
	_ =	sdelay $0x4  }
0x71: {  	v2 =	vadd.s32 v1, v2  }
0x72: {  	[tilespmem:$0x5020] =	vst v2  }
0x73: {  	v2 =	vld [tilespmem:s0+$0x30];
	_ =	sdelay $0x4  }
0x74: {  	v2 =	vadd.s32 v1, v2  }
0x75: {  	[tilespmem:$0x5030] =	vst v2  }
0x76: {  	v2 =	vld [tilespmem:s0+$0x40];
	_ =	sdelay $0x4  }
0x77: {  	v2 =	vadd.s32 v1, v2  }
0x78: {  	[tilespmem:$0x5040] =	vst v2  }
0x79: {  	v2 =	vld [tilespmem:s0+$0x50];
	_ =	sdelay $0x4  }
0x7a: {  	v2 =	vadd.s32 v1, v2  }
0x7b: {  	[tilespmem:$0x5050] =	vst v2  }
0x7c: {  	v2 =	vld [tilespmem:s0+$0x60];
	_ =	sdelay $0x4  }
0x7d: {  	v2 =	vadd.s32 v1, v2  }
0x7e: {  	[tilespmem:$0x5060] =	vst v2  }
0x7f: {  	v2 =	vld [tilespmem:s0+$0x70];
	_ =	sdelay $0x4  }
0x80: {  	v2 =	vadd.s32 v1, v2  }
0x81: {  	[tilespmem:$0x5070] =	vst v2  }
0x82: {  	[tilespmem:s23], [sflag:$0x1] =	stream.indirect.gather [hbm4b:s6+s21], $0x80, s22, s21, $0xb8;
	[tilespmem:$0x1ED80] =	vst v63  }
0x83: {  	_ =	swait.ge [sflag:s24], $0x4000  }
0x84: {  	[sflag:s24] =	ssyncset.done $0x0  }
0x85: {  	s16 =	simm.s32 $0x2800;
	[sflag:s24] =	ssyncadd.s32 $0xFFFFC000  }
0x86: {  	[spmem:s2] =	stream.indirect.scatter.add.f32 [tilespmem:s23], [sflag:$0x2], $0x80, s16, s21, $0xb8;
	[tilespmem:$0x1ED80] =	vst v63  }
0x87: {  	_ =	swait.ge [sflag:s15], $0x4000  }
0x88: {  	s8 =	simm.s32 $0x400;
	s0 =	simm.s32 $0x200;
	[sflag:s15] =	ssyncset.done $0x0  }
.LBB2_9:
0x89: {  	s7 =	sshra.s32 s0, $0x2  }
0x8a: {  	[sflag:s15] =	ssyncadd.s32 $0xFFFFC000;
	s0 =	smov.u32 s8;
	s1 =	sadd.s32 $0x200, s8  }
0x8b: {  	p0 =	sne.s32 s8, $0x9C00;
	v2 =	vld [tilespmem:s7+$0x0];
	_ =	sdelay $0x4  }
0x8c: {  	v2 =	vadd.s32 v1, v2  }
0x8d: {  	[tilespmem:$0x5000] =	vst v2  }
0x8e: {  	v2 =	vld [tilespmem:s7+$0x10];
	_ =	sdelay $0x4  }
0x8f: {  	v2 =	vadd.s32 v1, v2  }
0x90: {  	[tilespmem:$0x5010] =	vst v2  }
0x91: {  	v2 =	vld [tilespmem:s7+$0x20];
	_ =	sdelay $0x4  }
0x92: {  	v2 =	vadd.s32 v1, v2  }
0x93: {  	[tilespmem:$0x5020] =	vst v2  }
0x94: {  	v2 =	vld [tilespmem:s7+$0x30];
	_ =	sdelay $0x4  }
0x95: {  	v2 =	vadd.s32 v1, v2  }
0x96: {  	[tilespmem:$0x5030] =	vst v2  }
0x97: {  	v2 =	vld [tilespmem:s7+$0x40];
	_ =	sdelay $0x4  }
0x98: {  	v2 =	vadd.s32 v1, v2  }
0x99: {  	[tilespmem:$0x5040] =	vst v2  }
0x9a: {  	v2 =	vld [tilespmem:s7+$0x50];
	_ =	sdelay $0x4  }
0x9b: {  	v2 =	vadd.s32 v1, v2  }
0x9c: {  	[tilespmem:$0x5050] =	vst v2  }
0x9d: {  	v2 =	vld [tilespmem:s7+$0x60];
	_ =	sdelay $0x4  }
0x9e: {  	v2 =	vadd.s32 v1, v2  }
0x9f: {  	[tilespmem:$0x5060] =	vst v2  }
0xa0: {  	v2 =	vld [tilespmem:s7+$0x70];
	_ =	sdelay $0x4  }
0xa1: {  	v2 =	vadd.s32 v1, v2  }
0xa2: {  	[tilespmem:$0x5070] =	vst v2  }
0xa3: {  	[tilespmem:s23], [sflag:$0x1] =	stream.indirect.gather [hbm4b:s6+s21], $0x80, s22, s21, $0xb8;
	[tilespmem:$0x1ED80] =	vst v63  }
0xa4: {  	_ =	swait.ge [sflag:s24], $0x4000  }
.Ltmp3:
0xa5: {  	[sflag:s24] =	ssyncset.done $0x0;
	(pc) =	sbr.rel @p0 .LBB2_9-.Ltmp3, $4  }
0xa6: {  	s7 =	sadd.s32 $0x2800, s7;
	[sflag:s24] =	ssyncadd.s32 $0xFFFFC000  }
0xa7: {  	[spmem:s2] =	stream.indirect.scatter.add.f32 [tilespmem:s23], [sflag:$0x2], $0x80, s7, s21, $0xb8;
	[tilespmem:$0x1ED80] =	vst v63  }
0xa8: {  	_ =	swait.ge [sflag:s15], $0x4000  }
0xa9: {  	s8 =	smov.u32 s1;
	[sflag:s15] =	ssyncset.done $0x0  }
0xaa: {  	s0 =	sshra.s32 s0, $0x2;
	[sflag:s15] =	ssyncadd.s32 $0xFFFFC000  }
0xab: {  	v2 =	vld [tilespmem:s0+$0x0];
	_ =	sdelay $0x4  }
0xac: {  	v2 =	vadd.s32 v1, v2  }
0xad: {  	[tilespmem:$0x5000] =	vst v2  }
0xae: {  	v2 =	vld [tilespmem:s0+$0x10];
	_ =	sdelay $0x4  }
0xaf: {  	v2 =	vadd.s32 v1, v2  }
0xb0: {  	[tilespmem:$0x5010] =	vst v2  }
0xb1: {  	v2 =	vld [tilespmem:s0+$0x20];
	_ =	sdelay $0x4  }
0xb2: {  	v2 =	vadd.s32 v1, v2  }
0xb3: {  	[tilespmem:$0x5020] =	vst v2  }
0xb4: {  	v2 =	vld [tilespmem:s0+$0x30];
	_ =	sdelay $0x4  }
0xb5: {  	v2 =	vadd.s32 v1, v2  }
0xb6: {  	[tilespmem:$0x5030] =	vst v2  }
0xb7: {  	v2 =	vld [tilespmem:s0+$0x40];
	_ =	sdelay $0x4  }
0xb8: {  	v2 =	vadd.s32 v1, v2  }
0xb9: {  	[tilespmem:$0x5040] =	vst v2  }
0xba: {  	v2 =	vld [tilespmem:s0+$0x50];
	_ =	sdelay $0x4  }
0xbb: {  	v2 =	vadd.s32 v1, v2  }
0xbc: {  	[tilespmem:$0x5050] =	vst v2  }
0xbd: {  	v2 =	vld [tilespmem:s0+$0x60];
	_ =	sdelay $0x4  }
0xbe: {  	v2 =	vadd.s32 v1, v2  }
0xbf: {  	[tilespmem:$0x5060] =	vst v2  }
0xc0: {  	v2 =	vld [tilespmem:s0+$0x70];
	_ =	sdelay $0x4  }
0xc1: {  	v1 =	vadd.s32 v1, v2  }
0xc2: {  	[tilespmem:$0x5070] =	vst v1  }
0xc3: {  	[tilespmem:s23], [sflag:$0x1] =	stream.indirect.gather [hbm4b:s6+s21], $0x80, s22, s21, $0xb8;
	[tilespmem:$0x1ED80] =	vst v63  }
0xc4: {  	_ =	swait.ge [sflag:s24], $0x4000  }
0xc5: {  	[sflag:s24] =	ssyncset.done $0x0  }
0xc6: {  	s0 =	sadd.s32 $0x2800, s0;
	[sflag:s24] =	ssyncadd.s32 $0xFFFFC000  }
0xc7: {  	[spmem:s2] =	stream.indirect.scatter.add.f32 [tilespmem:s23], [sflag:$0x2], $0x80, s0, s21, $0xb8;
	[tilespmem:$0x1ED80] =	vst v63  }
0xc8: {  	_ =	swait.ge [sflag:s15], $0x4000  }
0xc9: {  	[sflag:s15] =	ssyncset.done $0x0  }
0xca: {  	s16 =	sor.u32 s4, s30;
	s1 =	simm.s32 $0x0;
	[sflag:s15] =	ssyncadd.s32 $0xFFFFC000  }
0xcb: {  	s30 =	smul.u32 $0x2800, s16;
	s0 =	simm.s32 $0x0;
	[bflag:$0x0] =	sbarrier.arrive $0xFFFF  }
.LBB2_11:
0xcc: {  	s7 =	sshll.u32 s1, $0x4  }
0xcd: {  	s16 =	sadd.s32 s5, s7  }
0xce: {  	s7 =	sadd.s32 s29, s16  }
0xcf: {  	s7 =	sshll.u32 s7, $0x4  }
0xd0: {  	s7 =	sadd.s32 s6, s7  }
0xd1: {  	[tilespmem:s19], [sflag:$0x2] =	stream.linear.gather [hbm4b:s7+s31], $0x800, $0x38;
	[tilespmem:$0x1ED80] =	vst v63  }
0xd2: {  	s10 =	sshll.u32 s16, $0x7;
	_ =	swait.ge [sflag:s15], $0x800  }
0xd3: {  	s7 =	sand.u32 $0x3FFFFF80, s10;
	[sflag:s15] =	ssyncset.done $0x0  }
0xd4: {  	s7 =	sadd.s32 s7, s2;
	[sflag:s15] =	ssyncadd.s32 $0xFFFFF800  }
0xd5: {  	[tilespmem:s25], [sflag:$0x2] =	stream.linear.gather [spmem:s7], $0x800, $0x38;
	[tilespmem:$0x1ED80] =	vst v63  }
0xd6: {  	_ =	swait.ge [sflag:s15], $0x800  }
0xd7: {  	[sflag:s15] =	ssyncset.done $0x0  }
0xd8: {  	[sflag:s15] =	ssyncadd.s32 $0xFFFFF800  }
0xd9: {  	[spmem:s7] =	stream.linear.scatter [tilespmem:s20], [sflag:$0x2], $0x800, $0x38;
	[tilespmem:$0x1ED80] =	vst v63  }
0xda: {  	_ =	swait.ge [sflag:s15], $0x800  }
0xdb: {  	[sflag:s15] =	ssyncset.done $0x0  }
0xdc: {  	s7 =	simm.s32 $0x0;
	[sflag:s15] =	ssyncadd.s32 $0xFFFFF800  }
0xdd: {  	v2 =	vld [tilespmem:s7+$0x98C0]  }
0xde: {  	v1 =	vld [tilespmem:s7+$0x98F0]  }
0xdf: {  	v4 =	vld [tilespmem:s7+$0x9080]  }
0xe0: {  	v5 =	vld [tilespmem:s7+$0x90E0]  }
0xe1: {  	v6 =	vmov s0;
	v10 =	vld [tilespmem:s7+$0x98E0]  }
0xe2: {  	v3 =	vld [tilespmem:s7+$0x9890]  }
0xe3: {  	v9 =	vld [tilespmem:s7+$0x90A0]  }
0xe4: {  	v7 =	vld [tilespmem:s7+$0x98D0]  }
0xe5: {  	v13 =	vld [tilespmem:s7+$0x9880]  }
0xe6: {  	v8 =	vld.idx.msk [tilespmem:v6+s17+$0x0], $0xffff  }
0xe7: {  	v6 =	vld [tilespmem:s7+$0x90F0]  }
0xe8: {  	v14 =	vld [tilespmem:s7+$0x98A0]  }
0xe9: {  	v12 =	vld [tilespmem:s7+$0x98B0]  }
0xea: {  	s8 =	simm.s32 $0x200;
	s9 =	sadd.s32 $0x1, s0;
	v11 =	vld [tilespmem:s7+$0x90C0]  }
.LBB2_12:
0xeb: {  	v15 =	vmov s9;
	p0 =	sne.s32 s8, $0x1E00;
	v16 =	vld [tilespmem:s7+$0x90B0];
	s10 =	smov.u32 s8;
	s8 =	sadd.s32 $0x200, s8  }
0xec: {  	v13 =	vmul.f32 v13, v8;
	v10 =	vmul.f32 v10, v8;
	v17 =	vld [tilespmem:s7+$0x9090]  }
0xed: {  	v18 =	vmul.f32 v2, v8;
	v14 =	vmul.f32 v14, v8;
	v19 =	vld [tilespmem:s7+$0x90D0]  }
0xee: {  	s10 =	sshra.s32 s10, $0x2;
	v4 =	vsub.f32 v4, v13;
	v5 =	vsub.f32 v5, v10;
	v12 =	vmul.f32 v12, v8  }
0xef: {  	v3 =	vmul.f32 v3, v8;
	v2 =	vld [tilespmem:s10+$0x98C0];
	v9 =	vsub.f32 v9, v14;
	v11 =	vsub.f32 v11, v18  }
0xf0: {  	v7 =	vmul.f32 v7, v8;
	v8 =	vmul.f32 v1, v8;
	[tilespmem:s7+$0x9080] =	vst v4;
	v12 =	vsub.f32 v16, v12;
	v1 =	vld [tilespmem:s10+$0x98F0]  }
0xf1: {  	v4 =	vld [tilespmem:s10+$0x9080];
	v14 =	vsub.f32 v17, v3;
	[tilespmem:s7+$0x90E0] =	vst v5  }
0xf2: {  	v6 =	vsub.f32 v6, v8;
	v5 =	vld [tilespmem:s10+$0x90E0];
	[tilespmem:s7+$0x90A0] =	vst v9;
	v13 =	vsub.f32 v19, v7  }
0xf3: {  	v10 =	vld [tilespmem:s10+$0x98E0];
	[tilespmem:s7+$0x90B0] =	vst v12  }
0xf4: {  	v3 =	vld [tilespmem:s10+$0x9890];
	[tilespmem:s7+$0x90F0] =	vst v6  }
0xf5: {  	v9 =	vld [tilespmem:s10+$0x90A0];
	[tilespmem:s7+$0x90C0] =	vst v11  }
0xf6: {  	v7 =	vld [tilespmem:s10+$0x98D0];
	[tilespmem:s7+$0x90D0] =	vst v13  }
0xf7: {  	v13 =	vld [tilespmem:s10+$0x9880];
	[tilespmem:s7+$0x9090] =	vst v14;
	s7 =	smov.u32 s10  }
.Ltmp4:
0xf8: {  	v8 =	vld.idx.msk [tilespmem:v15+s17+$0x0], $0xffff;
	(pc) =	sbr.rel @p0 .LBB2_12-.Ltmp4, $4  }
0xf9: {  	v6 =	vld [tilespmem:s7+$0x90F0]  }
0xfa: {  	v14 =	vld [tilespmem:s7+$0x98A0]  }
0xfb: {  	v12 =	vld [tilespmem:s7+$0x98B0]  }
0xfc: {  	s9 =	sadd.s32 $0x1, s9;
	v11 =	vld [tilespmem:s7+$0x90C0]  }
0xfd: {  	v13 =	vmul.f32 v13, v8  }
0xfe: {  	v10 =	vmul.f32 v10, v8  }
0xff: {  	v15 =	vld [tilespmem:s7+$0x90B0];
	v1 =	vmul.f32 v1, v8;
	v4 =	vsub.f32 v4, v13  }
0x100: {  	v60 =	vld [tilespmem:s7+$0x90D0];
	v14 =	vmul.f32 v14, v8;
	v5 =	vsub.f32 v5, v10  }
0x101: {  	v16 =	vld [tilespmem:s7+$0x9090];
	v2 =	vmul.f32 v2, v8;
	v1 =	vsub.f32 v6, v1;
	[tilespmem:s7+$0x9080] =	vst v4  }
0x102: {  	v12 =	vmul.f32 v12, v8;
	v9 =	vsub.f32 v9, v14;
	[tilespmem:s7+$0x90E0] =	vst v5  }
0x103: {  	v62 =	vmul.f32 v7, v8;
	v2 =	vsub.f32 v11, v2;
	[tilespmem:s7+$0x90F0] =	vst v1  }
0x104: {  	v3 =	vmul.f32 v3, v8;
	v61 =	vsub.f32 v15, v12;
	[tilespmem:s7+$0x90A0] =	vst v9  }
0x105: {  	v63 =	vsub.f32 v60, v62;
	[tilespmem:s7+$0x90C0] =	vst v2  }
0x106: {  	s8 =	sadd.s32 s30, s16;
	s1 =	sadd.s32 $0x1, s1;
	v1 =	vsub.f32 v16, v3;
	[tilespmem:s7+$0x90B0] =	vst v61  }
0x107: {  	s8 =	sshll.u32 s8, $0x4;
	p0 =	sne.s32 s1, $0x28;
	[tilespmem:s7+$0x90D0] =	vst v63  }
.Ltmp5:
0x108: {  	s16 =	sadd.s32 s6, s8;
	[tilespmem:s7+$0x9090] =	vst v1;
	(pc) =	sbr.rel @p0 .LBB2_11-.Ltmp5, $4  }
0x109: {  	[hbm4b:s16+s3] =	stream.linear.scatter [tilespmem:s19], [sflag:$0x2], $0x800, $0x38;
	[tilespmem:$0x1ED80] =	vst v63  }
0x10a: {  	_ =	swait.ge [sflag:s15], $0x800  }
0x10b: {  	[sflag:s15] =	ssyncset.done $0x0  }
0x10c: {  	s0 =	sadd.s32 $0x10, s0;
	[sflag:s15] =	ssyncadd.s32 $0xFFFFF800  }
0x10d: {  	s28 =	sadd.s32 $0x1, s28  }
0x10e: {  	p0 =	sne.s32 s28, $0x7  }
.Ltmp6:
0x10f: {  	_ = 	snop;
	(pc) =	sbr.rel @p0 .LBB2_8-.Ltmp6, $2  }
0x110: {  	_ =	sdelay $0x1  }
0x111: {  	[bflag:$0x0] =	sbarrier.arrive $0xFFFF;
	_ =	sdelay $0x1  }
0x112: {  	s26 =	sadd.s32 $0x1, s26  }
0x113: {  	p0 =	sne.s32 s26, s14  }
.Ltmp7:
0x114: {  	_ = 	snop;
	(pc) =	sbr.rel @p0 .LBB2_1-.Ltmp7, $1  }
0x115: {  	_ =	sdelay $0x3  }
0x116: {  	_ =	sfence.sel $0x180000  }
0x117: {  	[bflag:$0x0] =	sbarrier.arrive $0xFFFF  }
0x118: {  	_ =	strace $0x90000050  }
0x119: {  	s0 =	stileid.u32;
	[bflag:$0x2] =	sbarrier.arrive $0xFFFF  }
0x11a: {  	p0 =	sne.s32 s0, $0x0;
	s0 =	rddreg [dreg:$0x2]  }
0x11b: {  	s0 =	sadd.s32 @!p0 $0x100000, s0  }
0x11c: {  	[sflag:s0] =	ssyncadd.tile.s32 @!p0 $0x1;
	_ =	shalt  }
.Lfunc_end2:
_tile_overlayer_lowered:
.L_overlay_start_2:
0x11d: {  	(tag) =	ssettag $0x2  }
0x11e: {  	s0 =	rddreg [dreg:$0x0];
	s2 =	stileid.u32  }
0x11f: {  	s1 =	rddreg [dreg:$0x1];
	p0 =	sne.s32 s2, $0x0  }
0x120: {  	s3 =	rddreg [dreg:$0x2];
	[bflag:$0x3] =	sbarrier.arrive $0xFFFF;
	s2 =	simm.s32 @!p0 $0x1C02  }
0x121: {  	[timem:s3], [sflag:s2] =	dma.local @!p0 [hbm:s0], s1  }
0x122: {  	s0 =	simm.s32 @!p0 $0x2  }
0x123: {  	_ =	swait.ge @!p0 [sflag:s0], s1  }
0x124: {  	s1 =	ssub.s32 @!p0 $0x0, s1;
	[sflag:s0] =	ssyncset.done @!p0 $0x0  }
0x125: {  	[sflag:s0] =	ssyncadd.s32 @!p0 s1  }
0x126: {  	[bflag:$0x3] =	sbarrier.arrive $0xFFFF  }
0x127: {  	_ =	shalt  }

// kernel: kernel.9.cloned.1.call-start
scs
__scs_entry_jumppad:
0x0: {  	(pc) =	sbr.rel $0x88, $3  }
0x1: {  	(tag) =	ssettag $0x0;
	lr =	simm.s32 $0x1  }
0x2: {  	[smem:$0x3F97] =	sst lr;
	_ =	strace $0xD0000000  }
0x3: {  	_ = 	snop  }
0x4: {  	_ = 	snop  }
0x5: {  	_ = 	snop  }
0x6: {  	_ = 	snop  }
0x7: {  	_ = 	snop  }
__scs_overlays_trampoline_lowered:
0x8: {  	[smem:$0x3FA6] =	sst s0  }
0x9: {  	[smem:$0x3FA7] =	sst s1  }
0xa: {  	[smem:$0x3FA8] =	sst s2  }
0xb: {  	[smem:$0x3FA9] =	sst s3  }
0xc: {  	[smem:$0x3FAA] =	sst s4  }
0xd: {  	[smem:$0x3FAB] =	sst s5  }
0xe: {  	[smem:$0x3FAC] =	sst s6  }
0xf: {  	[smem:$0x3FAD] =	sst s7  }
0x10: {  	[smem:$0x3FAE] =	sst s8  }
0x11: {  	[smem:$0x3FAF] =	sst s9;
	s0 =	simm.s32 @!p0 $0x0  }
0x12: {  	s1 =	sld [smem:$0x3F95];
	s0 =	simm.s32 @p0 $0x1  }
0x13: {  	[smem:$0x3FB0] =	sst s0;
	s0 =	simm.s32 @!p1 $0x0  }
0x14: {  	s2 =	sld [smem:$0x3F94];
	s0 =	simm.s32 @p1 $0x1  }
0x15: {  	[smem:$0x3FB1] =	sst s0;
	s0 =	simm.s32 @!p2 $0x0  }
0x16: {  	s3 =	sld [smem:$0x3FDB];
	s0 =	simm.s32 @p2 $0x1  }
0x17: {  	s4 =	simm.s32 $0x1BF5;
	[smem:$0x3FB3] =	sst s0  }
0x18: {  	s0 =	sld [smem:$0x3F96];
	_ =	swait.ge [sflag:s4], $0x0  }
0x19: {  	s7 =	sld [smem:$0x3F97]  }
0x1a: {  	s8 =	sadd.s32 $0xFFFFE003, lr  }
0x1b: {  	s9 =	sadd.s32 $0xFFFFFEF7, lr;
	s5 =	simm.s32 $0xFFFFFFFF;
	p2 =	slt.u32 s8, $0xFFFFF086  }
0x1c: {  	p1 =	slt.u32 s9, $0xF7A;
	s5 =	simm.s32 @!p2 $0x0  }
0x1d: {  	s5 =	simm.s32 @p1 $0x1;
	p0 =	seq.s32 s7, s2  }
0x1e: {  	s7 =	smul.u32 @!p0 $0xF7A, s2;
	p2 =	seq.s32 @!p0 s5, $0x0  }
0x1f: {  	s9 =	smul.u32 $0xF7A, s1;
	s8 =	simm.s32 @!p0 $0x1BF5;
	p2 =	por !p2, p0  }
0x20: {  	[sflag:s8] =	ssyncset.s32 @!p0 $0xFFFFF086;
	s6 =	sadd.s32 @!p0 s3, s7;
	s7 =	simm.s32 @!p0 $0x108  }
0x21: {  	s3 =	sadd.s32 s3, s9;
	s6 =	sadd.s32 @!p0 $0x88, s6;
	s7 =	simm.s32 @p2 $0x1082  }
0x22: {  	[simem:s7], [sflag:s8] =	dma.local @!p0 [hbm:s6], $0xF7A  }
0x23: {  	s9 =	sor.u32 $0xD0000000, s2;
	s6 =	simm.s32 $0x108;
	_ =	swait.ge @!p0 [sflag:s8], $0x0  }
0x24: {  	s3 =	sadd.s32 $0x88, s3;
	s6 =	simm.s32 @!p1 $0x1082;
	[sflag:s4] =	ssyncset.s32 $0xFFFFF086  }
0x25: {  	[simem:s6], [sflag:s4] =	dma.local [hbm:s3], $0xF7A  }
0x26: {  	[smem:$0x3F97] =	sst s1;
	(tag) =	ssettag s2;
	_ =	strace s9  }
0x27: {  	s1 =	sld [smem:$0x3FA7]  }
0x28: {  	s2 =	sld [smem:$0x3FA8]  }
0x29: {  	s4 =	sld [smem:$0x3FAA]  }
0x2a: {  	p0 =	seq.s32 s5, $0x0;
	s5 =	sld [smem:$0x3FAB]  }
0x2b: {  	s6 =	sld [smem:$0x3FAC]  }
0x2c: {  	s7 =	sld [smem:$0x3FAD]  }
0x2d: {  	s3 =	simm.s32 $0x108;
	s8 =	sld [smem:$0x3FAE]  }
0x2e: {  	s3 =	simm.s32 @!p0 $0x1082;
	s9 =	sld [smem:$0x3FAF]  }
0x2f: {  	lr =	sadd.s32 s0, s3;
	s0 =	sld [smem:$0x3FA6]  }
0x30: {  	s3 =	sld [smem:$0x3FA9]  }
0x31: {  	[smem:$0x3FB2] =	sst s10  }
0x32: {  	s10 =	sld [smem:$0x3FB0];
	_ =	sdelay $0x3  }
0x33: {  	p0 =	seq.s32 s10, $0x1;
	s10 =	sld [smem:$0x3FB2];
	_ =	sdelay $0x3  }
0x34: {  	[smem:$0x3FB2] =	sst s10  }
0x35: {  	s10 =	sld [smem:$0x3FB1];
	_ =	sdelay $0x3  }
0x36: {  	p1 =	seq.s32 s10, $0x1;
	s10 =	sld [smem:$0x3FB2];
	_ =	sdelay $0x3  }
0x37: {  	[smem:$0x3FB2] =	sst s10  }
0x38: {  	s10 =	sld [smem:$0x3FB3]  }
0x39: {  	_ = 	snop;
	(pc) =	sbr.ind lr, $3  }
0x3a: {  	_ = 	snop  }
0x3b: {  	_ = 	snop  }
0x3c: {  	p2 =	seq.s32 s10, $0x1;
	s10 =	sld [smem:$0x3FB2]  }
0x3d: {  	_ =	shalt  }
0x3e: {  	_ =	shalt  }
0x3f: {  	_ =	shalt  }
0x40: {  	_ =	shalt  }
0x41: {  	_ =	shalt  }
0x42: {  	_ =	shalt  }
0x43: {  	_ =	shalt  }
0x44: {  	_ =	shalt  }
0x45: {  	_ =	shalt  }
0x46: {  	_ =	shalt  }
0x47: {  	_ =	shalt  }
0x48: {  	_ =	shalt  }
0x49: {  	_ =	shalt  }
0x4a: {  	_ =	shalt  }
0x4b: {  	_ =	shalt  }
0x4c: {  	_ =	shalt  }
0x4d: {  	_ =	shalt  }
0x4e: {  	_ =	shalt  }
0x4f: {  	_ =	shalt  }
0x50: {  	_ =	shalt  }
0x51: {  	_ =	shalt  }
0x52: {  	_ =	shalt  }
0x53: {  	_ =	shalt  }
0x54: {  	_ =	shalt  }
0x55: {  	_ =	shalt  }
0x56: {  	_ =	shalt  }
0x57: {  	_ =	shalt  }
0x58: {  	_ =	shalt  }
0x59: {  	_ =	shalt  }
0x5a: {  	_ =	shalt  }
0x5b: {  	_ =	shalt  }
0x5c: {  	_ =	shalt  }
0x5d: {  	_ =	shalt  }
0x5e: {  	_ =	shalt  }
0x5f: {  	_ =	shalt  }
0x60: {  	_ =	shalt  }
0x61: {  	_ =	shalt  }
0x62: {  	_ =	shalt  }
0x63: {  	_ =	shalt  }
0x64: {  	_ =	shalt  }
0x65: {  	_ =	shalt  }
0x66: {  	_ =	shalt  }
0x67: {  	_ =	shalt  }
0x68: {  	_ =	shalt  }
0x69: {  	_ =	shalt  }
0x6a: {  	_ =	shalt  }
0x6b: {  	_ =	shalt  }
0x6c: {  	_ =	shalt  }
0x6d: {  	_ =	shalt  }
0x6e: {  	_ =	shalt  }
0x6f: {  	_ =	shalt  }
0x70: {  	_ =	shalt  }
0x71: {  	_ =	shalt  }
0x72: {  	_ =	shalt  }
0x73: {  	_ =	shalt  }
0x74: {  	_ =	shalt  }
0x75: {  	_ =	shalt  }
0x76: {  	_ =	shalt  }
0x77: {  	_ =	shalt  }
0x78: {  	_ =	shalt  }
0x79: {  	_ =	shalt  }
0x7a: {  	_ =	shalt  }
0x7b: {  	_ =	shalt  }
0x7c: {  	_ =	shalt  }
0x7d: {  	_ =	shalt  }
0x7e: {  	_ =	shalt  }
0x7f: {  	_ =	shalt  }
0x80: {  	_ =	shalt  }
0x81: {  	_ =	shalt  }
0x82: {  	_ =	shalt  }
0x83: {  	_ =	shalt  }
0x84: {  	_ =	shalt  }
0x85: {  	_ =	shalt  }
0x86: {  	_ =	shalt  }
0x87: {  	_ =	shalt  }
.Lfunc_end0:
.L_simem_size_0:
called_computation_lowered:
.L_overlay_start_0:
0x88: {  	s2 =	sld [smem:$0x3FD9]  }
0x89: {  	s3 =	sld [smem:$0x3FFE];
	_ =	sdelay $0x1  }
0x8a: {  	s1 =	srdreg.scid  }
0x8b: {  	s0 =	sand.u32 $0x1, s1  }
0x8c: {  	s14 =	sshll.u32 s0, $0xA;
	s2 =	sadd.s32 s3, s2  }
0x8d: {  	s2 =	sadd.s32 s2, s14  }
0x8e: {  	[smem:$0x3FBE] =	sst s2  }
0x8f: {  	_ = 	snop  }
0x90: {  	s2 =	sld [smem:$0x3FD0];
	_ =	sdelay $0x2  }
0x91: {  	s15 =	simm.s32 $0xC;
	s4 =	simm.s32 $0x10  }
0x92: {  	[smem:s4], [sflag:s15] =	dma.local [hbm:s2], $0x1  }
0x93: {  	_ =	swait.eq [sflag:s15], $0x1  }
0x94: {  	s16 =	sld [smem:$0x10];
	[sflag:s15] =	ssyncset.done $0x0  }
0x95: {  	s17 =	sld [smem:$0x11];
	[sflag:s15] =	ssyncadd.s32 $0xFFFFFFFF  }
0x96: {  	s18 =	sld [smem:$0x12];
	(tm) =	ssettm $0x1  }
0x97: {  	s5 =	sld [smem:$0x3FFB];
	_ =	sdelay $0x3  }
0x98: {  	_ =	strace s5  }
0x99: {  	s5 =	sld [smem:$0x3FFC];
	_ =	sdelay $0x3  }
0x9a: {  	_ =	strace s5  }
0x9b: {  	s5 =	sld [smem:$0x3FFD];
	_ =	sdelay $0x3  }
0x9c: {  	_ =	strace s5  }
0x9d: {  	_ =	strace $0x8FFFFFFF  }
0x9e: {  	s19 =	sld [smem:$0x3FDB];
	_ =	sdelay $0x1  }
0x9f: {  	s6 =	simm.s32 $_scs_section_size  }
0xa0: {  	s7 =	simm.s32 $_size__tile_overlayer_lowered;
	s8 =	simm.s32 $_tile_overlayer_lowered  }
0xa1: {  	s22 =	simm.s32 $0x1BFF;
	s21 =	sshll.u32 s8, $0x1;
	s5 =	sadd.s32 s6, s19  }
0xa2: {  	s9 =	simm.s32 $0x0;
	s20 =	sshll.u32 s7, $0x1;
	s7 =	sadd.s32 s21, s5  }
0xa3: {  	[timem:s9], [sflag:s22] =	dma.local [hbm:s7], s20  }
0xa4: {  	_ =	swait.ge [sflag:s22], s20  }
0xa5: {  	s6 =	ssub.s32 $0x0, s20;
	[sflag:s22] =	ssyncset.done $0x0  }
0xa6: {  	[sflag:s22] =	ssyncadd.s32 s6;
	_ =	sdelay $0x1  }
0xa7: {  	s23 =	simm.s32 $0x1B8B  }
0xa8: {  	_ =	swait.ge [sflag:s23], $0x1  }
0xa9: {  	[sflag:s23] =	ssyncset.done $0x0  }
0xaa: {  	s25 =	simm.s32 $0x1B8E;
	s24 =	sld [smem:$0x3FFE];
	[sflag:s23] =	ssyncadd.s32 $0xFFFFFFFF  }
0xab: {  	s26 =	simm.s32 $execute0_lowered;
	[smem:$0x3FD2] =	sst s25  }
0xac: {  	s7 =	sshll.u32 s26, $0x1;
	_ =	strace $0x80000046;
	[dreg:$0x1] =	wrdreg $0xFFFFFFFF  }
0xad: {  	s28 =	simm.s32 $_size_execute0_lowered;
	s5 =	sadd.s32 s5, s7;
	[dreg:$0x0] =	wrdreg $0x0  }
0xae: {  	s7 =	sshll.u32 s28, $0x1;
	[dreg:$0x2] =	wrdreg s5  }
0xaf: {  	[dreg:$0x3] =	wrdreg s7  }
0xb0: {  	[dreg:$0x4] =	wrdreg $0xC0  }
0xb1: {  	_ =	task [dreg:s9], $0x5FFFF  }
0xb2: {  	[dreg:$0x1] =	wrdreg $0xFFFFFFFF  }
0xb3: {  	[dreg:$0x0] =	wrdreg $0x60  }
0xb4: {  	[dreg:$0x2] =	wrdreg s16  }
0xb5: {  	[dreg:$0x3] =	wrdreg s24  }
0xb6: {  	[dreg:$0x4] =	wrdreg s18  }
0xb7: {  	[dreg:$0x5] =	wrdreg s17  }
0xb8: {  	[dreg:$0x6] =	wrdreg $0xB9000  }
0xb9: {  	[dreg:$0x7] =	wrdreg $0x9  }
0xba: {  	_ =	task.clear_ibuf [dreg:s9], $0x8FFFF;
	_ =	strace $0x90000046  }
0xbb: {  	s29 =	simm.s32 $0x9;
	_ =	strace $0x80000048  }
0xbc: {  	_ =	swait.ge [sflag:s29], $0x1  }
0xbd: {  	[sflag:s29] =	ssyncadd.s32 $0xFFFFFFFF  }
0xbe: {  	_ =	strace $0x90000048  }
0xbf: {  	_ =	sfence  }
0xc0: {  	s30 =	sld [smem:$0x0];
	_ =	sdelay $0x2  }
0xc1: {  	s31 =	sshll.u32 s1, $0xD;
	s1 =	sshrl.u32 s1, $0x2  }
0xc2: {  	s3 =	sand.u32 $0x4000, s31;
	s1 =	sadd.s32 s1, s30  }
0xc3: {  	s0 =	sor.u32 s3, s0;
	s1 =	sshll.u32 s1, $0x11  }
0xc4: {  	s0 =	sor.u32 s1, s0  }
0xc5: {  	s0 =	sadd.s32 $0x8F2B, s0  }
0xc6: {  	[sflag:s0] =	ssyncadd.remote.s32 $0x1  }
0xc7: {  	_ =	sfence.sel $0xFFFF  }
0xc8: {  	[dreg:$0x0] =	wrdreg $0xFFFFFFFF;
	(pc) =	sbr.abs _section_cstart, $3  }
0xc9: {  	[dreg:$0x1] =	wrdreg $0xFFFFFFFF  }
0xca: {  	_ =	task.clear_ibuf [dreg:s9], $0x2FFFF;
	_ =	strace $0x9FFFFFFF  }
0xcb: {  	(tm) =	ssettm $0x7FFFFFFF  }
tec
execute0_lowered:
.L_overlay_start_1:
0x0: {  	(tag) =	ssettag $0x1  }
0x1: {  	s0 =	rddreg [dreg:$0x1]  }
0x2: {  	s1 =	rddreg [dreg:$0x2]  }
0x3: {  	s2 =	rddreg [dreg:$0x3]  }
0x4: {  	s3 =	rddreg [dreg:$0x4];
	s4 =	simm.s32 $0x0  }
0x5: {  	s5 =	srdreg.scid;
	s13 =	stileid.u32;
	s17 =	simm.s32 $0x1  }
0x6: {  	s28 =	simm.s32 $0x80;
	s29 =	simm.s32 $0x7800;
	s30 =	simm.s32 $0x7880  }
0x7: {  	s31 =	simm.s32 $0x0;
	[smem:$0x7FF] =	sst s4;
	s11 =	smul.u32 $0x50000, s13  }
0x8: {  	s5 =	sand.u32 $0x1, s5;
	s6 =	sshll.u32 s13, $0x1;
	s12 =	smul.u32 $0x280, s13  }
0x9: {  	s8 =	sadd.s32 $0x78A00, s0;
	s19 =	smul.u32 $0x2800, s13;
	_ =	strace $0x80000047  }
0xa: {  	s7 =	smul.u32 $0x28000, s5;
	s6 =	sor.u32 s5, s6;
	[dreg:$0x6] =	wrdreg s8  }
0xb: {  	s5 =	ssub.s32 $0x2, s5;
	s8 =	sadd.s32 $0xCE000, s0;
	s6 =	smul.u32 $0x1400, s6  }
0xc: {  	s10 =	sshrl.u32 s5, $0x1;
	s26 =	sshrl.u32 s11, $0x2;
	s18 =	sadd.s32 $0x80, s12  }
0xd: {  	s21 =	sadd.s32 $0x100, s12;
	s23 =	sadd.s32 $0x180, s12;
	s9 =	sadd.s32 s7, s0  }
0xe: {  	s7 =	sadd.s32 $0xC9000, s0;
	s24 =	ssub.s32 s5, s10;
	s20 =	sshll.u32 s18, $0x7  }
0xf: {  	s22 =	sshll.u32 s21, $0x7;
	s25 =	sshrl.u32 s6, $0x3;
	s14 =	sadd.s32 $0x79000, s9  }
0x10: {  	s0 =	smax.u32 s24, $0x1;
	s5 =	sadd.s32 s20, s3;
	s24 =	sadd.s32 $0x200, s12  }
0x11: {  	s9 =	sshll.u32 s21, $0x4;
	s1 =	sadd.s32 s1, s25;
	[dreg:$0x9] =	wrdreg s0  }
0x12: {  	s11 =	sadd.s32 s2, s25;
	[dreg:$0xa] =	wrdreg s5;
	s0 =	sshll.u32 s18, $0x4  }
0x13: {  	s5 =	sadd.s32 s22, s3;
	s25 =	sshll.u32 s23, $0x7;
	s10 =	sshll.u32 s24, $0x4  }
0x14: {  	s18 =	simm.s32 $0x2800;
	s20 =	sadd.s32 s19, s14;
	[dreg:$0x7] =	wrdreg s1  }
0x15: {  	s22 =	sadd.s32 s9, s14;
	[dreg:$0x8] =	wrdreg s11;
	s11 =	sadd.s32 s26, s3  }
0x16: {  	[dreg:$0xb] =	wrdreg s5;
	s26 =	sshll.u32 s24, $0x7;
	s15 =	sadd.s32 s25, s3  }
0x17: {  	v0 =	vimm.f32 $0.0e+00;
	vm0 =	vcmask $0x300;
	v2 =	vlaneseq.u32;
	s5 =	sshll.u32 s23, $0x4;
	s21 =	sadd.s32 s0, s14;
	s24 =	sadd.s32 s10, s14  }
0x18: {  	v1 =	vsel vm0, $0x3F800000, v0;
	v2 =	vmul.u32 $0x80, v2;
	s16 =	sadd.s32 s26, s3;
	s23 =	sadd.s32 s5, s14;
	s26 =	simm.s32 $0x7900  }
.LBB2_1:
0x19: {  	s0 =	rddreg [dreg:$0x0]  }
0x1a: {  	[tilespmem:s4], [sflag:$0x1] =	stream.linear.gather [hbm4b:s0+s4], $0x2800, $0x38;
	[tilespmem:$0x1F900] =	vst v63  }
0x1b: {  	_ =	swait.ge [sflag:s17], $0x2800  }
0x1c: {  	[sflag:s17] =	ssyncset.done $0x0  }
0x1d: {  	s13 =	rddreg [dreg:$0x6];
	[sflag:s17] =	ssyncadd.s32 $0xFFFFD800  }
0x1e: {  	[tilespmem:s18], [sflag:$0x1] =	stream.linear.gather [hbm4b:s13+s4], $0x2800, $0x38;
	[tilespmem:$0x1F900] =	vst v63  }
0x1f: {  	_ =	swait.ge [sflag:s17], $0x2800  }
0x20: {  	[sflag:s17] =	ssyncset.done $0x0  }
0x21: {  	s1 =	simm.s32 $0x5000;
	s14 =	rddreg [dreg:$0x7];
	[sflag:s17] =	ssyncadd.s32 $0xFFFFD800  }
0x22: {  	[tilespmem:s1], [sflag:$0x1] =	stream.linear.gather [hbm4b:s14+s4], $0x1400, $0x38;
	[tilespmem:$0x1F900] =	vst v63  }
0x23: {  	_ =	swait.ge [sflag:s17], $0x1400  }
0x24: {  	[sflag:s17] =	ssyncset.done $0x0  }
0x25: {  	s25 =	simm.s32 $0x6400;
	s19 =	rddreg [dreg:$0x8];
	[sflag:s17] =	ssyncadd.s32 $0xFFFFEC00  }
0x26: {  	[tilespmem:s25], [sflag:$0x1] =	stream.linear.gather [hbm4b:s19+s4], $0x1400, $0x38;
	[tilespmem:$0x1F900] =	vst v63  }
0x27: {  	_ =	swait.ge [sflag:s17], $0x1400  }
0x28: {  	[sflag:s17] =	ssyncset.done $0x0  }
0x29: {  	s0 =	simm.s32 $0x0;
	s1 =	simm.s32 $0x200;
	[sflag:s17] =	ssyncadd.s32 $0xFFFFEC00  }
.LBB2_2:
0x2a: {  	p0 =	sne.s32 s1, $0xFE00;
	[tilespmem:s0+$0x7970] =	vst v0  }
0x2b: {  	[tilespmem:s0+$0x7900] =	vst v0  }
0x2c: {  	[tilespmem:s0+$0x7910] =	vst v0  }
.Ltmp0:
0x2d: {  	[tilespmem:s0+$0x7920] =	vst v0;
	(pc) =	sbr.rel @p0 .LBB2_2-.Ltmp0, $4  }
0x2e: {  	[tilespmem:s0+$0x7930] =	vst v0  }
0x2f: {  	[tilespmem:s0+$0x7940] =	vst v0  }
0x30: {  	[tilespmem:s0+$0x7950] =	vst v0  }
0x31: {  	[tilespmem:s0+$0x7960] =	vst v0;
	s0 =	sshra.s32 s1, $0x2;
	s1 =	sadd.s32 $0x200, s1  }
0x32: {  	[tilespmem:s0+$0x7970] =	vst v0  }
0x33: {  	[tilespmem:s0+$0x7900] =	vst v0  }
0x34: {  	[tilespmem:s0+$0x7910] =	vst v0  }
0x35: {  	[tilespmem:s0+$0x7920] =	vst v0  }
0x36: {  	[tilespmem:s0+$0x7930] =	vst v0  }
0x37: {  	[tilespmem:s0+$0x7940] =	vst v0  }
0x38: {  	[tilespmem:s0+$0x7950] =	vst v0  }
0x39: {  	[tilespmem:s0+$0x7960] =	vst v0;
	s25 =	sadd.s32 $0x0, s11  }
0x3a: {  	[spmem:s25] =	stream.linear.scatter [tilespmem:s26], [sflag:$0x1], $0x800, $0x38;
	[tilespmem:$0x1F900] =	vst v63  }
0x3b: {  	s0 =	simm.s32 $0x2000;
	_ =	swait.ge [sflag:s17], $0x800  }
.LBB2_4:
0x3c: {  	s1 =	sshra.s32 s0, $0x2;
	[sflag:s17] =	ssyncset.done $0x0;
	p0 =	sne.s32 s0, $0x4E000  }
.Ltmp1:
0x3d: {  	s1 =	sadd.s32 s1, s11;
	[sflag:s17] =	ssyncadd.s32 $0xFFFFF800;
	(pc) =	sbr.rel @p0 .LBB2_4-.Ltmp1, $3  }
0x3e: {  	[spmem:s1] =	stream.linear.scatter [tilespmem:s26], [sflag:$0x1], $0x800, $0x38;
	[tilespmem:$0x1F900] =	vst v63  }
0x3f: {  	s0 =	sadd.s32 $0x2000, s0;
	_ =	sdelay $0x1  }
0x40: {  	_ =	swait.ge [sflag:s17], $0x800  }
0x41: {  	[sflag:s17] =	ssyncset.done $0x0  }
0x42: {  	s0 =	simm.s32 $0x200;
	s1 =	simm.s32 $0x0;
	[sflag:s17] =	ssyncadd.s32 $0xFFFFF800  }
.LBB2_6:
0x43: {  	p0 =	sne.s32 s0, $0xFE00;
	[tilespmem:s1+$0x7900] =	vst v1;
	s1 =	smov.u32 s0;
	s0 =	sadd.s32 $0x200, s0  }
.Ltmp2:
0x44: {  	(pc) =	sbr.rel @p0 .LBB2_6-.Ltmp2, $2  }
0x45: {  	_ =	sdelay $0x2  }
0x46: {  	s1 =	sshra.s32 s1, $0x2  }
0x47: {  	[tilespmem:s1+$0x7900] =	vst v1;
	s0 =	simm.s32 $0x0;
	s12 =	simm.s32 $0x6400  }
0x48: {  	s13 =	simm.s32 $0x5000;
	s19 =	simm.s32 $0x0;
	[bflag:$0x0] =	sbarrier.arrive $0xFFFF  }
.LBB2_8:
0x49: {  	v3 =	vld [tilespmem:s13+$0x0]  }
0x4a: {  	v4 =	vld [tilespmem:s12+$0x0];
	_ =	sdelay $0x6  }
0x4b: {  	v5 =	vld.idx.msk [tilespmem:v3+s4+$0x0], $0xffff  }
0x4c: {  	v4 =	vld.idx.msk [tilespmem:v4+s18+$0x0], $0xffff;
	_ =	sdelay $0x4  }
0x4d: {  	v4 =	vadd.f32 v4, v5  }
0x4e: {  	v5 =	vmov s0  }
0x4f: {  	vm0 =	vge.f32 v4, $0.0e+00;
	v4 =	vshll.u32 v5, $0x7  }
0x50: {  	v4 =	vor.u32 v2, v4  }
0x51: {  	v5 =	vnsel vm0, $0x2710, v3;
	v6 =	vsel vm0, $0x2710, v3;
	v3 =	vor.u32 $0x1, v4;
	_ =	sdelay $0x1  }
0x52: {  	s25 =	simm.s32 $0x7800  }
0x53: {  	s1 =	simm.s32 $0x7880;
	s5 =	sshll.u32 s19, $0x7;
	s9 =	simm.s32 $0x10;
	[tilespmem:s25+$0x0] =	vst v5  }
0x54: {  	s10 =	simm.s32 $0x7890;
	s2 =	smov.u32 s12;
	v4 =	vsel vm0, $0x3F800000, v0;
	[tilespmem:s1+$0x0] =	vst v6;
	s1 =	smov.u32 s13  }
.LBB2_9:
0x55: {  	[tilespmem:v3+s26+$0x0] =	vst.idx.msk $0xffff, v4;
	s2 =	sadd.s32 $0x10, s2;
	s1 =	sadd.s32 $0x10, s1;
	s25 =	sadd.s32 $0x10, s25  }
0x56: {  	p0 =	sne.s32 s9, $0x70;
	s14 =	smov.u32 s9;
	s9 =	sadd.s32 $0x10, s9;
	v4 =	vld [tilespmem:s1+$0x0]  }
0x57: {  	v3 =	vld [tilespmem:s2+$0x0];
	_ =	sdelay $0x6  }
0x58: {  	v5 =	vld.idx.msk [tilespmem:v4+s4+$0x0], $0xffff  }
0x59: {  	v3 =	vld.idx.msk [tilespmem:v3+s18+$0x0], $0xffff;
	_ =	sdelay $0x3  }
0x5a: {  	v6 =	vmov s14  }
0x5b: {  	v6 =	vshll.u32 v6, $0x7  }
0x5c: {  	v5 =	vadd.f32 v3, v5;
	v3 =	vor.u32 v2, v6  }
.Ltmp3:
0x5d: {  	v3 =	vor.u32 $0x1, v3;
	(pc) =	sbr.rel @p0 .LBB2_9-.Ltmp3, $4  }
0x5e: {  	vm0 =	vge.f32 v5, $0.0e+00  }
0x5f: {  	v5 =	vnsel vm0, $0x2710, v4;
	v4 =	vsel vm0, $0x2710, v4  }
0x60: {  	[tilespmem:s25+$0x0] =	vst v5  }
0x61: {  	[tilespmem:s10+$0x0] =	vst v4;
	v4 =	vsel vm0, $0x3F800000, v0;
	s10 =	sadd.s32 $0x10, s10  }
0x62: {  	_ =	sdelay $0x3  }
0x63: {  	[tilespmem:v3+s26+$0x0] =	vst.idx.msk $0xffff, v4;
	s1 =	sadd.s32 $0x6400, s5  }
0x64: {  	[spmem:s3] =	stream.indirect.scatter.add.f32 [tilespmem:s26], [sflag:$0x1], $0x80, s1, s28, $0xb8;
	[tilespmem:$0x1F900] =	vst v63  }
0x65: {  	s25 =	sadd.s32 s6, s5;
	_ =	swait.ge [sflag:s17], $0x4000  }
0x66: {  	s1 =	sshrl.u32 s25, $0x3;
	[sflag:s17] =	ssyncset.done $0x0  }
0x67: {  	s2 =	sadd.s32 s7, s1;
	[sflag:s17] =	ssyncadd.s32 $0xFFFFC000  }
0x68: {  	[hbm4b:s2+s4] =	stream.linear.scatter [tilespmem:s29], [sflag:$0x1], $0x80, $0x38;
	[tilespmem:$0x1F900] =	vst v63  }
0x69: {  	s19 =	sadd.s32 $0x1, s19;
	_ =	swait.ge [sflag:s17], $0x80  }
0x6a: {  	p0 =	sne.s32 s19, $0x28;
	[sflag:s17] =	ssyncset.done $0x0  }
.Ltmp4:
0x6b: {  	s1 =	sadd.s32 s8, s1;
	[sflag:s17] =	ssyncadd.s32 $0xFFFFFF80;
	(pc) =	sbr.rel @p0 .LBB2_8-.Ltmp4, $4  }
0x6c: {  	[hbm4b:s1+s4] =	stream.linear.scatter [tilespmem:s30], [sflag:$0x1], $0x80, $0x38;
	[tilespmem:$0x1F900] =	vst v63  }
0x6d: {  	_ =	swait.ge [sflag:s17], $0x80  }
0x6e: {  	[sflag:s17] =	ssyncset.done $0x0  }
0x6f: {  	s12 =	sadd.s32 $0x80, s12;
	s13 =	sadd.s32 $0x80, s13;
	[sflag:s17] =	ssyncadd.s32 $0xFFFFFF80  }
0x70: {  	[bflag:$0x0] =	sbarrier.arrive $0xFFFF  }
0x71: {  	[tilespmem:s26], [sflag:$0x1] =	stream.linear.gather [spmem:s11], $0x4000, $0x38;
	[tilespmem:$0x1F900] =	vst v63  }
0x72: {  	_ =	swait.ge [sflag:s17], $0x4000  }
0x73: {  	[sflag:s17] =	ssyncset.done $0x0  }
0x74: {  	[sflag:s17] =	ssyncadd.s32 $0xFFFFC000  }
0x75: {  	[hbm4b:s20+s4] =	stream.linear.scatter [tilespmem:s26], [sflag:$0x1], $0x4000, $0x38;
	[tilespmem:$0x1F900] =	vst v63  }
0x76: {  	_ =	swait.ge [sflag:s17], $0x4000  }
0x77: {  	[sflag:s17] =	ssyncset.done $0x0  }
0x78: {  	s0 =	rddreg [dreg:$0xa];
	[sflag:s17] =	ssyncadd.s32 $0xFFFFC000  }
0x79: {  	[tilespmem:s26], [sflag:$0x1] =	stream.linear.gather [spmem:s0], $0x4000, $0x38;
	[tilespmem:$0x1F900] =	vst v63  }
0x7a: {  	_ =	swait.ge [sflag:s17], $0x4000  }
0x7b: {  	[sflag:s17] =	ssyncset.done $0x0  }
0x7c: {  	[sflag:s17] =	ssyncadd.s32 $0xFFFFC000  }
0x7d: {  	[hbm4b:s21+s4] =	stream.linear.scatter [tilespmem:s26], [sflag:$0x1], $0x4000, $0x38;
	[tilespmem:$0x1F900] =	vst v63  }
0x7e: {  	_ =	swait.ge [sflag:s17], $0x4000  }
0x7f: {  	[sflag:s17] =	ssyncset.done $0x0  }
0x80: {  	s19 =	rddreg [dreg:$0xb];
	[sflag:s17] =	ssyncadd.s32 $0xFFFFC000  }
0x81: {  	[tilespmem:s26], [sflag:$0x1] =	stream.linear.gather [spmem:s19], $0x4000, $0x38;
	[tilespmem:$0x1F900] =	vst v63  }
0x82: {  	_ =	swait.ge [sflag:s17], $0x4000  }
0x83: {  	[sflag:s17] =	ssyncset.done $0x0  }
0x84: {  	[sflag:s17] =	ssyncadd.s32 $0xFFFFC000  }
0x85: {  	[hbm4b:s22+s4] =	stream.linear.scatter [tilespmem:s26], [sflag:$0x1], $0x4000, $0x38;
	[tilespmem:$0x1F900] =	vst v63  }
0x86: {  	_ =	swait.ge [sflag:s17], $0x4000  }
0x87: {  	[sflag:s17] =	ssyncset.done $0x0  }
0x88: {  	[sflag:s17] =	ssyncadd.s32 $0xFFFFC000  }
0x89: {  	[tilespmem:s26], [sflag:$0x1] =	stream.linear.gather [spmem:s15], $0x4000, $0x38;
	[tilespmem:$0x1F900] =	vst v63  }
0x8a: {  	_ =	swait.ge [sflag:s17], $0x4000  }
0x8b: {  	[sflag:s17] =	ssyncset.done $0x0  }
0x8c: {  	[sflag:s17] =	ssyncadd.s32 $0xFFFFC000  }
0x8d: {  	[hbm4b:s23+s4] =	stream.linear.scatter [tilespmem:s26], [sflag:$0x1], $0x4000, $0x38;
	[tilespmem:$0x1F900] =	vst v63  }
0x8e: {  	_ =	swait.ge [sflag:s17], $0x4000  }
0x8f: {  	[sflag:s17] =	ssyncset.done $0x0  }
0x90: {  	[sflag:s17] =	ssyncadd.s32 $0xFFFFC000  }
0x91: {  	[tilespmem:s26], [sflag:$0x1] =	stream.linear.gather [spmem:s16], $0x4000, $0x38;
	[tilespmem:$0x1F900] =	vst v63  }
0x92: {  	_ =	swait.ge [sflag:s17], $0x4000  }
0x93: {  	[sflag:s17] =	ssyncset.done $0x0  }
0x94: {  	[sflag:s17] =	ssyncadd.s32 $0xFFFFC000  }
0x95: {  	[hbm4b:s24+s4] =	stream.linear.scatter [tilespmem:s26], [sflag:$0x1], $0x4000, $0x38;
	[tilespmem:$0x1F900] =	vst v63  }
0x96: {  	_ =	swait.ge [sflag:s17], $0x4000  }
0x97: {  	s31 =	sadd.s32 $0x1, s31;
	s25 =	rddreg [dreg:$0x9]  }
0x98: {  	p0 =	sne.s32 s31, s25  }
.Ltmp5:
0x99: {  	_ = 	snop;
	(pc) =	sbr.rel @p0 .LBB2_1-.Ltmp5, $3  }
0x9a: {  	_ =	sdelay $0x1  }
0x9b: {  	[sflag:s17] =	ssyncset.done $0x0  }
0x9c: {  	[sflag:s17] =	ssyncadd.s32 $0xFFFFC000  }
0x9d: {  	_ =	sfence.sel $0x180000  }
0x9e: {  	[bflag:$0x0] =	sbarrier.arrive $0xFFFF  }
0x9f: {  	_ =	strace $0x90000047  }
0xa0: {  	s0 =	stileid.u32;
	[bflag:$0x2] =	sbarrier.arrive $0xFFFF  }
0xa1: {  	p0 =	sne.s32 s0, $0x0;
	s0 =	rddreg [dreg:$0x5]  }
0xa2: {  	s0 =	sadd.s32 @!p0 $0x100000, s0  }
0xa3: {  	[sflag:s0] =	ssyncadd.tile.s32 @!p0 $0x1;
	_ =	shalt  }
.Lfunc_end2:
_tile_overlayer_lowered:
.L_overlay_start_2:
0xa4: {  	(tag) =	ssettag $0x2  }
0xa5: {  	s0 =	rddreg [dreg:$0x0];
	s2 =	stileid.u32  }
0xa6: {  	s1 =	rddreg [dreg:$0x1];
	p0 =	sne.s32 s2, $0x0  }
0xa7: {  	s3 =	rddreg [dreg:$0x2];
	[bflag:$0x3] =	sbarrier.arrive $0xFFFF;
	s2 =	simm.s32 @!p0 $0x1C01  }
0xa8: {  	[timem:s3], [sflag:s2] =	dma.local @!p0 [hbm:s0], s1  }
0xa9: {  	s0 =	simm.s32 @!p0 $0x1  }
0xaa: {  	_ =	swait.ge @!p0 [sflag:s0], s1  }
0xab: {  	s1 =	ssub.s32 @!p0 $0x0, s1;
	[sflag:s0] =	ssyncset.done @!p0 $0x0  }
0xac: {  	[sflag:s0] =	ssyncadd.s32 @!p0 s1  }
0xad: {  	[bflag:$0x3] =	sbarrier.arrive $0xFFFF  }
0xae: {  	_ =	shalt  }

</sc_bundles>
